<compile_context>
chip_gen: v7x
topology: tpu7x:2x2x1
jax: 0.10.2.dev20260603
libtpu: 0.0.44.dev20260713+nightly
codegen_flags: <defaults>
</compile_context>

<pallas_src>
import functools

import numpy as np

import jax
import jax.numpy as jnp
from jax import lax
from jax.experimental import pallas as pl
from jax.experimental.pallas import tpu as pltpu
from jax.experimental.pallas import tpu_sc as plsc

NC = 2
NS = 16
NW = NC * NS
K = 128

N_BLK = 2000

_MESH = dict(core_axis_name="c", subcore_axis_name="s")



def _pipelined_edges(table_ref, acc_sh, sblk, dblk,
                     rows_a, rows_b, gsem_a, gsem_b, ssem_a, ssem_b, g, ibk):
    ng = ibk // g
    rows = (rows_a, rows_b)
    gsems = (gsem_a, gsem_b)
    ssems = (ssem_a, ssem_b)

    def sidx(j):
        return sblk.at[pl.ds(j * K, K)]

    for u in range(g):
        pltpu.async_copy(table_ref.at[sidx(u)], rows[0].at[u], gsems[0])

    def pair(q, carry):
        for par in range(2):
            i = 2 * q + par
            rp, gp, sp = rows[par], gsems[par], ssems[par]
            rq, gq, sq = rows[1 - par], gsems[1 - par], ssems[1 - par]
            for u in range(g):
                pltpu.make_async_copy(table_ref.at[sidx(i * g + u)],
                                      rp.at[u], gp).wait()

            @pl.when(i >= 1)
            def _():
                for u in range(g):
                    pltpu.make_async_copy(
                        rq.at[u], acc_sh.at[dblk.at[(i - 1) * g + u]],
                        sq).wait()

            @pl.when(i + 1 < ng)
            def _():
                for u in range(g):
                    pltpu.async_copy(table_ref.at[sidx((i + 1) * g + u)],
                                     rq.at[u], gq)

            for u in range(g):
                pltpu.async_copy(rp.at[u], acc_sh.at[dblk.at[i * g + u]],
                                 sp, add=True)
        return carry

    lax.fori_loop(0, ng // 2, pair, 0)
    last = ng - 1
    par = last % 2
    for u in range(g):
        pltpu.make_async_copy(rows[par].at[u],
                              acc_sh.at[dblk.at[last * g + u]],
                              ssems[par]).wait()


def _make_agg_wsplit(n_pad, half, rpt, g, cpt, ibk):
    mesh = plsc.VectorSubcoreMesh(**_MESH)

    @functools.partial(
        pl.kernel,
        out_type=jax.ShapeDtypeStruct((NC, n_pad, half), jnp.bfloat16),
        mesh=mesh,
        compiler_params=pltpu.CompilerParams(use_tc_tiling_on_sc=False),
        scratch_types=[
            pltpu.VMEM((ibk * K,), jnp.int32),
            pltpu.VMEM((ibk, K), jnp.int32),
            pltpu.VMEM((g, K, half), jnp.bfloat16),
            pltpu.VMEM((g, K, half), jnp.bfloat16),
            pltpu.VMEM_SHARED((n_pad, half), jnp.bfloat16),
            pltpu.SemaphoreType.DMA,
            pltpu.SemaphoreType.DMA,
            pltpu.SemaphoreType.DMA,
            pltpu.SemaphoreType.DMA,
        ],
    )
    def agg(table_hbm, src1d_hbm, dst2d_hbm, zeros_hbm, out_hbm,
            sblk, dblk, rows_a, rows_b, acc_sh, gsem_a, gsem_b,
            ssem_a, ssem_b):
        c = lax.axis_index("c")
        s = lax.axis_index("s")
        pltpu.sync_copy(zeros_hbm, acc_sh.at[pl.ds(s * rpt, rpt)])
        plsc.subcore_barrier()
        wrow = s * cpt

        def iblock(ib, carry):
            row0 = wrow + ib * ibk
            pltpu.sync_copy(src1d_hbm.at[pl.ds(row0 * K, ibk * K)], sblk)
            pltpu.sync_copy(dst2d_hbm.at[pl.ds(row0, ibk)], dblk)
            _pipelined_edges(table_hbm.at[c], acc_sh, sblk, dblk,
                             rows_a, rows_b, gsem_a, gsem_b,
                             ssem_a, ssem_b, g, ibk)
            return carry

        lax.fori_loop(0, cpt // ibk, iblock, 0)
        plsc.subcore_barrier()
        pltpu.sync_copy(acc_sh.at[pl.ds(s * rpt, rpt)],
                        out_hbm.at[c, pl.ds(s * rpt, rpt)])

    return agg


def _make_agg_esplit(n_pad, width, rpt, g, cpw, ibk):
    mesh = plsc.VectorSubcoreMesh(**_MESH)

    @functools.partial(
        pl.kernel,
        out_type=jax.ShapeDtypeStruct((NC, n_pad, width), jnp.float32),
        mesh=mesh,
        compiler_params=pltpu.CompilerParams(use_tc_tiling_on_sc=False),
        scratch_types=[
            pltpu.VMEM((ibk * K,), jnp.int32),
            pltpu.VMEM((ibk, K), jnp.int32),
            pltpu.VMEM((g, K, width), jnp.float32),
            pltpu.VMEM((g, K, width), jnp.float32),
            pltpu.VMEM_SHARED((n_pad, width), jnp.float32),
            pltpu.SemaphoreType.DMA,
            pltpu.SemaphoreType.DMA,
            pltpu.SemaphoreType.DMA,
            pltpu.SemaphoreType.DMA,
        ],
    )
    def agg(table_hbm, src1d_hbm, dst2d_hbm, zeros_hbm, out_hbm,
            sblk, dblk, rows_a, rows_b, acc_sh, gsem_a, gsem_b,
            ssem_a, ssem_b):
        c = lax.axis_index("c")
        s = lax.axis_index("s")
        pltpu.sync_copy(zeros_hbm, acc_sh.at[pl.ds(s * rpt, rpt)])
        plsc.subcore_barrier()
        wrow = (c * NS + s) * cpw

        def iblock(ib, carry):
            row0 = wrow + ib * ibk
            pltpu.sync_copy(src1d_hbm.at[pl.ds(row0 * K, ibk * K)], sblk)
            pltpu.sync_copy(dst2d_hbm.at[pl.ds(row0, ibk)], dblk)
            _pipelined_edges(table_hbm, acc_sh, sblk, dblk,
                             rows_a, rows_b, gsem_a, gsem_b,
                             ssem_a, ssem_b, g, ibk)
            return carry

        lax.fori_loop(0, cpw // ibk, iblock, 0)
        plsc.subcore_barrier()
        pltpu.sync_copy(acc_sh.at[pl.ds(s * rpt, rpt)],
                        out_hbm.at[c, pl.ds(s * rpt, rpt)])

    return agg


def _make_deg(n_pad, rpt, cpw, ibk):
    mesh = plsc.VectorSubcoreMesh(**_MESH)

    @functools.partial(
        pl.kernel,
        out_type=jax.ShapeDtypeStruct((NC, n_pad), jnp.float32),
        mesh=mesh,
        scratch_types=[
            pltpu.VMEM((ibk, K), jnp.int32),
            pltpu.VMEM((K,), jnp.float32),
            pltpu.VMEM_SHARED((n_pad,), jnp.float32),
            pltpu.SemaphoreType.DMA,
        ],
    )
    def deg(dst2d_hbm, zeros_hbm, out_hbm, dblk, ones_v, acc_sh, ssem):
        c = lax.axis_index("c")
        s = lax.axis_index("s")
        for j in range(K // 16):
            ones_v[pl.ds(16 * j, 16)] = jnp.ones((16,), jnp.float32)
        pltpu.sync_copy(zeros_hbm, acc_sh.at[pl.ds(s * rpt, rpt)])
        plsc.subcore_barrier()
        wrow = (c * NS + s) * cpw

        def iblock(ib, carry):
            row0 = wrow + ib * ibk
            pltpu.sync_copy(dst2d_hbm.at[pl.ds(row0, ibk)], dblk)

            def group(gi, carry2):
                j0 = gi * 8
                sds = [
                    pltpu.async_copy(ones_v, acc_sh.at[dblk.at[j0 + u]],
                                     ssem, add=True)
                    for u in range(8)
                ]
                for d in sds:
                    d.wait()
                return carry2

            lax.fori_loop(0, ibk // 8, group, 0)
            return carry

        lax.fori_loop(0, cpw // ibk, iblock, 0)
        plsc.subcore_barrier()
        pltpu.sync_copy(acc_sh.at[pl.ds(s * rpt, rpt)],
                        out_hbm.at[c, pl.ds(s * rpt, rpt)])

    return deg


def _tc1_body(x_ref, w1_ref, deg_ref, xws_ref):
    dinv = jax.lax.rsqrt(deg_ref[...])
    xw = jnp.dot(x_ref[...], w1_ref[...], preferred_element_type=jnp.float32)
    xws = (xw * dinv).astype(jnp.bfloat16)
    xws_ref[0] = xws[:, :64]
    xws_ref[1] = xws[:, 64:]


def _tc1(x, w1, deg2d):
    n, d = x.shape
    return pl.pallas_call(
        _tc1_body,
        grid=(n // N_BLK,),
        in_specs=[
            pl.BlockSpec((N_BLK, d), lambda i: (i, 0)),
            pl.BlockSpec((d, w1.shape[1]), lambda i: (0, 0)),
            pl.BlockSpec((N_BLK, 1), lambda i: (i, 0)),
        ],
        out_specs=pl.BlockSpec((NC, N_BLK, d // 2), lambda i: (0, i, 0)),
        out_shape=jax.ShapeDtypeStruct((NC, n, d // 2), jnp.bfloat16),
    )(x, w1, deg2d)


def _tc2_body(p_ref, xws_ref, deg_ref, w2_ref, b1_ref, gs_ref):
    dinv = jax.lax.rsqrt(deg_ref[...])
    scat = jnp.concatenate([p_ref[0], p_ref[1]], axis=1).astype(jnp.float32)
    xws = jnp.concatenate([xws_ref[0], xws_ref[1]], axis=1).astype(jnp.float32)
    agg = (scat + xws) * dinv + b1_ref[...]
    h = jnp.maximum(agg, 0.0)
    g = jnp.dot(h, w2_ref[...], preferred_element_type=jnp.float32)
    gs_ref[...] = g * dinv


def _tc2(partials, xws2, deg2d, w2p, b1):
    nc, n, half = xws2.shape
    hdim = nc * half
    wout = w2p.shape[1]
    b1r = b1.reshape(1, -1)
    return pl.pallas_call(
        _tc2_body,
        grid=(n // N_BLK,),
        in_specs=[
            pl.BlockSpec((NC, N_BLK, half), lambda i: (0, i, 0)),
            pl.BlockSpec((NC, N_BLK, half), lambda i: (0, i, 0)),
            pl.BlockSpec((N_BLK, 1), lambda i: (i, 0)),
            pl.BlockSpec((hdim, wout), lambda i: (0, 0)),
            pl.BlockSpec((1, hdim), lambda i: (0, 0)),
        ],
        out_specs=pl.BlockSpec((N_BLK, wout), lambda i: (i, 0)),
        out_shape=jax.ShapeDtypeStruct((n, wout), jnp.float32),
    )(partials, xws2, deg2d, w2p, b1r)


def _tc3_body(p_ref, gs_ref, deg_ref, b2_ref, out_ref):
    dinv = jax.lax.rsqrt(deg_ref[...])
    scat = p_ref[0] + p_ref[1]
    logits = (scat + gs_ref[...]) * dinv + b2_ref[...]
    m = jnp.max(logits, axis=1, keepdims=True)
    e = jnp.exp(logits - m)
    out_ref[...] = e / jnp.sum(e, axis=1, keepdims=True)


def _tc3(partials2, gs, deg2d, b2):
    n, wpad = gs.shape
    b2r = jnp.full((1, wpad), -jnp.inf, b2.dtype).at[0, : b2.shape[0]].set(b2)
    return pl.pallas_call(
        _tc3_body,
        grid=(n // N_BLK,),
        in_specs=[
            pl.BlockSpec((NC, N_BLK, wpad), lambda i: (0, i, 0)),
            pl.BlockSpec((N_BLK, wpad), lambda i: (i, 0)),
            pl.BlockSpec((N_BLK, 1), lambda i: (i, 0)),
            pl.BlockSpec((1, b2r.shape[1]), lambda i: (0, 0)),
        ],
        out_specs=pl.BlockSpec((N_BLK, wpad), lambda i: (i, 0)),
        out_shape=jax.ShapeDtypeStruct((n, wpad), jnp.float32),
    )(partials2, gs, deg2d, b2r)


def kernel(x, edge_index, W1, b1, W2, b2):
    n, d = x.shape
    e = edge_index.shape[1]
    n_pad = 10240
    rpt = n_pad // NS
    cpw = 80
    cpt = cpw * NC
    e_pad = NW * cpw * K
    pad = e_pad - e

    src = edge_index[0]
    dst = edge_index[1]
    pad_src = jnp.asarray(np.arange(pad) % n, dst.dtype)
    pad_dst = jnp.asarray(n + np.arange(pad) % (n_pad - n), dst.dtype)
    srcp = jnp.concatenate([src, pad_src])
    dstp = jnp.concatenate([dst, pad_dst])
    dst2d = dstp.reshape(-1, K)

    zeros_h = jnp.zeros((rpt, d // 2), jnp.bfloat16)
    zeros_16 = jnp.zeros((rpt, 16), jnp.float32)
    zeros_1 = jnp.zeros((rpt,), jnp.float32)

    degp = _make_deg(n_pad, rpt, cpw, 16)(dst2d, zeros_1)
    deg2d = (degp[0, :n] + degp[1, :n] + 1.0).reshape(n, 1)

    xws2 = _tc1(x, W1, deg2d)
    halves = _make_agg_wsplit(n_pad, d // 2, rpt, 8, cpt, 32)(
        xws2, srcp, dst2d, zeros_h)

    w2p = jnp.zeros((d, 16), W2.dtype).at[:, : W2.shape[1]].set(W2)
    gs = _tc2(halves, xws2, deg2d, w2p, b1)
    partials2 = _make_agg_esplit(n_pad, 16, rpt, 8, cpw, 16)(
        gs, srcp, dst2d, zeros_16)
    return _tc3(partials2, gs, deg2d, b2)[:, :2]

# --- scband reference (transcript-rebuilt; emitter-appended) ---
"""Pipeline reference for scband-gcn-base-39668317946065 (READ-ONLY COPY).

The authoritative reference and input builder live on the scoring server;
editing this copy changes nothing except your own understanding.
"""

import jax, jax.numpy as jnp
import numpy as np

N = 10000
E = 320000
D = 128
H = 128
OUT = 2

def setup_inputs(seed: int = 0) -> dict:
    key = jax.random.key(seed)
    k1, k2, k3, k4 = jax.random.split(key, 4)
    x = jax.random.normal(k1, (N, D), dtype=jnp.float32)
    edge_index = jax.random.randint(k2, (2, E), 0, N)
    W1 = jax.random.normal(k3, (D, H), dtype=jnp.float32) * (1.0 / np.sqrt(D))
    b1 = jnp.zeros((H,), dtype=jnp.float32)
    W2 = jax.random.normal(k4, (H, OUT), dtype=jnp.float32) * (1.0 / np.sqrt(H))
    b2 = jnp.zeros((OUT,), dtype=jnp.float32)
    return {"x": x, "edge_index": edge_index, "W1": W1, "b1": b1, "W2": W2, "b2": b2}

def _gcn_conv(x, src, dst, W, b, n):
    # GCNConv (PyG default): linear transform, then sym-normalized scatter-add aggregation
    deg = jnp.zeros((n,), x.dtype).at[dst].add(1.0)
    dinv = jax.lax.rsqrt(deg)  # self-loops guarantee deg >= 1
    norm = dinv[src] * dinv[dst]
    h = x @ W
    out = jnp.zeros((n, h.shape[1]), x.dtype).at[dst].add(h[src] * norm[:, None])
    return out + b

def reference(x, edge_index, W1, b1, W2, b2):
    n = x.shape[0]
    loop = jnp.arange(n, dtype=edge_index.dtype)
    src = jnp.concatenate([edge_index[0], loop])
    dst = jnp.concatenate([edge_index[1], loop])
    h = _gcn_conv(x, src, dst, W1, b1, n)
    h = jax.nn.relu(h)
    # F.dropout(p=0.5, training=self.training): identity in eval mode
    out = _gcn_conv(h, src, dst, W2, b2, n)
    return jax.nn.softmax(out, axis=1)

if __name__ == "__main__":
    import jax
    _d = setup_inputs()
    print(jax.jit(kernel)(*tuple(_d.values())))

</pallas_src>

<mosaic_0001>
#map = affine_map<(d0, d1) -> (0, 0)>
#map1 = affine_map<(d0, d1) -> (0)>
module attributes {stable_mosaic.version = 14 : i64} {
  func.func @deg(%arg0: i32, %arg1: i32, %arg2: memref<2560x128xi32, #tpu.memory_space<hbm>>, %arg3: memref<640xf32, #tpu.memory_space<hbm>>, %arg4: memref<2x10240xf32, #tpu.memory_space<hbm>>, %arg5: memref<16x128xi32, #tpu.memory_space<vmem>>, %arg6: memref<128xf32, #tpu.memory_space<vmem>>, %arg7: memref<10240xf32, #tpu.memory_space<vmem_shared>>, %arg8: memref<!tpu.dma_semaphore, #tpu.memory_space<semaphore_mem>>) attributes {dimension_semantics = [#tpu.dimension_semantics<core_parallel>, #tpu.dimension_semantics<subcore_parallel>], iteration_bounds = array<i64: 2, 16>, scalar_prefetch = 0 : i64, scratch_operands = 4 : i64, tpu.core_type = #tpu.core_type<sc_vector_subcore>, window_params = [{transform_indices = #map}, {transform_indices = #map1}, {transform_indices = #map}]} {
    %broadcast_in_dim3A = arith.constant 1.000000e+00 : f32
    %broadcast_in_dim3A_0 = vector.broadcast %broadcast_in_dim3A : f32 to vector<16xf32>
    %swap3A = arith.constant 0 : index
    %swap3A_1 = tpu.vector_load %arg6[%swap3A] {strides = array<i32>} : memref<128xf32, #tpu.memory_space<vmem>>, vector<16xf32>,
    %swap3A_2 = vector.shape_cast %swap3A_1 : vector<16xf32> to vector<16xf32>
    %swap3A_3 = vector.shape_cast %broadcast_in_dim3A_0 : vector<16xf32> to vector<16xf32>
    tpu.vector_store %arg6[%swap3A], %swap3A_3 {strides = array<i32>} : memref<128xf32, #tpu.memory_space<vmem>>, vector<16xf32>,
    %broadcast_in_dim3A_4 = arith.constant 1.000000e+00 : f32
    %broadcast_in_dim3A_5 = vector.broadcast %broadcast_in_dim3A_4 : f32 to vector<16xf32>
    %swap3A_6 = arith.constant 16 : index
    %swap3A_7 = tpu.vector_load %arg6[%swap3A_6] {strides = array<i32>} : memref<128xf32, #tpu.memory_space<vmem>>, vector<16xf32>,
    %swap3A_8 = vector.shape_cast %swap3A_7 : vector<16xf32> to vector<16xf32>
    %swap3A_9 = vector.shape_cast %broadcast_in_dim3A_5 : vector<16xf32> to vector<16xf32>
    tpu.vector_store %arg6[%swap3A_6], %swap3A_9 {strides = array<i32>} : memref<128xf32, #tpu.memory_space<vmem>>, vector<16xf32>,
    %broadcast_in_dim3A_10 = arith.constant 1.000000e+00 : f32
    %broadcast_in_dim3A_11 = vector.broadcast %broadcast_in_dim3A_10 : f32 to vector<16xf32>
    %swap3A_12 = arith.constant 32 : index
    %swap3A_13 = tpu.vector_load %arg6[%swap3A_12] {strides = array<i32>} : memref<128xf32, #tpu.memory_space<vmem>>, vector<16xf32>,
    %swap3A_14 = vector.shape_cast %swap3A_13 : vector<16xf32> to vector<16xf32>
    %swap3A_15 = vector.shape_cast %broadcast_in_dim3A_11 : vector<16xf32> to vector<16xf32>
    tpu.vector_store %arg6[%swap3A_12], %swap3A_15 {strides = array<i32>} : memref<128xf32, #tpu.memory_space<vmem>>, vector<16xf32>,
    %broadcast_in_dim3A_16 = arith.constant 1.000000e+00 : f32
    %broadcast_in_dim3A_17 = vector.broadcast %broadcast_in_dim3A_16 : f32 to vector<16xf32>
    %swap3A_18 = arith.constant 48 : index
    %swap3A_19 = tpu.vector_load %arg6[%swap3A_18] {strides = array<i32>} : memref<128xf32, #tpu.memory_space<vmem>>, vector<16xf32>,
    %swap3A_20 = vector.shape_cast %swap3A_19 : vector<16xf32> to vector<16xf32>
    %swap3A_21 = vector.shape_cast %broadcast_in_dim3A_17 : vector<16xf32> to vector<16xf32>
    tpu.vector_store %arg6[%swap3A_18], %swap3A_21 {strides = array<i32>} : memref<128xf32, #tpu.memory_space<vmem>>, vector<16xf32>,
    %broadcast_in_dim3A_22 = arith.constant 1.000000e+00 : f32
    %broadcast_in_dim3A_23 = vector.broadcast %broadcast_in_dim3A_22 : f32 to vector<16xf32>
    %swap3A_24 = arith.constant 64 : index
    %swap3A_25 = tpu.vector_load %arg6[%swap3A_24] {strides = array<i32>} : memref<128xf32, #tpu.memory_space<vmem>>, vector<16xf32>,
    %swap3A_26 = vector.shape_cast %swap3A_25 : vector<16xf32> to vector<16xf32>
    %swap3A_27 = vector.shape_cast %broadcast_in_dim3A_23 : vector<16xf32> to vector<16xf32>
    tpu.vector_store %arg6[%swap3A_24], %swap3A_27 {strides = array<i32>} : memref<128xf32, #tpu.memory_space<vmem>>, vector<16xf32>,
    %broadcast_in_dim3A_28 = arith.constant 1.000000e+00 : f32
    %broadcast_in_dim3A_29 = vector.broadcast %broadcast_in_dim3A_28 : f32 to vector<16xf32>
    %swap3A_30 = arith.constant 80 : index
    %swap3A_31 = tpu.vector_load %arg6[%swap3A_30] {strides = array<i32>} : memref<128xf32, #tpu.memory_space<vmem>>, vector<16xf32>,
    %swap3A_32 = vector.shape_cast %swap3A_31 : vector<16xf32> to vector<16xf32>
    %swap3A_33 = vector.shape_cast %broadcast_in_dim3A_29 : vector<16xf32> to vector<16xf32>
    tpu.vector_store %arg6[%swap3A_30], %swap3A_33 {strides = array<i32>} : memref<128xf32, #tpu.memory_space<vmem>>, vector<16xf32>,
    %broadcast_in_dim3A_34 = arith.constant 1.000000e+00 : f32
    %broadcast_in_dim3A_35 = vector.broadcast %broadcast_in_dim3A_34 : f32 to vector<16xf32>
    %swap3A_36 = arith.constant 96 : index
    %swap3A_37 = tpu.vector_load %arg6[%swap3A_36] {strides = array<i32>} : memref<128xf32, #tpu.memory_space<vmem>>, vector<16xf32>,
    %swap3A_38 = vector.shape_cast %swap3A_37 : vector<16xf32> to vector<16xf32>
    %swap3A_39 = vector.shape_cast %broadcast_in_dim3A_35 : vector<16xf32> to vector<16xf32>
    tpu.vector_store %arg6[%swap3A_36], %swap3A_39 {strides = array<i32>} : memref<128xf32, #tpu.memory_space<vmem>>, vector<16xf32>,
    %broadcast_in_dim3A_40 = arith.constant 1.000000e+00 : f32
    %broadcast_in_dim3A_41 = vector.broadcast %broadcast_in_dim3A_40 : f32 to vector<16xf32>
    %swap3A_42 = arith.constant 112 : index
    %swap3A_43 = tpu.vector_load %arg6[%swap3A_42] {strides = array<i32>} : memref<128xf32, #tpu.memory_space<vmem>>, vector<16xf32>,
    %swap3A_44 = vector.shape_cast %swap3A_43 : vector<16xf32> to vector<16xf32>
    %swap3A_45 = vector.shape_cast %broadcast_in_dim3A_41 : vector<16xf32> to vector<16xf32>
    tpu.vector_store %arg6[%swap3A_42], %swap3A_45 {strides = array<i32>} : memref<128xf32, #tpu.memory_space<vmem>>, vector<16xf32>,
    %mul3A = arith.constant 640 : i32
    %mul3A_46 = arith.muli %arg1, %mul3A : i32
    "tpu.region"() ({
      %run_scoped3A = tpu.sem_alloc : memref<!tpu.dma_semaphore, #tpu.memory_space<semaphore_mem>>
      %dma_start3A = tpu.memref_slice %arg7[%mul3A_46] : memref<10240xf32, #tpu.memory_space<vmem_shared>> -> memref<640xf32, #tpu.memory_space<vmem_shared>>
      tpu.enqueue_dma source(%arg3 : memref<640xf32, #tpu.memory_space<hbm>>) target(%dma_start3A : memref<640xf32, #tpu.memory_space<vmem_shared>>) target_semaphore(%run_scoped3A : memref<!tpu.dma_semaphore, #tpu.memory_space<semaphore_mem>>)
      %dma_wait3A = tpu.memref_slice %arg7[%mul3A_46] : memref<10240xf32, #tpu.memory_space<vmem_shared>> -> memref<640xf32, #tpu.memory_space<vmem_shared>>
      tpu.wait_dma2 semaphore(%run_scoped3A : memref<!tpu.dma_semaphore, #tpu.memory_space<semaphore_mem>>) src(%arg3 : memref<640xf32, #tpu.memory_space<hbm>>) dst(%dma_wait3A : memref<640xf32, #tpu.memory_space<vmem_shared>>)
      tpu.yield
    }) : () -> ()
    %barrier3A = arith.constant 0 : index
    tpu.barrier barrier_id(%barrier3A)
    %mul3A_47 = arith.constant 16 : i32
    %mul3A_48 = arith.muli %arg0, %mul3A_47 : i32
    %add3A = arith.addi %mul3A_48, %arg1 : i32
    %mul3A_49 = arith.constant 80 : i32
    %mul3A_50 = arith.muli %add3A, %mul3A_49 : i32
    %scan3A = arith.constant 0 : i32
    %scan3A_51 = arith.constant 0 : i32
    %scan3A_52 = arith.constant 5 : i32
    %scan3A_53 = arith.addi %scan3A_51, %scan3A_52 : i32
    %scan3A_54 = arith.constant 1 : i32
    scf.for %scan3A_61 = %scan3A_51 to %scan3A_53 step %scan3A_54  : i32 {
      %mul3A_62 = arith.constant 16 : i32
      %mul3A_63 = arith.muli %scan3A_61, %mul3A_62 : i32
      %add3A_64 = arith.addi %mul3A_50, %mul3A_63 : i32
      "tpu.region"() ({
        %run_scoped3A = tpu.sem_alloc : memref<!tpu.dma_semaphore, #tpu.memory_space<semaphore_mem>>
        %dma_start3A = arith.constant 0 : i32
        %dma_start3A_71 = tpu.memref_slice %arg2[%add3A_64, %dma_start3A] : memref<2560x128xi32, #tpu.memory_space<hbm>> -> memref<16x128xi32, #tpu.memory_space<hbm>>
        %dma_start3A_72 = arith.constant 0 : i32
        %dma_start3A_73 = tpu.memref_slice %arg2[%add3A_64, %dma_start3A_72] : memref<2560x128xi32, #tpu.memory_space<hbm>> -> memref<16x128xi32, #tpu.memory_space<hbm>>
        tpu.enqueue_dma source(%dma_start3A_73 : memref<16x128xi32, #tpu.memory_space<hbm>>) target(%arg5 : memref<16x128xi32, #tpu.memory_space<vmem>>) target_semaphore(%run_scoped3A : memref<!tpu.dma_semaphore, #tpu.memory_space<semaphore_mem>>)
        %dma_wait3A = arith.constant 0 : i32
        %dma_wait3A_74 = tpu.memref_slice %arg2[%add3A_64, %dma_wait3A] : memref<2560x128xi32, #tpu.memory_space<hbm>> -> memref<16x128xi32, #tpu.memory_space<hbm>>
        %dma_wait3A_75 = arith.constant 0 : i32
        %dma_wait3A_76 = tpu.memref_slice %arg2[%add3A_64, %dma_wait3A_75] : memref<2560x128xi32, #tpu.memory_space<hbm>> -> memref<16x128xi32, #tpu.memory_space<hbm>>
        tpu.wait_dma2 semaphore(%run_scoped3A : memref<!tpu.dma_semaphore, #tpu.memory_space<semaphore_mem>>) src(%dma_wait3A_76 : memref<16x128xi32, #tpu.memory_space<hbm>>) dst(%arg5 : memref<16x128xi32, #tpu.memory_space<vmem>>)
        tpu.yield
      }) : () -> ()
      %scan3A_65 = arith.constant 0 : i32
      %scan3A_66 = arith.constant 0 : i32
      %scan3A_67 = arith.constant 2 : i32
      %scan3A_68 = arith.addi %scan3A_66, %scan3A_67 : i32
      %scan3A_69 = arith.constant 1 : i32
      scf.for %scan3A_71 = %scan3A_66 to %scan3A_68 step %scan3A_69  : i32 {
        %mul3A_72 = arith.constant 8 : i32
        %mul3A_73 = arith.muli %scan3A_71, %mul3A_72 : i32
        %add3A_74 = arith.constant 0 : i32
        %add3A_75 = arith.addi %mul3A_73, %add3A_74 : i32
        %dma_start3A = arith.constant 0 : i32
        %dma_start3A_76 = tpu.memref_slice %arg5[%add3A_75, %dma_start3A] : memref<16x128xi32, #tpu.memory_space<vmem>> -> memref<1x128xi32, #tpu.memory_space<vmem>>
        %dma_start3A_77 = tpu.memref_squeeze %dma_start3A_76 : memref<1x128xi32, #tpu.memory_space<vmem>> -> memref<128xi32, #tpu.memory_space<vmem>>
        %dma_start3A_78 = arith.constant 0 : i32
        %dma_start3A_79 = tpu.memref_slice %arg7[%dma_start3A_78] : memref<10240xf32, #tpu.memory_space<vmem_shared>> -> memref<10240xf32, #tpu.memory_space<vmem_shared>>
        tpu.enqueue_indirect_dma source(%arg6 : memref<128xf32, #tpu.memory_space<vmem>>) target(%dma_start3A_79 : memref<10240xf32, #tpu.memory_space<vmem_shared>>) offsets(%dma_start3A_77 : memref<128xi32, #tpu.memory_space<vmem>>) semaphore(%arg8 : memref<!tpu.dma_semaphore, #tpu.memory_space<semaphore_mem>>) {add = true}
        %add3A_80 = arith.constant 1 : i32
        %add3A_81 = arith.addi %mul3A_73, %add3A_80 : i32
        %dma_start3A_82 = arith.constant 0 : i32
        %dma_start3A_83 = tpu.memref_slice %arg5[%add3A_81, %dma_start3A_82] : memref<16x128xi32, #tpu.memory_space<vmem>> -> memref<1x128xi32, #tpu.memory_space<vmem>>
        %dma_start3A_84 = tpu.memref_squeeze %dma_start3A_83 : memref<1x128xi32, #tpu.memory_space<vmem>> -> memref<128xi32, #tpu.memory_space<vmem>>
        %dma_start3A_85 = arith.constant 0 : i32
        %dma_start3A_86 = tpu.memref_slice %arg7[%dma_start3A_85] : memref<10240xf32, #tpu.memory_space<vmem_shared>> -> memref<10240xf32, #tpu.memory_space<vmem_shared>>
        tpu.enqueue_indirect_dma source(%arg6 : memref<128xf32, #tpu.memory_space<vmem>>) target(%dma_start3A_86 : memref<10240xf32, #tpu.memory_space<vmem_shared>>) offsets(%dma_start3A_84 : memref<128xi32, #tpu.memory_space<vmem>>) semaphore(%arg8 : memref<!tpu.dma_semaphore, #tpu.memory_space<semaphore_mem>>) {add = true}
        %add3A_87 = arith.constant 2 : i32
        %add3A_88 = arith.addi %mul3A_73, %add3A_87 : i32
        %dma_start3A_89 = arith.constant 0 : i32
        %dma_start3A_90 = tpu.memref_slice %arg5[%add3A_88, %dma_start3A_89] : memref<16x128xi32, #tpu.memory_space<vmem>> -> memref<1x128xi32, #tpu.memory_space<vmem>>
        %dma_start3A_91 = tpu.memref_squeeze %dma_start3A_90 : memref<1x128xi32, #tpu.memory_space<vmem>> -> memref<128xi32, #tpu.memory_space<vmem>>
        %dma_start3A_92 = arith.constant 0 : i32
        %dma_start3A_93 = tpu.memref_slice %arg7[%dma_start3A_92] : memref<10240xf32, #tpu.memory_space<vmem_shared>> -> memref<10240xf32, #tpu.memory_space<vmem_shared>>
        tpu.enqueue_indirect_dma source(%arg6 : memref<128xf32, #tpu.memory_space<vmem>>) target(%dma_start3A_93 : memref<10240xf32, #tpu.memory_space<vmem_shared>>) offsets(%dma_start3A_91 : memref<128xi32, #tpu.memory_space<vmem>>) semaphore(%arg8 : memref<!tpu.dma_semaphore, #tpu.memory_space<semaphore_mem>>) {add = true}
        %add3A_94 = arith.constant 3 : i32
        %add3A_95 = arith.addi %mul3A_73, %add3A_94 : i32
        %dma_start3A_96 = arith.constant 0 : i32
        %dma_start3A_97 = tpu.memref_slice %arg5[%add3A_95, %dma_start3A_96] : memref<16x128xi32, #tpu.memory_space<vmem>> -> memref<1x128xi32, #tpu.memory_space<vmem>>
        %dma_start3A_98 = tpu.memref_squeeze %dma_start3A_97 : memref<1x128xi32, #tpu.memory_space<vmem>> -> memref<128xi32, #tpu.memory_space<vmem>>
        %dma_start3A_99 = arith.constant 0 : i32
        %dma_start3A_100 = tpu.memref_slice %arg7[%dma_start3A_99] : memref<10240xf32, #tpu.memory_space<vmem_shared>> -> memref<10240xf32, #tpu.memory_space<vmem_shared>>
        tpu.enqueue_indirect_dma source(%arg6 : memref<128xf32, #tpu.memory_space<vmem>>) target(%dma_start3A_100 : memref<10240xf32, #tpu.memory_space<vmem_shared>>) offsets(%dma_start3A_98 : memref<128xi32, #tpu.memory_space<vmem>>) semaphore(%arg8 : memref<!tpu.dma_semaphore, #tpu.memory_space<semaphore_mem>>) {add = true}
        %add3A_101 = arith.constant 4 : i32
        %add3A_102 = arith.addi %mul3A_73, %add3A_101 : i32
        %dma_start3A_103 = arith.constant 0 : i32
        %dma_start3A_104 = tpu.memref_slice %arg5[%add3A_102, %dma_start3A_103] : memref<16x128xi32, #tpu.memory_space<vmem>> -> memref<1x128xi32, #tpu.memory_space<vmem>>
        %dma_start3A_105 = tpu.memref_squeeze %dma_start3A_104 : memref<1x128xi32, #tpu.memory_space<vmem>> -> memref<128xi32, #tpu.memory_space<vmem>>
        %dma_start3A_106 = arith.constant 0 : i32
        %dma_start3A_107 = tpu.memref_slice %arg7[%dma_start3A_106] : memref<10240xf32, #tpu.memory_space<vmem_shared>> -> memref<10240xf32, #tpu.memory_space<vmem_shared>>
        tpu.enqueue_indirect_dma source(%arg6 : memref<128xf32, #tpu.memory_space<vmem>>) target(%dma_start3A_107 : memref<10240xf32, #tpu.memory_space<vmem_shared>>) offsets(%dma_start3A_105 : memref<128xi32, #tpu.memory_space<vmem>>) semaphore(%arg8 : memref<!tpu.dma_semaphore, #tpu.memory_space<semaphore_mem>>) {add = true}
        %add3A_108 = arith.constant 5 : i32
        %add3A_109 = arith.addi %mul3A_73, %add3A_108 : i32
        %dma_start3A_110 = arith.constant 0 : i32
        %dma_start3A_111 = tpu.memref_slice %arg5[%add3A_109, %dma_start3A_110] : memref<16x128xi32, #tpu.memory_space<vmem>> -> memref<1x128xi32, #tpu.memory_space<vmem>>
        %dma_start3A_112 = tpu.memref_squeeze %dma_start3A_111 : memref<1x128xi32, #tpu.memory_space<vmem>> -> memref<128xi32, #tpu.memory_space<vmem>>
        %dma_start3A_113 = arith.constant 0 : i32
        %dma_start3A_114 = tpu.memref_slice %arg7[%dma_start3A_113] : memref<10240xf32, #tpu.memory_space<vmem_shared>> -> memref<10240xf32, #tpu.memory_space<vmem_shared>>
        tpu.enqueue_indirect_dma source(%arg6 : memref<128xf32, #tpu.memory_space<vmem>>) target(%dma_start3A_114 : memref<10240xf32, #tpu.memory_space<vmem_shared>>) offsets(%dma_start3A_112 : memref<128xi32, #tpu.memory_space<vmem>>) semaphore(%arg8 : memref<!tpu.dma_semaphore, #tpu.memory_space<semaphore_mem>>) {add = true}
        %add3A_115 = arith.constant 6 : i32
        %add3A_116 = arith.addi %mul3A_73, %add3A_115 : i32
        %dma_start3A_117 = arith.constant 0 : i32
        %dma_start3A_118 = tpu.memref_slice %arg5[%add3A_116, %dma_start3A_117] : memref<16x128xi32, #tpu.memory_space<vmem>> -> memref<1x128xi32, #tpu.memory_space<vmem>>
        %dma_start3A_119 = tpu.memref_squeeze %dma_start3A_118 : memref<1x128xi32, #tpu.memory_space<vmem>> -> memref<128xi32, #tpu.memory_space<vmem>>
        %dma_start3A_120 = arith.constant 0 : i32
        %dma_start3A_121 = tpu.memref_slice %arg7[%dma_start3A_120] : memref<10240xf32, #tpu.memory_space<vmem_shared>> -> memref<10240xf32, #tpu.memory_space<vmem_shared>>
        tpu.enqueue_indirect_dma source(%arg6 : memref<128xf32, #tpu.memory_space<vmem>>) target(%dma_start3A_121 : memref<10240xf32, #tpu.memory_space<vmem_shared>>) offsets(%dma_start3A_119 : memref<128xi32, #tpu.memory_space<vmem>>) semaphore(%arg8 : memref<!tpu.dma_semaphore, #tpu.memory_space<semaphore_mem>>) {add = true}
        %add3A_122 = arith.constant 7 : i32
        %add3A_123 = arith.addi %mul3A_73, %add3A_122 : i32
        %dma_start3A_124 = arith.constant 0 : i32
        %dma_start3A_125 = tpu.memref_slice %arg5[%add3A_123, %dma_start3A_124] : memref<16x128xi32, #tpu.memory_space<vmem>> -> memref<1x128xi32, #tpu.memory_space<vmem>>
        %dma_start3A_126 = tpu.memref_squeeze %dma_start3A_125 : memref<1x128xi32, #tpu.memory_space<vmem>> -> memref<128xi32, #tpu.memory_space<vmem>>
        %dma_start3A_127 = arith.constant 0 : i32
        %dma_start3A_128 = tpu.memref_slice %arg7[%dma_start3A_127] : memref<10240xf32, #tpu.memory_space<vmem_shared>> -> memref<10240xf32, #tpu.memory_space<vmem_shared>>
        tpu.enqueue_indirect_dma source(%arg6 : memref<128xf32, #tpu.memory_space<vmem>>) target(%dma_start3A_128 : memref<10240xf32, #tpu.memory_space<vmem_shared>>) offsets(%dma_start3A_126 : memref<128xi32, #tpu.memory_space<vmem>>) semaphore(%arg8 : memref<!tpu.dma_semaphore, #tpu.memory_space<semaphore_mem>>) {add = true}
        %dma_wait3A = arith.constant 0 : i32
        %dma_wait3A_129 = tpu.memref_slice %arg5[%add3A_75, %dma_wait3A] : memref<16x128xi32, #tpu.memory_space<vmem>> -> memref<1x128xi32, #tpu.memory_space<vmem>>
        %dma_wait3A_130 = tpu.memref_squeeze %dma_wait3A_129 : memref<1x128xi32, #tpu.memory_space<vmem>> -> memref<128xi32, #tpu.memory_space<vmem>>
        %dma_wait3A_131 = arith.constant 0 : i32
        %dma_wait3A_132 = tpu.memref_slice %arg7[%dma_wait3A_131] : memref<10240xf32, #tpu.memory_space<vmem_shared>> -> memref<10240xf32, #tpu.memory_space<vmem_shared>>
        tpu.wait_indirect_dma semaphore(%arg8 : memref<!tpu.dma_semaphore, #tpu.memory_space<semaphore_mem>>) src(%arg6 : memref<128xf32, #tpu.memory_space<vmem>>) dst(%dma_wait3A_132 : memref<10240xf32, #tpu.memory_space<vmem_shared>>)
        %dma_wait3A_133 = arith.constant 0 : i32
        %dma_wait3A_134 = tpu.memref_slice %arg5[%add3A_81, %dma_wait3A_133] : memref<16x128xi32, #tpu.memory_space<vmem>> -> memref<1x128xi32, #tpu.memory_space<vmem>>
        %dma_wait3A_135 = tpu.memref_squeeze %dma_wait3A_134 : memref<1x128xi32, #tpu.memory_space<vmem>> -> memref<128xi32, #tpu.memory_space<vmem>>
        %dma_wait3A_136 = arith.constant 0 : i32
        %dma_wait3A_137 = tpu.memref_slice %arg7[%dma_wait3A_136] : memref<10240xf32, #tpu.memory_space<vmem_shared>> -> memref<10240xf32, #tpu.memory_space<vmem_shared>>
        tpu.wait_indirect_dma semaphore(%arg8 : memref<!tpu.dma_semaphore, #tpu.memory_space<semaphore_mem>>) src(%arg6 : memref<128xf32, #tpu.memory_space<vmem>>) dst(%dma_wait3A_137 : memref<10240xf32, #tpu.memory_space<vmem_shared>>)
        %dma_wait3A_138 = arith.constant 0 : i32
        %dma_wait3A_139 = tpu.memref_slice %arg5[%add3A_88, %dma_wait3A_138] : memref<16x128xi32, #tpu.memory_space<vmem>> -> memref<1x128xi32, #tpu.memory_space<vmem>>
        %dma_wait3A_140 = tpu.memref_squeeze %dma_wait3A_139 : memref<1x128xi32, #tpu.memory_space<vmem>> -> memref<128xi32, #tpu.memory_space<vmem>>
        %dma_wait3A_141 = arith.constant 0 : i32
        %dma_wait3A_142 = tpu.memref_slice %arg7[%dma_wait3A_141] : memref<10240xf32, #tpu.memory_space<vmem_shared>> -> memref<10240xf32, #tpu.memory_space<vmem_shared>>
        tpu.wait_indirect_dma semaphore(%arg8 : memref<!tpu.dma_semaphore, #tpu.memory_space<semaphore_mem>>) src(%arg6 : memref<128xf32, #tpu.memory_space<vmem>>) dst(%dma_wait3A_142 : memref<10240xf32, #tpu.memory_space<vmem_shared>>)
        %dma_wait3A_143 = arith.constant 0 : i32
        %dma_wait3A_144 = tpu.memref_slice %arg5[%add3A_95, %dma_wait3A_143] : memref<16x128xi32, #tpu.memory_space<vmem>> -> memref<1x128xi32, #tpu.memory_space<vmem>>
        %dma_wait3A_145 = tpu.memref_squeeze %dma_wait3A_144 : memref<1x128xi32, #tpu.memory_space<vmem>> -> memref<128xi32, #tpu.memory_space<vmem>>
        %dma_wait3A_146 = arith.constant 0 : i32
        %dma_wait3A_147 = tpu.memref_slice %arg7[%dma_wait3A_146] : memref<10240xf32, #tpu.memory_space<vmem_shared>> -> memref<10240xf32, #tpu.memory_space<vmem_shared>>
        tpu.wait_indirect_dma semaphore(%arg8 : memref<!tpu.dma_semaphore, #tpu.memory_space<semaphore_mem>>) src(%arg6 : memref<128xf32, #tpu.memory_space<vmem>>) dst(%dma_wait3A_147 : memref<10240xf32, #tpu.memory_space<vmem_shared>>)
        %dma_wait3A_148 = arith.constant 0 : i32
        %dma_wait3A_149 = tpu.memref_slice %arg5[%add3A_102, %dma_wait3A_148] : memref<16x128xi32, #tpu.memory_space<vmem>> -> memref<1x128xi32, #tpu.memory_space<vmem>>
        %dma_wait3A_150 = tpu.memref_squeeze %dma_wait3A_149 : memref<1x128xi32, #tpu.memory_space<vmem>> -> memref<128xi32, #tpu.memory_space<vmem>>
        %dma_wait3A_151 = arith.constant 0 : i32
        %dma_wait3A_152 = tpu.memref_slice %arg7[%dma_wait3A_151] : memref<10240xf32, #tpu.memory_space<vmem_shared>> -> memref<10240xf32, #tpu.memory_space<vmem_shared>>
        tpu.wait_indirect_dma semaphore(%arg8 : memref<!tpu.dma_semaphore, #tpu.memory_space<semaphore_mem>>) src(%arg6 : memref<128xf32, #tpu.memory_space<vmem>>) dst(%dma_wait3A_152 : memref<10240xf32, #tpu.memory_space<vmem_shared>>)
        %dma_wait3A_153 = arith.constant 0 : i32
        %dma_wait3A_154 = tpu.memref_slice %arg5[%add3A_109, %dma_wait3A_153] : memref<16x128xi32, #tpu.memory_space<vmem>> -> memref<1x128xi32, #tpu.memory_space<vmem>>
        %dma_wait3A_155 = tpu.memref_squeeze %dma_wait3A_154 : memref<1x128xi32, #tpu.memory_space<vmem>> -> memref<128xi32, #tpu.memory_space<vmem>>
        %dma_wait3A_156 = arith.constant 0 : i32
        %dma_wait3A_157 = tpu.memref_slice %arg7[%dma_wait3A_156] : memref<10240xf32, #tpu.memory_space<vmem_shared>> -> memref<10240xf32, #tpu.memory_space<vmem_shared>>
        tpu.wait_indirect_dma semaphore(%arg8 : memref<!tpu.dma_semaphore, #tpu.memory_space<semaphore_mem>>) src(%arg6 : memref<128xf32, #tpu.memory_space<vmem>>) dst(%dma_wait3A_157 : memref<10240xf32, #tpu.memory_space<vmem_shared>>)
        %dma_wait3A_158 = arith.constant 0 : i32
        %dma_wait3A_159 = tpu.memref_slice %arg5[%add3A_116, %dma_wait3A_158] : memref<16x128xi32, #tpu.memory_space<vmem>> -> memref<1x128xi32, #tpu.memory_space<vmem>>
        %dma_wait3A_160 = tpu.memref_squeeze %dma_wait3A_159 : memref<1x128xi32, #tpu.memory_space<vmem>> -> memref<128xi32, #tpu.memory_space<vmem>>
        %dma_wait3A_161 = arith.constant 0 : i32
        %dma_wait3A_162 = tpu.memref_slice %arg7[%dma_wait3A_161] : memref<10240xf32, #tpu.memory_space<vmem_shared>> -> memref<10240xf32, #tpu.memory_space<vmem_shared>>
        tpu.wait_indirect_dma semaphore(%arg8 : memref<!tpu.dma_semaphore, #tpu.memory_space<semaphore_mem>>) src(%arg6 : memref<128xf32, #tpu.memory_space<vmem>>) dst(%dma_wait3A_162 : memref<10240xf32, #tpu.memory_space<vmem_shared>>)
        %dma_wait3A_163 = arith.constant 0 : i32
        %dma_wait3A_164 = tpu.memref_slice %arg5[%add3A_123, %dma_wait3A_163] : memref<16x128xi32, #tpu.memory_space<vmem>> -> memref<1x128xi32, #tpu.memory_space<vmem>>
        %dma_wait3A_165 = tpu.memref_squeeze %dma_wait3A_164 : memref<1x128xi32, #tpu.memory_space<vmem>> -> memref<128xi32, #tpu.memory_space<vmem>>
        %dma_wait3A_166 = arith.constant 0 : i32
        %dma_wait3A_167 = tpu.memref_slice %arg7[%dma_wait3A_166] : memref<10240xf32, #tpu.memory_space<vmem_shared>> -> memref<10240xf32, #tpu.memory_space<vmem_shared>>
        tpu.wait_indirect_dma semaphore(%arg8 : memref<!tpu.dma_semaphore, #tpu.memory_space<semaphore_mem>>) src(%arg6 : memref<128xf32, #tpu.memory_space<vmem>>) dst(%dma_wait3A_167 : memref<10240xf32, #tpu.memory_space<vmem_shared>>)
      }
      %scan3A_70 = arith.constant 2 : i32
    }
    %scan3A_55 = arith.constant 5 : i32
    %barrier3A_56 = arith.constant 0 : index
    tpu.barrier barrier_id(%barrier3A_56)
    %mul3A_57 = arith.constant 640 : i32
    %mul3A_58 = arith.muli %arg1, %mul3A_57 : i32
    %mul3A_59 = arith.constant 640 : i32
    %mul3A_60 = arith.muli %arg1, %mul3A_59 : i32
    "tpu.region"() ({
      %run_scoped3A = tpu.sem_alloc : memref<!tpu.dma_semaphore, #tpu.memory_space<semaphore_mem>>
      %dma_start3A = tpu.memref_slice %arg4[%arg0, %mul3A_60] : memref<2x10240xf32, #tpu.memory_space<hbm>> -> memref<1x640xf32, #tpu.memory_space<hbm>>
      %dma_start3A_61 = tpu.memref_squeeze %dma_start3A : memref<1x640xf32, #tpu.memory_space<hbm>> -> memref<640xf32, #tpu.memory_space<hbm>>
      %dma_start3A_62 = tpu.memref_slice %arg7[%mul3A_58] : memref<10240xf32, #tpu.memory_space<vmem_shared>> -> memref<640xf32, #tpu.memory_space<vmem_shared>>
      tpu.enqueue_dma source(%dma_start3A_62 : memref<640xf32, #tpu.memory_space<vmem_shared>>) target(%dma_start3A_61 : memref<640xf32, #tpu.memory_space<hbm>>) target_semaphore(%run_scoped3A : memref<!tpu.dma_semaphore, #tpu.memory_space<semaphore_mem>>)
      %dma_wait3A = tpu.memref_slice %arg4[%arg0, %mul3A_60] : memref<2x10240xf32, #tpu.memory_space<hbm>> -> memref<1x640xf32, #tpu.memory_space<hbm>>
      %dma_wait3A_63 = tpu.memref_squeeze %dma_wait3A : memref<1x640xf32, #tpu.memory_space<hbm>> -> memref<640xf32, #tpu.memory_space<hbm>>
      %dma_wait3A_64 = tpu.memref_slice %arg7[%mul3A_58] : memref<10240xf32, #tpu.memory_space<vmem_shared>> -> memref<640xf32, #tpu.memory_space<vmem_shared>>
      tpu.wait_dma2 semaphore(%run_scoped3A : memref<!tpu.dma_semaphore, #tpu.memory_space<semaphore_mem>>) src(%dma_wait3A_64 : memref<640xf32, #tpu.memory_space<vmem_shared>>) dst(%dma_wait3A_63 : memref<640xf32, #tpu.memory_space<hbm>>)
      tpu.yield
    }) : () -> ()
    return
  }
}

#map = affine_map<(d0, d1) -> (0, 0, 0)>
#map1 = affine_map<(d0, d1) -> (0)>
#map2 = affine_map<(d0, d1) -> (0, 0)>
module attributes {stable_mosaic.version = 14 : i64} {
  func.func @agg(%arg0: i32, %arg1: i32, %arg2: memref<2x10000x64xbf16, #tpu.memory_space<hbm>>, %arg3: memref<327680xi32, #tpu.memory_space<hbm>>, %arg4: memref<2560x128xi32, #tpu.memory_space<hbm>>, %arg5: memref<640x64xbf16, #tpu.memory_space<hbm>>, %arg6: memref<2x10240x64xbf16, #tpu.memory_space<hbm>>, %arg7: memref<4096xi32, #tpu.memory_space<vmem>>, %arg8: memref<32x128xi32, #tpu.memory_space<vmem>>, %arg9: memref<8x128x64xbf16, #tpu.memory_space<vmem>>, %arg10: memref<8x128x64xbf16, #tpu.memory_space<vmem>>, %arg11: memref<10240x64xbf16, #tpu.memory_space<vmem_shared>>, %arg12: memref<!tpu.dma_semaphore, #tpu.memory_space<semaphore_mem>>, %arg13: memref<!tpu.dma_semaphore, #tpu.memory_space<semaphore_mem>>, %arg14: memref<!tpu.dma_semaphore, #tpu.memory_space<semaphore_mem>>, %arg15: memref<!tpu.dma_semaphore, #tpu.memory_space<semaphore_mem>>) attributes {dimension_semantics = [#tpu.dimension_semantics<core_parallel>, #tpu.dimension_semantics<subcore_parallel>], iteration_bounds = array<i64: 2, 16>, scalar_prefetch = 0 : i64, scratch_operands = 9 : i64, tpu.core_type = #tpu.core_type<sc_vector_subcore>, window_params = [{transform_indices = #map}, {transform_indices = #map1}, {transform_indices = #map2}, {transform_indices = #map2}, {transform_indices = #map}]} {
    %mul3A = arith.constant 640 : i32
    %mul3A_0 = arith.muli %arg1, %mul3A : i32
    "tpu.region"() ({
      %run_scoped3A = tpu.sem_alloc : memref<!tpu.dma_semaphore, #tpu.memory_space<semaphore_mem>>
      %dma_start3A = arith.constant 0 : i32
      %dma_start3A_13 = tpu.memref_slice %arg11[%mul3A_0, %dma_start3A] : memref<10240x64xbf16, #tpu.memory_space<vmem_shared>> -> memref<640x64xbf16, #tpu.memory_space<vmem_shared>>
      tpu.enqueue_dma source(%arg5 : memref<640x64xbf16, #tpu.memory_space<hbm>>) target(%dma_start3A_13 : memref<640x64xbf16, #tpu.memory_space<vmem_shared>>) target_semaphore(%run_scoped3A : memref<!tpu.dma_semaphore, #tpu.memory_space<semaphore_mem>>)
      %dma_wait3A = arith.constant 0 : i32
      %dma_wait3A_14 = tpu.memref_slice %arg11[%mul3A_0, %dma_wait3A] : memref<10240x64xbf16, #tpu.memory_space<vmem_shared>> -> memref<640x64xbf16, #tpu.memory_space<vmem_shared>>
      tpu.wait_dma2 semaphore(%run_scoped3A : memref<!tpu.dma_semaphore, #tpu.memory_space<semaphore_mem>>) src(%arg5 : memref<640x64xbf16, #tpu.memory_space<hbm>>) dst(%dma_wait3A_14 : memref<640x64xbf16, #tpu.memory_space<vmem_shared>>)
      tpu.yield
    }) : () -> ()
    %barrier3A = arith.constant 0 : index
    tpu.barrier barrier_id(%barrier3A)
    %mul3A_1 = arith.constant 160 : i32
    %mul3A_2 = arith.muli %arg1, %mul3A_1 : i32
    %scan3A = arith.constant 0 : i32
    %scan3A_3 = arith.constant 0 : i32
    %scan3A_4 = arith.constant 5 : i32
    %scan3A_5 = arith.addi %scan3A_3, %scan3A_4 : i32
    %scan3A_6 = arith.constant 1 : i32
    scf.for %scan3A_13 = %scan3A_3 to %scan3A_5 step %scan3A_6  : i32 {
      %mul3A_14 = arith.constant 32 : i32
      %mul3A_15 = arith.muli %scan3A_13, %mul3A_14 : i32
      %add3A = arith.addi %mul3A_2, %mul3A_15 : i32
      %mul3A_16 = arith.constant 128 : i32
      %mul3A_17 = arith.muli %add3A, %mul3A_16 : i32
      "tpu.region"() ({
        %run_scoped3A = tpu.sem_alloc : memref<!tpu.dma_semaphore, #tpu.memory_space<semaphore_mem>>
        %dma_start3A_230 = tpu.memref_slice %arg3[%mul3A_17] : memref<327680xi32, #tpu.memory_space<hbm>> -> memref<4096xi32, #tpu.memory_space<hbm>>
        %dma_start3A_231 = tpu.memref_slice %arg3[%mul3A_17] : memref<327680xi32, #tpu.memory_space<hbm>> -> memref<4096xi32, #tpu.memory_space<hbm>>
        tpu.enqueue_dma source(%dma_start3A_231 : memref<4096xi32, #tpu.memory_space<hbm>>) target(%arg7 : memref<4096xi32, #tpu.memory_space<vmem>>) target_semaphore(%run_scoped3A : memref<!tpu.dma_semaphore, #tpu.memory_space<semaphore_mem>>)
        %dma_wait3A_232 = tpu.memref_slice %arg3[%mul3A_17] : memref<327680xi32, #tpu.memory_space<hbm>> -> memref<4096xi32, #tpu.memory_space<hbm>>
        %dma_wait3A_233 = tpu.memref_slice %arg3[%mul3A_17] : memref<327680xi32, #tpu.memory_space<hbm>> -> memref<4096xi32, #tpu.memory_space<hbm>>
        tpu.wait_dma2 semaphore(%run_scoped3A : memref<!tpu.dma_semaphore, #tpu.memory_space<semaphore_mem>>) src(%dma_wait3A_233 : memref<4096xi32, #tpu.memory_space<hbm>>) dst(%arg7 : memref<4096xi32, #tpu.memory_space<vmem>>)
        tpu.yield
      }) : () -> ()
      "tpu.region"() ({
        %run_scoped3A = tpu.sem_alloc : memref<!tpu.dma_semaphore, #tpu.memory_space<semaphore_mem>>
        %dma_start3A_230 = arith.constant 0 : i32
        %dma_start3A_231 = tpu.memref_slice %arg4[%add3A, %dma_start3A_230] : memref<2560x128xi32, #tpu.memory_space<hbm>> -> memref<32x128xi32, #tpu.memory_space<hbm>>
        %dma_start3A_232 = arith.constant 0 : i32
        %dma_start3A_233 = tpu.memref_slice %arg4[%add3A, %dma_start3A_232] : memref<2560x128xi32, #tpu.memory_space<hbm>> -> memref<32x128xi32, #tpu.memory_space<hbm>>
        tpu.enqueue_dma source(%dma_start3A_233 : memref<32x128xi32, #tpu.memory_space<hbm>>) target(%arg8 : memref<32x128xi32, #tpu.memory_space<vmem>>) target_semaphore(%run_scoped3A : memref<!tpu.dma_semaphore, #tpu.memory_space<semaphore_mem>>)
        %dma_wait3A_234 = arith.constant 0 : i32
        %dma_wait3A_235 = tpu.memref_slice %arg4[%add3A, %dma_wait3A_234] : memref<2560x128xi32, #tpu.memory_space<hbm>> -> memref<32x128xi32, #tpu.memory_space<hbm>>
        %dma_wait3A_236 = arith.constant 0 : i32
        %dma_wait3A_237 = tpu.memref_slice %arg4[%add3A, %dma_wait3A_236] : memref<2560x128xi32, #tpu.memory_space<hbm>> -> memref<32x128xi32, #tpu.memory_space<hbm>>
        tpu.wait_dma2 semaphore(%run_scoped3A : memref<!tpu.dma_semaphore, #tpu.memory_space<semaphore_mem>>) src(%dma_wait3A_237 : memref<32x128xi32, #tpu.memory_space<hbm>>) dst(%arg8 : memref<32x128xi32, #tpu.memory_space<vmem>>)
        tpu.yield
      }) : () -> ()
      %dma_start3A = arith.constant 0 : i32
      %dma_start3A_18 = arith.constant 0 : i32
      %dma_start3A_19 = arith.constant 0 : i32
      %dma_start3A_20 = tpu.memref_slice %arg9[%dma_start3A, %dma_start3A_18, %dma_start3A_19] : memref<8x128x64xbf16, #tpu.memory_space<vmem>> -> memref<1x128x64xbf16, #tpu.memory_space<vmem>>
      %dma_start3A_21 = tpu.memref_squeeze %dma_start3A_20 : memref<1x128x64xbf16, #tpu.memory_space<vmem>> -> memref<128x64xbf16, #tpu.memory_space<vmem>>
      %dma_start3A_22 = arith.constant 0 : i32
      %dma_start3A_23 = tpu.memref_slice %arg7[%dma_start3A_22] : memref<4096xi32, #tpu.memory_space<vmem>> -> memref<128xi32, #tpu.memory_space<vmem>>
      %dma_start3A_24 = arith.constant 0 : i32
      %dma_start3A_25 = arith.constant 0 : i32
      %dma_start3A_26 = tpu.memref_slice %arg2[%arg0, %dma_start3A_24, %dma_start3A_25] : memref<2x10000x64xbf16, #tpu.memory_space<hbm>> -> memref<1x10000x64xbf16, #tpu.memory_space<hbm>>
      %dma_start3A_27 = tpu.memref_squeeze %dma_start3A_26 : memref<1x10000x64xbf16, #tpu.memory_space<hbm>> -> memref<10000x64xbf16, #tpu.memory_space<hbm>>
      %dma_start3A_28 = arith.constant 0 : i32
      %dma_start3A_29 = arith.constant 0 : i32
      %dma_start3A_30 = tpu.memref_slice %dma_start3A_27[%dma_start3A_28, %dma_start3A_29] : memref<10000x64xbf16, #tpu.memory_space<hbm>> -> memref<10000x64xbf16, #tpu.memory_space<hbm>>
      tpu.enqueue_indirect_dma source(%dma_start3A_30 : memref<10000x64xbf16, #tpu.memory_space<hbm>>) target(%dma_start3A_21 : memref<128x64xbf16, #tpu.memory_space<vmem>>) offsets(%dma_start3A_23 : memref<128xi32, #tpu.memory_space<vmem>>) semaphore(%arg12 : memref<!tpu.dma_semaphore, #tpu.memory_space<semaphore_mem>>)
      %dma_start3A_31 = arith.constant 1 : i32
      %dma_start3A_32 = arith.constant 0 : i32
      %dma_start3A_33 = arith.constant 0 : i32
      %dma_start3A_34 = tpu.memref_slice %arg9[%dma_start3A_31, %dma_start3A_32, %dma_start3A_33] : memref<8x128x64xbf16, #tpu.memory_space<vmem>> -> memref<1x128x64xbf16, #tpu.memory_space<vmem>>
      %dma_start3A_35 = tpu.memref_squeeze %dma_start3A_34 : memref<1x128x64xbf16, #tpu.memory_space<vmem>> -> memref<128x64xbf16, #tpu.memory_space<vmem>>
      %dma_start3A_36 = arith.constant 128 : i32
      %dma_start3A_37 = tpu.memref_slice %arg7[%dma_start3A_36] : memref<4096xi32, #tpu.memory_space<vmem>> -> memref<128xi32, #tpu.memory_space<vmem>>
      %dma_start3A_38 = arith.constant 0 : i32
      %dma_start3A_39 = arith.constant 0 : i32
      %dma_start3A_40 = tpu.memref_slice %arg2[%arg0, %dma_start3A_38, %dma_start3A_39] : memref<2x10000x64xbf16, #tpu.memory_space<hbm>> -> memref<1x10000x64xbf16, #tpu.memory_space<hbm>>
      %dma_start3A_41 = tpu.memref_squeeze %dma_start3A_40 : memref<1x10000x64xbf16, #tpu.memory_space<hbm>> -> memref<10000x64xbf16, #tpu.memory_space<hbm>>
      %dma_start3A_42 = arith.constant 0 : i32
      %dma_start3A_43 = arith.constant 0 : i32
      %dma_start3A_44 = tpu.memref_slice %dma_start3A_41[%dma_start3A_42, %dma_start3A_43] : memref<10000x64xbf16, #tpu.memory_space<hbm>> -> memref<10000x64xbf16, #tpu.memory_space<hbm>>
      tpu.enqueue_indirect_dma source(%dma_start3A_44 : memref<10000x64xbf16, #tpu.memory_space<hbm>>) target(%dma_start3A_35 : memref<128x64xbf16, #tpu.memory_space<vmem>>) offsets(%dma_start3A_37 : memref<128xi32, #tpu.memory_space<vmem>>) semaphore(%arg12 : memref<!tpu.dma_semaphore, #tpu.memory_space<semaphore_mem>>)
      %dma_start3A_45 = arith.constant 2 : i32
      %dma_start3A_46 = arith.constant 0 : i32
      %dma_start3A_47 = arith.constant 0 : i32
      %dma_start3A_48 = tpu.memref_slice %arg9[%dma_start3A_45, %dma_start3A_46, %dma_start3A_47] : memref<8x128x64xbf16, #tpu.memory_space<vmem>> -> memref<1x128x64xbf16, #tpu.memory_space<vmem>>
      %dma_start3A_49 = tpu.memref_squeeze %dma_start3A_48 : memref<1x128x64xbf16, #tpu.memory_space<vmem>> -> memref<128x64xbf16, #tpu.memory_space<vmem>>
      %dma_start3A_50 = arith.constant 256 : i32
      %dma_start3A_51 = tpu.memref_slice %arg7[%dma_start3A_50] : memref<4096xi32, #tpu.memory_space<vmem>> -> memref<128xi32, #tpu.memory_space<vmem>>
      %dma_start3A_52 = arith.constant 0 : i32
      %dma_start3A_53 = arith.constant 0 : i32
      %dma_start3A_54 = tpu.memref_slice %arg2[%arg0, %dma_start3A_52, %dma_start3A_53] : memref<2x10000x64xbf16, #tpu.memory_space<hbm>> -> memref<1x10000x64xbf16, #tpu.memory_space<hbm>>
      %dma_start3A_55 = tpu.memref_squeeze %dma_start3A_54 : memref<1x10000x64xbf16, #tpu.memory_space<hbm>> -> memref<10000x64xbf16, #tpu.memory_space<hbm>>
      %dma_start3A_56 = arith.constant 0 : i32
      %dma_start3A_57 = arith.constant 0 : i32
      %dma_start3A_58 = tpu.memref_slice %dma_start3A_55[%dma_start3A_56, %dma_start3A_57] : memref<10000x64xbf16, #tpu.memory_space<hbm>> -> memref<10000x64xbf16, #tpu.memory_space<hbm>>
      tpu.enqueue_indirect_dma source(%dma_start3A_58 : memref<10000x64xbf16, #tpu.memory_space<hbm>>) target(%dma_start3A_49 : memref<128x64xbf16, #tpu.memory_space<vmem>>) offsets(%dma_start3A_51 : memref<128xi32, #tpu.memory_space<vmem>>) semaphore(%arg12 : memref<!tpu.dma_semaphore, #tpu.memory_space<semaphore_mem>>)
      %dma_start3A_59 = arith.constant 3 : i32
      %dma_start3A_60 = arith.constant 0 : i32
      %dma_start3A_61 = arith.constant 0 : i32
      %dma_start3A_62 = tpu.memref_slice %arg9[%dma_start3A_59, %dma_start3A_60, %dma_start3A_61] : memref<8x128x64xbf16, #tpu.memory_space<vmem>> -> memref<1x128x64xbf16, #tpu.memory_space<vmem>>
      %dma_start3A_63 = tpu.memref_squeeze %dma_start3A_62 : memref<1x128x64xbf16, #tpu.memory_space<vmem>> -> memref<128x64xbf16, #tpu.memory_space<vmem>>
      %dma_start3A_64 = arith.constant 384 : i32
      %dma_start3A_65 = tpu.memref_slice %arg7[%dma_start3A_64] : memref<4096xi32, #tpu.memory_space<vmem>> -> memref<128xi32, #tpu.memory_space<vmem>>
      %dma_start3A_66 = arith.constant 0 : i32
      %dma_start3A_67 = arith.constant 0 : i32
      %dma_start3A_68 = tpu.memref_slice %arg2[%arg0, %dma_start3A_66, %dma_start3A_67] : memref<2x10000x64xbf16, #tpu.memory_space<hbm>> -> memref<1x10000x64xbf16, #tpu.memory_space<hbm>>
      %dma_start3A_69 = tpu.memref_squeeze %dma_start3A_68 : memref<1x10000x64xbf16, #tpu.memory_space<hbm>> -> memref<10000x64xbf16, #tpu.memory_space<hbm>>
      %dma_start3A_70 = arith.constant 0 : i32
      %dma_start3A_71 = arith.constant 0 : i32
      %dma_start3A_72 = tpu.memref_slice %dma_start3A_69[%dma_start3A_70, %dma_start3A_71] : memref<10000x64xbf16, #tpu.memory_space<hbm>> -> memref<10000x64xbf16, #tpu.memory_space<hbm>>
      tpu.enqueue_indirect_dma source(%dma_start3A_72 : memref<10000x64xbf16, #tpu.memory_space<hbm>>) target(%dma_start3A_63 : memref<128x64xbf16, #tpu.memory_space<vmem>>) offsets(%dma_start3A_65 : memref<128xi32, #tpu.memory_space<vmem>>) semaphore(%arg12 : memref<!tpu.dma_semaphore, #tpu.memory_space<semaphore_mem>>)
      %dma_start3A_73 = arith.constant 4 : i32
      %dma_start3A_74 = arith.constant 0 : i32
      %dma_start3A_75 = arith.constant 0 : i32
      %dma_start3A_76 = tpu.memref_slice %arg9[%dma_start3A_73, %dma_start3A_74, %dma_start3A_75] : memref<8x128x64xbf16, #tpu.memory_space<vmem>> -> memref<1x128x64xbf16, #tpu.memory_space<vmem>>
      %dma_start3A_77 = tpu.memref_squeeze %dma_start3A_76 : memref<1x128x64xbf16, #tpu.memory_space<vmem>> -> memref<128x64xbf16, #tpu.memory_space<vmem>>
      %dma_start3A_78 = arith.constant 512 : i32
      %dma_start3A_79 = tpu.memref_slice %arg7[%dma_start3A_78] : memref<4096xi32, #tpu.memory_space<vmem>> -> memref<128xi32, #tpu.memory_space<vmem>>
      %dma_start3A_80 = arith.constant 0 : i32
      %dma_start3A_81 = arith.constant 0 : i32
      %dma_start3A_82 = tpu.memref_slice %arg2[%arg0, %dma_start3A_80, %dma_start3A_81] : memref<2x10000x64xbf16, #tpu.memory_space<hbm>> -> memref<1x10000x64xbf16, #tpu.memory_space<hbm>>
      %dma_start3A_83 = tpu.memref_squeeze %dma_start3A_82 : memref<1x10000x64xbf16, #tpu.memory_space<hbm>> -> memref<10000x64xbf16, #tpu.memory_space<hbm>>
      %dma_start3A_84 = arith.constant 0 : i32
      %dma_start3A_85 = arith.constant 0 : i32
      %dma_start3A_86 = tpu.memref_slice %dma_start3A_83[%dma_start3A_84, %dma_start3A_85] : memref<10000x64xbf16, #tpu.memory_space<hbm>> -> memref<10000x64xbf16, #tpu.memory_space<hbm>>
      tpu.enqueue_indirect_dma source(%dma_start3A_86 : memref<10000x64xbf16, #tpu.memory_space<hbm>>) target(%dma_start3A_77 : memref<128x64xbf16, #tpu.memory_space<vmem>>) offsets(%dma_start3A_79 : memref<128xi32, #tpu.memory_space<vmem>>) semaphore(%arg12 : memref<!tpu.dma_semaphore, #tpu.memory_space<semaphore_mem>>)
      %dma_start3A_87 = arith.constant 5 : i32
      %dma_start3A_88 = arith.constant 0 : i32
      %dma_start3A_89 = arith.constant 0 : i32
      %dma_start3A_90 = tpu.memref_slice %arg9[%dma_start3A_87, %dma_start3A_88, %dma_start3A_89] : memref<8x128x64xbf16, #tpu.memory_space<vmem>> -> memref<1x128x64xbf16, #tpu.memory_space<vmem>>
      %dma_start3A_91 = tpu.memref_squeeze %dma_start3A_90 : memref<1x128x64xbf16, #tpu.memory_space<vmem>> -> memref<128x64xbf16, #tpu.memory_space<vmem>>
      %dma_start3A_92 = arith.constant 640 : i32
      %dma_start3A_93 = tpu.memref_slice %arg7[%dma_start3A_92] : memref<4096xi32, #tpu.memory_space<vmem>> -> memref<128xi32, #tpu.memory_space<vmem>>
      %dma_start3A_94 = arith.constant 0 : i32
      %dma_start3A_95 = arith.constant 0 : i32
      %dma_start3A_96 = tpu.memref_slice %arg2[%arg0, %dma_start3A_94, %dma_start3A_95] : memref<2x10000x64xbf16, #tpu.memory_space<hbm>> -> memref<1x10000x64xbf16, #tpu.memory_space<hbm>>
      %dma_start3A_97 = tpu.memref_squeeze %dma_start3A_96 : memref<1x10000x64xbf16, #tpu.memory_space<hbm>> -> memref<10000x64xbf16, #tpu.memory_space<hbm>>
      %dma_start3A_98 = arith.constant 0 : i32
      %dma_start3A_99 = arith.constant 0 : i32
      %dma_start3A_100 = tpu.memref_slice %dma_start3A_97[%dma_start3A_98, %dma_start3A_99] : memref<10000x64xbf16, #tpu.memory_space<hbm>> -> memref<10000x64xbf16, #tpu.memory_space<hbm>>
      tpu.enqueue_indirect_dma source(%dma_start3A_100 : memref<10000x64xbf16, #tpu.memory_space<hbm>>) target(%dma_start3A_91 : memref<128x64xbf16, #tpu.memory_space<vmem>>) offsets(%dma_start3A_93 : memref<128xi32, #tpu.memory_space<vmem>>) semaphore(%arg12 : memref<!tpu.dma_semaphore, #tpu.memory_space<semaphore_mem>>)
      %dma_start3A_101 = arith.constant 6 : i32
      %dma_start3A_102 = arith.constant 0 : i32
      %dma_start3A_103 = arith.constant 0 : i32
      %dma_start3A_104 = tpu.memref_slice %arg9[%dma_start3A_101, %dma_start3A_102, %dma_start3A_103] : memref<8x128x64xbf16, #tpu.memory_space<vmem>> -> memref<1x128x64xbf16, #tpu.memory_space<vmem>>
      %dma_start3A_105 = tpu.memref_squeeze %dma_start3A_104 : memref<1x128x64xbf16, #tpu.memory_space<vmem>> -> memref<128x64xbf16, #tpu.memory_space<vmem>>
      %dma_start3A_106 = arith.constant 768 : i32
      %dma_start3A_107 = tpu.memref_slice %arg7[%dma_start3A_106] : memref<4096xi32, #tpu.memory_space<vmem>> -> memref<128xi32, #tpu.memory_space<vmem>>
      %dma_start3A_108 = arith.constant 0 : i32
      %dma_start3A_109 = arith.constant 0 : i32
      %dma_start3A_110 = tpu.memref_slice %arg2[%arg0, %dma_start3A_108, %dma_start3A_109] : memref<2x10000x64xbf16, #tpu.memory_space<hbm>> -> memref<1x10000x64xbf16, #tpu.memory_space<hbm>>
      %dma_start3A_111 = tpu.memref_squeeze %dma_start3A_110 : memref<1x10000x64xbf16, #tpu.memory_space<hbm>> -> memref<10000x64xbf16, #tpu.memory_space<hbm>>
      %dma_start3A_112 = arith.constant 0 : i32
      %dma_start3A_113 = arith.constant 0 : i32
      %dma_start3A_114 = tpu.memref_slice %dma_start3A_111[%dma_start3A_112, %dma_start3A_113] : memref<10000x64xbf16, #tpu.memory_space<hbm>> -> memref<10000x64xbf16, #tpu.memory_space<hbm>>
      tpu.enqueue_indirect_dma source(%dma_start3A_114 : memref<10000x64xbf16, #tpu.memory_space<hbm>>) target(%dma_start3A_105 : memref<128x64xbf16, #tpu.memory_space<vmem>>) offsets(%dma_start3A_107 : memref<128xi32, #tpu.memory_space<vmem>>) semaphore(%arg12 : memref<!tpu.dma_semaphore, #tpu.memory_space<semaphore_mem>>)
      %dma_start3A_115 = arith.constant 7 : i32
      %dma_start3A_116 = arith.constant 0 : i32
      %dma_start3A_117 = arith.constant 0 : i32
      %dma_start3A_118 = tpu.memref_slice %arg9[%dma_start3A_115, %dma_start3A_116, %dma_start3A_117] : memref<8x128x64xbf16, #tpu.memory_space<vmem>> -> memref<1x128x64xbf16, #tpu.memory_space<vmem>>
      %dma_start3A_119 = tpu.memref_squeeze %dma_start3A_118 : memref<1x128x64xbf16, #tpu.memory_space<vmem>> -> memref<128x64xbf16, #tpu.memory_space<vmem>>
      %dma_start3A_120 = arith.constant 896 : i32
      %dma_start3A_121 = tpu.memref_slice %arg7[%dma_start3A_120] : memref<4096xi32, #tpu.memory_space<vmem>> -> memref<128xi32, #tpu.memory_space<vmem>>
      %dma_start3A_122 = arith.constant 0 : i32
      %dma_start3A_123 = arith.constant 0 : i32
      %dma_start3A_124 = tpu.memref_slice %arg2[%arg0, %dma_start3A_122, %dma_start3A_123] : memref<2x10000x64xbf16, #tpu.memory_space<hbm>> -> memref<1x10000x64xbf16, #tpu.memory_space<hbm>>
      %dma_start3A_125 = tpu.memref_squeeze %dma_start3A_124 : memref<1x10000x64xbf16, #tpu.memory_space<hbm>> -> memref<10000x64xbf16, #tpu.memory_space<hbm>>
      %dma_start3A_126 = arith.constant 0 : i32
      %dma_start3A_127 = arith.constant 0 : i32
      %dma_start3A_128 = tpu.memref_slice %dma_start3A_125[%dma_start3A_126, %dma_start3A_127] : memref<10000x64xbf16, #tpu.memory_space<hbm>> -> memref<10000x64xbf16, #tpu.memory_space<hbm>>
      tpu.enqueue_indirect_dma source(%dma_start3A_128 : memref<10000x64xbf16, #tpu.memory_space<hbm>>) target(%dma_start3A_119 : memref<128x64xbf16, #tpu.memory_space<vmem>>) offsets(%dma_start3A_121 : memref<128xi32, #tpu.memory_space<vmem>>) semaphore(%arg12 : memref<!tpu.dma_semaphore, #tpu.memory_space<semaphore_mem>>)
      %scan3A_129 = arith.constant 0 : i32
      %scan3A_130 = arith.constant 0 : i32
      %scan3A_131 = arith.constant 2 : i32
      %scan3A_132 = arith.addi %scan3A_130, %scan3A_131 : i32
      %scan3A_133 = arith.constant 1 : i32
      scf.for %scan3A_230 = %scan3A_130 to %scan3A_132 step %scan3A_133  : i32 {
        %mul3A_231 = arith.constant 2 : i32
        %mul3A_232 = arith.muli %mul3A_231, %scan3A_230 : i32
        %add3A_233 = arith.constant 0 : i32
        %add3A_234 = arith.addi %mul3A_232, %add3A_233 : i32
        %mul3A_235 = arith.constant 8 : i32
        %mul3A_236 = arith.muli %add3A_234, %mul3A_235 : i32
        %add3A_237 = arith.constant 0 : i32
        %add3A_238 = arith.addi %mul3A_236, %add3A_237 : i32
        %mul3A_239 = arith.constant 128 : i32
        %mul3A_240 = arith.muli %add3A_238, %mul3A_239 : i32
        %dma_wait3A_241 = arith.constant 0 : i32
        %dma_wait3A_242 = arith.constant 0 : i32
        %dma_wait3A_243 = arith.constant 0 : i32
        %dma_wait3A_244 = tpu.memref_slice %arg9[%dma_wait3A_241, %dma_wait3A_242, %dma_wait3A_243] : memref<8x128x64xbf16, #tpu.memory_space<vmem>> -> memref<1x128x64xbf16, #tpu.memory_space<vmem>>
        %dma_wait3A_245 = tpu.memref_squeeze %dma_wait3A_244 : memref<1x128x64xbf16, #tpu.memory_space<vmem>> -> memref<128x64xbf16, #tpu.memory_space<vmem>>
        %dma_wait3A_246 = tpu.memref_slice %arg7[%mul3A_240] : memref<4096xi32, #tpu.memory_space<vmem>> -> memref<128xi32, #tpu.memory_space<vmem>>
        %dma_wait3A_247 = arith.constant 0 : i32
        %dma_wait3A_248 = arith.constant 0 : i32
        %dma_wait3A_249 = tpu.memref_slice %arg2[%arg0, %dma_wait3A_247, %dma_wait3A_248] : memref<2x10000x64xbf16, #tpu.memory_space<hbm>> -> memref<1x10000x64xbf16, #tpu.memory_space<hbm>>
        %dma_wait3A_250 = tpu.memref_squeeze %dma_wait3A_249 : memref<1x10000x64xbf16, #tpu.memory_space<hbm>> -> memref<10000x64xbf16, #tpu.memory_space<hbm>>
        %dma_wait3A_251 = arith.constant 0 : i32
        %dma_wait3A_252 = arith.constant 0 : i32
        %dma_wait3A_253 = tpu.memref_slice %dma_wait3A_250[%dma_wait3A_251, %dma_wait3A_252] : memref<10000x64xbf16, #tpu.memory_space<hbm>> -> memref<10000x64xbf16, #tpu.memory_space<hbm>>
        tpu.wait_indirect_dma semaphore(%arg12 : memref<!tpu.dma_semaphore, #tpu.memory_space<semaphore_mem>>) src(%dma_wait3A_253 : memref<10000x64xbf16, #tpu.memory_space<hbm>>) dst(%dma_wait3A_245 : memref<128x64xbf16, #tpu.memory_space<vmem>>)
        %mul3A_254 = arith.constant 8 : i32
        %mul3A_255 = arith.muli %add3A_234, %mul3A_254 : i32
        %add3A_256 = arith.constant 1 : i32
        %add3A_257 = arith.addi %mul3A_255, %add3A_256 : i32
        %mul3A_258 = arith.constant 128 : i32
        %mul3A_259 = arith.muli %add3A_257, %mul3A_258 : i32
        %dma_wait3A_260 = arith.constant 1 : i32
        %dma_wait3A_261 = arith.constant 0 : i32
        %dma_wait3A_262 = arith.constant 0 : i32
        %dma_wait3A_263 = tpu.memref_slice %arg9[%dma_wait3A_260, %dma_wait3A_261, %dma_wait3A_262] : memref<8x128x64xbf16, #tpu.memory_space<vmem>> -> memref<1x128x64xbf16, #tpu.memory_space<vmem>>
        %dma_wait3A_264 = tpu.memref_squeeze %dma_wait3A_263 : memref<1x128x64xbf16, #tpu.memory_space<vmem>> -> memref<128x64xbf16, #tpu.memory_space<vmem>>
        %dma_wait3A_265 = tpu.memref_slice %arg7[%mul3A_259] : memref<4096xi32, #tpu.memory_space<vmem>> -> memref<128xi32, #tpu.memory_space<vmem>>
        %dma_wait3A_266 = arith.constant 0 : i32
        %dma_wait3A_267 = arith.constant 0 : i32
        %dma_wait3A_268 = tpu.memref_slice %arg2[%arg0, %dma_wait3A_266, %dma_wait3A_267] : memref<2x10000x64xbf16, #tpu.memory_space<hbm>> -> memref<1x10000x64xbf16, #tpu.memory_space<hbm>>
        %dma_wait3A_269 = tpu.memref_squeeze %dma_wait3A_268 : memref<1x10000x64xbf16, #tpu.memory_space<hbm>> -> memref<10000x64xbf16, #tpu.memory_space<hbm>>
        %dma_wait3A_270 = arith.constant 0 : i32
        %dma_wait3A_271 = arith.constant 0 : i32
        %dma_wait3A_272 = tpu.memref_slice %dma_wait3A_269[%dma_wait3A_270, %dma_wait3A_271] : memref<10000x64xbf16, #tpu.memory_space<hbm>> -> memref<10000x64xbf16, #tpu.memory_space<hbm>>
        tpu.wait_indirect_dma semaphore(%arg12 : memref<!tpu.dma_semaphore, #tpu.memory_space<semaphore_mem>>) src(%dma_wait3A_272 : memref<10000x64xbf16, #tpu.memory_space<hbm>>) dst(%dma_wait3A_264 : memref<128x64xbf16, #tpu.memory_space<vmem>>)
        %mul3A_273 = arith.constant 8 : i32
        %mul3A_274 = arith.muli %add3A_234, %mul3A_273 : i32
        %add3A_275 = arith.constant 2 : i32
        %add3A_276 = arith.addi %mul3A_274, %add3A_275 : i32
        %mul3A_277 = arith.constant 128 : i32
        %mul3A_278 = arith.muli %add3A_276, %mul3A_277 : i32
        %dma_wait3A_279 = arith.constant 2 : i32
        %dma_wait3A_280 = arith.constant 0 : i32
        %dma_wait3A_281 = arith.constant 0 : i32
        %dma_wait3A_282 = tpu.memref_slice %arg9[%dma_wait3A_279, %dma_wait3A_280, %dma_wait3A_281] : memref<8x128x64xbf16, #tpu.memory_space<vmem>> -> memref<1x128x64xbf16, #tpu.memory_space<vmem>>
        %dma_wait3A_283 = tpu.memref_squeeze %dma_wait3A_282 : memref<1x128x64xbf16, #tpu.memory_space<vmem>> -> memref<128x64xbf16, #tpu.memory_space<vmem>>
        %dma_wait3A_284 = tpu.memref_slice %arg7[%mul3A_278] : memref<4096xi32, #tpu.memory_space<vmem>> -> memref<128xi32, #tpu.memory_space<vmem>>
        %dma_wait3A_285 = arith.constant 0 : i32
        %dma_wait3A_286 = arith.constant 0 : i32
        %dma_wait3A_287 = tpu.memref_slice %arg2[%arg0, %dma_wait3A_285, %dma_wait3A_286] : memref<2x10000x64xbf16, #tpu.memory_space<hbm>> -> memref<1x10000x64xbf16, #tpu.memory_space<hbm>>
        %dma_wait3A_288 = tpu.memref_squeeze %dma_wait3A_287 : memref<1x10000x64xbf16, #tpu.memory_space<hbm>> -> memref<10000x64xbf16, #tpu.memory_space<hbm>>
        %dma_wait3A_289 = arith.constant 0 : i32
        %dma_wait3A_290 = arith.constant 0 : i32
        %dma_wait3A_291 = tpu.memref_slice %dma_wait3A_288[%dma_wait3A_289, %dma_wait3A_290] : memref<10000x64xbf16, #tpu.memory_space<hbm>> -> memref<10000x64xbf16, #tpu.memory_space<hbm>>
        tpu.wait_indirect_dma semaphore(%arg12 : memref<!tpu.dma_semaphore, #tpu.memory_space<semaphore_mem>>) src(%dma_wait3A_291 : memref<10000x64xbf16, #tpu.memory_space<hbm>>) dst(%dma_wait3A_283 : memref<128x64xbf16, #tpu.memory_space<vmem>>)
        %mul3A_292 = arith.constant 8 : i32
        %mul3A_293 = arith.muli %add3A_234, %mul3A_292 : i32
        %add3A_294 = arith.constant 3 : i32
        %add3A_295 = arith.addi %mul3A_293, %add3A_294 : i32
        %mul3A_296 = arith.constant 128 : i32
        %mul3A_297 = arith.muli %add3A_295, %mul3A_296 : i32
        %dma_wait3A_298 = arith.constant 3 : i32
        %dma_wait3A_299 = arith.constant 0 : i32
        %dma_wait3A_300 = arith.constant 0 : i32
        %dma_wait3A_301 = tpu.memref_slice %arg9[%dma_wait3A_298, %dma_wait3A_299, %dma_wait3A_300] : memref<8x128x64xbf16, #tpu.memory_space<vmem>> -> memref<1x128x64xbf16, #tpu.memory_space<vmem>>
        %dma_wait3A_302 = tpu.memref_squeeze %dma_wait3A_301 : memref<1x128x64xbf16, #tpu.memory_space<vmem>> -> memref<128x64xbf16, #tpu.memory_space<vmem>>
        %dma_wait3A_303 = tpu.memref_slice %arg7[%mul3A_297] : memref<4096xi32, #tpu.memory_space<vmem>> -> memref<128xi32, #tpu.memory_space<vmem>>
        %dma_wait3A_304 = arith.constant 0 : i32
        %dma_wait3A_305 = arith.constant 0 : i32
        %dma_wait3A_306 = tpu.memref_slice %arg2[%arg0, %dma_wait3A_304, %dma_wait3A_305] : memref<2x10000x64xbf16, #tpu.memory_space<hbm>> -> memref<1x10000x64xbf16, #tpu.memory_space<hbm>>
        %dma_wait3A_307 = tpu.memref_squeeze %dma_wait3A_306 : memref<1x10000x64xbf16, #tpu.memory_space<hbm>> -> memref<10000x64xbf16, #tpu.memory_space<hbm>>
        %dma_wait3A_308 = arith.constant 0 : i32
        %dma_wait3A_309 = arith.constant 0 : i32
        %dma_wait3A_310 = tpu.memref_slice %dma_wait3A_307[%dma_wait3A_308, %dma_wait3A_309] : memref<10000x64xbf16, #tpu.memory_space<hbm>> -> memref<10000x64xbf16, #tpu.memory_space<hbm>>
        tpu.wait_indirect_dma semaphore(%arg12 : memref<!tpu.dma_semaphore, #tpu.memory_space<semaphore_mem>>) src(%dma_wait3A_310 : memref<10000x64xbf16, #tpu.memory_space<hbm>>) dst(%dma_wait3A_302 : memref<128x64xbf16, #tpu.memory_space<vmem>>)
        %mul3A_311 = arith.constant 8 : i32
        %mul3A_312 = arith.muli %add3A_234, %mul3A_311 : i32
        %add3A_313 = arith.constant 4 : i32
        %add3A_314 = arith.addi %mul3A_312, %add3A_313 : i32
        %mul3A_315 = arith.constant 128 : i32
        %mul3A_316 = arith.muli %add3A_314, %mul3A_315 : i32
        %dma_wait3A_317 = arith.constant 4 : i32
        %dma_wait3A_318 = arith.constant 0 : i32
        %dma_wait3A_319 = arith.constant 0 : i32
        %dma_wait3A_320 = tpu.memref_slice %arg9[%dma_wait3A_317, %dma_wait3A_318, %dma_wait3A_319] : memref<8x128x64xbf16, #tpu.memory_space<vmem>> -> memref<1x128x64xbf16, #tpu.memory_space<vmem>>
        %dma_wait3A_321 = tpu.memref_squeeze %dma_wait3A_320 : memref<1x128x64xbf16, #tpu.memory_space<vmem>> -> memref<128x64xbf16, #tpu.memory_space<vmem>>
        %dma_wait3A_322 = tpu.memref_slice %arg7[%mul3A_316] : memref<4096xi32, #tpu.memory_space<vmem>> -> memref<128xi32, #tpu.memory_space<vmem>>
        %dma_wait3A_323 = arith.constant 0 : i32
        %dma_wait3A_324 = arith.constant 0 : i32
        %dma_wait3A_325 = tpu.memref_slice %arg2[%arg0, %dma_wait3A_323, %dma_wait3A_324] : memref<2x10000x64xbf16, #tpu.memory_space<hbm>> -> memref<1x10000x64xbf16, #tpu.memory_space<hbm>>
        %dma_wait3A_326 = tpu.memref_squeeze %dma_wait3A_325 : memref<1x10000x64xbf16, #tpu.memory_space<hbm>> -> memref<10000x64xbf16, #tpu.memory_space<hbm>>
        %dma_wait3A_327 = arith.constant 0 : i32
        %dma_wait3A_328 = arith.constant 0 : i32
        %dma_wait3A_329 = tpu.memref_slice %dma_wait3A_326[%dma_wait3A_327, %dma_wait3A_328] : memref<10000x64xbf16, #tpu.memory_space<hbm>> -> memref<10000x64xbf16, #tpu.memory_space<hbm>>
        tpu.wait_indirect_dma semaphore(%arg12 : memref<!tpu.dma_semaphore, #tpu.memory_space<semaphore_mem>>) src(%dma_wait3A_329 : memref<10000x64xbf16, #tpu.memory_space<hbm>>) dst(%dma_wait3A_321 : memref<128x64xbf16, #tpu.memory_space<vmem>>)
        %mul3A_330 = arith.constant 8 : i32
        %mul3A_331 = arith.muli %add3A_234, %mul3A_330 : i32
        %add3A_332 = arith.constant 5 : i32
        %add3A_333 = arith.addi %mul3A_331, %add3A_332 : i32
        %mul3A_334 = arith.constant 128 : i32
        %mul3A_335 = arith.muli %add3A_333, %mul3A_334 : i32
        %dma_wait3A_336 = arith.constant 5 : i32
        %dma_wait3A_337 = arith.constant 0 : i32
        %dma_wait3A_338 = arith.constant 0 : i32
        %dma_wait3A_339 = tpu.memref_slice %arg9[%dma_wait3A_336, %dma_wait3A_337, %dma_wait3A_338] : memref<8x128x64xbf16, #tpu.memory_space<vmem>> -> memref<1x128x64xbf16, #tpu.memory_space<vmem>>
        %dma_wait3A_340 = tpu.memref_squeeze %dma_wait3A_339 : memref<1x128x64xbf16, #tpu.memory_space<vmem>> -> memref<128x64xbf16, #tpu.memory_space<vmem>>
        %dma_wait3A_341 = tpu.memref_slice %arg7[%mul3A_335] : memref<4096xi32, #tpu.memory_space<vmem>> -> memref<128xi32, #tpu.memory_space<vmem>>
        %dma_wait3A_342 = arith.constant 0 : i32
        %dma_wait3A_343 = arith.constant 0 : i32
        %dma_wait3A_344 = tpu.memref_slice %arg2[%arg0, %dma_wait3A_342, %dma_wait3A_343] : memref<2x10000x64xbf16, #tpu.memory_space<hbm>> -> memref<1x10000x64xbf16, #tpu.memory_space<hbm>>
        %dma_wait3A_345 = tpu.memref_squeeze %dma_wait3A_344 : memref<1x10000x64xbf16, #tpu.memory_space<hbm>> -> memref<10000x64xbf16, #tpu.memory_space<hbm>>
        %dma_wait3A_346 = arith.constant 0 : i32
        %dma_wait3A_347 = arith.constant 0 : i32
        %dma_wait3A_348 = tpu.memref_slice %dma_wait3A_345[%dma_wait3A_346, %dma_wait3A_347] : memref<10000x64xbf16, #tpu.memory_space<hbm>> -> memref<10000x64xbf16, #tpu.memory_space<hbm>>
        tpu.wait_indirect_dma semaphore(%arg12 : memref<!tpu.dma_semaphore, #tpu.memory_space<semaphore_mem>>) src(%dma_wait3A_348 : memref<10000x64xbf16, #tpu.memory_space<hbm>>) dst(%dma_wait3A_340 : memref<128x64xbf16, #tpu.memory_space<vmem>>)
        %mul3A_349 = arith.constant 8 : i32
        %mul3A_350 = arith.muli %add3A_234, %mul3A_349 : i32
        %add3A_351 = arith.constant 6 : i32
        %add3A_352 = arith.addi %mul3A_350, %add3A_351 : i32
        %mul3A_353 = arith.constant 128 : i32
        %mul3A_354 = arith.muli %add3A_352, %mul3A_353 : i32
        %dma_wait3A_355 = arith.constant 6 : i32
        %dma_wait3A_356 = arith.constant 0 : i32
        %dma_wait3A_357 = arith.constant 0 : i32
        %dma_wait3A_358 = tpu.memref_slice %arg9[%dma_wait3A_355, %dma_wait3A_356, %dma_wait3A_357] : memref<8x128x64xbf16, #tpu.memory_space<vmem>> -> memref<1x128x64xbf16, #tpu.memory_space<vmem>>
        %dma_wait3A_359 = tpu.memref_squeeze %dma_wait3A_358 : memref<1x128x64xbf16, #tpu.memory_space<vmem>> -> memref<128x64xbf16, #tpu.memory_space<vmem>>
        %dma_wait3A_360 = tpu.memref_slice %arg7[%mul3A_354] : memref<4096xi32, #tpu.memory_space<vmem>> -> memref<128xi32, #tpu.memory_space<vmem>>
        %dma_wait3A_361 = arith.constant 0 : i32
        %dma_wait3A_362 = arith.constant 0 : i32
        %dma_wait3A_363 = tpu.memref_slice %arg2[%arg0, %dma_wait3A_361, %dma_wait3A_362] : memref<2x10000x64xbf16, #tpu.memory_space<hbm>> -> memref<1x10000x64xbf16, #tpu.memory_space<hbm>>
        %dma_wait3A_364 = tpu.memref_squeeze %dma_wait3A_363 : memref<1x10000x64xbf16, #tpu.memory_space<hbm>> -> memref<10000x64xbf16, #tpu.memory_space<hbm>>
        %dma_wait3A_365 = arith.constant 0 : i32
        %dma_wait3A_366 = arith.constant 0 : i32
        %dma_wait3A_367 = tpu.memref_slice %dma_wait3A_364[%dma_wait3A_365, %dma_wait3A_366] : memref<10000x64xbf16, #tpu.memory_space<hbm>> -> memref<10000x64xbf16, #tpu.memory_space<hbm>>
        tpu.wait_indirect_dma semaphore(%arg12 : memref<!tpu.dma_semaphore, #tpu.memory_space<semaphore_mem>>) src(%dma_wait3A_367 : memref<10000x64xbf16, #tpu.memory_space<hbm>>) dst(%dma_wait3A_359 : memref<128x64xbf16, #tpu.memory_space<vmem>>)
        %mul3A_368 = arith.constant 8 : i32
        %mul3A_369 = arith.muli %add3A_234, %mul3A_368 : i32
        %add3A_370 = arith.constant 7 : i32
        %add3A_371 = arith.addi %mul3A_369, %add3A_370 : i32
        %mul3A_372 = arith.constant 128 : i32
        %mul3A_373 = arith.muli %add3A_371, %mul3A_372 : i32
        %dma_wait3A_374 = arith.constant 7 : i32
        %dma_wait3A_375 = arith.constant 0 : i32
        %dma_wait3A_376 = arith.constant 0 : i32
        %dma_wait3A_377 = tpu.memref_slice %arg9[%dma_wait3A_374, %dma_wait3A_375, %dma_wait3A_376] : memref<8x128x64xbf16, #tpu.memory_space<vmem>> -> memref<1x128x64xbf16, #tpu.memory_space<vmem>>
        %dma_wait3A_378 = tpu.memref_squeeze %dma_wait3A_377 : memref<1x128x64xbf16, #tpu.memory_space<vmem>> -> memref<128x64xbf16, #tpu.memory_space<vmem>>
        %dma_wait3A_379 = tpu.memref_slice %arg7[%mul3A_373] : memref<4096xi32, #tpu.memory_space<vmem>> -> memref<128xi32, #tpu.memory_space<vmem>>
        %dma_wait3A_380 = arith.constant 0 : i32
        %dma_wait3A_381 = arith.constant 0 : i32
        %dma_wait3A_382 = tpu.memref_slice %arg2[%arg0, %dma_wait3A_380, %dma_wait3A_381] : memref<2x10000x64xbf16, #tpu.memory_space<hbm>> -> memref<1x10000x64xbf16, #tpu.memory_space<hbm>>
        %dma_wait3A_383 = tpu.memref_squeeze %dma_wait3A_382 : memref<1x10000x64xbf16, #tpu.memory_space<hbm>> -> memref<10000x64xbf16, #tpu.memory_space<hbm>>
        %dma_wait3A_384 = arith.constant 0 : i32
        %dma_wait3A_385 = arith.constant 0 : i32
        %dma_wait3A_386 = tpu.memref_slice %dma_wait3A_383[%dma_wait3A_384, %dma_wait3A_385] : memref<10000x64xbf16, #tpu.memory_space<hbm>> -> memref<10000x64xbf16, #tpu.memory_space<hbm>>
        tpu.wait_indirect_dma semaphore(%arg12 : memref<!tpu.dma_semaphore, #tpu.memory_space<semaphore_mem>>) src(%dma_wait3A_386 : memref<10000x64xbf16, #tpu.memory_space<hbm>>) dst(%dma_wait3A_378 : memref<128x64xbf16, #tpu.memory_space<vmem>>)
        %ge3A = arith.constant 1 : i32
        %ge3A_387 = arith.cmpi sge, %add3A_234, %ge3A : i32
        %convert_element_type3A = arith.extui %ge3A_387 : i1 to i32
        %cond3A = arith.constant 0 : i32
        %cond3A_388 = arith.cmpi ne, %convert_element_type3A, %cond3A : i32
        scf.if %cond3A_388 {
          %sub3A = arith.constant 1 : i32
          %sub3A_803 = arith.subi %add3A_234, %sub3A : i32
          %mul3A_804 = arith.constant 8 : i32
          %mul3A_805 = arith.muli %sub3A_803, %mul3A_804 : i32
          %add3A_806 = arith.constant 0 : i32
          %add3A_807 = arith.addi %mul3A_805, %add3A_806 : i32
          %dma_wait3A_808 = arith.constant 0 : i32
          %dma_wait3A_809 = arith.constant 0 : i32
          %dma_wait3A_810 = arith.constant 0 : i32
          %dma_wait3A_811 = tpu.memref_slice %arg10[%dma_wait3A_808, %dma_wait3A_809, %dma_wait3A_810] : memref<8x128x64xbf16, #tpu.memory_space<vmem>> -> memref<1x128x64xbf16, #tpu.memory_space<vmem>>
          %dma_wait3A_812 = tpu.memref_squeeze %dma_wait3A_811 : memref<1x128x64xbf16, #tpu.memory_space<vmem>> -> memref<128x64xbf16, #tpu.memory_space<vmem>>
          %dma_wait3A_813 = arith.constant 0 : i32
          %dma_wait3A_814 = tpu.memref_slice %arg8[%add3A_807, %dma_wait3A_813] : memref<32x128xi32, #tpu.memory_space<vmem>> -> memref<1x128xi32, #tpu.memory_space<vmem>>
          %dma_wait3A_815 = tpu.memref_squeeze %dma_wait3A_814 : memref<1x128xi32, #tpu.memory_space<vmem>> -> memref<128xi32, #tpu.memory_space<vmem>>
          %dma_wait3A_816 = arith.constant 0 : i32
          %dma_wait3A_817 = arith.constant 0 : i32
          %dma_wait3A_818 = tpu.memref_slice %arg11[%dma_wait3A_816, %dma_wait3A_817] : memref<10240x64xbf16, #tpu.memory_space<vmem_shared>> -> memref<10240x64xbf16, #tpu.memory_space<vmem_shared>>
          tpu.wait_indirect_dma semaphore(%arg15 : memref<!tpu.dma_semaphore, #tpu.memory_space<semaphore_mem>>) src(%dma_wait3A_812 : memref<128x64xbf16, #tpu.memory_space<vmem>>) dst(%dma_wait3A_818 : memref<10240x64xbf16, #tpu.memory_space<vmem_shared>>)
          %sub3A_819 = arith.constant 1 : i32
          %sub3A_820 = arith.subi %add3A_234, %sub3A_819 : i32
          %mul3A_821 = arith.constant 8 : i32
          %mul3A_822 = arith.muli %sub3A_820, %mul3A_821 : i32
          %add3A_823 = arith.constant 1 : i32
          %add3A_824 = arith.addi %mul3A_822, %add3A_823 : i32
          %dma_wait3A_825 = arith.constant 1 : i32
          %dma_wait3A_826 = arith.constant 0 : i32
          %dma_wait3A_827 = arith.constant 0 : i32
          %dma_wait3A_828 = tpu.memref_slice %arg10[%dma_wait3A_825, %dma_wait3A_826, %dma_wait3A_827] : memref<8x128x64xbf16, #tpu.memory_space<vmem>> -> memref<1x128x64xbf16, #tpu.memory_space<vmem>>
          %dma_wait3A_829 = tpu.memref_squeeze %dma_wait3A_828 : memref<1x128x64xbf16, #tpu.memory_space<vmem>> -> memref<128x64xbf16, #tpu.memory_space<vmem>>
          %dma_wait3A_830 = arith.constant 0 : i32
          %dma_wait3A_831 = tpu.memref_slice %arg8[%add3A_824, %dma_wait3A_830] : memref<32x128xi32, #tpu.memory_space<vmem>> -> memref<1x128xi32, #tpu.memory_space<vmem>>
          %dma_wait3A_832 = tpu.memref_squeeze %dma_wait3A_831 : memref<1x128xi32, #tpu.memory_space<vmem>> -> memref<128xi32, #tpu.memory_space<vmem>>
          %dma_wait3A_833 = arith.constant 0 : i32
          %dma_wait3A_834 = arith.constant 0 : i32
          %dma_wait3A_835 = tpu.memref_slice %arg11[%dma_wait3A_833, %dma_wait3A_834] : memref<10240x64xbf16, #tpu.memory_space<vmem_shared>> -> memref<10240x64xbf16, #tpu.memory_space<vmem_shared>>
          tpu.wait_indirect_dma semaphore(%arg15 : memref<!tpu.dma_semaphore, #tpu.memory_space<semaphore_mem>>) src(%dma_wait3A_829 : memref<128x64xbf16, #tpu.memory_space<vmem>>) dst(%dma_wait3A_835 : memref<10240x64xbf16, #tpu.memory_space<vmem_shared>>)
          %sub3A_836 = arith.constant 1 : i32
          %sub3A_837 = arith.subi %add3A_234, %sub3A_836 : i32
          %mul3A_838 = arith.constant 8 : i32
          %mul3A_839 = arith.muli %sub3A_837, %mul3A_838 : i32
          %add3A_840 = arith.constant 2 : i32
          %add3A_841 = arith.addi %mul3A_839, %add3A_840 : i32
          %dma_wait3A_842 = arith.constant 2 : i32
          %dma_wait3A_843 = arith.constant 0 : i32
          %dma_wait3A_844 = arith.constant 0 : i32
          %dma_wait3A_845 = tpu.memref_slice %arg10[%dma_wait3A_842, %dma_wait3A_843, %dma_wait3A_844] : memref<8x128x64xbf16, #tpu.memory_space<vmem>> -> memref<1x128x64xbf16, #tpu.memory_space<vmem>>
          %dma_wait3A_846 = tpu.memref_squeeze %dma_wait3A_845 : memref<1x128x64xbf16, #tpu.memory_space<vmem>> -> memref<128x64xbf16, #tpu.memory_space<vmem>>
          %dma_wait3A_847 = arith.constant 0 : i32
          %dma_wait3A_848 = tpu.memref_slice %arg8[%add3A_841, %dma_wait3A_847] : memref<32x128xi32, #tpu.memory_space<vmem>> -> memref<1x128xi32, #tpu.memory_space<vmem>>
          %dma_wait3A_849 = tpu.memref_squeeze %dma_wait3A_848 : memref<1x128xi32, #tpu.memory_space<vmem>> -> memref<128xi32, #tpu.memory_space<vmem>>
          %dma_wait3A_850 = arith.constant 0 : i32
          %dma_wait3A_851 = arith.constant 0 : i32
          %dma_wait3A_852 = tpu.memref_slice %arg11[%dma_wait3A_850, %dma_wait3A_851] : memref<10240x64xbf16, #tpu.memory_space<vmem_shared>> -> memref<10240x64xbf16, #tpu.memory_space<vmem_shared>>
          tpu.wait_indirect_dma semaphore(%arg15 : memref<!tpu.dma_semaphore, #tpu.memory_space<semaphore_mem>>) src(%dma_wait3A_846 : memref<128x64xbf16, #tpu.memory_space<vmem>>) dst(%dma_wait3A_852 : memref<10240x64xbf16, #tpu.memory_space<vmem_shared>>)
          %sub3A_853 = arith.constant 1 : i32
          %sub3A_854 = arith.subi %add3A_234, %sub3A_853 : i32
          %mul3A_855 = arith.constant 8 : i32
          %mul3A_856 = arith.muli %sub3A_854, %mul3A_855 : i32
          %add3A_857 = arith.constant 3 : i32
          %add3A_858 = arith.addi %mul3A_856, %add3A_857 : i32
          %dma_wait3A_859 = arith.constant 3 : i32
          %dma_wait3A_860 = arith.constant 0 : i32
          %dma_wait3A_861 = arith.constant 0 : i32
          %dma_wait3A_862 = tpu.memref_slice %arg10[%dma_wait3A_859, %dma_wait3A_860, %dma_wait3A_861] : memref<8x128x64xbf16, #tpu.memory_space<vmem>> -> memref<1x128x64xbf16, #tpu.memory_space<vmem>>
          %dma_wait3A_863 = tpu.memref_squeeze %dma_wait3A_862 : memref<1x128x64xbf16, #tpu.memory_space<vmem>> -> memref<128x64xbf16, #tpu.memory_space<vmem>>
          %dma_wait3A_864 = arith.constant 0 : i32
          %dma_wait3A_865 = tpu.memref_slice %arg8[%add3A_858, %dma_wait3A_864] : memref<32x128xi32, #tpu.memory_space<vmem>> -> memref<1x128xi32, #tpu.memory_space<vmem>>
          %dma_wait3A_866 = tpu.memref_squeeze %dma_wait3A_865 : memref<1x128xi32, #tpu.memory_space<vmem>> -> memref<128xi32, #tpu.memory_space<vmem>>
          %dma_wait3A_867 = arith.constant 0 : i32
          %dma_wait3A_868 = arith.constant 0 : i32
          %dma_wait3A_869 = tpu.memref_slice %arg11[%dma_wait3A_867, %dma_wait3A_868] : memref<10240x64xbf16, #tpu.memory_space<vmem_shared>> -> memref<10240x64xbf16, #tpu.memory_space<vmem_shared>>
          tpu.wait_indirect_dma semaphore(%arg15 : memref<!tpu.dma_semaphore, #tpu.memory_space<semaphore_mem>>) src(%dma_wait3A_863 : memref<128x64xbf16, #tpu.memory_space<vmem>>) dst(%dma_wait3A_869 : memref<10240x64xbf16, #tpu.memory_space<vmem_shared>>)
          %sub3A_870 = arith.constant 1 : i32
          %sub3A_871 = arith.subi %add3A_234, %sub3A_870 : i32
          %mul3A_872 = arith.constant 8 : i32
          %mul3A_873 = arith.muli %sub3A_871, %mul3A_872 : i32
          %add3A_874 = arith.constant 4 : i32
          %add3A_875 = arith.addi %mul3A_873, %add3A_874 : i32
          %dma_wait3A_876 = arith.constant 4 : i32
          %dma_wait3A_877 = arith.constant 0 : i32
          %dma_wait3A_878 = arith.constant 0 : i32
          %dma_wait3A_879 = tpu.memref_slice %arg10[%dma_wait3A_876, %dma_wait3A_877, %dma_wait3A_878] : memref<8x128x64xbf16, #tpu.memory_space<vmem>> -> memref<1x128x64xbf16, #tpu.memory_space<vmem>>
          %dma_wait3A_880 = tpu.memref_squeeze %dma_wait3A_879 : memref<1x128x64xbf16, #tpu.memory_space<vmem>> -> memref<128x64xbf16, #tpu.memory_space<vmem>>
          %dma_wait3A_881 = arith.constant 0 : i32
          %dma_wait3A_882 = tpu.memref_slice %arg8[%add3A_875, %dma_wait3A_881] : memref<32x128xi32, #tpu.memory_space<vmem>> -> memref<1x128xi32, #tpu.memory_space<vmem>>
          %dma_wait3A_883 = tpu.memref_squeeze %dma_wait3A_882 : memref<1x128xi32, #tpu.memory_space<vmem>> -> memref<128xi32, #tpu.memory_space<vmem>>
          %dma_wait3A_884 = arith.constant 0 : i32
          %dma_wait3A_885 = arith.constant 0 : i32
          %dma_wait3A_886 = tpu.memref_slice %arg11[%dma_wait3A_884, %dma_wait3A_885] : memref<10240x64xbf16, #tpu.memory_space<vmem_shared>> -> memref<10240x64xbf16, #tpu.memory_space<vmem_shared>>
          tpu.wait_indirect_dma semaphore(%arg15 : memref<!tpu.dma_semaphore, #tpu.memory_space<semaphore_mem>>) src(%dma_wait3A_880 : memref<128x64xbf16, #tpu.memory_space<vmem>>) dst(%dma_wait3A_886 : memref<10240x64xbf16, #tpu.memory_space<vmem_shared>>)
          %sub3A_887 = arith.constant 1 : i32
          %sub3A_888 = arith.subi %add3A_234, %sub3A_887 : i32
          %mul3A_889 = arith.constant 8 : i32
          %mul3A_890 = arith.muli %sub3A_888, %mul3A_889 : i32
          %add3A_891 = arith.constant 5 : i32
          %add3A_892 = arith.addi %mul3A_890, %add3A_891 : i32
          %dma_wait3A_893 = arith.constant 5 : i32
          %dma_wait3A_894 = arith.constant 0 : i32
          %dma_wait3A_895 = arith.constant 0 : i32
          %dma_wait3A_896 = tpu.memref_slice %arg10[%dma_wait3A_893, %dma_wait3A_894, %dma_wait3A_895] : memref<8x128x64xbf16, #tpu.memory_space<vmem>> -> memref<1x128x64xbf16, #tpu.memory_space<vmem>>
          %dma_wait3A_897 = tpu.memref_squeeze %dma_wait3A_896 : memref<1x128x64xbf16, #tpu.memory_space<vmem>> -> memref<128x64xbf16, #tpu.memory_space<vmem>>
          %dma_wait3A_898 = arith.constant 0 : i32
          %dma_wait3A_899 = tpu.memref_slice %arg8[%add3A_892, %dma_wait3A_898] : memref<32x128xi32, #tpu.memory_space<vmem>> -> memref<1x128xi32, #tpu.memory_space<vmem>>
          %dma_wait3A_900 = tpu.memref_squeeze %dma_wait3A_899 : memref<1x128xi32, #tpu.memory_space<vmem>> -> memref<128xi32, #tpu.memory_space<vmem>>
          %dma_wait3A_901 = arith.constant 0 : i32
          %dma_wait3A_902 = arith.constant 0 : i32
          %dma_wait3A_903 = tpu.memref_slice %arg11[%dma_wait3A_901, %dma_wait3A_902] : memref<10240x64xbf16, #tpu.memory_space<vmem_shared>> -> memref<10240x64xbf16, #tpu.memory_space<vmem_shared>>
          tpu.wait_indirect_dma semaphore(%arg15 : memref<!tpu.dma_semaphore, #tpu.memory_space<semaphore_mem>>) src(%dma_wait3A_897 : memref<128x64xbf16, #tpu.memory_space<vmem>>) dst(%dma_wait3A_903 : memref<10240x64xbf16, #tpu.memory_space<vmem_shared>>)
          %sub3A_904 = arith.constant 1 : i32
          %sub3A_905 = arith.subi %add3A_234, %sub3A_904 : i32
          %mul3A_906 = arith.constant 8 : i32
          %mul3A_907 = arith.muli %sub3A_905, %mul3A_906 : i32
          %add3A_908 = arith.constant 6 : i32
          %add3A_909 = arith.addi %mul3A_907, %add3A_908 : i32
          %dma_wait3A_910 = arith.constant 6 : i32
          %dma_wait3A_911 = arith.constant 0 : i32
          %dma_wait3A_912 = arith.constant 0 : i32
          %dma_wait3A_913 = tpu.memref_slice %arg10[%dma_wait3A_910, %dma_wait3A_911, %dma_wait3A_912] : memref<8x128x64xbf16, #tpu.memory_space<vmem>> -> memref<1x128x64xbf16, #tpu.memory_space<vmem>>
          %dma_wait3A_914 = tpu.memref_squeeze %dma_wait3A_913 : memref<1x128x64xbf16, #tpu.memory_space<vmem>> -> memref<128x64xbf16, #tpu.memory_space<vmem>>
          %dma_wait3A_915 = arith.constant 0 : i32
          %dma_wait3A_916 = tpu.memref_slice %arg8[%add3A_909, %dma_wait3A_915] : memref<32x128xi32, #tpu.memory_space<vmem>> -> memref<1x128xi32, #tpu.memory_space<vmem>>
          %dma_wait3A_917 = tpu.memref_squeeze %dma_wait3A_916 : memref<1x128xi32, #tpu.memory_space<vmem>> -> memref<128xi32, #tpu.memory_space<vmem>>
          %dma_wait3A_918 = arith.constant 0 : i32
          %dma_wait3A_919 = arith.constant 0 : i32
          %dma_wait3A_920 = tpu.memref_slice %arg11[%dma_wait3A_918, %dma_wait3A_919] : memref<10240x64xbf16, #tpu.memory_space<vmem_shared>> -> memref<10240x64xbf16, #tpu.memory_space<vmem_shared>>
          tpu.wait_indirect_dma semaphore(%arg15 : memref<!tpu.dma_semaphore, #tpu.memory_space<semaphore_mem>>) src(%dma_wait3A_914 : memref<128x64xbf16, #tpu.memory_space<vmem>>) dst(%dma_wait3A_920 : memref<10240x64xbf16, #tpu.memory_space<vmem_shared>>)
          %sub3A_921 = arith.constant 1 : i32
          %sub3A_922 = arith.subi %add3A_234, %sub3A_921 : i32
          %mul3A_923 = arith.constant 8 : i32
          %mul3A_924 = arith.muli %sub3A_922, %mul3A_923 : i32
          %add3A_925 = arith.constant 7 : i32
          %add3A_926 = arith.addi %mul3A_924, %add3A_925 : i32
          %dma_wait3A_927 = arith.constant 7 : i32
          %dma_wait3A_928 = arith.constant 0 : i32
          %dma_wait3A_929 = arith.constant 0 : i32
          %dma_wait3A_930 = tpu.memref_slice %arg10[%dma_wait3A_927, %dma_wait3A_928, %dma_wait3A_929] : memref<8x128x64xbf16, #tpu.memory_space<vmem>> -> memref<1x128x64xbf16, #tpu.memory_space<vmem>>
          %dma_wait3A_931 = tpu.memref_squeeze %dma_wait3A_930 : memref<1x128x64xbf16, #tpu.memory_space<vmem>> -> memref<128x64xbf16, #tpu.memory_space<vmem>>
          %dma_wait3A_932 = arith.constant 0 : i32
          %dma_wait3A_933 = tpu.memref_slice %arg8[%add3A_926, %dma_wait3A_932] : memref<32x128xi32, #tpu.memory_space<vmem>> -> memref<1x128xi32, #tpu.memory_space<vmem>>
          %dma_wait3A_934 = tpu.memref_squeeze %dma_wait3A_933 : memref<1x128xi32, #tpu.memory_space<vmem>> -> memref<128xi32, #tpu.memory_space<vmem>>
          %dma_wait3A_935 = arith.constant 0 : i32
          %dma_wait3A_936 = arith.constant 0 : i32
          %dma_wait3A_937 = tpu.memref_slice %arg11[%dma_wait3A_935, %dma_wait3A_936] : memref<10240x64xbf16, #tpu.memory_space<vmem_shared>> -> memref<10240x64xbf16, #tpu.memory_space<vmem_shared>>
          tpu.wait_indirect_dma semaphore(%arg15 : memref<!tpu.dma_semaphore, #tpu.memory_space<semaphore_mem>>) src(%dma_wait3A_931 : memref<128x64xbf16, #tpu.memory_space<vmem>>) dst(%dma_wait3A_937 : memref<10240x64xbf16, #tpu.memory_space<vmem_shared>>)
        } else {
        }
        %add3A_389 = arith.constant 1 : i32
        %add3A_390 = arith.addi %add3A_234, %add3A_389 : i32
        %lt3A = arith.constant 4 : i32
        %lt3A_391 = arith.cmpi slt, %add3A_390, %lt3A : i32
        %convert_element_type3A_392 = arith.extui %lt3A_391 : i1 to i32
        %cond3A_393 = arith.constant 0 : i32
        %cond3A_394 = arith.cmpi ne, %convert_element_type3A_392, %cond3A_393 : i32
        scf.if %cond3A_394 {
          %add3A_803 = arith.constant 1 : i32
          %add3A_804 = arith.addi %add3A_234, %add3A_803 : i32
          %mul3A_805 = arith.constant 8 : i32
          %mul3A_806 = arith.muli %add3A_804, %mul3A_805 : i32
          %add3A_807 = arith.constant 0 : i32
          %add3A_808 = arith.addi %mul3A_806, %add3A_807 : i32
          %mul3A_809 = arith.constant 128 : i32
          %mul3A_810 = arith.muli %add3A_808, %mul3A_809 : i32
          %dma_start3A_811 = arith.constant 0 : i32
          %dma_start3A_812 = arith.constant 0 : i32
          %dma_start3A_813 = arith.constant 0 : i32
          %dma_start3A_814 = tpu.memref_slice %arg10[%dma_start3A_811, %dma_start3A_812, %dma_start3A_813] : memref<8x128x64xbf16, #tpu.memory_space<vmem>> -> memref<1x128x64xbf16, #tpu.memory_space<vmem>>
          %dma_start3A_815 = tpu.memref_squeeze %dma_start3A_814 : memref<1x128x64xbf16, #tpu.memory_space<vmem>> -> memref<128x64xbf16, #tpu.memory_space<vmem>>
          %dma_start3A_816 = tpu.memref_slice %arg7[%mul3A_810] : memref<4096xi32, #tpu.memory_space<vmem>> -> memref<128xi32, #tpu.memory_space<vmem>>
          %dma_start3A_817 = arith.constant 0 : i32
          %dma_start3A_818 = arith.constant 0 : i32
          %dma_start3A_819 = tpu.memref_slice %arg2[%arg0, %dma_start3A_817, %dma_start3A_818] : memref<2x10000x64xbf16, #tpu.memory_space<hbm>> -> memref<1x10000x64xbf16, #tpu.memory_space<hbm>>
          %dma_start3A_820 = tpu.memref_squeeze %dma_start3A_819 : memref<1x10000x64xbf16, #tpu.memory_space<hbm>> -> memref<10000x64xbf16, #tpu.memory_space<hbm>>
          %dma_start3A_821 = arith.constant 0 : i32
          %dma_start3A_822 = arith.constant 0 : i32
          %dma_start3A_823 = tpu.memref_slice %dma_start3A_820[%dma_start3A_821, %dma_start3A_822] : memref<10000x64xbf16, #tpu.memory_space<hbm>> -> memref<10000x64xbf16, #tpu.memory_space<hbm>>
          tpu.enqueue_indirect_dma source(%dma_start3A_823 : memref<10000x64xbf16, #tpu.memory_space<hbm>>) target(%dma_start3A_815 : memref<128x64xbf16, #tpu.memory_space<vmem>>) offsets(%dma_start3A_816 : memref<128xi32, #tpu.memory_space<vmem>>) semaphore(%arg13 : memref<!tpu.dma_semaphore, #tpu.memory_space<semaphore_mem>>)
          %add3A_824 = arith.constant 1 : i32
          %add3A_825 = arith.addi %add3A_234, %add3A_824 : i32
          %mul3A_826 = arith.constant 8 : i32
          %mul3A_827 = arith.muli %add3A_825, %mul3A_826 : i32
          %add3A_828 = arith.constant 1 : i32
          %add3A_829 = arith.addi %mul3A_827, %add3A_828 : i32
          %mul3A_830 = arith.constant 128 : i32
          %mul3A_831 = arith.muli %add3A_829, %mul3A_830 : i32
          %dma_start3A_832 = arith.constant 1 : i32
          %dma_start3A_833 = arith.constant 0 : i32
          %dma_start3A_834 = arith.constant 0 : i32
          %dma_start3A_835 = tpu.memref_slice %arg10[%dma_start3A_832, %dma_start3A_833, %dma_start3A_834] : memref<8x128x64xbf16, #tpu.memory_space<vmem>> -> memref<1x128x64xbf16, #tpu.memory_space<vmem>>
          %dma_start3A_836 = tpu.memref_squeeze %dma_start3A_835 : memref<1x128x64xbf16, #tpu.memory_space<vmem>> -> memref<128x64xbf16, #tpu.memory_space<vmem>>
          %dma_start3A_837 = tpu.memref_slice %arg7[%mul3A_831] : memref<4096xi32, #tpu.memory_space<vmem>> -> memref<128xi32, #tpu.memory_space<vmem>>
          %dma_start3A_838 = arith.constant 0 : i32
          %dma_start3A_839 = arith.constant 0 : i32
          %dma_start3A_840 = tpu.memref_slice %arg2[%arg0, %dma_start3A_838, %dma_start3A_839] : memref<2x10000x64xbf16, #tpu.memory_space<hbm>> -> memref<1x10000x64xbf16, #tpu.memory_space<hbm>>
          %dma_start3A_841 = tpu.memref_squeeze %dma_start3A_840 : memref<1x10000x64xbf16, #tpu.memory_space<hbm>> -> memref<10000x64xbf16, #tpu.memory_space<hbm>>
          %dma_start3A_842 = arith.constant 0 : i32
          %dma_start3A_843 = arith.constant 0 : i32
          %dma_start3A_844 = tpu.memref_slice %dma_start3A_841[%dma_start3A_842, %dma_start3A_843] : memref<10000x64xbf16, #tpu.memory_space<hbm>> -> memref<10000x64xbf16, #tpu.memory_space<hbm>>
          tpu.enqueue_indirect_dma source(%dma_start3A_844 : memref<10000x64xbf16, #tpu.memory_space<hbm>>) target(%dma_start3A_836 : memref<128x64xbf16, #tpu.memory_space<vmem>>) offsets(%dma_start3A_837 : memref<128xi32, #tpu.memory_space<vmem>>) semaphore(%arg13 : memref<!tpu.dma_semaphore, #tpu.memory_space<semaphore_mem>>)
          %add3A_845 = arith.constant 1 : i32
          %add3A_846 = arith.addi %add3A_234, %add3A_845 : i32
          %mul3A_847 = arith.constant 8 : i32
          %mul3A_848 = arith.muli %add3A_846, %mul3A_847 : i32
          %add3A_849 = arith.constant 2 : i32
          %add3A_850 = arith.addi %mul3A_848, %add3A_849 : i32
          %mul3A_851 = arith.constant 128 : i32
          %mul3A_852 = arith.muli %add3A_850, %mul3A_851 : i32
          %dma_start3A_853 = arith.constant 2 : i32
          %dma_start3A_854 = arith.constant 0 : i32
          %dma_start3A_855 = arith.constant 0 : i32
          %dma_start3A_856 = tpu.memref_slice %arg10[%dma_start3A_853, %dma_start3A_854, %dma_start3A_855] : memref<8x128x64xbf16, #tpu.memory_space<vmem>> -> memref<1x128x64xbf16, #tpu.memory_space<vmem>>
          %dma_start3A_857 = tpu.memref_squeeze %dma_start3A_856 : memref<1x128x64xbf16, #tpu.memory_space<vmem>> -> memref<128x64xbf16, #tpu.memory_space<vmem>>
          %dma_start3A_858 = tpu.memref_slice %arg7[%mul3A_852] : memref<4096xi32, #tpu.memory_space<vmem>> -> memref<128xi32, #tpu.memory_space<vmem>>
          %dma_start3A_859 = arith.constant 0 : i32
          %dma_start3A_860 = arith.constant 0 : i32
          %dma_start3A_861 = tpu.memref_slice %arg2[%arg0, %dma_start3A_859, %dma_start3A_860] : memref<2x10000x64xbf16, #tpu.memory_space<hbm>> -> memref<1x10000x64xbf16, #tpu.memory_space<hbm>>
          %dma_start3A_862 = tpu.memref_squeeze %dma_start3A_861 : memref<1x10000x64xbf16, #tpu.memory_space<hbm>> -> memref<10000x64xbf16, #tpu.memory_space<hbm>>
          %dma_start3A_863 = arith.constant 0 : i32
          %dma_start3A_864 = arith.constant 0 : i32
          %dma_start3A_865 = tpu.memref_slice %dma_start3A_862[%dma_start3A_863, %dma_start3A_864] : memref<10000x64xbf16, #tpu.memory_space<hbm>> -> memref<10000x64xbf16, #tpu.memory_space<hbm>>
          tpu.enqueue_indirect_dma source(%dma_start3A_865 : memref<10000x64xbf16, #tpu.memory_space<hbm>>) target(%dma_start3A_857 : memref<128x64xbf16, #tpu.memory_space<vmem>>) offsets(%dma_start3A_858 : memref<128xi32, #tpu.memory_space<vmem>>) semaphore(%arg13 : memref<!tpu.dma_semaphore, #tpu.memory_space<semaphore_mem>>)
          %add3A_866 = arith.constant 1 : i32
          %add3A_867 = arith.addi %add3A_234, %add3A_866 : i32
          %mul3A_868 = arith.constant 8 : i32
          %mul3A_869 = arith.muli %add3A_867, %mul3A_868 : i32
          %add3A_870 = arith.constant 3 : i32
          %add3A_871 = arith.addi %mul3A_869, %add3A_870 : i32
          %mul3A_872 = arith.constant 128 : i32
          %mul3A_873 = arith.muli %add3A_871, %mul3A_872 : i32
          %dma_start3A_874 = arith.constant 3 : i32
          %dma_start3A_875 = arith.constant 0 : i32
          %dma_start3A_876 = arith.constant 0 : i32
          %dma_start3A_877 = tpu.memref_slice %arg10[%dma_start3A_874, %dma_start3A_875, %dma_start3A_876] : memref<8x128x64xbf16, #tpu.memory_space<vmem>> -> memref<1x128x64xbf16, #tpu.memory_space<vmem>>
          %dma_start3A_878 = tpu.memref_squeeze %dma_start3A_877 : memref<1x128x64xbf16, #tpu.memory_space<vmem>> -> memref<128x64xbf16, #tpu.memory_space<vmem>>
          %dma_start3A_879 = tpu.memref_slice %arg7[%mul3A_873] : memref<4096xi32, #tpu.memory_space<vmem>> -> memref<128xi32, #tpu.memory_space<vmem>>
          %dma_start3A_880 = arith.constant 0 : i32
          %dma_start3A_881 = arith.constant 0 : i32
          %dma_start3A_882 = tpu.memref_slice %arg2[%arg0, %dma_start3A_880, %dma_start3A_881] : memref<2x10000x64xbf16, #tpu.memory_space<hbm>> -> memref<1x10000x64xbf16, #tpu.memory_space<hbm>>
          %dma_start3A_883 = tpu.memref_squeeze %dma_start3A_882 : memref<1x10000x64xbf16, #tpu.memory_space<hbm>> -> memref<10000x64xbf16, #tpu.memory_space<hbm>>
          %dma_start3A_884 = arith.constant 0 : i32
          %dma_start3A_885 = arith.constant 0 : i32
          %dma_start3A_886 = tpu.memref_slice %dma_start3A_883[%dma_start3A_884, %dma_start3A_885] : memref<10000x64xbf16, #tpu.memory_space<hbm>> -> memref<10000x64xbf16, #tpu.memory_space<hbm>>
          tpu.enqueue_indirect_dma source(%dma_start3A_886 : memref<10000x64xbf16, #tpu.memory_space<hbm>>) target(%dma_start3A_878 : memref<128x64xbf16, #tpu.memory_space<vmem>>) offsets(%dma_start3A_879 : memref<128xi32, #tpu.memory_space<vmem>>) semaphore(%arg13 : memref<!tpu.dma_semaphore, #tpu.memory_space<semaphore_mem>>)
          %add3A_887 = arith.constant 1 : i32
          %add3A_888 = arith.addi %add3A_234, %add3A_887 : i32
          %mul3A_889 = arith.constant 8 : i32
          %mul3A_890 = arith.muli %add3A_888, %mul3A_889 : i32
          %add3A_891 = arith.constant 4 : i32
          %add3A_892 = arith.addi %mul3A_890, %add3A_891 : i32
          %mul3A_893 = arith.constant 128 : i32
          %mul3A_894 = arith.muli %add3A_892, %mul3A_893 : i32
          %dma_start3A_895 = arith.constant 4 : i32
          %dma_start3A_896 = arith.constant 0 : i32
          %dma_start3A_897 = arith.constant 0 : i32
          %dma_start3A_898 = tpu.memref_slice %arg10[%dma_start3A_895, %dma_start3A_896, %dma_start3A_897] : memref<8x128x64xbf16, #tpu.memory_space<vmem>> -> memref<1x128x64xbf16, #tpu.memory_space<vmem>>
          %dma_start3A_899 = tpu.memref_squeeze %dma_start3A_898 : memref<1x128x64xbf16, #tpu.memory_space<vmem>> -> memref<128x64xbf16, #tpu.memory_space<vmem>>
          %dma_start3A_900 = tpu.memref_slice %arg7[%mul3A_894] : memref<4096xi32, #tpu.memory_space<vmem>> -> memref<128xi32, #tpu.memory_space<vmem>>
          %dma_start3A_901 = arith.constant 0 : i32
          %dma_start3A_902 = arith.constant 0 : i32
          %dma_start3A_903 = tpu.memref_slice %arg2[%arg0, %dma_start3A_901, %dma_start3A_902] : memref<2x10000x64xbf16, #tpu.memory_space<hbm>> -> memref<1x10000x64xbf16, #tpu.memory_space<hbm>>
          %dma_start3A_904 = tpu.memref_squeeze %dma_start3A_903 : memref<1x10000x64xbf16, #tpu.memory_space<hbm>> -> memref<10000x64xbf16, #tpu.memory_space<hbm>>
          %dma_start3A_905 = arith.constant 0 : i32
          %dma_start3A_906 = arith.constant 0 : i32
          %dma_start3A_907 = tpu.memref_slice %dma_start3A_904[%dma_start3A_905, %dma_start3A_906] : memref<10000x64xbf16, #tpu.memory_space<hbm>> -> memref<10000x64xbf16, #tpu.memory_space<hbm>>
          tpu.enqueue_indirect_dma source(%dma_start3A_907 : memref<10000x64xbf16, #tpu.memory_space<hbm>>) target(%dma_start3A_899 : memref<128x64xbf16, #tpu.memory_space<vmem>>) offsets(%dma_start3A_900 : memref<128xi32, #tpu.memory_space<vmem>>) semaphore(%arg13 : memref<!tpu.dma_semaphore, #tpu.memory_space<semaphore_mem>>)
          %add3A_908 = arith.constant 1 : i32
          %add3A_909 = arith.addi %add3A_234, %add3A_908 : i32
          %mul3A_910 = arith.constant 8 : i32
          %mul3A_911 = arith.muli %add3A_909, %mul3A_910 : i32
          %add3A_912 = arith.constant 5 : i32
          %add3A_913 = arith.addi %mul3A_911, %add3A_912 : i32
          %mul3A_914 = arith.constant 128 : i32
          %mul3A_915 = arith.muli %add3A_913, %mul3A_914 : i32
          %dma_start3A_916 = arith.constant 5 : i32
          %dma_start3A_917 = arith.constant 0 : i32
          %dma_start3A_918 = arith.constant 0 : i32
          %dma_start3A_919 = tpu.memref_slice %arg10[%dma_start3A_916, %dma_start3A_917, %dma_start3A_918] : memref<8x128x64xbf16, #tpu.memory_space<vmem>> -> memref<1x128x64xbf16, #tpu.memory_space<vmem>>
          %dma_start3A_920 = tpu.memref_squeeze %dma_start3A_919 : memref<1x128x64xbf16, #tpu.memory_space<vmem>> -> memref<128x64xbf16, #tpu.memory_space<vmem>>
          %dma_start3A_921 = tpu.memref_slice %arg7[%mul3A_915] : memref<4096xi32, #tpu.memory_space<vmem>> -> memref<128xi32, #tpu.memory_space<vmem>>
          %dma_start3A_922 = arith.constant 0 : i32
          %dma_start3A_923 = arith.constant 0 : i32
          %dma_start3A_924 = tpu.memref_slice %arg2[%arg0, %dma_start3A_922, %dma_start3A_923] : memref<2x10000x64xbf16, #tpu.memory_space<hbm>> -> memref<1x10000x64xbf16, #tpu.memory_space<hbm>>
          %dma_start3A_925 = tpu.memref_squeeze %dma_start3A_924 : memref<1x10000x64xbf16, #tpu.memory_space<hbm>> -> memref<10000x64xbf16, #tpu.memory_space<hbm>>
          %dma_start3A_926 = arith.constant 0 : i32
          %dma_start3A_927 = arith.constant 0 : i32
          %dma_start3A_928 = tpu.memref_slice %dma_start3A_925[%dma_start3A_926, %dma_start3A_927] : memref<10000x64xbf16, #tpu.memory_space<hbm>> -> memref<10000x64xbf16, #tpu.memory_space<hbm>>
          tpu.enqueue_indirect_dma source(%dma_start3A_928 : memref<10000x64xbf16, #tpu.memory_space<hbm>>) target(%dma_start3A_920 : memref<128x64xbf16, #tpu.memory_space<vmem>>) offsets(%dma_start3A_921 : memref<128xi32, #tpu.memory_space<vmem>>) semaphore(%arg13 : memref<!tpu.dma_semaphore, #tpu.memory_space<semaphore_mem>>)
          %add3A_929 = arith.constant 1 : i32
          %add3A_930 = arith.addi %add3A_234, %add3A_929 : i32
          %mul3A_931 = arith.constant 8 : i32
          %mul3A_932 = arith.muli %add3A_930, %mul3A_931 : i32
          %add3A_933 = arith.constant 6 : i32
          %add3A_934 = arith.addi %mul3A_932, %add3A_933 : i32
          %mul3A_935 = arith.constant 128 : i32
          %mul3A_936 = arith.muli %add3A_934, %mul3A_935 : i32
          %dma_start3A_937 = arith.constant 6 : i32
          %dma_start3A_938 = arith.constant 0 : i32
          %dma_start3A_939 = arith.constant 0 : i32
          %dma_start3A_940 = tpu.memref_slice %arg10[%dma_start3A_937, %dma_start3A_938, %dma_start3A_939] : memref<8x128x64xbf16, #tpu.memory_space<vmem>> -> memref<1x128x64xbf16, #tpu.memory_space<vmem>>
          %dma_start3A_941 = tpu.memref_squeeze %dma_start3A_940 : memref<1x128x64xbf16, #tpu.memory_space<vmem>> -> memref<128x64xbf16, #tpu.memory_space<vmem>>
          %dma_start3A_942 = tpu.memref_slice %arg7[%mul3A_936] : memref<4096xi32, #tpu.memory_space<vmem>> -> memref<128xi32, #tpu.memory_space<vmem>>
          %dma_start3A_943 = arith.constant 0 : i32
          %dma_start3A_944 = arith.constant 0 : i32
          %dma_start3A_945 = tpu.memref_slice %arg2[%arg0, %dma_start3A_943, %dma_start3A_944] : memref<2x10000x64xbf16, #tpu.memory_space<hbm>> -> memref<1x10000x64xbf16, #tpu.memory_space<hbm>>
          %dma_start3A_946 = tpu.memref_squeeze %dma_start3A_945 : memref<1x10000x64xbf16, #tpu.memory_space<hbm>> -> memref<10000x64xbf16, #tpu.memory_space<hbm>>
          %dma_start3A_947 = arith.constant 0 : i32
          %dma_start3A_948 = arith.constant 0 : i32
          %dma_start3A_949 = tpu.memref_slice %dma_start3A_946[%dma_start3A_947, %dma_start3A_948] : memref<10000x64xbf16, #tpu.memory_space<hbm>> -> memref<10000x64xbf16, #tpu.memory_space<hbm>>
          tpu.enqueue_indirect_dma source(%dma_start3A_949 : memref<10000x64xbf16, #tpu.memory_space<hbm>>) target(%dma_start3A_941 : memref<128x64xbf16, #tpu.memory_space<vmem>>) offsets(%dma_start3A_942 : memref<128xi32, #tpu.memory_space<vmem>>) semaphore(%arg13 : memref<!tpu.dma_semaphore, #tpu.memory_space<semaphore_mem>>)
          %add3A_950 = arith.constant 1 : i32
          %add3A_951 = arith.addi %add3A_234, %add3A_950 : i32
          %mul3A_952 = arith.constant 8 : i32
          %mul3A_953 = arith.muli %add3A_951, %mul3A_952 : i32
          %add3A_954 = arith.constant 7 : i32
          %add3A_955 = arith.addi %mul3A_953, %add3A_954 : i32
          %mul3A_956 = arith.constant 128 : i32
          %mul3A_957 = arith.muli %add3A_955, %mul3A_956 : i32
          %dma_start3A_958 = arith.constant 7 : i32
          %dma_start3A_959 = arith.constant 0 : i32
          %dma_start3A_960 = arith.constant 0 : i32
          %dma_start3A_961 = tpu.memref_slice %arg10[%dma_start3A_958, %dma_start3A_959, %dma_start3A_960] : memref<8x128x64xbf16, #tpu.memory_space<vmem>> -> memref<1x128x64xbf16, #tpu.memory_space<vmem>>
          %dma_start3A_962 = tpu.memref_squeeze %dma_start3A_961 : memref<1x128x64xbf16, #tpu.memory_space<vmem>> -> memref<128x64xbf16, #tpu.memory_space<vmem>>
          %dma_start3A_963 = tpu.memref_slice %arg7[%mul3A_957] : memref<4096xi32, #tpu.memory_space<vmem>> -> memref<128xi32, #tpu.memory_space<vmem>>
          %dma_start3A_964 = arith.constant 0 : i32
          %dma_start3A_965 = arith.constant 0 : i32
          %dma_start3A_966 = tpu.memref_slice %arg2[%arg0, %dma_start3A_964, %dma_start3A_965] : memref<2x10000x64xbf16, #tpu.memory_space<hbm>> -> memref<1x10000x64xbf16, #tpu.memory_space<hbm>>
          %dma_start3A_967 = tpu.memref_squeeze %dma_start3A_966 : memref<1x10000x64xbf16, #tpu.memory_space<hbm>> -> memref<10000x64xbf16, #tpu.memory_space<hbm>>
          %dma_start3A_968 = arith.constant 0 : i32
          %dma_start3A_969 = arith.constant 0 : i32
          %dma_start3A_970 = tpu.memref_slice %dma_start3A_967[%dma_start3A_968, %dma_start3A_969] : memref<10000x64xbf16, #tpu.memory_space<hbm>> -> memref<10000x64xbf16, #tpu.memory_space<hbm>>
          tpu.enqueue_indirect_dma source(%dma_start3A_970 : memref<10000x64xbf16, #tpu.memory_space<hbm>>) target(%dma_start3A_962 : memref<128x64xbf16, #tpu.memory_space<vmem>>) offsets(%dma_start3A_963 : memref<128xi32, #tpu.memory_space<vmem>>) semaphore(%arg13 : memref<!tpu.dma_semaphore, #tpu.memory_space<semaphore_mem>>)
        } else {
        }
        %mul3A_395 = arith.constant 8 : i32
        %mul3A_396 = arith.muli %add3A_234, %mul3A_395 : i32
        %add3A_397 = arith.constant 0 : i32
        %add3A_398 = arith.addi %mul3A_396, %add3A_397 : i32
        %dma_start3A_399 = arith.constant 0 : i32
        %dma_start3A_400 = arith.constant 0 : i32
        %dma_start3A_401 = arith.constant 0 : i32
        %dma_start3A_402 = tpu.memref_slice %arg9[%dma_start3A_399, %dma_start3A_400, %dma_start3A_401] : memref<8x128x64xbf16, #tpu.memory_space<vmem>> -> memref<1x128x64xbf16, #tpu.memory_space<vmem>>
        %dma_start3A_403 = tpu.memref_squeeze %dma_start3A_402 : memref<1x128x64xbf16, #tpu.memory_space<vmem>> -> memref<128x64xbf16, #tpu.memory_space<vmem>>
        %dma_start3A_404 = arith.constant 0 : i32
        %dma_start3A_405 = tpu.memref_slice %arg8[%add3A_398, %dma_start3A_404] : memref<32x128xi32, #tpu.memory_space<vmem>> -> memref<1x128xi32, #tpu.memory_space<vmem>>
        %dma_start3A_406 = tpu.memref_squeeze %dma_start3A_405 : memref<1x128xi32, #tpu.memory_space<vmem>> -> memref<128xi32, #tpu.memory_space<vmem>>
        %dma_start3A_407 = arith.constant 0 : i32
        %dma_start3A_408 = arith.constant 0 : i32
        %dma_start3A_409 = tpu.memref_slice %arg11[%dma_start3A_407, %dma_start3A_408] : memref<10240x64xbf16, #tpu.memory_space<vmem_shared>> -> memref<10240x64xbf16, #tpu.memory_space<vmem_shared>>
        tpu.enqueue_indirect_dma source(%dma_start3A_403 : memref<128x64xbf16, #tpu.memory_space<vmem>>) target(%dma_start3A_409 : memref<10240x64xbf16, #tpu.memory_space<vmem_shared>>) offsets(%dma_start3A_406 : memref<128xi32, #tpu.memory_space<vmem>>) semaphore(%arg14 : memref<!tpu.dma_semaphore, #tpu.memory_space<semaphore_mem>>) {add = true}
        %mul3A_410 = arith.constant 8 : i32
        %mul3A_411 = arith.muli %add3A_234, %mul3A_410 : i32
        %add3A_412 = arith.constant 1 : i32
        %add3A_413 = arith.addi %mul3A_411, %add3A_412 : i32
        %dma_start3A_414 = arith.constant 1 : i32
        %dma_start3A_415 = arith.constant 0 : i32
        %dma_start3A_416 = arith.constant 0 : i32
        %dma_start3A_417 = tpu.memref_slice %arg9[%dma_start3A_414, %dma_start3A_415, %dma_start3A_416] : memref<8x128x64xbf16, #tpu.memory_space<vmem>> -> memref<1x128x64xbf16, #tpu.memory_space<vmem>>
        %dma_start3A_418 = tpu.memref_squeeze %dma_start3A_417 : memref<1x128x64xbf16, #tpu.memory_space<vmem>> -> memref<128x64xbf16, #tpu.memory_space<vmem>>
        %dma_start3A_419 = arith.constant 0 : i32
        %dma_start3A_420 = tpu.memref_slice %arg8[%add3A_413, %dma_start3A_419] : memref<32x128xi32, #tpu.memory_space<vmem>> -> memref<1x128xi32, #tpu.memory_space<vmem>>
        %dma_start3A_421 = tpu.memref_squeeze %dma_start3A_420 : memref<1x128xi32, #tpu.memory_space<vmem>> -> memref<128xi32, #tpu.memory_space<vmem>>
        %dma_start3A_422 = arith.constant 0 : i32
        %dma_start3A_423 = arith.constant 0 : i32
        %dma_start3A_424 = tpu.memref_slice %arg11[%dma_start3A_422, %dma_start3A_423] : memref<10240x64xbf16, #tpu.memory_space<vmem_shared>> -> memref<10240x64xbf16, #tpu.memory_space<vmem_shared>>
        tpu.enqueue_indirect_dma source(%dma_start3A_418 : memref<128x64xbf16, #tpu.memory_space<vmem>>) target(%dma_start3A_424 : memref<10240x64xbf16, #tpu.memory_space<vmem_shared>>) offsets(%dma_start3A_421 : memref<128xi32, #tpu.memory_space<vmem>>) semaphore(%arg14 : memref<!tpu.dma_semaphore, #tpu.memory_space<semaphore_mem>>) {add = true}
        %mul3A_425 = arith.constant 8 : i32
        %mul3A_426 = arith.muli %add3A_234, %mul3A_425 : i32
        %add3A_427 = arith.constant 2 : i32
        %add3A_428 = arith.addi %mul3A_426, %add3A_427 : i32
        %dma_start3A_429 = arith.constant 2 : i32
        %dma_start3A_430 = arith.constant 0 : i32
        %dma_start3A_431 = arith.constant 0 : i32
        %dma_start3A_432 = tpu.memref_slice %arg9[%dma_start3A_429, %dma_start3A_430, %dma_start3A_431] : memref<8x128x64xbf16, #tpu.memory_space<vmem>> -> memref<1x128x64xbf16, #tpu.memory_space<vmem>>
        %dma_start3A_433 = tpu.memref_squeeze %dma_start3A_432 : memref<1x128x64xbf16, #tpu.memory_space<vmem>> -> memref<128x64xbf16, #tpu.memory_space<vmem>>
        %dma_start3A_434 = arith.constant 0 : i32
        %dma_start3A_435 = tpu.memref_slice %arg8[%add3A_428, %dma_start3A_434] : memref<32x128xi32, #tpu.memory_space<vmem>> -> memref<1x128xi32, #tpu.memory_space<vmem>>
        %dma_start3A_436 = tpu.memref_squeeze %dma_start3A_435 : memref<1x128xi32, #tpu.memory_space<vmem>> -> memref<128xi32, #tpu.memory_space<vmem>>
        %dma_start3A_437 = arith.constant 0 : i32
        %dma_start3A_438 = arith.constant 0 : i32
        %dma_start3A_439 = tpu.memref_slice %arg11[%dma_start3A_437, %dma_start3A_438] : memref<10240x64xbf16, #tpu.memory_space<vmem_shared>> -> memref<10240x64xbf16, #tpu.memory_space<vmem_shared>>
        tpu.enqueue_indirect_dma source(%dma_start3A_433 : memref<128x64xbf16, #tpu.memory_space<vmem>>) target(%dma_start3A_439 : memref<10240x64xbf16, #tpu.memory_space<vmem_shared>>) offsets(%dma_start3A_436 : memref<128xi32, #tpu.memory_space<vmem>>) semaphore(%arg14 : memref<!tpu.dma_semaphore, #tpu.memory_space<semaphore_mem>>) {add = true}
        %mul3A_440 = arith.constant 8 : i32
        %mul3A_441 = arith.muli %add3A_234, %mul3A_440 : i32
        %add3A_442 = arith.constant 3 : i32
        %add3A_443 = arith.addi %mul3A_441, %add3A_442 : i32
        %dma_start3A_444 = arith.constant 3 : i32
        %dma_start3A_445 = arith.constant 0 : i32
        %dma_start3A_446 = arith.constant 0 : i32
        %dma_start3A_447 = tpu.memref_slice %arg9[%dma_start3A_444, %dma_start3A_445, %dma_start3A_446] : memref<8x128x64xbf16, #tpu.memory_space<vmem>> -> memref<1x128x64xbf16, #tpu.memory_space<vmem>>
        %dma_start3A_448 = tpu.memref_squeeze %dma_start3A_447 : memref<1x128x64xbf16, #tpu.memory_space<vmem>> -> memref<128x64xbf16, #tpu.memory_space<vmem>>
        %dma_start3A_449 = arith.constant 0 : i32
        %dma_start3A_450 = tpu.memref_slice %arg8[%add3A_443, %dma_start3A_449] : memref<32x128xi32, #tpu.memory_space<vmem>> -> memref<1x128xi32, #tpu.memory_space<vmem>>
        %dma_start3A_451 = tpu.memref_squeeze %dma_start3A_450 : memref<1x128xi32, #tpu.memory_space<vmem>> -> memref<128xi32, #tpu.memory_space<vmem>>
        %dma_start3A_452 = arith.constant 0 : i32
        %dma_start3A_453 = arith.constant 0 : i32
        %dma_start3A_454 = tpu.memref_slice %arg11[%dma_start3A_452, %dma_start3A_453] : memref<10240x64xbf16, #tpu.memory_space<vmem_shared>> -> memref<10240x64xbf16, #tpu.memory_space<vmem_shared>>
        tpu.enqueue_indirect_dma source(%dma_start3A_448 : memref<128x64xbf16, #tpu.memory_space<vmem>>) target(%dma_start3A_454 : memref<10240x64xbf16, #tpu.memory_space<vmem_shared>>) offsets(%dma_start3A_451 : memref<128xi32, #tpu.memory_space<vmem>>) semaphore(%arg14 : memref<!tpu.dma_semaphore, #tpu.memory_space<semaphore_mem>>) {add = true}
        %mul3A_455 = arith.constant 8 : i32
        %mul3A_456 = arith.muli %add3A_234, %mul3A_455 : i32
        %add3A_457 = arith.constant 4 : i32
        %add3A_458 = arith.addi %mul3A_456, %add3A_457 : i32
        %dma_start3A_459 = arith.constant 4 : i32
        %dma_start3A_460 = arith.constant 0 : i32
        %dma_start3A_461 = arith.constant 0 : i32
        %dma_start3A_462 = tpu.memref_slice %arg9[%dma_start3A_459, %dma_start3A_460, %dma_start3A_461] : memref<8x128x64xbf16, #tpu.memory_space<vmem>> -> memref<1x128x64xbf16, #tpu.memory_space<vmem>>
        %dma_start3A_463 = tpu.memref_squeeze %dma_start3A_462 : memref<1x128x64xbf16, #tpu.memory_space<vmem>> -> memref<128x64xbf16, #tpu.memory_space<vmem>>
        %dma_start3A_464 = arith.constant 0 : i32
        %dma_start3A_465 = tpu.memref_slice %arg8[%add3A_458, %dma_start3A_464] : memref<32x128xi32, #tpu.memory_space<vmem>> -> memref<1x128xi32, #tpu.memory_space<vmem>>
        %dma_start3A_466 = tpu.memref_squeeze %dma_start3A_465 : memref<1x128xi32, #tpu.memory_space<vmem>> -> memref<128xi32, #tpu.memory_space<vmem>>
        %dma_start3A_467 = arith.constant 0 : i32
        %dma_start3A_468 = arith.constant 0 : i32
        %dma_start3A_469 = tpu.memref_slice %arg11[%dma_start3A_467, %dma_start3A_468] : memref<10240x64xbf16, #tpu.memory_space<vmem_shared>> -> memref<10240x64xbf16, #tpu.memory_space<vmem_shared>>
        tpu.enqueue_indirect_dma source(%dma_start3A_463 : memref<128x64xbf16, #tpu.memory_space<vmem>>) target(%dma_start3A_469 : memref<10240x64xbf16, #tpu.memory_space<vmem_shared>>) offsets(%dma_start3A_466 : memref<128xi32, #tpu.memory_space<vmem>>) semaphore(%arg14 : memref<!tpu.dma_semaphore, #tpu.memory_space<semaphore_mem>>) {add = true}
        %mul3A_470 = arith.constant 8 : i32
        %mul3A_471 = arith.muli %add3A_234, %mul3A_470 : i32
        %add3A_472 = arith.constant 5 : i32
        %add3A_473 = arith.addi %mul3A_471, %add3A_472 : i32
        %dma_start3A_474 = arith.constant 5 : i32
        %dma_start3A_475 = arith.constant 0 : i32
        %dma_start3A_476 = arith.constant 0 : i32
        %dma_start3A_477 = tpu.memref_slice %arg9[%dma_start3A_474, %dma_start3A_475, %dma_start3A_476] : memref<8x128x64xbf16, #tpu.memory_space<vmem>> -> memref<1x128x64xbf16, #tpu.memory_space<vmem>>
        %dma_start3A_478 = tpu.memref_squeeze %dma_start3A_477 : memref<1x128x64xbf16, #tpu.memory_space<vmem>> -> memref<128x64xbf16, #tpu.memory_space<vmem>>
        %dma_start3A_479 = arith.constant 0 : i32
        %dma_start3A_480 = tpu.memref_slice %arg8[%add3A_473, %dma_start3A_479] : memref<32x128xi32, #tpu.memory_space<vmem>> -> memref<1x128xi32, #tpu.memory_space<vmem>>
        %dma_start3A_481 = tpu.memref_squeeze %dma_start3A_480 : memref<1x128xi32, #tpu.memory_space<vmem>> -> memref<128xi32, #tpu.memory_space<vmem>>
        %dma_start3A_482 = arith.constant 0 : i32
        %dma_start3A_483 = arith.constant 0 : i32
        %dma_start3A_484 = tpu.memref_slice %arg11[%dma_start3A_482, %dma_start3A_483] : memref<10240x64xbf16, #tpu.memory_space<vmem_shared>> -> memref<10240x64xbf16, #tpu.memory_space<vmem_shared>>
        tpu.enqueue_indirect_dma source(%dma_start3A_478 : memref<128x64xbf16, #tpu.memory_space<vmem>>) target(%dma_start3A_484 : memref<10240x64xbf16, #tpu.memory_space<vmem_shared>>) offsets(%dma_start3A_481 : memref<128xi32, #tpu.memory_space<vmem>>) semaphore(%arg14 : memref<!tpu.dma_semaphore, #tpu.memory_space<semaphore_mem>>) {add = true}
        %mul3A_485 = arith.constant 8 : i32
        %mul3A_486 = arith.muli %add3A_234, %mul3A_485 : i32
        %add3A_487 = arith.constant 6 : i32
        %add3A_488 = arith.addi %mul3A_486, %add3A_487 : i32
        %dma_start3A_489 = arith.constant 6 : i32
        %dma_start3A_490 = arith.constant 0 : i32
        %dma_start3A_491 = arith.constant 0 : i32
        %dma_start3A_492 = tpu.memref_slice %arg9[%dma_start3A_489, %dma_start3A_490, %dma_start3A_491] : memref<8x128x64xbf16, #tpu.memory_space<vmem>> -> memref<1x128x64xbf16, #tpu.memory_space<vmem>>
        %dma_start3A_493 = tpu.memref_squeeze %dma_start3A_492 : memref<1x128x64xbf16, #tpu.memory_space<vmem>> -> memref<128x64xbf16, #tpu.memory_space<vmem>>
        %dma_start3A_494 = arith.constant 0 : i32
        %dma_start3A_495 = tpu.memref_slice %arg8[%add3A_488, %dma_start3A_494] : memref<32x128xi32, #tpu.memory_space<vmem>> -> memref<1x128xi32, #tpu.memory_space<vmem>>
        %dma_start3A_496 = tpu.memref_squeeze %dma_start3A_495 : memref<1x128xi32, #tpu.memory_space<vmem>> -> memref<128xi32, #tpu.memory_space<vmem>>
        %dma_start3A_497 = arith.constant 0 : i32
        %dma_start3A_498 = arith.constant 0 : i32
        %dma_start3A_499 = tpu.memref_slice %arg11[%dma_start3A_497, %dma_start3A_498] : memref<10240x64xbf16, #tpu.memory_space<vmem_shared>> -> memref<10240x64xbf16, #tpu.memory_space<vmem_shared>>
        tpu.enqueue_indirect_dma source(%dma_start3A_493 : memref<128x64xbf16, #tpu.memory_space<vmem>>) target(%dma_start3A_499 : memref<10240x64xbf16, #tpu.memory_space<vmem_shared>>) offsets(%dma_start3A_496 : memref<128xi32, #tpu.memory_space<vmem>>) semaphore(%arg14 : memref<!tpu.dma_semaphore, #tpu.memory_space<semaphore_mem>>) {add = true}
        %mul3A_500 = arith.constant 8 : i32
        %mul3A_501 = arith.muli %add3A_234, %mul3A_500 : i32
        %add3A_502 = arith.constant 7 : i32
        %add3A_503 = arith.addi %mul3A_501, %add3A_502 : i32
        %dma_start3A_504 = arith.constant 7 : i32
        %dma_start3A_505 = arith.constant 0 : i32
        %dma_start3A_506 = arith.constant 0 : i32
        %dma_start3A_507 = tpu.memref_slice %arg9[%dma_start3A_504, %dma_start3A_505, %dma_start3A_506] : memref<8x128x64xbf16, #tpu.memory_space<vmem>> -> memref<1x128x64xbf16, #tpu.memory_space<vmem>>
        %dma_start3A_508 = tpu.memref_squeeze %dma_start3A_507 : memref<1x128x64xbf16, #tpu.memory_space<vmem>> -> memref<128x64xbf16, #tpu.memory_space<vmem>>
        %dma_start3A_509 = arith.constant 0 : i32
        %dma_start3A_510 = tpu.memref_slice %arg8[%add3A_503, %dma_start3A_509] : memref<32x128xi32, #tpu.memory_space<vmem>> -> memref<1x128xi32, #tpu.memory_space<vmem>>
        %dma_start3A_511 = tpu.memref_squeeze %dma_start3A_510 : memref<1x128xi32, #tpu.memory_space<vmem>> -> memref<128xi32, #tpu.memory_space<vmem>>
        %dma_start3A_512 = arith.constant 0 : i32
        %dma_start3A_513 = arith.constant 0 : i32
        %dma_start3A_514 = tpu.memref_slice %arg11[%dma_start3A_512, %dma_start3A_513] : memref<10240x64xbf16, #tpu.memory_space<vmem_shared>> -> memref<10240x64xbf16, #tpu.memory_space<vmem_shared>>
        tpu.enqueue_indirect_dma source(%dma_start3A_508 : memref<128x64xbf16, #tpu.memory_space<vmem>>) target(%dma_start3A_514 : memref<10240x64xbf16, #tpu.memory_space<vmem_shared>>) offsets(%dma_start3A_511 : memref<128xi32, #tpu.memory_space<vmem>>) semaphore(%arg14 : memref<!tpu.dma_semaphore, #tpu.memory_space<semaphore_mem>>) {add = true}
        %mul3A_515 = arith.constant 2 : i32
        %mul3A_516 = arith.muli %mul3A_515, %scan3A_230 : i32
        %add3A_517 = arith.constant 1 : i32
        %add3A_518 = arith.addi %mul3A_516, %add3A_517 : i32
        %mul3A_519 = arith.constant 8 : i32
        %mul3A_520 = arith.muli %add3A_518, %mul3A_519 : i32
        %add3A_521 = arith.constant 0 : i32
        %add3A_522 = arith.addi %mul3A_520, %add3A_521 : i32
        %mul3A_523 = arith.constant 128 : i32
        %mul3A_524 = arith.muli %add3A_522, %mul3A_523 : i32
        %dma_wait3A_525 = arith.constant 0 : i32
        %dma_wait3A_526 = arith.constant 0 : i32
        %dma_wait3A_527 = arith.constant 0 : i32
        %dma_wait3A_528 = tpu.memref_slice %arg10[%dma_wait3A_525, %dma_wait3A_526, %dma_wait3A_527] : memref<8x128x64xbf16, #tpu.memory_space<vmem>> -> memref<1x128x64xbf16, #tpu.memory_space<vmem>>
        %dma_wait3A_529 = tpu.memref_squeeze %dma_wait3A_528 : memref<1x128x64xbf16, #tpu.memory_space<vmem>> -> memref<128x64xbf16, #tpu.memory_space<vmem>>
        %dma_wait3A_530 = tpu.memref_slice %arg7[%mul3A_524] : memref<4096xi32, #tpu.memory_space<vmem>> -> memref<128xi32, #tpu.memory_space<vmem>>
        %dma_wait3A_531 = arith.constant 0 : i32
        %dma_wait3A_532 = arith.constant 0 : i32
        %dma_wait3A_533 = tpu.memref_slice %arg2[%arg0, %dma_wait3A_531, %dma_wait3A_532] : memref<2x10000x64xbf16, #tpu.memory_space<hbm>> -> memref<1x10000x64xbf16, #tpu.memory_space<hbm>>
        %dma_wait3A_534 = tpu.memref_squeeze %dma_wait3A_533 : memref<1x10000x64xbf16, #tpu.memory_space<hbm>> -> memref<10000x64xbf16, #tpu.memory_space<hbm>>
        %dma_wait3A_535 = arith.constant 0 : i32
        %dma_wait3A_536 = arith.constant 0 : i32
        %dma_wait3A_537 = tpu.memref_slice %dma_wait3A_534[%dma_wait3A_535, %dma_wait3A_536] : memref<10000x64xbf16, #tpu.memory_space<hbm>> -> memref<10000x64xbf16, #tpu.memory_space<hbm>>
        tpu.wait_indirect_dma semaphore(%arg13 : memref<!tpu.dma_semaphore, #tpu.memory_space<semaphore_mem>>) src(%dma_wait3A_537 : memref<10000x64xbf16, #tpu.memory_space<hbm>>) dst(%dma_wait3A_529 : memref<128x64xbf16, #tpu.memory_space<vmem>>)
        %mul3A_538 = arith.constant 8 : i32
        %mul3A_539 = arith.muli %add3A_518, %mul3A_538 : i32
        %add3A_540 = arith.constant 1 : i32
        %add3A_541 = arith.addi %mul3A_539, %add3A_540 : i32
        %mul3A_542 = arith.constant 128 : i32
        %mul3A_543 = arith.muli %add3A_541, %mul3A_542 : i32
        %dma_wait3A_544 = arith.constant 1 : i32
        %dma_wait3A_545 = arith.constant 0 : i32
        %dma_wait3A_546 = arith.constant 0 : i32
        %dma_wait3A_547 = tpu.memref_slice %arg10[%dma_wait3A_544, %dma_wait3A_545, %dma_wait3A_546] : memref<8x128x64xbf16, #tpu.memory_space<vmem>> -> memref<1x128x64xbf16, #tpu.memory_space<vmem>>
        %dma_wait3A_548 = tpu.memref_squeeze %dma_wait3A_547 : memref<1x128x64xbf16, #tpu.memory_space<vmem>> -> memref<128x64xbf16, #tpu.memory_space<vmem>>
        %dma_wait3A_549 = tpu.memref_slice %arg7[%mul3A_543] : memref<4096xi32, #tpu.memory_space<vmem>> -> memref<128xi32, #tpu.memory_space<vmem>>
        %dma_wait3A_550 = arith.constant 0 : i32
        %dma_wait3A_551 = arith.constant 0 : i32
        %dma_wait3A_552 = tpu.memref_slice %arg2[%arg0, %dma_wait3A_550, %dma_wait3A_551] : memref<2x10000x64xbf16, #tpu.memory_space<hbm>> -> memref<1x10000x64xbf16, #tpu.memory_space<hbm>>
        %dma_wait3A_553 = tpu.memref_squeeze %dma_wait3A_552 : memref<1x10000x64xbf16, #tpu.memory_space<hbm>> -> memref<10000x64xbf16, #tpu.memory_space<hbm>>
        %dma_wait3A_554 = arith.constant 0 : i32
        %dma_wait3A_555 = arith.constant 0 : i32
        %dma_wait3A_556 = tpu.memref_slice %dma_wait3A_553[%dma_wait3A_554, %dma_wait3A_555] : memref<10000x64xbf16, #tpu.memory_space<hbm>> -> memref<10000x64xbf16, #tpu.memory_space<hbm>>
        tpu.wait_indirect_dma semaphore(%arg13 : memref<!tpu.dma_semaphore, #tpu.memory_space<semaphore_mem>>) src(%dma_wait3A_556 : memref<10000x64xbf16, #tpu.memory_space<hbm>>) dst(%dma_wait3A_548 : memref<128x64xbf16, #tpu.memory_space<vmem>>)
        %mul3A_557 = arith.constant 8 : i32
        %mul3A_558 = arith.muli %add3A_518, %mul3A_557 : i32
        %add3A_559 = arith.constant 2 : i32
        %add3A_560 = arith.addi %mul3A_558, %add3A_559 : i32
        %mul3A_561 = arith.constant 128 : i32
        %mul3A_562 = arith.muli %add3A_560, %mul3A_561 : i32
        %dma_wait3A_563 = arith.constant 2 : i32
        %dma_wait3A_564 = arith.constant 0 : i32
        %dma_wait3A_565 = arith.constant 0 : i32
        %dma_wait3A_566 = tpu.memref_slice %arg10[%dma_wait3A_563, %dma_wait3A_564, %dma_wait3A_565] : memref<8x128x64xbf16, #tpu.memory_space<vmem>> -> memref<1x128x64xbf16, #tpu.memory_space<vmem>>
        %dma_wait3A_567 = tpu.memref_squeeze %dma_wait3A_566 : memref<1x128x64xbf16, #tpu.memory_space<vmem>> -> memref<128x64xbf16, #tpu.memory_space<vmem>>
        %dma_wait3A_568 = tpu.memref_slice %arg7[%mul3A_562] : memref<4096xi32, #tpu.memory_space<vmem>> -> memref<128xi32, #tpu.memory_space<vmem>>
        %dma_wait3A_569 = arith.constant 0 : i32
        %dma_wait3A_570 = arith.constant 0 : i32
        %dma_wait3A_571 = tpu.memref_slice %arg2[%arg0, %dma_wait3A_569, %dma_wait3A_570] : memref<2x10000x64xbf16, #tpu.memory_space<hbm>> -> memref<1x10000x64xbf16, #tpu.memory_space<hbm>>
        %dma_wait3A_572 = tpu.memref_squeeze %dma_wait3A_571 : memref<1x10000x64xbf16, #tpu.memory_space<hbm>> -> memref<10000x64xbf16, #tpu.memory_space<hbm>>
        %dma_wait3A_573 = arith.constant 0 : i32
        %dma_wait3A_574 = arith.constant 0 : i32
        %dma_wait3A_575 = tpu.memref_slice %dma_wait3A_572[%dma_wait3A_573, %dma_wait3A_574] : memref<10000x64xbf16, #tpu.memory_space<hbm>> -> memref<10000x64xbf16, #tpu.memory_space<hbm>>
        tpu.wait_indirect_dma semaphore(%arg13 : memref<!tpu.dma_semaphore, #tpu.memory_space<semaphore_mem>>) src(%dma_wait3A_575 : memref<10000x64xbf16, #tpu.memory_space<hbm>>) dst(%dma_wait3A_567 : memref<128x64xbf16, #tpu.memory_space<vmem>>)
        %mul3A_576 = arith.constant 8 : i32
        %mul3A_577 = arith.muli %add3A_518, %mul3A_576 : i32
        %add3A_578 = arith.constant 3 : i32
        %add3A_579 = arith.addi %mul3A_577, %add3A_578 : i32
        %mul3A_580 = arith.constant 128 : i32
        %mul3A_581 = arith.muli %add3A_579, %mul3A_580 : i32
        %dma_wait3A_582 = arith.constant 3 : i32
        %dma_wait3A_583 = arith.constant 0 : i32
        %dma_wait3A_584 = arith.constant 0 : i32
        %dma_wait3A_585 = tpu.memref_slice %arg10[%dma_wait3A_582, %dma_wait3A_583, %dma_wait3A_584] : memref<8x128x64xbf16, #tpu.memory_space<vmem>> -> memref<1x128x64xbf16, #tpu.memory_space<vmem>>
        %dma_wait3A_586 = tpu.memref_squeeze %dma_wait3A_585 : memref<1x128x64xbf16, #tpu.memory_space<vmem>> -> memref<128x64xbf16, #tpu.memory_space<vmem>>
        %dma_wait3A_587 = tpu.memref_slice %arg7[%mul3A_581] : memref<4096xi32, #tpu.memory_space<vmem>> -> memref<128xi32, #tpu.memory_space<vmem>>
        %dma_wait3A_588 = arith.constant 0 : i32
        %dma_wait3A_589 = arith.constant 0 : i32
        %dma_wait3A_590 = tpu.memref_slice %arg2[%arg0, %dma_wait3A_588, %dma_wait3A_589] : memref<2x10000x64xbf16, #tpu.memory_space<hbm>> -> memref<1x10000x64xbf16, #tpu.memory_space<hbm>>
        %dma_wait3A_591 = tpu.memref_squeeze %dma_wait3A_590 : memref<1x10000x64xbf16, #tpu.memory_space<hbm>> -> memref<10000x64xbf16, #tpu.memory_space<hbm>>
        %dma_wait3A_592 = arith.constant 0 : i32
        %dma_wait3A_593 = arith.constant 0 : i32
        %dma_wait3A_594 = tpu.memref_slice %dma_wait3A_591[%dma_wait3A_592, %dma_wait3A_593] : memref<10000x64xbf16, #tpu.memory_space<hbm>> -> memref<10000x64xbf16, #tpu.memory_space<hbm>>
        tpu.wait_indirect_dma semaphore(%arg13 : memref<!tpu.dma_semaphore, #tpu.memory_space<semaphore_mem>>) src(%dma_wait3A_594 : memref<10000x64xbf16, #tpu.memory_space<hbm>>) dst(%dma_wait3A_586 : memref<128x64xbf16, #tpu.memory_space<vmem>>)
        %mul3A_595 = arith.constant 8 : i32
        %mul3A_596 = arith.muli %add3A_518, %mul3A_595 : i32
        %add3A_597 = arith.constant 4 : i32
        %add3A_598 = arith.addi %mul3A_596, %add3A_597 : i32
        %mul3A_599 = arith.constant 128 : i32
        %mul3A_600 = arith.muli %add3A_598, %mul3A_599 : i32
        %dma_wait3A_601 = arith.constant 4 : i32
        %dma_wait3A_602 = arith.constant 0 : i32
        %dma_wait3A_603 = arith.constant 0 : i32
        %dma_wait3A_604 = tpu.memref_slice %arg10[%dma_wait3A_601, %dma_wait3A_602, %dma_wait3A_603] : memref<8x128x64xbf16, #tpu.memory_space<vmem>> -> memref<1x128x64xbf16, #tpu.memory_space<vmem>>
        %dma_wait3A_605 = tpu.memref_squeeze %dma_wait3A_604 : memref<1x128x64xbf16, #tpu.memory_space<vmem>> -> memref<128x64xbf16, #tpu.memory_space<vmem>>
        %dma_wait3A_606 = tpu.memref_slice %arg7[%mul3A_600] : memref<4096xi32, #tpu.memory_space<vmem>> -> memref<128xi32, #tpu.memory_space<vmem>>
        %dma_wait3A_607 = arith.constant 0 : i32
        %dma_wait3A_608 = arith.constant 0 : i32
        %dma_wait3A_609 = tpu.memref_slice %arg2[%arg0, %dma_wait3A_607, %dma_wait3A_608] : memref<2x10000x64xbf16, #tpu.memory_space<hbm>> -> memref<1x10000x64xbf16, #tpu.memory_space<hbm>>
        %dma_wait3A_610 = tpu.memref_squeeze %dma_wait3A_609 : memref<1x10000x64xbf16, #tpu.memory_space<hbm>> -> memref<10000x64xbf16, #tpu.memory_space<hbm>>
        %dma_wait3A_611 = arith.constant 0 : i32
        %dma_wait3A_612 = arith.constant 0 : i32
        %dma_wait3A_613 = tpu.memref_slice %dma_wait3A_610[%dma_wait3A_611, %dma_wait3A_612] : memref<10000x64xbf16, #tpu.memory_space<hbm>> -> memref<10000x64xbf16, #tpu.memory_space<hbm>>
        tpu.wait_indirect_dma semaphore(%arg13 : memref<!tpu.dma_semaphore, #tpu.memory_space<semaphore_mem>>) src(%dma_wait3A_613 : memref<10000x64xbf16, #tpu.memory_space<hbm>>) dst(%dma_wait3A_605 : memref<128x64xbf16, #tpu.memory_space<vmem>>)
        %mul3A_614 = arith.constant 8 : i32
        %mul3A_615 = arith.muli %add3A_518, %mul3A_614 : i32
        %add3A_616 = arith.constant 5 : i32
        %add3A_617 = arith.addi %mul3A_615, %add3A_616 : i32
        %mul3A_618 = arith.constant 128 : i32
        %mul3A_619 = arith.muli %add3A_617, %mul3A_618 : i32
        %dma_wait3A_620 = arith.constant 5 : i32
        %dma_wait3A_621 = arith.constant 0 : i32
        %dma_wait3A_622 = arith.constant 0 : i32
        %dma_wait3A_623 = tpu.memref_slice %arg10[%dma_wait3A_620, %dma_wait3A_621, %dma_wait3A_622] : memref<8x128x64xbf16, #tpu.memory_space<vmem>> -> memref<1x128x64xbf16, #tpu.memory_space<vmem>>
        %dma_wait3A_624 = tpu.memref_squeeze %dma_wait3A_623 : memref<1x128x64xbf16, #tpu.memory_space<vmem>> -> memref<128x64xbf16, #tpu.memory_space<vmem>>
        %dma_wait3A_625 = tpu.memref_slice %arg7[%mul3A_619] : memref<4096xi32, #tpu.memory_space<vmem>> -> memref<128xi32, #tpu.memory_space<vmem>>
        %dma_wait3A_626 = arith.constant 0 : i32
        %dma_wait3A_627 = arith.constant 0 : i32
        %dma_wait3A_628 = tpu.memref_slice %arg2[%arg0, %dma_wait3A_626, %dma_wait3A_627] : memref<2x10000x64xbf16, #tpu.memory_space<hbm>> -> memref<1x10000x64xbf16, #tpu.memory_space<hbm>>
        %dma_wait3A_629 = tpu.memref_squeeze %dma_wait3A_628 : memref<1x10000x64xbf16, #tpu.memory_space<hbm>> -> memref<10000x64xbf16, #tpu.memory_space<hbm>>
        %dma_wait3A_630 = arith.constant 0 : i32
        %dma_wait3A_631 = arith.constant 0 : i32
        %dma_wait3A_632 = tpu.memref_slice %dma_wait3A_629[%dma_wait3A_630, %dma_wait3A_631] : memref<10000x64xbf16, #tpu.memory_space<hbm>> -> memref<10000x64xbf16, #tpu.memory_space<hbm>>
        tpu.wait_indirect_dma semaphore(%arg13 : memref<!tpu.dma_semaphore, #tpu.memory_space<semaphore_mem>>) src(%dma_wait3A_632 : memref<10000x64xbf16, #tpu.memory_space<hbm>>) dst(%dma_wait3A_624 : memref<128x64xbf16, #tpu.memory_space<vmem>>)
        %mul3A_633 = arith.constant 8 : i32
        %mul3A_634 = arith.muli %add3A_518, %mul3A_633 : i32
        %add3A_635 = arith.constant 6 : i32
        %add3A_636 = arith.addi %mul3A_634, %add3A_635 : i32
        %mul3A_637 = arith.constant 128 : i32
        %mul3A_638 = arith.muli %add3A_636, %mul3A_637 : i32
        %dma_wait3A_639 = arith.constant 6 : i32
        %dma_wait3A_640 = arith.constant 0 : i32
        %dma_wait3A_641 = arith.constant 0 : i32
        %dma_wait3A_642 = tpu.memref_slice %arg10[%dma_wait3A_639, %dma_wait3A_640, %dma_wait3A_641] : memref<8x128x64xbf16, #tpu.memory_space<vmem>> -> memref<1x128x64xbf16, #tpu.memory_space<vmem>>
        %dma_wait3A_643 = tpu.memref_squeeze %dma_wait3A_642 : memref<1x128x64xbf16, #tpu.memory_space<vmem>> -> memref<128x64xbf16, #tpu.memory_space<vmem>>
        %dma_wait3A_644 = tpu.memref_slice %arg7[%mul3A_638] : memref<4096xi32, #tpu.memory_space<vmem>> -> memref<128xi32, #tpu.memory_space<vmem>>
        %dma_wait3A_645 = arith.constant 0 : i32
        %dma_wait3A_646 = arith.constant 0 : i32
        %dma_wait3A_647 = tpu.memref_slice %arg2[%arg0, %dma_wait3A_645, %dma_wait3A_646] : memref<2x10000x64xbf16, #tpu.memory_space<hbm>> -> memref<1x10000x64xbf16, #tpu.memory_space<hbm>>
        %dma_wait3A_648 = tpu.memref_squeeze %dma_wait3A_647 : memref<1x10000x64xbf16, #tpu.memory_space<hbm>> -> memref<10000x64xbf16, #tpu.memory_space<hbm>>
        %dma_wait3A_649 = arith.constant 0 : i32
        %dma_wait3A_650 = arith.constant 0 : i32
        %dma_wait3A_651 = tpu.memref_slice %dma_wait3A_648[%dma_wait3A_649, %dma_wait3A_650] : memref<10000x64xbf16, #tpu.memory_space<hbm>> -> memref<10000x64xbf16, #tpu.memory_space<hbm>>
        tpu.wait_indirect_dma semaphore(%arg13 : memref<!tpu.dma_semaphore, #tpu.memory_space<semaphore_mem>>) src(%dma_wait3A_651 : memref<10000x64xbf16, #tpu.memory_space<hbm>>) dst(%dma_wait3A_643 : memref<128x64xbf16, #tpu.memory_space<vmem>>)
        %mul3A_652 = arith.constant 8 : i32
        %mul3A_653 = arith.muli %add3A_518, %mul3A_652 : i32
        %add3A_654 = arith.constant 7 : i32
        %add3A_655 = arith.addi %mul3A_653, %add3A_654 : i32
        %mul3A_656 = arith.constant 128 : i32
        %mul3A_657 = arith.muli %add3A_655, %mul3A_656 : i32
        %dma_wait3A_658 = arith.constant 7 : i32
        %dma_wait3A_659 = arith.constant 0 : i32
        %dma_wait3A_660 = arith.constant 0 : i32
        %dma_wait3A_661 = tpu.memref_slice %arg10[%dma_wait3A_658, %dma_wait3A_659, %dma_wait3A_660] : memref<8x128x64xbf16, #tpu.memory_space<vmem>> -> memref<1x128x64xbf16, #tpu.memory_space<vmem>>
        %dma_wait3A_662 = tpu.memref_squeeze %dma_wait3A_661 : memref<1x128x64xbf16, #tpu.memory_space<vmem>> -> memref<128x64xbf16, #tpu.memory_space<vmem>>
        %dma_wait3A_663 = tpu.memref_slice %arg7[%mul3A_657] : memref<4096xi32, #tpu.memory_space<vmem>> -> memref<128xi32, #tpu.memory_space<vmem>>
        %dma_wait3A_664 = arith.constant 0 : i32
        %dma_wait3A_665 = arith.constant 0 : i32
        %dma_wait3A_666 = tpu.memref_slice %arg2[%arg0, %dma_wait3A_664, %dma_wait3A_665] : memref<2x10000x64xbf16, #tpu.memory_space<hbm>> -> memref<1x10000x64xbf16, #tpu.memory_space<hbm>>
        %dma_wait3A_667 = tpu.memref_squeeze %dma_wait3A_666 : memref<1x10000x64xbf16, #tpu.memory_space<hbm>> -> memref<10000x64xbf16, #tpu.memory_space<hbm>>
        %dma_wait3A_668 = arith.constant 0 : i32
        %dma_wait3A_669 = arith.constant 0 : i32
        %dma_wait3A_670 = tpu.memref_slice %dma_wait3A_667[%dma_wait3A_668, %dma_wait3A_669] : memref<10000x64xbf16, #tpu.memory_space<hbm>> -> memref<10000x64xbf16, #tpu.memory_space<hbm>>
        tpu.wait_indirect_dma semaphore(%arg13 : memref<!tpu.dma_semaphore, #tpu.memory_space<semaphore_mem>>) src(%dma_wait3A_670 : memref<10000x64xbf16, #tpu.memory_space<hbm>>) dst(%dma_wait3A_662 : memref<128x64xbf16, #tpu.memory_space<vmem>>)
        %ge3A_671 = arith.constant 1 : i32
        %ge3A_672 = arith.cmpi sge, %add3A_518, %ge3A_671 : i32
        %convert_element_type3A_673 = arith.extui %ge3A_672 : i1 to i32
        %cond3A_674 = arith.constant 0 : i32
        %cond3A_675 = arith.cmpi ne, %convert_element_type3A_673, %cond3A_674 : i32
        scf.if %cond3A_675 {
          %sub3A = arith.constant 1 : i32
          %sub3A_803 = arith.subi %add3A_518, %sub3A : i32
          %mul3A_804 = arith.constant 8 : i32
          %mul3A_805 = arith.muli %sub3A_803, %mul3A_804 : i32
          %add3A_806 = arith.constant 0 : i32
          %add3A_807 = arith.addi %mul3A_805, %add3A_806 : i32
          %dma_wait3A_808 = arith.constant 0 : i32
          %dma_wait3A_809 = arith.constant 0 : i32
          %dma_wait3A_810 = arith.constant 0 : i32
          %dma_wait3A_811 = tpu.memref_slice %arg9[%dma_wait3A_808, %dma_wait3A_809, %dma_wait3A_810] : memref<8x128x64xbf16, #tpu.memory_space<vmem>> -> memref<1x128x64xbf16, #tpu.memory_space<vmem>>
          %dma_wait3A_812 = tpu.memref_squeeze %dma_wait3A_811 : memref<1x128x64xbf16, #tpu.memory_space<vmem>> -> memref<128x64xbf16, #tpu.memory_space<vmem>>
          %dma_wait3A_813 = arith.constant 0 : i32
          %dma_wait3A_814 = tpu.memref_slice %arg8[%add3A_807, %dma_wait3A_813] : memref<32x128xi32, #tpu.memory_space<vmem>> -> memref<1x128xi32, #tpu.memory_space<vmem>>
          %dma_wait3A_815 = tpu.memref_squeeze %dma_wait3A_814 : memref<1x128xi32, #tpu.memory_space<vmem>> -> memref<128xi32, #tpu.memory_space<vmem>>
          %dma_wait3A_816 = arith.constant 0 : i32
          %dma_wait3A_817 = arith.constant 0 : i32
          %dma_wait3A_818 = tpu.memref_slice %arg11[%dma_wait3A_816, %dma_wait3A_817] : memref<10240x64xbf16, #tpu.memory_space<vmem_shared>> -> memref<10240x64xbf16, #tpu.memory_space<vmem_shared>>
          tpu.wait_indirect_dma semaphore(%arg14 : memref<!tpu.dma_semaphore, #tpu.memory_space<semaphore_mem>>) src(%dma_wait3A_812 : memref<128x64xbf16, #tpu.memory_space<vmem>>) dst(%dma_wait3A_818 : memref<10240x64xbf16, #tpu.memory_space<vmem_shared>>)
          %sub3A_819 = arith.constant 1 : i32
          %sub3A_820 = arith.subi %add3A_518, %sub3A_819 : i32
          %mul3A_821 = arith.constant 8 : i32
          %mul3A_822 = arith.muli %sub3A_820, %mul3A_821 : i32
          %add3A_823 = arith.constant 1 : i32
          %add3A_824 = arith.addi %mul3A_822, %add3A_823 : i32
          %dma_wait3A_825 = arith.constant 1 : i32
          %dma_wait3A_826 = arith.constant 0 : i32
          %dma_wait3A_827 = arith.constant 0 : i32
          %dma_wait3A_828 = tpu.memref_slice %arg9[%dma_wait3A_825, %dma_wait3A_826, %dma_wait3A_827] : memref<8x128x64xbf16, #tpu.memory_space<vmem>> -> memref<1x128x64xbf16, #tpu.memory_space<vmem>>
          %dma_wait3A_829 = tpu.memref_squeeze %dma_wait3A_828 : memref<1x128x64xbf16, #tpu.memory_space<vmem>> -> memref<128x64xbf16, #tpu.memory_space<vmem>>
          %dma_wait3A_830 = arith.constant 0 : i32
          %dma_wait3A_831 = tpu.memref_slice %arg8[%add3A_824, %dma_wait3A_830] : memref<32x128xi32, #tpu.memory_space<vmem>> -> memref<1x128xi32, #tpu.memory_space<vmem>>
          %dma_wait3A_832 = tpu.memref_squeeze %dma_wait3A_831 : memref<1x128xi32, #tpu.memory_space<vmem>> -> memref<128xi32, #tpu.memory_space<vmem>>
          %dma_wait3A_833 = arith.constant 0 : i32
          %dma_wait3A_834 = arith.constant 0 : i32
          %dma_wait3A_835 = tpu.memref_slice %arg11[%dma_wait3A_833, %dma_wait3A_834] : memref<10240x64xbf16, #tpu.memory_space<vmem_shared>> -> memref<10240x64xbf16, #tpu.memory_space<vmem_shared>>
          tpu.wait_indirect_dma semaphore(%arg14 : memref<!tpu.dma_semaphore, #tpu.memory_space<semaphore_mem>>) src(%dma_wait3A_829 : memref<128x64xbf16, #tpu.memory_space<vmem>>) dst(%dma_wait3A_835 : memref<10240x64xbf16, #tpu.memory_space<vmem_shared>>)
          %sub3A_836 = arith.constant 1 : i32
          %sub3A_837 = arith.subi %add3A_518, %sub3A_836 : i32
          %mul3A_838 = arith.constant 8 : i32
          %mul3A_839 = arith.muli %sub3A_837, %mul3A_838 : i32
          %add3A_840 = arith.constant 2 : i32
          %add3A_841 = arith.addi %mul3A_839, %add3A_840 : i32
          %dma_wait3A_842 = arith.constant 2 : i32
          %dma_wait3A_843 = arith.constant 0 : i32
          %dma_wait3A_844 = arith.constant 0 : i32
          %dma_wait3A_845 = tpu.memref_slice %arg9[%dma_wait3A_842, %dma_wait3A_843, %dma_wait3A_844] : memref<8x128x64xbf16, #tpu.memory_space<vmem>> -> memref<1x128x64xbf16, #tpu.memory_space<vmem>>
          %dma_wait3A_846 = tpu.memref_squeeze %dma_wait3A_845 : memref<1x128x64xbf16, #tpu.memory_space<vmem>> -> memref<128x64xbf16, #tpu.memory_space<vmem>>
          %dma_wait3A_847 = arith.constant 0 : i32
          %dma_wait3A_848 = tpu.memref_slice %arg8[%add3A_841, %dma_wait3A_847] : memref<32x128xi32, #tpu.memory_space<vmem>> -> memref<1x128xi32, #tpu.memory_space<vmem>>
          %dma_wait3A_849 = tpu.memref_squeeze %dma_wait3A_848 : memref<1x128xi32, #tpu.memory_space<vmem>> -> memref<128xi32, #tpu.memory_space<vmem>>
          %dma_wait3A_850 = arith.constant 0 : i32
          %dma_wait3A_851 = arith.constant 0 : i32
          %dma_wait3A_852 = tpu.memref_slice %arg11[%dma_wait3A_850, %dma_wait3A_851] : memref<10240x64xbf16, #tpu.memory_space<vmem_shared>> -> memref<10240x64xbf16, #tpu.memory_space<vmem_shared>>
          tpu.wait_indirect_dma semaphore(%arg14 : memref<!tpu.dma_semaphore, #tpu.memory_space<semaphore_mem>>) src(%dma_wait3A_846 : memref<128x64xbf16, #tpu.memory_space<vmem>>) dst(%dma_wait3A_852 : memref<10240x64xbf16, #tpu.memory_space<vmem_shared>>)
          %sub3A_853 = arith.constant 1 : i32
          %sub3A_854 = arith.subi %add3A_518, %sub3A_853 : i32
          %mul3A_855 = arith.constant 8 : i32
          %mul3A_856 = arith.muli %sub3A_854, %mul3A_855 : i32
          %add3A_857 = arith.constant 3 : i32
          %add3A_858 = arith.addi %mul3A_856, %add3A_857 : i32
          %dma_wait3A_859 = arith.constant 3 : i32
          %dma_wait3A_860 = arith.constant 0 : i32
          %dma_wait3A_861 = arith.constant 0 : i32
          %dma_wait3A_862 = tpu.memref_slice %arg9[%dma_wait3A_859, %dma_wait3A_860, %dma_wait3A_861] : memref<8x128x64xbf16, #tpu.memory_space<vmem>> -> memref<1x128x64xbf16, #tpu.memory_space<vmem>>
          %dma_wait3A_863 = tpu.memref_squeeze %dma_wait3A_862 : memref<1x128x64xbf16, #tpu.memory_space<vmem>> -> memref<128x64xbf16, #tpu.memory_space<vmem>>
          %dma_wait3A_864 = arith.constant 0 : i32
          %dma_wait3A_865 = tpu.memref_slice %arg8[%add3A_858, %dma_wait3A_864] : memref<32x128xi32, #tpu.memory_space<vmem>> -> memref<1x128xi32, #tpu.memory_space<vmem>>
          %dma_wait3A_866 = tpu.memref_squeeze %dma_wait3A_865 : memref<1x128xi32, #tpu.memory_space<vmem>> -> memref<128xi32, #tpu.memory_space<vmem>>
          %dma_wait3A_867 = arith.constant 0 : i32
          %dma_wait3A_868 = arith.constant 0 : i32
          %dma_wait3A_869 = tpu.memref_slice %arg11[%dma_wait3A_867, %dma_wait3A_868] : memref<10240x64xbf16, #tpu.memory_space<vmem_shared>> -> memref<10240x64xbf16, #tpu.memory_space<vmem_shared>>
          tpu.wait_indirect_dma semaphore(%arg14 : memref<!tpu.dma_semaphore, #tpu.memory_space<semaphore_mem>>) src(%dma_wait3A_863 : memref<128x64xbf16, #tpu.memory_space<vmem>>) dst(%dma_wait3A_869 : memref<10240x64xbf16, #tpu.memory_space<vmem_shared>>)
          %sub3A_870 = arith.constant 1 : i32
          %sub3A_871 = arith.subi %add3A_518, %sub3A_870 : i32
          %mul3A_872 = arith.constant 8 : i32
          %mul3A_873 = arith.muli %sub3A_871, %mul3A_872 : i32
          %add3A_874 = arith.constant 4 : i32
          %add3A_875 = arith.addi %mul3A_873, %add3A_874 : i32
          %dma_wait3A_876 = arith.constant 4 : i32
          %dma_wait3A_877 = arith.constant 0 : i32
          %dma_wait3A_878 = arith.constant 0 : i32
          %dma_wait3A_879 = tpu.memref_slice %arg9[%dma_wait3A_876, %dma_wait3A_877, %dma_wait3A_878] : memref<8x128x64xbf16, #tpu.memory_space<vmem>> -> memref<1x128x64xbf16, #tpu.memory_space<vmem>>
          %dma_wait3A_880 = tpu.memref_squeeze %dma_wait3A_879 : memref<1x128x64xbf16, #tpu.memory_space<vmem>> -> memref<128x64xbf16, #tpu.memory_space<vmem>>
          %dma_wait3A_881 = arith.constant 0 : i32
          %dma_wait3A_882 = tpu.memref_slice %arg8[%add3A_875, %dma_wait3A_881] : memref<32x128xi32, #tpu.memory_space<vmem>> -> memref<1x128xi32, #tpu.memory_space<vmem>>
          %dma_wait3A_883 = tpu.memref_squeeze %dma_wait3A_882 : memref<1x128xi32, #tpu.memory_space<vmem>> -> memref<128xi32, #tpu.memory_space<vmem>>
          %dma_wait3A_884 = arith.constant 0 : i32
          %dma_wait3A_885 = arith.constant 0 : i32
          %dma_wait3A_886 = tpu.memref_slice %arg11[%dma_wait3A_884, %dma_wait3A_885] : memref<10240x64xbf16, #tpu.memory_space<vmem_shared>> -> memref<10240x64xbf16, #tpu.memory_space<vmem_shared>>
          tpu.wait_indirect_dma semaphore(%arg14 : memref<!tpu.dma_semaphore, #tpu.memory_space<semaphore_mem>>) src(%dma_wait3A_880 : memref<128x64xbf16, #tpu.memory_space<vmem>>) dst(%dma_wait3A_886 : memref<10240x64xbf16, #tpu.memory_space<vmem_shared>>)
          %sub3A_887 = arith.constant 1 : i32
          %sub3A_888 = arith.subi %add3A_518, %sub3A_887 : i32
          %mul3A_889 = arith.constant 8 : i32
          %mul3A_890 = arith.muli %sub3A_888, %mul3A_889 : i32
          %add3A_891 = arith.constant 5 : i32
          %add3A_892 = arith.addi %mul3A_890, %add3A_891 : i32
          %dma_wait3A_893 = arith.constant 5 : i32
          %dma_wait3A_894 = arith.constant 0 : i32
          %dma_wait3A_895 = arith.constant 0 : i32
          %dma_wait3A_896 = tpu.memref_slice %arg9[%dma_wait3A_893, %dma_wait3A_894, %dma_wait3A_895] : memref<8x128x64xbf16, #tpu.memory_space<vmem>> -> memref<1x128x64xbf16, #tpu.memory_space<vmem>>
          %dma_wait3A_897 = tpu.memref_squeeze %dma_wait3A_896 : memref<1x128x64xbf16, #tpu.memory_space<vmem>> -> memref<128x64xbf16, #tpu.memory_space<vmem>>
          %dma_wait3A_898 = arith.constant 0 : i32
          %dma_wait3A_899 = tpu.memref_slice %arg8[%add3A_892, %dma_wait3A_898] : memref<32x128xi32, #tpu.memory_space<vmem>> -> memref<1x128xi32, #tpu.memory_space<vmem>>
          %dma_wait3A_900 = tpu.memref_squeeze %dma_wait3A_899 : memref<1x128xi32, #tpu.memory_space<vmem>> -> memref<128xi32, #tpu.memory_space<vmem>>
          %dma_wait3A_901 = arith.constant 0 : i32
          %dma_wait3A_902 = arith.constant 0 : i32
          %dma_wait3A_903 = tpu.memref_slice %arg11[%dma_wait3A_901, %dma_wait3A_902] : memref<10240x64xbf16, #tpu.memory_space<vmem_shared>> -> memref<10240x64xbf16, #tpu.memory_space<vmem_shared>>
          tpu.wait_indirect_dma semaphore(%arg14 : memref<!tpu.dma_semaphore, #tpu.memory_space<semaphore_mem>>) src(%dma_wait3A_897 : memref<128x64xbf16, #tpu.memory_space<vmem>>) dst(%dma_wait3A_903 : memref<10240x64xbf16, #tpu.memory_space<vmem_shared>>)
          %sub3A_904 = arith.constant 1 : i32
          %sub3A_905 = arith.subi %add3A_518, %sub3A_904 : i32
          %mul3A_906 = arith.constant 8 : i32
          %mul3A_907 = arith.muli %sub3A_905, %mul3A_906 : i32
          %add3A_908 = arith.constant 6 : i32
          %add3A_909 = arith.addi %mul3A_907, %add3A_908 : i32
          %dma_wait3A_910 = arith.constant 6 : i32
          %dma_wait3A_911 = arith.constant 0 : i32
          %dma_wait3A_912 = arith.constant 0 : i32
          %dma_wait3A_913 = tpu.memref_slice %arg9[%dma_wait3A_910, %dma_wait3A_911, %dma_wait3A_912] : memref<8x128x64xbf16, #tpu.memory_space<vmem>> -> memref<1x128x64xbf16, #tpu.memory_space<vmem>>
          %dma_wait3A_914 = tpu.memref_squeeze %dma_wait3A_913 : memref<1x128x64xbf16, #tpu.memory_space<vmem>> -> memref<128x64xbf16, #tpu.memory_space<vmem>>
          %dma_wait3A_915 = arith.constant 0 : i32
          %dma_wait3A_916 = tpu.memref_slice %arg8[%add3A_909, %dma_wait3A_915] : memref<32x128xi32, #tpu.memory_space<vmem>> -> memref<1x128xi32, #tpu.memory_space<vmem>>
          %dma_wait3A_917 = tpu.memref_squeeze %dma_wait3A_916 : memref<1x128xi32, #tpu.memory_space<vmem>> -> memref<128xi32, #tpu.memory_space<vmem>>
          %dma_wait3A_918 = arith.constant 0 : i32
          %dma_wait3A_919 = arith.constant 0 : i32
          %dma_wait3A_920 = tpu.memref_slice %arg11[%dma_wait3A_918, %dma_wait3A_919] : memref<10240x64xbf16, #tpu.memory_space<vmem_shared>> -> memref<10240x64xbf16, #tpu.memory_space<vmem_shared>>
          tpu.wait_indirect_dma semaphore(%arg14 : memref<!tpu.dma_semaphore, #tpu.memory_space<semaphore_mem>>) src(%dma_wait3A_914 : memref<128x64xbf16, #tpu.memory_space<vmem>>) dst(%dma_wait3A_920 : memref<10240x64xbf16, #tpu.memory_space<vmem_shared>>)
          %sub3A_921 = arith.constant 1 : i32
          %sub3A_922 = arith.subi %add3A_518, %sub3A_921 : i32
          %mul3A_923 = arith.constant 8 : i32
          %mul3A_924 = arith.muli %sub3A_922, %mul3A_923 : i32
          %add3A_925 = arith.constant 7 : i32
          %add3A_926 = arith.addi %mul3A_924, %add3A_925 : i32
          %dma_wait3A_927 = arith.constant 7 : i32
          %dma_wait3A_928 = arith.constant 0 : i32
          %dma_wait3A_929 = arith.constant 0 : i32
          %dma_wait3A_930 = tpu.memref_slice %arg9[%dma_wait3A_927, %dma_wait3A_928, %dma_wait3A_929] : memref<8x128x64xbf16, #tpu.memory_space<vmem>> -> memref<1x128x64xbf16, #tpu.memory_space<vmem>>
          %dma_wait3A_931 = tpu.memref_squeeze %dma_wait3A_930 : memref<1x128x64xbf16, #tpu.memory_space<vmem>> -> memref<128x64xbf16, #tpu.memory_space<vmem>>
          %dma_wait3A_932 = arith.constant 0 : i32
          %dma_wait3A_933 = tpu.memref_slice %arg8[%add3A_926, %dma_wait3A_932] : memref<32x128xi32, #tpu.memory_space<vmem>> -> memref<1x128xi32, #tpu.memory_space<vmem>>
          %dma_wait3A_934 = tpu.memref_squeeze %dma_wait3A_933 : memref<1x128xi32, #tpu.memory_space<vmem>> -> memref<128xi32, #tpu.memory_space<vmem>>
          %dma_wait3A_935 = arith.constant 0 : i32
          %dma_wait3A_936 = arith.constant 0 : i32
          %dma_wait3A_937 = tpu.memref_slice %arg11[%dma_wait3A_935, %dma_wait3A_936] : memref<10240x64xbf16, #tpu.memory_space<vmem_shared>> -> memref<10240x64xbf16, #tpu.memory_space<vmem_shared>>
          tpu.wait_indirect_dma semaphore(%arg14 : memref<!tpu.dma_semaphore, #tpu.memory_space<semaphore_mem>>) src(%dma_wait3A_931 : memref<128x64xbf16, #tpu.memory_space<vmem>>) dst(%dma_wait3A_937 : memref<10240x64xbf16, #tpu.memory_space<vmem_shared>>)
        } else {
        }
        %add3A_676 = arith.constant 1 : i32
        %add3A_677 = arith.addi %add3A_518, %add3A_676 : i32
        %lt3A_678 = arith.constant 4 : i32
        %lt3A_679 = arith.cmpi slt, %add3A_677, %lt3A_678 : i32
        %convert_element_type3A_680 = arith.extui %lt3A_679 : i1 to i32
        %cond3A_681 = arith.constant 0 : i32
        %cond3A_682 = arith.cmpi ne, %convert_element_type3A_680, %cond3A_681 : i32
        scf.if %cond3A_682 {
          %add3A_803 = arith.constant 1 : i32
          %add3A_804 = arith.addi %add3A_518, %add3A_803 : i32
          %mul3A_805 = arith.constant 8 : i32
          %mul3A_806 = arith.muli %add3A_804, %mul3A_805 : i32
          %add3A_807 = arith.constant 0 : i32
          %add3A_808 = arith.addi %mul3A_806, %add3A_807 : i32
          %mul3A_809 = arith.constant 128 : i32
          %mul3A_810 = arith.muli %add3A_808, %mul3A_809 : i32
          %dma_start3A_811 = arith.constant 0 : i32
          %dma_start3A_812 = arith.constant 0 : i32
          %dma_start3A_813 = arith.constant 0 : i32
          %dma_start3A_814 = tpu.memref_slice %arg9[%dma_start3A_811, %dma_start3A_812, %dma_start3A_813] : memref<8x128x64xbf16, #tpu.memory_space<vmem>> -> memref<1x128x64xbf16, #tpu.memory_space<vmem>>
          %dma_start3A_815 = tpu.memref_squeeze %dma_start3A_814 : memref<1x128x64xbf16, #tpu.memory_space<vmem>> -> memref<128x64xbf16, #tpu.memory_space<vmem>>
          %dma_start3A_816 = tpu.memref_slice %arg7[%mul3A_810] : memref<4096xi32, #tpu.memory_space<vmem>> -> memref<128xi32, #tpu.memory_space<vmem>>
          %dma_start3A_817 = arith.constant 0 : i32
          %dma_start3A_818 = arith.constant 0 : i32
          %dma_start3A_819 = tpu.memref_slice %arg2[%arg0, %dma_start3A_817, %dma_start3A_818] : memref<2x10000x64xbf16, #tpu.memory_space<hbm>> -> memref<1x10000x64xbf16, #tpu.memory_space<hbm>>
          %dma_start3A_820 = tpu.memref_squeeze %dma_start3A_819 : memref<1x10000x64xbf16, #tpu.memory_space<hbm>> -> memref<10000x64xbf16, #tpu.memory_space<hbm>>
          %dma_start3A_821 = arith.constant 0 : i32
          %dma_start3A_822 = arith.constant 0 : i32
          %dma_start3A_823 = tpu.memref_slice %dma_start3A_820[%dma_start3A_821, %dma_start3A_822] : memref<10000x64xbf16, #tpu.memory_space<hbm>> -> memref<10000x64xbf16, #tpu.memory_space<hbm>>
          tpu.enqueue_indirect_dma source(%dma_start3A_823 : memref<10000x64xbf16, #tpu.memory_space<hbm>>) target(%dma_start3A_815 : memref<128x64xbf16, #tpu.memory_space<vmem>>) offsets(%dma_start3A_816 : memref<128xi32, #tpu.memory_space<vmem>>) semaphore(%arg12 : memref<!tpu.dma_semaphore, #tpu.memory_space<semaphore_mem>>)
          %add3A_824 = arith.constant 1 : i32
          %add3A_825 = arith.addi %add3A_518, %add3A_824 : i32
          %mul3A_826 = arith.constant 8 : i32
          %mul3A_827 = arith.muli %add3A_825, %mul3A_826 : i32
          %add3A_828 = arith.constant 1 : i32
          %add3A_829 = arith.addi %mul3A_827, %add3A_828 : i32
          %mul3A_830 = arith.constant 128 : i32
          %mul3A_831 = arith.muli %add3A_829, %mul3A_830 : i32
          %dma_start3A_832 = arith.constant 1 : i32
          %dma_start3A_833 = arith.constant 0 : i32
          %dma_start3A_834 = arith.constant 0 : i32
          %dma_start3A_835 = tpu.memref_slice %arg9[%dma_start3A_832, %dma_start3A_833, %dma_start3A_834] : memref<8x128x64xbf16, #tpu.memory_space<vmem>> -> memref<1x128x64xbf16, #tpu.memory_space<vmem>>
          %dma_start3A_836 = tpu.memref_squeeze %dma_start3A_835 : memref<1x128x64xbf16, #tpu.memory_space<vmem>> -> memref<128x64xbf16, #tpu.memory_space<vmem>>
          %dma_start3A_837 = tpu.memref_slice %arg7[%mul3A_831] : memref<4096xi32, #tpu.memory_space<vmem>> -> memref<128xi32, #tpu.memory_space<vmem>>
          %dma_start3A_838 = arith.constant 0 : i32
          %dma_start3A_839 = arith.constant 0 : i32
          %dma_start3A_840 = tpu.memref_slice %arg2[%arg0, %dma_start3A_838, %dma_start3A_839] : memref<2x10000x64xbf16, #tpu.memory_space<hbm>> -> memref<1x10000x64xbf16, #tpu.memory_space<hbm>>
          %dma_start3A_841 = tpu.memref_squeeze %dma_start3A_840 : memref<1x10000x64xbf16, #tpu.memory_space<hbm>> -> memref<10000x64xbf16, #tpu.memory_space<hbm>>
          %dma_start3A_842 = arith.constant 0 : i32
          %dma_start3A_843 = arith.constant 0 : i32
          %dma_start3A_844 = tpu.memref_slice %dma_start3A_841[%dma_start3A_842, %dma_start3A_843] : memref<10000x64xbf16, #tpu.memory_space<hbm>> -> memref<10000x64xbf16, #tpu.memory_space<hbm>>
          tpu.enqueue_indirect_dma source(%dma_start3A_844 : memref<10000x64xbf16, #tpu.memory_space<hbm>>) target(%dma_start3A_836 : memref<128x64xbf16, #tpu.memory_space<vmem>>) offsets(%dma_start3A_837 : memref<128xi32, #tpu.memory_space<vmem>>) semaphore(%arg12 : memref<!tpu.dma_semaphore, #tpu.memory_space<semaphore_mem>>)
          %add3A_845 = arith.constant 1 : i32
          %add3A_846 = arith.addi %add3A_518, %add3A_845 : i32
          %mul3A_847 = arith.constant 8 : i32
          %mul3A_848 = arith.muli %add3A_846, %mul3A_847 : i32
          %add3A_849 = arith.constant 2 : i32
          %add3A_850 = arith.addi %mul3A_848, %add3A_849 : i32
          %mul3A_851 = arith.constant 128 : i32
          %mul3A_852 = arith.muli %add3A_850, %mul3A_851 : i32
          %dma_start3A_853 = arith.constant 2 : i32
          %dma_start3A_854 = arith.constant 0 : i32
          %dma_start3A_855 = arith.constant 0 : i32
          %dma_start3A_856 = tpu.memref_slice %arg9[%dma_start3A_853, %dma_start3A_854, %dma_start3A_855] : memref<8x128x64xbf16, #tpu.memory_space<vmem>> -> memref<1x128x64xbf16, #tpu.memory_space<vmem>>
          %dma_start3A_857 = tpu.memref_squeeze %dma_start3A_856 : memref<1x128x64xbf16, #tpu.memory_space<vmem>> -> memref<128x64xbf16, #tpu.memory_space<vmem>>
          %dma_start3A_858 = tpu.memref_slice %arg7[%mul3A_852] : memref<4096xi32, #tpu.memory_space<vmem>> -> memref<128xi32, #tpu.memory_space<vmem>>
          %dma_start3A_859 = arith.constant 0 : i32
          %dma_start3A_860 = arith.constant 0 : i32
          %dma_start3A_861 = tpu.memref_slice %arg2[%arg0, %dma_start3A_859, %dma_start3A_860] : memref<2x10000x64xbf16, #tpu.memory_space<hbm>> -> memref<1x10000x64xbf16, #tpu.memory_space<hbm>>
          %dma_start3A_862 = tpu.memref_squeeze %dma_start3A_861 : memref<1x10000x64xbf16, #tpu.memory_space<hbm>> -> memref<10000x64xbf16, #tpu.memory_space<hbm>>
          %dma_start3A_863 = arith.constant 0 : i32
          %dma_start3A_864 = arith.constant 0 : i32
          %dma_start3A_865 = tpu.memref_slice %dma_start3A_862[%dma_start3A_863, %dma_start3A_864] : memref<10000x64xbf16, #tpu.memory_space<hbm>> -> memref<10000x64xbf16, #tpu.memory_space<hbm>>
          tpu.enqueue_indirect_dma source(%dma_start3A_865 : memref<10000x64xbf16, #tpu.memory_space<hbm>>) target(%dma_start3A_857 : memref<128x64xbf16, #tpu.memory_space<vmem>>) offsets(%dma_start3A_858 : memref<128xi32, #tpu.memory_space<vmem>>) semaphore(%arg12 : memref<!tpu.dma_semaphore, #tpu.memory_space<semaphore_mem>>)
          %add3A_866 = arith.constant 1 : i32
          %add3A_867 = arith.addi %add3A_518, %add3A_866 : i32
          %mul3A_868 = arith.constant 8 : i32
          %mul3A_869 = arith.muli %add3A_867, %mul3A_868 : i32
          %add3A_870 = arith.constant 3 : i32
          %add3A_871 = arith.addi %mul3A_869, %add3A_870 : i32
          %mul3A_872 = arith.constant 128 : i32
          %mul3A_873 = arith.muli %add3A_871, %mul3A_872 : i32
          %dma_start3A_874 = arith.constant 3 : i32
          %dma_start3A_875 = arith.constant 0 : i32
          %dma_start3A_876 = arith.constant 0 : i32
          %dma_start3A_877 = tpu.memref_slice %arg9[%dma_start3A_874, %dma_start3A_875, %dma_start3A_876] : memref<8x128x64xbf16, #tpu.memory_space<vmem>> -> memref<1x128x64xbf16, #tpu.memory_space<vmem>>
          %dma_start3A_878 = tpu.memref_squeeze %dma_start3A_877 : memref<1x128x64xbf16, #tpu.memory_space<vmem>> -> memref<128x64xbf16, #tpu.memory_space<vmem>>
          %dma_start3A_879 = tpu.memref_slice %arg7[%mul3A_873] : memref<4096xi32, #tpu.memory_space<vmem>> -> memref<128xi32, #tpu.memory_space<vmem>>
          %dma_start3A_880 = arith.constant 0 : i32
          %dma_start3A_881 = arith.constant 0 : i32
          %dma_start3A_882 = tpu.memref_slice %arg2[%arg0, %dma_start3A_880, %dma_start3A_881] : memref<2x10000x64xbf16, #tpu.memory_space<hbm>> -> memref<1x10000x64xbf16, #tpu.memory_space<hbm>>
          %dma_start3A_883 = tpu.memref_squeeze %dma_start3A_882 : memref<1x10000x64xbf16, #tpu.memory_space<hbm>> -> memref<10000x64xbf16, #tpu.memory_space<hbm>>
          %dma_start3A_884 = arith.constant 0 : i32
          %dma_start3A_885 = arith.constant 0 : i32
          %dma_start3A_886 = tpu.memref_slice %dma_start3A_883[%dma_start3A_884, %dma_start3A_885] : memref<10000x64xbf16, #tpu.memory_space<hbm>> -> memref<10000x64xbf16, #tpu.memory_space<hbm>>
          tpu.enqueue_indirect_dma source(%dma_start3A_886 : memref<10000x64xbf16, #tpu.memory_space<hbm>>) target(%dma_start3A_878 : memref<128x64xbf16, #tpu.memory_space<vmem>>) offsets(%dma_start3A_879 : memref<128xi32, #tpu.memory_space<vmem>>) semaphore(%arg12 : memref<!tpu.dma_semaphore, #tpu.memory_space<semaphore_mem>>)
          %add3A_887 = arith.constant 1 : i32
          %add3A_888 = arith.addi %add3A_518, %add3A_887 : i32
          %mul3A_889 = arith.constant 8 : i32
          %mul3A_890 = arith.muli %add3A_888, %mul3A_889 : i32
          %add3A_891 = arith.constant 4 : i32
          %add3A_892 = arith.addi %mul3A_890, %add3A_891 : i32
          %mul3A_893 = arith.constant 128 : i32
          %mul3A_894 = arith.muli %add3A_892, %mul3A_893 : i32
          %dma_start3A_895 = arith.constant 4 : i32
          %dma_start3A_896 = arith.constant 0 : i32
          %dma_start3A_897 = arith.constant 0 : i32
          %dma_start3A_898 = tpu.memref_slice %arg9[%dma_start3A_895, %dma_start3A_896, %dma_start3A_897] : memref<8x128x64xbf16, #tpu.memory_space<vmem>> -> memref<1x128x64xbf16, #tpu.memory_space<vmem>>
          %dma_start3A_899 = tpu.memref_squeeze %dma_start3A_898 : memref<1x128x64xbf16, #tpu.memory_space<vmem>> -> memref<128x64xbf16, #tpu.memory_space<vmem>>
          %dma_start3A_900 = tpu.memref_slice %arg7[%mul3A_894] : memref<4096xi32, #tpu.memory_space<vmem>> -> memref<128xi32, #tpu.memory_space<vmem>>
          %dma_start3A_901 = arith.constant 0 : i32
          %dma_start3A_902 = arith.constant 0 : i32
          %dma_start3A_903 = tpu.memref_slice %arg2[%arg0, %dma_start3A_901, %dma_start3A_902] : memref<2x10000x64xbf16, #tpu.memory_space<hbm>> -> memref<1x10000x64xbf16, #tpu.memory_space<hbm>>
          %dma_start3A_904 = tpu.memref_squeeze %dma_start3A_903 : memref<1x10000x64xbf16, #tpu.memory_space<hbm>> -> memref<10000x64xbf16, #tpu.memory_space<hbm>>
          %dma_start3A_905 = arith.constant 0 : i32
          %dma_start3A_906 = arith.constant 0 : i32
          %dma_start3A_907 = tpu.memref_slice %dma_start3A_904[%dma_start3A_905, %dma_start3A_906] : memref<10000x64xbf16, #tpu.memory_space<hbm>> -> memref<10000x64xbf16, #tpu.memory_space<hbm>>
          tpu.enqueue_indirect_dma source(%dma_start3A_907 : memref<10000x64xbf16, #tpu.memory_space<hbm>>) target(%dma_start3A_899 : memref<128x64xbf16, #tpu.memory_space<vmem>>) offsets(%dma_start3A_900 : memref<128xi32, #tpu.memory_space<vmem>>) semaphore(%arg12 : memref<!tpu.dma_semaphore, #tpu.memory_space<semaphore_mem>>)
          %add3A_908 = arith.constant 1 : i32
          %add3A_909 = arith.addi %add3A_518, %add3A_908 : i32
          %mul3A_910 = arith.constant 8 : i32
          %mul3A_911 = arith.muli %add3A_909, %mul3A_910 : i32
          %add3A_912 = arith.constant 5 : i32
          %add3A_913 = arith.addi %mul3A_911, %add3A_912 : i32
          %mul3A_914 = arith.constant 128 : i32
          %mul3A_915 = arith.muli %add3A_913, %mul3A_914 : i32
          %dma_start3A_916 = arith.constant 5 : i32
          %dma_start3A_917 = arith.constant 0 : i32
          %dma_start3A_918 = arith.constant 0 : i32
          %dma_start3A_919 = tpu.memref_slice %arg9[%dma_start3A_916, %dma_start3A_917, %dma_start3A_918] : memref<8x128x64xbf16, #tpu.memory_space<vmem>> -> memref<1x128x64xbf16, #tpu.memory_space<vmem>>
          %dma_start3A_920 = tpu.memref_squeeze %dma_start3A_919 : memref<1x128x64xbf16, #tpu.memory_space<vmem>> -> memref<128x64xbf16, #tpu.memory_space<vmem>>
          %dma_start3A_921 = tpu.memref_slice %arg7[%mul3A_915] : memref<4096xi32, #tpu.memory_space<vmem>> -> memref<128xi32, #tpu.memory_space<vmem>>
          %dma_start3A_922 = arith.constant 0 : i32
          %dma_start3A_923 = arith.constant 0 : i32
          %dma_start3A_924 = tpu.memref_slice %arg2[%arg0, %dma_start3A_922, %dma_start3A_923] : memref<2x10000x64xbf16, #tpu.memory_space<hbm>> -> memref<1x10000x64xbf16, #tpu.memory_space<hbm>>
          %dma_start3A_925 = tpu.memref_squeeze %dma_start3A_924 : memref<1x10000x64xbf16, #tpu.memory_space<hbm>> -> memref<10000x64xbf16, #tpu.memory_space<hbm>>
          %dma_start3A_926 = arith.constant 0 : i32
          %dma_start3A_927 = arith.constant 0 : i32
          %dma_start3A_928 = tpu.memref_slice %dma_start3A_925[%dma_start3A_926, %dma_start3A_927] : memref<10000x64xbf16, #tpu.memory_space<hbm>> -> memref<10000x64xbf16, #tpu.memory_space<hbm>>
          tpu.enqueue_indirect_dma source(%dma_start3A_928 : memref<10000x64xbf16, #tpu.memory_space<hbm>>) target(%dma_start3A_920 : memref<128x64xbf16, #tpu.memory_space<vmem>>) offsets(%dma_start3A_921 : memref<128xi32, #tpu.memory_space<vmem>>) semaphore(%arg12 : memref<!tpu.dma_semaphore, #tpu.memory_space<semaphore_mem>>)
          %add3A_929 = arith.constant 1 : i32
          %add3A_930 = arith.addi %add3A_518, %add3A_929 : i32
          %mul3A_931 = arith.constant 8 : i32
          %mul3A_932 = arith.muli %add3A_930, %mul3A_931 : i32
          %add3A_933 = arith.constant 6 : i32
          %add3A_934 = arith.addi %mul3A_932, %add3A_933 : i32
          %mul3A_935 = arith.constant 128 : i32
          %mul3A_936 = arith.muli %add3A_934, %mul3A_935 : i32
          %dma_start3A_937 = arith.constant 6 : i32
          %dma_start3A_938 = arith.constant 0 : i32
          %dma_start3A_939 = arith.constant 0 : i32
          %dma_start3A_940 = tpu.memref_slice %arg9[%dma_start3A_937, %dma_start3A_938, %dma_start3A_939] : memref<8x128x64xbf16, #tpu.memory_space<vmem>> -> memref<1x128x64xbf16, #tpu.memory_space<vmem>>
          %dma_start3A_941 = tpu.memref_squeeze %dma_start3A_940 : memref<1x128x64xbf16, #tpu.memory_space<vmem>> -> memref<128x64xbf16, #tpu.memory_space<vmem>>
          %dma_start3A_942 = tpu.memref_slice %arg7[%mul3A_936] : memref<4096xi32, #tpu.memory_space<vmem>> -> memref<128xi32, #tpu.memory_space<vmem>>
          %dma_start3A_943 = arith.constant 0 : i32
          %dma_start3A_944 = arith.constant 0 : i32
          %dma_start3A_945 = tpu.memref_slice %arg2[%arg0, %dma_start3A_943, %dma_start3A_944] : memref<2x10000x64xbf16, #tpu.memory_space<hbm>> -> memref<1x10000x64xbf16, #tpu.memory_space<hbm>>
          %dma_start3A_946 = tpu.memref_squeeze %dma_start3A_945 : memref<1x10000x64xbf16, #tpu.memory_space<hbm>> -> memref<10000x64xbf16, #tpu.memory_space<hbm>>
          %dma_start3A_947 = arith.constant 0 : i32
          %dma_start3A_948 = arith.constant 0 : i32
          %dma_start3A_949 = tpu.memref_slice %dma_start3A_946[%dma_start3A_947, %dma_start3A_948] : memref<10000x64xbf16, #tpu.memory_space<hbm>> -> memref<10000x64xbf16, #tpu.memory_space<hbm>>
          tpu.enqueue_indirect_dma source(%dma_start3A_949 : memref<10000x64xbf16, #tpu.memory_space<hbm>>) target(%dma_start3A_941 : memref<128x64xbf16, #tpu.memory_space<vmem>>) offsets(%dma_start3A_942 : memref<128xi32, #tpu.memory_space<vmem>>) semaphore(%arg12 : memref<!tpu.dma_semaphore, #tpu.memory_space<semaphore_mem>>)
          %add3A_950 = arith.constant 1 : i32
          %add3A_951 = arith.addi %add3A_518, %add3A_950 : i32
          %mul3A_952 = arith.constant 8 : i32
          %mul3A_953 = arith.muli %add3A_951, %mul3A_952 : i32
          %add3A_954 = arith.constant 7 : i32
          %add3A_955 = arith.addi %mul3A_953, %add3A_954 : i32
          %mul3A_956 = arith.constant 128 : i32
          %mul3A_957 = arith.muli %add3A_955, %mul3A_956 : i32
          %dma_start3A_958 = arith.constant 7 : i32
          %dma_start3A_959 = arith.constant 0 : i32
          %dma_start3A_960 = arith.constant 0 : i32
          %dma_start3A_961 = tpu.memref_slice %arg9[%dma_start3A_958, %dma_start3A_959, %dma_start3A_960] : memref<8x128x64xbf16, #tpu.memory_space<vmem>> -> memref<1x128x64xbf16, #tpu.memory_space<vmem>>
          %dma_start3A_962 = tpu.memref_squeeze %dma_start3A_961 : memref<1x128x64xbf16, #tpu.memory_space<vmem>> -> memref<128x64xbf16, #tpu.memory_space<vmem>>
          %dma_start3A_963 = tpu.memref_slice %arg7[%mul3A_957] : memref<4096xi32, #tpu.memory_space<vmem>> -> memref<128xi32, #tpu.memory_space<vmem>>
          %dma_start3A_964 = arith.constant 0 : i32
          %dma_start3A_965 = arith.constant 0 : i32
          %dma_start3A_966 = tpu.memref_slice %arg2[%arg0, %dma_start3A_964, %dma_start3A_965] : memref<2x10000x64xbf16, #tpu.memory_space<hbm>> -> memref<1x10000x64xbf16, #tpu.memory_space<hbm>>
          %dma_start3A_967 = tpu.memref_squeeze %dma_start3A_966 : memref<1x10000x64xbf16, #tpu.memory_space<hbm>> -> memref<10000x64xbf16, #tpu.memory_space<hbm>>
          %dma_start3A_968 = arith.constant 0 : i32
          %dma_start3A_969 = arith.constant 0 : i32
          %dma_start3A_970 = tpu.memref_slice %dma_start3A_967[%dma_start3A_968, %dma_start3A_969] : memref<10000x64xbf16, #tpu.memory_space<hbm>> -> memref<10000x64xbf16, #tpu.memory_space<hbm>>
          tpu.enqueue_indirect_dma source(%dma_start3A_970 : memref<10000x64xbf16, #tpu.memory_space<hbm>>) target(%dma_start3A_962 : memref<128x64xbf16, #tpu.memory_space<vmem>>) offsets(%dma_start3A_963 : memref<128xi32, #tpu.memory_space<vmem>>) semaphore(%arg12 : memref<!tpu.dma_semaphore, #tpu.memory_space<semaphore_mem>>)
        } else {
        }
        %mul3A_683 = arith.constant 8 : i32
        %mul3A_684 = arith.muli %add3A_518, %mul3A_683 : i32
        %add3A_685 = arith.constant 0 : i32
        %add3A_686 = arith.addi %mul3A_684, %add3A_685 : i32
        %dma_start3A_687 = arith.constant 0 : i32
        %dma_start3A_688 = arith.constant 0 : i32
        %dma_start3A_689 = arith.constant 0 : i32
        %dma_start3A_690 = tpu.memref_slice %arg10[%dma_start3A_687, %dma_start3A_688, %dma_start3A_689] : memref<8x128x64xbf16, #tpu.memory_space<vmem>> -> memref<1x128x64xbf16, #tpu.memory_space<vmem>>
        %dma_start3A_691 = tpu.memref_squeeze %dma_start3A_690 : memref<1x128x64xbf16, #tpu.memory_space<vmem>> -> memref<128x64xbf16, #tpu.memory_space<vmem>>
        %dma_start3A_692 = arith.constant 0 : i32
        %dma_start3A_693 = tpu.memref_slice %arg8[%add3A_686, %dma_start3A_692] : memref<32x128xi32, #tpu.memory_space<vmem>> -> memref<1x128xi32, #tpu.memory_space<vmem>>
        %dma_start3A_694 = tpu.memref_squeeze %dma_start3A_693 : memref<1x128xi32, #tpu.memory_space<vmem>> -> memref<128xi32, #tpu.memory_space<vmem>>
        %dma_start3A_695 = arith.constant 0 : i32
        %dma_start3A_696 = arith.constant 0 : i32
        %dma_start3A_697 = tpu.memref_slice %arg11[%dma_start3A_695, %dma_start3A_696] : memref<10240x64xbf16, #tpu.memory_space<vmem_shared>> -> memref<10240x64xbf16, #tpu.memory_space<vmem_shared>>
        tpu.enqueue_indirect_dma source(%dma_start3A_691 : memref<128x64xbf16, #tpu.memory_space<vmem>>) target(%dma_start3A_697 : memref<10240x64xbf16, #tpu.memory_space<vmem_shared>>) offsets(%dma_start3A_694 : memref<128xi32, #tpu.memory_space<vmem>>) semaphore(%arg15 : memref<!tpu.dma_semaphore, #tpu.memory_space<semaphore_mem>>) {add = true}
        %mul3A_698 = arith.constant 8 : i32
        %mul3A_699 = arith.muli %add3A_518, %mul3A_698 : i32
        %add3A_700 = arith.constant 1 : i32
        %add3A_701 = arith.addi %mul3A_699, %add3A_700 : i32
        %dma_start3A_702 = arith.constant 1 : i32
        %dma_start3A_703 = arith.constant 0 : i32
        %dma_start3A_704 = arith.constant 0 : i32
        %dma_start3A_705 = tpu.memref_slice %arg10[%dma_start3A_702, %dma_start3A_703, %dma_start3A_704] : memref<8x128x64xbf16, #tpu.memory_space<vmem>> -> memref<1x128x64xbf16, #tpu.memory_space<vmem>>
        %dma_start3A_706 = tpu.memref_squeeze %dma_start3A_705 : memref<1x128x64xbf16, #tpu.memory_space<vmem>> -> memref<128x64xbf16, #tpu.memory_space<vmem>>
        %dma_start3A_707 = arith.constant 0 : i32
        %dma_start3A_708 = tpu.memref_slice %arg8[%add3A_701, %dma_start3A_707] : memref<32x128xi32, #tpu.memory_space<vmem>> -> memref<1x128xi32, #tpu.memory_space<vmem>>
        %dma_start3A_709 = tpu.memref_squeeze %dma_start3A_708 : memref<1x128xi32, #tpu.memory_space<vmem>> -> memref<128xi32, #tpu.memory_space<vmem>>
        %dma_start3A_710 = arith.constant 0 : i32
        %dma_start3A_711 = arith.constant 0 : i32
        %dma_start3A_712 = tpu.memref_slice %arg11[%dma_start3A_710, %dma_start3A_711] : memref<10240x64xbf16, #tpu.memory_space<vmem_shared>> -> memref<10240x64xbf16, #tpu.memory_space<vmem_shared>>
        tpu.enqueue_indirect_dma source(%dma_start3A_706 : memref<128x64xbf16, #tpu.memory_space<vmem>>) target(%dma_start3A_712 : memref<10240x64xbf16, #tpu.memory_space<vmem_shared>>) offsets(%dma_start3A_709 : memref<128xi32, #tpu.memory_space<vmem>>) semaphore(%arg15 : memref<!tpu.dma_semaphore, #tpu.memory_space<semaphore_mem>>) {add = true}
        %mul3A_713 = arith.constant 8 : i32
        %mul3A_714 = arith.muli %add3A_518, %mul3A_713 : i32
        %add3A_715 = arith.constant 2 : i32
        %add3A_716 = arith.addi %mul3A_714, %add3A_715 : i32
        %dma_start3A_717 = arith.constant 2 : i32
        %dma_start3A_718 = arith.constant 0 : i32
        %dma_start3A_719 = arith.constant 0 : i32
        %dma_start3A_720 = tpu.memref_slice %arg10[%dma_start3A_717, %dma_start3A_718, %dma_start3A_719] : memref<8x128x64xbf16, #tpu.memory_space<vmem>> -> memref<1x128x64xbf16, #tpu.memory_space<vmem>>
        %dma_start3A_721 = tpu.memref_squeeze %dma_start3A_720 : memref<1x128x64xbf16, #tpu.memory_space<vmem>> -> memref<128x64xbf16, #tpu.memory_space<vmem>>
        %dma_start3A_722 = arith.constant 0 : i32
        %dma_start3A_723 = tpu.memref_slice %arg8[%add3A_716, %dma_start3A_722] : memref<32x128xi32, #tpu.memory_space<vmem>> -> memref<1x128xi32, #tpu.memory_space<vmem>>
        %dma_start3A_724 = tpu.memref_squeeze %dma_start3A_723 : memref<1x128xi32, #tpu.memory_space<vmem>> -> memref<128xi32, #tpu.memory_space<vmem>>
        %dma_start3A_725 = arith.constant 0 : i32
        %dma_start3A_726 = arith.constant 0 : i32
        %dma_start3A_727 = tpu.memref_slice %arg11[%dma_start3A_725, %dma_start3A_726] : memref<10240x64xbf16, #tpu.memory_space<vmem_shared>> -> memref<10240x64xbf16, #tpu.memory_space<vmem_shared>>
        tpu.enqueue_indirect_dma source(%dma_start3A_721 : memref<128x64xbf16, #tpu.memory_space<vmem>>) target(%dma_start3A_727 : memref<10240x64xbf16, #tpu.memory_space<vmem_shared>>) offsets(%dma_start3A_724 : memref<128xi32, #tpu.memory_space<vmem>>) semaphore(%arg15 : memref<!tpu.dma_semaphore, #tpu.memory_space<semaphore_mem>>) {add = true}
        %mul3A_728 = arith.constant 8 : i32
        %mul3A_729 = arith.muli %add3A_518, %mul3A_728 : i32
        %add3A_730 = arith.constant 3 : i32
        %add3A_731 = arith.addi %mul3A_729, %add3A_730 : i32
        %dma_start3A_732 = arith.constant 3 : i32
        %dma_start3A_733 = arith.constant 0 : i32
        %dma_start3A_734 = arith.constant 0 : i32
        %dma_start3A_735 = tpu.memref_slice %arg10[%dma_start3A_732, %dma_start3A_733, %dma_start3A_734] : memref<8x128x64xbf16, #tpu.memory_space<vmem>> -> memref<1x128x64xbf16, #tpu.memory_space<vmem>>
        %dma_start3A_736 = tpu.memref_squeeze %dma_start3A_735 : memref<1x128x64xbf16, #tpu.memory_space<vmem>> -> memref<128x64xbf16, #tpu.memory_space<vmem>>
        %dma_start3A_737 = arith.constant 0 : i32
        %dma_start3A_738 = tpu.memref_slice %arg8[%add3A_731, %dma_start3A_737] : memref<32x128xi32, #tpu.memory_space<vmem>> -> memref<1x128xi32, #tpu.memory_space<vmem>>
        %dma_start3A_739 = tpu.memref_squeeze %dma_start3A_738 : memref<1x128xi32, #tpu.memory_space<vmem>> -> memref<128xi32, #tpu.memory_space<vmem>>
        %dma_start3A_740 = arith.constant 0 : i32
        %dma_start3A_741 = arith.constant 0 : i32
        %dma_start3A_742 = tpu.memref_slice %arg11[%dma_start3A_740, %dma_start3A_741] : memref<10240x64xbf16, #tpu.memory_space<vmem_shared>> -> memref<10240x64xbf16, #tpu.memory_space<vmem_shared>>
        tpu.enqueue_indirect_dma source(%dma_start3A_736 : memref<128x64xbf16, #tpu.memory_space<vmem>>) target(%dma_start3A_742 : memref<10240x64xbf16, #tpu.memory_space<vmem_shared>>) offsets(%dma_start3A_739 : memref<128xi32, #tpu.memory_space<vmem>>) semaphore(%arg15 : memref<!tpu.dma_semaphore, #tpu.memory_space<semaphore_mem>>) {add = true}
        %mul3A_743 = arith.constant 8 : i32
        %mul3A_744 = arith.muli %add3A_518, %mul3A_743 : i32
        %add3A_745 = arith.constant 4 : i32
        %add3A_746 = arith.addi %mul3A_744, %add3A_745 : i32
        %dma_start3A_747 = arith.constant 4 : i32
        %dma_start3A_748 = arith.constant 0 : i32
        %dma_start3A_749 = arith.constant 0 : i32
        %dma_start3A_750 = tpu.memref_slice %arg10[%dma_start3A_747, %dma_start3A_748, %dma_start3A_749] : memref<8x128x64xbf16, #tpu.memory_space<vmem>> -> memref<1x128x64xbf16, #tpu.memory_space<vmem>>
        %dma_start3A_751 = tpu.memref_squeeze %dma_start3A_750 : memref<1x128x64xbf16, #tpu.memory_space<vmem>> -> memref<128x64xbf16, #tpu.memory_space<vmem>>
        %dma_start3A_752 = arith.constant 0 : i32
        %dma_start3A_753 = tpu.memref_slice %arg8[%add3A_746, %dma_start3A_752] : memref<32x128xi32, #tpu.memory_space<vmem>> -> memref<1x128xi32, #tpu.memory_space<vmem>>
        %dma_start3A_754 = tpu.memref_squeeze %dma_start3A_753 : memref<1x128xi32, #tpu.memory_space<vmem>> -> memref<128xi32, #tpu.memory_space<vmem>>
        %dma_start3A_755 = arith.constant 0 : i32
        %dma_start3A_756 = arith.constant 0 : i32
        %dma_start3A_757 = tpu.memref_slice %arg11[%dma_start3A_755, %dma_start3A_756] : memref<10240x64xbf16, #tpu.memory_space<vmem_shared>> -> memref<10240x64xbf16, #tpu.memory_space<vmem_shared>>
        tpu.enqueue_indirect_dma source(%dma_start3A_751 : memref<128x64xbf16, #tpu.memory_space<vmem>>) target(%dma_start3A_757 : memref<10240x64xbf16, #tpu.memory_space<vmem_shared>>) offsets(%dma_start3A_754 : memref<128xi32, #tpu.memory_space<vmem>>) semaphore(%arg15 : memref<!tpu.dma_semaphore, #tpu.memory_space<semaphore_mem>>) {add = true}
        %mul3A_758 = arith.constant 8 : i32
        %mul3A_759 = arith.muli %add3A_518, %mul3A_758 : i32
        %add3A_760 = arith.constant 5 : i32
        %add3A_761 = arith.addi %mul3A_759, %add3A_760 : i32
        %dma_start3A_762 = arith.constant 5 : i32
        %dma_start3A_763 = arith.constant 0 : i32
        %dma_start3A_764 = arith.constant 0 : i32
        %dma_start3A_765 = tpu.memref_slice %arg10[%dma_start3A_762, %dma_start3A_763, %dma_start3A_764] : memref<8x128x64xbf16, #tpu.memory_space<vmem>> -> memref<1x128x64xbf16, #tpu.memory_space<vmem>>
        %dma_start3A_766 = tpu.memref_squeeze %dma_start3A_765 : memref<1x128x64xbf16, #tpu.memory_space<vmem>> -> memref<128x64xbf16, #tpu.memory_space<vmem>>
        %dma_start3A_767 = arith.constant 0 : i32
        %dma_start3A_768 = tpu.memref_slice %arg8[%add3A_761, %dma_start3A_767] : memref<32x128xi32, #tpu.memory_space<vmem>> -> memref<1x128xi32, #tpu.memory_space<vmem>>
        %dma_start3A_769 = tpu.memref_squeeze %dma_start3A_768 : memref<1x128xi32, #tpu.memory_space<vmem>> -> memref<128xi32, #tpu.memory_space<vmem>>
        %dma_start3A_770 = arith.constant 0 : i32
        %dma_start3A_771 = arith.constant 0 : i32
        %dma_start3A_772 = tpu.memref_slice %arg11[%dma_start3A_770, %dma_start3A_771] : memref<10240x64xbf16, #tpu.memory_space<vmem_shared>> -> memref<10240x64xbf16, #tpu.memory_space<vmem_shared>>
        tpu.enqueue_indirect_dma source(%dma_start3A_766 : memref<128x64xbf16, #tpu.memory_space<vmem>>) target(%dma_start3A_772 : memref<10240x64xbf16, #tpu.memory_space<vmem_shared>>) offsets(%dma_start3A_769 : memref<128xi32, #tpu.memory_space<vmem>>) semaphore(%arg15 : memref<!tpu.dma_semaphore, #tpu.memory_space<semaphore_mem>>) {add = true}
        %mul3A_773 = arith.constant 8 : i32
        %mul3A_774 = arith.muli %add3A_518, %mul3A_773 : i32
        %add3A_775 = arith.constant 6 : i32
        %add3A_776 = arith.addi %mul3A_774, %add3A_775 : i32
        %dma_start3A_777 = arith.constant 6 : i32
        %dma_start3A_778 = arith.constant 0 : i32
        %dma_start3A_779 = arith.constant 0 : i32
        %dma_start3A_780 = tpu.memref_slice %arg10[%dma_start3A_777, %dma_start3A_778, %dma_start3A_779] : memref<8x128x64xbf16, #tpu.memory_space<vmem>> -> memref<1x128x64xbf16, #tpu.memory_space<vmem>>
        %dma_start3A_781 = tpu.memref_squeeze %dma_start3A_780 : memref<1x128x64xbf16, #tpu.memory_space<vmem>> -> memref<128x64xbf16, #tpu.memory_space<vmem>>
        %dma_start3A_782 = arith.constant 0 : i32
        %dma_start3A_783 = tpu.memref_slice %arg8[%add3A_776, %dma_start3A_782] : memref<32x128xi32, #tpu.memory_space<vmem>> -> memref<1x128xi32, #tpu.memory_space<vmem>>
        %dma_start3A_784 = tpu.memref_squeeze %dma_start3A_783 : memref<1x128xi32, #tpu.memory_space<vmem>> -> memref<128xi32, #tpu.memory_space<vmem>>
        %dma_start3A_785 = arith.constant 0 : i32
        %dma_start3A_786 = arith.constant 0 : i32
        %dma_start3A_787 = tpu.memref_slice %arg11[%dma_start3A_785, %dma_start3A_786] : memref<10240x64xbf16, #tpu.memory_space<vmem_shared>> -> memref<10240x64xbf16, #tpu.memory_space<vmem_shared>>
        tpu.enqueue_indirect_dma source(%dma_start3A_781 : memref<128x64xbf16, #tpu.memory_space<vmem>>) target(%dma_start3A_787 : memref<10240x64xbf16, #tpu.memory_space<vmem_shared>>) offsets(%dma_start3A_784 : memref<128xi32, #tpu.memory_space<vmem>>) semaphore(%arg15 : memref<!tpu.dma_semaphore, #tpu.memory_space<semaphore_mem>>) {add = true}
        %mul3A_788 = arith.constant 8 : i32
        %mul3A_789 = arith.muli %add3A_518, %mul3A_788 : i32
        %add3A_790 = arith.constant 7 : i32
        %add3A_791 = arith.addi %mul3A_789, %add3A_790 : i32
        %dma_start3A_792 = arith.constant 7 : i32
        %dma_start3A_793 = arith.constant 0 : i32
        %dma_start3A_794 = arith.constant 0 : i32
        %dma_start3A_795 = tpu.memref_slice %arg10[%dma_start3A_792, %dma_start3A_793, %dma_start3A_794] : memref<8x128x64xbf16, #tpu.memory_space<vmem>> -> memref<1x128x64xbf16, #tpu.memory_space<vmem>>
        %dma_start3A_796 = tpu.memref_squeeze %dma_start3A_795 : memref<1x128x64xbf16, #tpu.memory_space<vmem>> -> memref<128x64xbf16, #tpu.memory_space<vmem>>
        %dma_start3A_797 = arith.constant 0 : i32
        %dma_start3A_798 = tpu.memref_slice %arg8[%add3A_791, %dma_start3A_797] : memref<32x128xi32, #tpu.memory_space<vmem>> -> memref<1x128xi32, #tpu.memory_space<vmem>>
        %dma_start3A_799 = tpu.memref_squeeze %dma_start3A_798 : memref<1x128xi32, #tpu.memory_space<vmem>> -> memref<128xi32, #tpu.memory_space<vmem>>
        %dma_start3A_800 = arith.constant 0 : i32
        %dma_start3A_801 = arith.constant 0 : i32
        %dma_start3A_802 = tpu.memref_slice %arg11[%dma_start3A_800, %dma_start3A_801] : memref<10240x64xbf16, #tpu.memory_space<vmem_shared>> -> memref<10240x64xbf16, #tpu.memory_space<vmem_shared>>
        tpu.enqueue_indirect_dma source(%dma_start3A_796 : memref<128x64xbf16, #tpu.memory_space<vmem>>) target(%dma_start3A_802 : memref<10240x64xbf16, #tpu.memory_space<vmem_shared>>) offsets(%dma_start3A_799 : memref<128xi32, #tpu.memory_space<vmem>>) semaphore(%arg15 : memref<!tpu.dma_semaphore, #tpu.memory_space<semaphore_mem>>) {add = true}
      }
      %scan3A_134 = arith.constant 2 : i32
      %dma_wait3A = arith.constant 0 : i32
      %dma_wait3A_135 = arith.constant 24 : i32
      %dma_wait3A_136 = arith.constant 0 : i32
      %dma_wait3A_137 = arith.constant 0 : i32
      %dma_wait3A_138 = tpu.memref_slice %arg10[%dma_wait3A, %dma_wait3A_136, %dma_wait3A_137] : memref<8x128x64xbf16, #tpu.memory_space<vmem>> -> memref<1x128x64xbf16, #tpu.memory_space<vmem>>
      %dma_wait3A_139 = tpu.memref_squeeze %dma_wait3A_138 : memref<1x128x64xbf16, #tpu.memory_space<vmem>> -> memref<128x64xbf16, #tpu.memory_space<vmem>>
      %dma_wait3A_140 = arith.constant 0 : i32
      %dma_wait3A_141 = tpu.memref_slice %arg8[%dma_wait3A_135, %dma_wait3A_140] : memref<32x128xi32, #tpu.memory_space<vmem>> -> memref<1x128xi32, #tpu.memory_space<vmem>>
      %dma_wait3A_142 = tpu.memref_squeeze %dma_wait3A_141 : memref<1x128xi32, #tpu.memory_space<vmem>> -> memref<128xi32, #tpu.memory_space<vmem>>
      %dma_wait3A_143 = arith.constant 0 : i32
      %dma_wait3A_144 = arith.constant 0 : i32
      %dma_wait3A_145 = tpu.memref_slice %arg11[%dma_wait3A_143, %dma_wait3A_144] : memref<10240x64xbf16, #tpu.memory_space<vmem_shared>> -> memref<10240x64xbf16, #tpu.memory_space<vmem_shared>>
      tpu.wait_indirect_dma semaphore(%arg15 : memref<!tpu.dma_semaphore, #tpu.memory_space<semaphore_mem>>) src(%dma_wait3A_139 : memref<128x64xbf16, #tpu.memory_space<vmem>>) dst(%dma_wait3A_145 : memref<10240x64xbf16, #tpu.memory_space<vmem_shared>>)
      %dma_wait3A_146 = arith.constant 1 : i32
      %dma_wait3A_147 = arith.constant 25 : i32
      %dma_wait3A_148 = arith.constant 0 : i32
      %dma_wait3A_149 = arith.constant 0 : i32
      %dma_wait3A_150 = tpu.memref_slice %arg10[%dma_wait3A_146, %dma_wait3A_148, %dma_wait3A_149] : memref<8x128x64xbf16, #tpu.memory_space<vmem>> -> memref<1x128x64xbf16, #tpu.memory_space<vmem>>
      %dma_wait3A_151 = tpu.memref_squeeze %dma_wait3A_150 : memref<1x128x64xbf16, #tpu.memory_space<vmem>> -> memref<128x64xbf16, #tpu.memory_space<vmem>>
      %dma_wait3A_152 = arith.constant 0 : i32
      %dma_wait3A_153 = tpu.memref_slice %arg8[%dma_wait3A_147, %dma_wait3A_152] : memref<32x128xi32, #tpu.memory_space<vmem>> -> memref<1x128xi32, #tpu.memory_space<vmem>>
      %dma_wait3A_154 = tpu.memref_squeeze %dma_wait3A_153 : memref<1x128xi32, #tpu.memory_space<vmem>> -> memref<128xi32, #tpu.memory_space<vmem>>
      %dma_wait3A_155 = arith.constant 0 : i32
      %dma_wait3A_156 = arith.constant 0 : i32
      %dma_wait3A_157 = tpu.memref_slice %arg11[%dma_wait3A_155, %dma_wait3A_156] : memref<10240x64xbf16, #tpu.memory_space<vmem_shared>> -> memref<10240x64xbf16, #tpu.memory_space<vmem_shared>>
      tpu.wait_indirect_dma semaphore(%arg15 : memref<!tpu.dma_semaphore, #tpu.memory_space<semaphore_mem>>) src(%dma_wait3A_151 : memref<128x64xbf16, #tpu.memory_space<vmem>>) dst(%dma_wait3A_157 : memref<10240x64xbf16, #tpu.memory_space<vmem_shared>>)
      %dma_wait3A_158 = arith.constant 2 : i32
      %dma_wait3A_159 = arith.constant 26 : i32
      %dma_wait3A_160 = arith.constant 0 : i32
      %dma_wait3A_161 = arith.constant 0 : i32
      %dma_wait3A_162 = tpu.memref_slice %arg10[%dma_wait3A_158, %dma_wait3A_160, %dma_wait3A_161] : memref<8x128x64xbf16, #tpu.memory_space<vmem>> -> memref<1x128x64xbf16, #tpu.memory_space<vmem>>
      %dma_wait3A_163 = tpu.memref_squeeze %dma_wait3A_162 : memref<1x128x64xbf16, #tpu.memory_space<vmem>> -> memref<128x64xbf16, #tpu.memory_space<vmem>>
      %dma_wait3A_164 = arith.constant 0 : i32
      %dma_wait3A_165 = tpu.memref_slice %arg8[%dma_wait3A_159, %dma_wait3A_164] : memref<32x128xi32, #tpu.memory_space<vmem>> -> memref<1x128xi32, #tpu.memory_space<vmem>>
      %dma_wait3A_166 = tpu.memref_squeeze %dma_wait3A_165 : memref<1x128xi32, #tpu.memory_space<vmem>> -> memref<128xi32, #tpu.memory_space<vmem>>
      %dma_wait3A_167 = arith.constant 0 : i32
      %dma_wait3A_168 = arith.constant 0 : i32
      %dma_wait3A_169 = tpu.memref_slice %arg11[%dma_wait3A_167, %dma_wait3A_168] : memref<10240x64xbf16, #tpu.memory_space<vmem_shared>> -> memref<10240x64xbf16, #tpu.memory_space<vmem_shared>>
      tpu.wait_indirect_dma semaphore(%arg15 : memref<!tpu.dma_semaphore, #tpu.memory_space<semaphore_mem>>) src(%dma_wait3A_163 : memref<128x64xbf16, #tpu.memory_space<vmem>>) dst(%dma_wait3A_169 : memref<10240x64xbf16, #tpu.memory_space<vmem_shared>>)
      %dma_wait3A_170 = arith.constant 3 : i32
      %dma_wait3A_171 = arith.constant 27 : i32
      %dma_wait3A_172 = arith.constant 0 : i32
      %dma_wait3A_173 = arith.constant 0 : i32
      %dma_wait3A_174 = tpu.memref_slice %arg10[%dma_wait3A_170, %dma_wait3A_172, %dma_wait3A_173] : memref<8x128x64xbf16, #tpu.memory_space<vmem>> -> memref<1x128x64xbf16, #tpu.memory_space<vmem>>
      %dma_wait3A_175 = tpu.memref_squeeze %dma_wait3A_174 : memref<1x128x64xbf16, #tpu.memory_space<vmem>> -> memref<128x64xbf16, #tpu.memory_space<vmem>>
      %dma_wait3A_176 = arith.constant 0 : i32
      %dma_wait3A_177 = tpu.memref_slice %arg8[%dma_wait3A_171, %dma_wait3A_176] : memref<32x128xi32, #tpu.memory_space<vmem>> -> memref<1x128xi32, #tpu.memory_space<vmem>>
      %dma_wait3A_178 = tpu.memref_squeeze %dma_wait3A_177 : memref<1x128xi32, #tpu.memory_space<vmem>> -> memref<128xi32, #tpu.memory_space<vmem>>
      %dma_wait3A_179 = arith.constant 0 : i32
      %dma_wait3A_180 = arith.constant 0 : i32
      %dma_wait3A_181 = tpu.memref_slice %arg11[%dma_wait3A_179, %dma_wait3A_180] : memref<10240x64xbf16, #tpu.memory_space<vmem_shared>> -> memref<10240x64xbf16, #tpu.memory_space<vmem_shared>>
      tpu.wait_indirect_dma semaphore(%arg15 : memref<!tpu.dma_semaphore, #tpu.memory_space<semaphore_mem>>) src(%dma_wait3A_175 : memref<128x64xbf16, #tpu.memory_space<vmem>>) dst(%dma_wait3A_181 : memref<10240x64xbf16, #tpu.memory_space<vmem_shared>>)
      %dma_wait3A_182 = arith.constant 4 : i32
      %dma_wait3A_183 = arith.constant 28 : i32
      %dma_wait3A_184 = arith.constant 0 : i32
      %dma_wait3A_185 = arith.constant 0 : i32
      %dma_wait3A_186 = tpu.memref_slice %arg10[%dma_wait3A_182, %dma_wait3A_184, %dma_wait3A_185] : memref<8x128x64xbf16, #tpu.memory_space<vmem>> -> memref<1x128x64xbf16, #tpu.memory_space<vmem>>
      %dma_wait3A_187 = tpu.memref_squeeze %dma_wait3A_186 : memref<1x128x64xbf16, #tpu.memory_space<vmem>> -> memref<128x64xbf16, #tpu.memory_space<vmem>>
      %dma_wait3A_188 = arith.constant 0 : i32
      %dma_wait3A_189 = tpu.memref_slice %arg8[%dma_wait3A_183, %dma_wait3A_188] : memref<32x128xi32, #tpu.memory_space<vmem>> -> memref<1x128xi32, #tpu.memory_space<vmem>>
      %dma_wait3A_190 = tpu.memref_squeeze %dma_wait3A_189 : memref<1x128xi32, #tpu.memory_space<vmem>> -> memref<128xi32, #tpu.memory_space<vmem>>
      %dma_wait3A_191 = arith.constant 0 : i32
      %dma_wait3A_192 = arith.constant 0 : i32
      %dma_wait3A_193 = tpu.memref_slice %arg11[%dma_wait3A_191, %dma_wait3A_192] : memref<10240x64xbf16, #tpu.memory_space<vmem_shared>> -> memref<10240x64xbf16, #tpu.memory_space<vmem_shared>>
      tpu.wait_indirect_dma semaphore(%arg15 : memref<!tpu.dma_semaphore, #tpu.memory_space<semaphore_mem>>) src(%dma_wait3A_187 : memref<128x64xbf16, #tpu.memory_space<vmem>>) dst(%dma_wait3A_193 : memref<10240x64xbf16, #tpu.memory_space<vmem_shared>>)
      %dma_wait3A_194 = arith.constant 5 : i32
      %dma_wait3A_195 = arith.constant 29 : i32
      %dma_wait3A_196 = arith.constant 0 : i32
      %dma_wait3A_197 = arith.constant 0 : i32
      %dma_wait3A_198 = tpu.memref_slice %arg10[%dma_wait3A_194, %dma_wait3A_196, %dma_wait3A_197] : memref<8x128x64xbf16, #tpu.memory_space<vmem>> -> memref<1x128x64xbf16, #tpu.memory_space<vmem>>
      %dma_wait3A_199 = tpu.memref_squeeze %dma_wait3A_198 : memref<1x128x64xbf16, #tpu.memory_space<vmem>> -> memref<128x64xbf16, #tpu.memory_space<vmem>>
      %dma_wait3A_200 = arith.constant 0 : i32
      %dma_wait3A_201 = tpu.memref_slice %arg8[%dma_wait3A_195, %dma_wait3A_200] : memref<32x128xi32, #tpu.memory_space<vmem>> -> memref<1x128xi32, #tpu.memory_space<vmem>>
      %dma_wait3A_202 = tpu.memref_squeeze %dma_wait3A_201 : memref<1x128xi32, #tpu.memory_space<vmem>> -> memref<128xi32, #tpu.memory_space<vmem>>
      %dma_wait3A_203 = arith.constant 0 : i32
      %dma_wait3A_204 = arith.constant 0 : i32
      %dma_wait3A_205 = tpu.memref_slice %arg11[%dma_wait3A_203, %dma_wait3A_204] : memref<10240x64xbf16, #tpu.memory_space<vmem_shared>> -> memref<10240x64xbf16, #tpu.memory_space<vmem_shared>>
      tpu.wait_indirect_dma semaphore(%arg15 : memref<!tpu.dma_semaphore, #tpu.memory_space<semaphore_mem>>) src(%dma_wait3A_199 : memref<128x64xbf16, #tpu.memory_space<vmem>>) dst(%dma_wait3A_205 : memref<10240x64xbf16, #tpu.memory_space<vmem_shared>>)
      %dma_wait3A_206 = arith.constant 6 : i32
      %dma_wait3A_207 = arith.constant 30 : i32
      %dma_wait3A_208 = arith.constant 0 : i32
      %dma_wait3A_209 = arith.constant 0 : i32
      %dma_wait3A_210 = tpu.memref_slice %arg10[%dma_wait3A_206, %dma_wait3A_208, %dma_wait3A_209] : memref<8x128x64xbf16, #tpu.memory_space<vmem>> -> memref<1x128x64xbf16, #tpu.memory_space<vmem>>
      %dma_wait3A_211 = tpu.memref_squeeze %dma_wait3A_210 : memref<1x128x64xbf16, #tpu.memory_space<vmem>> -> memref<128x64xbf16, #tpu.memory_space<vmem>>
      %dma_wait3A_212 = arith.constant 0 : i32
      %dma_wait3A_213 = tpu.memref_slice %arg8[%dma_wait3A_207, %dma_wait3A_212] : memref<32x128xi32, #tpu.memory_space<vmem>> -> memref<1x128xi32, #tpu.memory_space<vmem>>
      %dma_wait3A_214 = tpu.memref_squeeze %dma_wait3A_213 : memref<1x128xi32, #tpu.memory_space<vmem>> -> memref<128xi32, #tpu.memory_space<vmem>>
      %dma_wait3A_215 = arith.constant 0 : i32
      %dma_wait3A_216 = arith.constant 0 : i32
      %dma_wait3A_217 = tpu.memref_slice %arg11[%dma_wait3A_215, %dma_wait3A_216] : memref<10240x64xbf16, #tpu.memory_space<vmem_shared>> -> memref<10240x64xbf16, #tpu.memory_space<vmem_shared>>
      tpu.wait_indirect_dma semaphore(%arg15 : memref<!tpu.dma_semaphore, #tpu.memory_space<semaphore_mem>>) src(%dma_wait3A_211 : memref<128x64xbf16, #tpu.memory_space<vmem>>) dst(%dma_wait3A_217 : memref<10240x64xbf16, #tpu.memory_space<vmem_shared>>)
      %dma_wait3A_218 = arith.constant 7 : i32
      %dma_wait3A_219 = arith.constant 31 : i32
      %dma_wait3A_220 = arith.constant 0 : i32
      %dma_wait3A_221 = arith.constant 0 : i32
      %dma_wait3A_222 = tpu.memref_slice %arg10[%dma_wait3A_218, %dma_wait3A_220, %dma_wait3A_221] : memref<8x128x64xbf16, #tpu.memory_space<vmem>> -> memref<1x128x64xbf16, #tpu.memory_space<vmem>>
      %dma_wait3A_223 = tpu.memref_squeeze %dma_wait3A_222 : memref<1x128x64xbf16, #tpu.memory_space<vmem>> -> memref<128x64xbf16, #tpu.memory_space<vmem>>
      %dma_wait3A_224 = arith.constant 0 : i32
      %dma_wait3A_225 = tpu.memref_slice %arg8[%dma_wait3A_219, %dma_wait3A_224] : memref<32x128xi32, #tpu.memory_space<vmem>> -> memref<1x128xi32, #tpu.memory_space<vmem>>
      %dma_wait3A_226 = tpu.memref_squeeze %dma_wait3A_225 : memref<1x128xi32, #tpu.memory_space<vmem>> -> memref<128xi32, #tpu.memory_space<vmem>>
      %dma_wait3A_227 = arith.constant 0 : i32
      %dma_wait3A_228 = arith.constant 0 : i32
      %dma_wait3A_229 = tpu.memref_slice %arg11[%dma_wait3A_227, %dma_wait3A_228] : memref<10240x64xbf16, #tpu.memory_space<vmem_shared>> -> memref<10240x64xbf16, #tpu.memory_space<vmem_shared>>
      tpu.wait_indirect_dma semaphore(%arg15 : memref<!tpu.dma_semaphore, #tpu.memory_space<semaphore_mem>>) src(%dma_wait3A_223 : memref<128x64xbf16, #tpu.memory_space<vmem>>) dst(%dma_wait3A_229 : memref<10240x64xbf16, #tpu.memory_space<vmem_shared>>)
    }
    %scan3A_7 = arith.constant 5 : i32
    %barrier3A_8 = arith.constant 0 : index
    tpu.barrier barrier_id(%barrier3A_8)
    %mul3A_9 = arith.constant 640 : i32
    %mul3A_10 = arith.muli %arg1, %mul3A_9 : i32
    %mul3A_11 = arith.constant 640 : i32
    %mul3A_12 = arith.muli %arg1, %mul3A_11 : i32
    "tpu.region"() ({
      %run_scoped3A = tpu.sem_alloc : memref<!tpu.dma_semaphore, #tpu.memory_space<semaphore_mem>>
      %dma_start3A = arith.constant 0 : i32
      %dma_start3A_13 = tpu.memref_slice %arg6[%arg0, %mul3A_12, %dma_start3A] : memref<2x10240x64xbf16, #tpu.memory_space<hbm>> -> memref<1x640x64xbf16, #tpu.memory_space<hbm>>
      %dma_start3A_14 = tpu.memref_squeeze %dma_start3A_13 : memref<1x640x64xbf16, #tpu.memory_space<hbm>> -> memref<640x64xbf16, #tpu.memory_space<hbm>>
      %dma_start3A_15 = arith.constant 0 : i32
      %dma_start3A_16 = tpu.memref_slice %arg11[%mul3A_10, %dma_start3A_15] : memref<10240x64xbf16, #tpu.memory_space<vmem_shared>> -> memref<640x64xbf16, #tpu.memory_space<vmem_shared>>
      tpu.enqueue_dma source(%dma_start3A_16 : memref<640x64xbf16, #tpu.memory_space<vmem_shared>>) target(%dma_start3A_14 : memref<640x64xbf16, #tpu.memory_space<hbm>>) target_semaphore(%run_scoped3A : memref<!tpu.dma_semaphore, #tpu.memory_space<semaphore_mem>>)
      %dma_wait3A = arith.constant 0 : i32
      %dma_wait3A_17 = tpu.memref_slice %arg6[%arg0, %mul3A_12, %dma_wait3A] : memref<2x10240x64xbf16, #tpu.memory_space<hbm>> -> memref<1x640x64xbf16, #tpu.memory_space<hbm>>
      %dma_wait3A_18 = tpu.memref_squeeze %dma_wait3A_17 : memref<1x640x64xbf16, #tpu.memory_space<hbm>> -> memref<640x64xbf16, #tpu.memory_space<hbm>>
      %dma_wait3A_19 = arith.constant 0 : i32
      %dma_wait3A_20 = tpu.memref_slice %arg11[%mul3A_10, %dma_wait3A_19] : memref<10240x64xbf16, #tpu.memory_space<vmem_shared>> -> memref<640x64xbf16, #tpu.memory_space<vmem_shared>>
      tpu.wait_dma2 semaphore(%run_scoped3A : memref<!tpu.dma_semaphore, #tpu.memory_space<semaphore_mem>>) src(%dma_wait3A_20 : memref<640x64xbf16, #tpu.memory_space<vmem_shared>>) dst(%dma_wait3A_18 : memref<640x64xbf16, #tpu.memory_space<hbm>>)
      tpu.yield
    }) : () -> ()
    return
  }
}

#map = affine_map<(d0, d1) -> (0, 0)>
#map1 = affine_map<(d0, d1) -> (0)>
#map2 = affine_map<(d0, d1) -> (0, 0, 0)>
module attributes {stable_mosaic.version = 14 : i64} {
  func.func @agg(%arg0: i32, %arg1: i32, %arg2: memref<10000x16xf32, #tpu.memory_space<hbm>>, %arg3: memref<327680xi32, #tpu.memory_space<hbm>>, %arg4: memref<2560x128xi32, #tpu.memory_space<hbm>>, %arg5: memref<640x16xf32, #tpu.memory_space<hbm>>, %arg6: memref<2x10240x16xf32, #tpu.memory_space<hbm>>, %arg7: memref<2048xi32, #tpu.memory_space<vmem>>, %arg8: memref<16x128xi32, #tpu.memory_space<vmem>>, %arg9: memref<8x128x16xf32, #tpu.memory_space<vmem>>, %arg10: memref<8x128x16xf32, #tpu.memory_space<vmem>>, %arg11: memref<10240x16xf32, #tpu.memory_space<vmem_shared>>, %arg12: memref<!tpu.dma_semaphore, #tpu.memory_space<semaphore_mem>>, %arg13: memref<!tpu.dma_semaphore, #tpu.memory_space<semaphore_mem>>, %arg14: memref<!tpu.dma_semaphore, #tpu.memory_space<semaphore_mem>>, %arg15: memref<!tpu.dma_semaphore, #tpu.memory_space<semaphore_mem>>) attributes {dimension_semantics = [#tpu.dimension_semantics<core_parallel>, #tpu.dimension_semantics<subcore_parallel>], iteration_bounds = array<i64: 2, 16>, scalar_prefetch = 0 : i64, scratch_operands = 9 : i64, tpu.core_type = #tpu.core_type<sc_vector_subcore>, window_params = [{transform_indices = #map}, {transform_indices = #map1}, {transform_indices = #map}, {transform_indices = #map}, {transform_indices = #map2}]} {
    %mul3A = arith.constant 640 : i32
    %mul3A_0 = arith.muli %arg1, %mul3A : i32
    "tpu.region"() ({
      %run_scoped3A = tpu.sem_alloc : memref<!tpu.dma_semaphore, #tpu.memory_space<semaphore_mem>>
      %dma_start3A = arith.constant 0 : i32
      %dma_start3A_15 = tpu.memref_slice %arg11[%mul3A_0, %dma_start3A] : memref<10240x16xf32, #tpu.memory_space<vmem_shared>> -> memref<640x16xf32, #tpu.memory_space<vmem_shared>>
      tpu.enqueue_dma source(%arg5 : memref<640x16xf32, #tpu.memory_space<hbm>>) target(%dma_start3A_15 : memref<640x16xf32, #tpu.memory_space<vmem_shared>>) target_semaphore(%run_scoped3A : memref<!tpu.dma_semaphore, #tpu.memory_space<semaphore_mem>>)
      %dma_wait3A = arith.constant 0 : i32
      %dma_wait3A_16 = tpu.memref_slice %arg11[%mul3A_0, %dma_wait3A] : memref<10240x16xf32, #tpu.memory_space<vmem_shared>> -> memref<640x16xf32, #tpu.memory_space<vmem_shared>>
      tpu.wait_dma2 semaphore(%run_scoped3A : memref<!tpu.dma_semaphore, #tpu.memory_space<semaphore_mem>>) src(%arg5 : memref<640x16xf32, #tpu.memory_space<hbm>>) dst(%dma_wait3A_16 : memref<640x16xf32, #tpu.memory_space<vmem_shared>>)
      tpu.yield
    }) : () -> ()
    %barrier3A = arith.constant 0 : index
    tpu.barrier barrier_id(%barrier3A)
    %mul3A_1 = arith.constant 16 : i32
    %mul3A_2 = arith.muli %arg0, %mul3A_1 : i32
    %add3A = arith.addi %mul3A_2, %arg1 : i32
    %mul3A_3 = arith.constant 80 : i32
    %mul3A_4 = arith.muli %add3A, %mul3A_3 : i32
    %scan3A = arith.constant 0 : i32
    %scan3A_5 = arith.constant 0 : i32
    %scan3A_6 = arith.constant 5 : i32
    %scan3A_7 = arith.addi %scan3A_5, %scan3A_6 : i32
    %scan3A_8 = arith.constant 1 : i32
    scf.for %scan3A_15 = %scan3A_5 to %scan3A_7 step %scan3A_8  : i32 {
      %mul3A_16 = arith.constant 16 : i32
      %mul3A_17 = arith.muli %scan3A_15, %mul3A_16 : i32
      %add3A_18 = arith.addi %mul3A_4, %mul3A_17 : i32
      %mul3A_19 = arith.constant 128 : i32
      %mul3A_20 = arith.muli %add3A_18, %mul3A_19 : i32
      "tpu.region"() ({
        %run_scoped3A = tpu.sem_alloc : memref<!tpu.dma_semaphore, #tpu.memory_space<semaphore_mem>>
        %dma_start3A_706 = tpu.memref_slice %arg3[%mul3A_20] : memref<327680xi32, #tpu.memory_space<hbm>> -> memref<2048xi32, #tpu.memory_space<hbm>>
        %dma_start3A_707 = tpu.memref_slice %arg3[%mul3A_20] : memref<327680xi32, #tpu.memory_space<hbm>> -> memref<2048xi32, #tpu.memory_space<hbm>>
        tpu.enqueue_dma source(%dma_start3A_707 : memref<2048xi32, #tpu.memory_space<hbm>>) target(%arg7 : memref<2048xi32, #tpu.memory_space<vmem>>) target_semaphore(%run_scoped3A : memref<!tpu.dma_semaphore, #tpu.memory_space<semaphore_mem>>)
        %dma_wait3A_708 = tpu.memref_slice %arg3[%mul3A_20] : memref<327680xi32, #tpu.memory_space<hbm>> -> memref<2048xi32, #tpu.memory_space<hbm>>
        %dma_wait3A_709 = tpu.memref_slice %arg3[%mul3A_20] : memref<327680xi32, #tpu.memory_space<hbm>> -> memref<2048xi32, #tpu.memory_space<hbm>>
        tpu.wait_dma2 semaphore(%run_scoped3A : memref<!tpu.dma_semaphore, #tpu.memory_space<semaphore_mem>>) src(%dma_wait3A_709 : memref<2048xi32, #tpu.memory_space<hbm>>) dst(%arg7 : memref<2048xi32, #tpu.memory_space<vmem>>)
        tpu.yield
      }) : () -> ()
      "tpu.region"() ({
        %run_scoped3A = tpu.sem_alloc : memref<!tpu.dma_semaphore, #tpu.memory_space<semaphore_mem>>
        %dma_start3A_706 = arith.constant 0 : i32
        %dma_start3A_707 = tpu.memref_slice %arg4[%add3A_18, %dma_start3A_706] : memref<2560x128xi32, #tpu.memory_space<hbm>> -> memref<16x128xi32, #tpu.memory_space<hbm>>
        %dma_start3A_708 = arith.constant 0 : i32
        %dma_start3A_709 = tpu.memref_slice %arg4[%add3A_18, %dma_start3A_708] : memref<2560x128xi32, #tpu.memory_space<hbm>> -> memref<16x128xi32, #tpu.memory_space<hbm>>
        tpu.enqueue_dma source(%dma_start3A_709 : memref<16x128xi32, #tpu.memory_space<hbm>>) target(%arg8 : memref<16x128xi32, #tpu.memory_space<vmem>>) target_semaphore(%run_scoped3A : memref<!tpu.dma_semaphore, #tpu.memory_space<semaphore_mem>>)
        %dma_wait3A_710 = arith.constant 0 : i32
        %dma_wait3A_711 = tpu.memref_slice %arg4[%add3A_18, %dma_wait3A_710] : memref<2560x128xi32, #tpu.memory_space<hbm>> -> memref<16x128xi32, #tpu.memory_space<hbm>>
        %dma_wait3A_712 = arith.constant 0 : i32
        %dma_wait3A_713 = tpu.memref_slice %arg4[%add3A_18, %dma_wait3A_712] : memref<2560x128xi32, #tpu.memory_space<hbm>> -> memref<16x128xi32, #tpu.memory_space<hbm>>
        tpu.wait_dma2 semaphore(%run_scoped3A : memref<!tpu.dma_semaphore, #tpu.memory_space<semaphore_mem>>) src(%dma_wait3A_713 : memref<16x128xi32, #tpu.memory_space<hbm>>) dst(%arg8 : memref<16x128xi32, #tpu.memory_space<vmem>>)
        tpu.yield
      }) : () -> ()
      %dma_start3A = arith.constant 0 : i32
      %dma_start3A_21 = arith.constant 0 : i32
      %dma_start3A_22 = arith.constant 0 : i32
      %dma_start3A_23 = tpu.memref_slice %arg9[%dma_start3A, %dma_start3A_21, %dma_start3A_22] : memref<8x128x16xf32, #tpu.memory_space<vmem>> -> memref<1x128x16xf32, #tpu.memory_space<vmem>>
      %dma_start3A_24 = tpu.memref_squeeze %dma_start3A_23 : memref<1x128x16xf32, #tpu.memory_space<vmem>> -> memref<128x16xf32, #tpu.memory_space<vmem>>
      %dma_start3A_25 = arith.constant 0 : i32
      %dma_start3A_26 = tpu.memref_slice %arg7[%dma_start3A_25] : memref<2048xi32, #tpu.memory_space<vmem>> -> memref<128xi32, #tpu.memory_space<vmem>>
      %dma_start3A_27 = arith.constant 0 : i32
      %dma_start3A_28 = arith.constant 0 : i32
      %dma_start3A_29 = tpu.memref_slice %arg2[%dma_start3A_27, %dma_start3A_28] : memref<10000x16xf32, #tpu.memory_space<hbm>> -> memref<10000x16xf32, #tpu.memory_space<hbm>>
      tpu.enqueue_indirect_dma source(%dma_start3A_29 : memref<10000x16xf32, #tpu.memory_space<hbm>>) target(%dma_start3A_24 : memref<128x16xf32, #tpu.memory_space<vmem>>) offsets(%dma_start3A_26 : memref<128xi32, #tpu.memory_space<vmem>>) semaphore(%arg12 : memref<!tpu.dma_semaphore, #tpu.memory_space<semaphore_mem>>)
      %dma_start3A_30 = arith.constant 1 : i32
      %dma_start3A_31 = arith.constant 0 : i32
      %dma_start3A_32 = arith.constant 0 : i32
      %dma_start3A_33 = tpu.memref_slice %arg9[%dma_start3A_30, %dma_start3A_31, %dma_start3A_32] : memref<8x128x16xf32, #tpu.memory_space<vmem>> -> memref<1x128x16xf32, #tpu.memory_space<vmem>>
      %dma_start3A_34 = tpu.memref_squeeze %dma_start3A_33 : memref<1x128x16xf32, #tpu.memory_space<vmem>> -> memref<128x16xf32, #tpu.memory_space<vmem>>
      %dma_start3A_35 = arith.constant 128 : i32
      %dma_start3A_36 = tpu.memref_slice %arg7[%dma_start3A_35] : memref<2048xi32, #tpu.memory_space<vmem>> -> memref<128xi32, #tpu.memory_space<vmem>>
      %dma_start3A_37 = arith.constant 0 : i32
      %dma_start3A_38 = arith.constant 0 : i32
      %dma_start3A_39 = tpu.memref_slice %arg2[%dma_start3A_37, %dma_start3A_38] : memref<10000x16xf32, #tpu.memory_space<hbm>> -> memref<10000x16xf32, #tpu.memory_space<hbm>>
      tpu.enqueue_indirect_dma source(%dma_start3A_39 : memref<10000x16xf32, #tpu.memory_space<hbm>>) target(%dma_start3A_34 : memref<128x16xf32, #tpu.memory_space<vmem>>) offsets(%dma_start3A_36 : memref<128xi32, #tpu.memory_space<vmem>>) semaphore(%arg12 : memref<!tpu.dma_semaphore, #tpu.memory_space<semaphore_mem>>)
      %dma_start3A_40 = arith.constant 2 : i32
      %dma_start3A_41 = arith.constant 0 : i32
      %dma_start3A_42 = arith.constant 0 : i32
      %dma_start3A_43 = tpu.memref_slice %arg9[%dma_start3A_40, %dma_start3A_41, %dma_start3A_42] : memref<8x128x16xf32, #tpu.memory_space<vmem>> -> memref<1x128x16xf32, #tpu.memory_space<vmem>>
      %dma_start3A_44 = tpu.memref_squeeze %dma_start3A_43 : memref<1x128x16xf32, #tpu.memory_space<vmem>> -> memref<128x16xf32, #tpu.memory_space<vmem>>
      %dma_start3A_45 = arith.constant 256 : i32
      %dma_start3A_46 = tpu.memref_slice %arg7[%dma_start3A_45] : memref<2048xi32, #tpu.memory_space<vmem>> -> memref<128xi32, #tpu.memory_space<vmem>>
      %dma_start3A_47 = arith.constant 0 : i32
      %dma_start3A_48 = arith.constant 0 : i32
      %dma_start3A_49 = tpu.memref_slice %arg2[%dma_start3A_47, %dma_start3A_48] : memref<10000x16xf32, #tpu.memory_space<hbm>> -> memref<10000x16xf32, #tpu.memory_space<hbm>>
      tpu.enqueue_indirect_dma source(%dma_start3A_49 : memref<10000x16xf32, #tpu.memory_space<hbm>>) target(%dma_start3A_44 : memref<128x16xf32, #tpu.memory_space<vmem>>) offsets(%dma_start3A_46 : memref<128xi32, #tpu.memory_space<vmem>>) semaphore(%arg12 : memref<!tpu.dma_semaphore, #tpu.memory_space<semaphore_mem>>)
      %dma_start3A_50 = arith.constant 3 : i32
      %dma_start3A_51 = arith.constant 0 : i32
      %dma_start3A_52 = arith.constant 0 : i32
      %dma_start3A_53 = tpu.memref_slice %arg9[%dma_start3A_50, %dma_start3A_51, %dma_start3A_52] : memref<8x128x16xf32, #tpu.memory_space<vmem>> -> memref<1x128x16xf32, #tpu.memory_space<vmem>>
      %dma_start3A_54 = tpu.memref_squeeze %dma_start3A_53 : memref<1x128x16xf32, #tpu.memory_space<vmem>> -> memref<128x16xf32, #tpu.memory_space<vmem>>
      %dma_start3A_55 = arith.constant 384 : i32
      %dma_start3A_56 = tpu.memref_slice %arg7[%dma_start3A_55] : memref<2048xi32, #tpu.memory_space<vmem>> -> memref<128xi32, #tpu.memory_space<vmem>>
      %dma_start3A_57 = arith.constant 0 : i32
      %dma_start3A_58 = arith.constant 0 : i32
      %dma_start3A_59 = tpu.memref_slice %arg2[%dma_start3A_57, %dma_start3A_58] : memref<10000x16xf32, #tpu.memory_space<hbm>> -> memref<10000x16xf32, #tpu.memory_space<hbm>>
      tpu.enqueue_indirect_dma source(%dma_start3A_59 : memref<10000x16xf32, #tpu.memory_space<hbm>>) target(%dma_start3A_54 : memref<128x16xf32, #tpu.memory_space<vmem>>) offsets(%dma_start3A_56 : memref<128xi32, #tpu.memory_space<vmem>>) semaphore(%arg12 : memref<!tpu.dma_semaphore, #tpu.memory_space<semaphore_mem>>)
      %dma_start3A_60 = arith.constant 4 : i32
      %dma_start3A_61 = arith.constant 0 : i32
      %dma_start3A_62 = arith.constant 0 : i32
      %dma_start3A_63 = tpu.memref_slice %arg9[%dma_start3A_60, %dma_start3A_61, %dma_start3A_62] : memref<8x128x16xf32, #tpu.memory_space<vmem>> -> memref<1x128x16xf32, #tpu.memory_space<vmem>>
      %dma_start3A_64 = tpu.memref_squeeze %dma_start3A_63 : memref<1x128x16xf32, #tpu.memory_space<vmem>> -> memref<128x16xf32, #tpu.memory_space<vmem>>
      %dma_start3A_65 = arith.constant 512 : i32
      %dma_start3A_66 = tpu.memref_slice %arg7[%dma_start3A_65] : memref<2048xi32, #tpu.memory_space<vmem>> -> memref<128xi32, #tpu.memory_space<vmem>>
      %dma_start3A_67 = arith.constant 0 : i32
      %dma_start3A_68 = arith.constant 0 : i32
      %dma_start3A_69 = tpu.memref_slice %arg2[%dma_start3A_67, %dma_start3A_68] : memref<10000x16xf32, #tpu.memory_space<hbm>> -> memref<10000x16xf32, #tpu.memory_space<hbm>>
      tpu.enqueue_indirect_dma source(%dma_start3A_69 : memref<10000x16xf32, #tpu.memory_space<hbm>>) target(%dma_start3A_64 : memref<128x16xf32, #tpu.memory_space<vmem>>) offsets(%dma_start3A_66 : memref<128xi32, #tpu.memory_space<vmem>>) semaphore(%arg12 : memref<!tpu.dma_semaphore, #tpu.memory_space<semaphore_mem>>)
      %dma_start3A_70 = arith.constant 5 : i32
      %dma_start3A_71 = arith.constant 0 : i32
      %dma_start3A_72 = arith.constant 0 : i32
      %dma_start3A_73 = tpu.memref_slice %arg9[%dma_start3A_70, %dma_start3A_71, %dma_start3A_72] : memref<8x128x16xf32, #tpu.memory_space<vmem>> -> memref<1x128x16xf32, #tpu.memory_space<vmem>>
      %dma_start3A_74 = tpu.memref_squeeze %dma_start3A_73 : memref<1x128x16xf32, #tpu.memory_space<vmem>> -> memref<128x16xf32, #tpu.memory_space<vmem>>
      %dma_start3A_75 = arith.constant 640 : i32
      %dma_start3A_76 = tpu.memref_slice %arg7[%dma_start3A_75] : memref<2048xi32, #tpu.memory_space<vmem>> -> memref<128xi32, #tpu.memory_space<vmem>>
      %dma_start3A_77 = arith.constant 0 : i32
      %dma_start3A_78 = arith.constant 0 : i32
      %dma_start3A_79 = tpu.memref_slice %arg2[%dma_start3A_77, %dma_start3A_78] : memref<10000x16xf32, #tpu.memory_space<hbm>> -> memref<10000x16xf32, #tpu.memory_space<hbm>>
      tpu.enqueue_indirect_dma source(%dma_start3A_79 : memref<10000x16xf32, #tpu.memory_space<hbm>>) target(%dma_start3A_74 : memref<128x16xf32, #tpu.memory_space<vmem>>) offsets(%dma_start3A_76 : memref<128xi32, #tpu.memory_space<vmem>>) semaphore(%arg12 : memref<!tpu.dma_semaphore, #tpu.memory_space<semaphore_mem>>)
      %dma_start3A_80 = arith.constant 6 : i32
      %dma_start3A_81 = arith.constant 0 : i32
      %dma_start3A_82 = arith.constant 0 : i32
      %dma_start3A_83 = tpu.memref_slice %arg9[%dma_start3A_80, %dma_start3A_81, %dma_start3A_82] : memref<8x128x16xf32, #tpu.memory_space<vmem>> -> memref<1x128x16xf32, #tpu.memory_space<vmem>>
      %dma_start3A_84 = tpu.memref_squeeze %dma_start3A_83 : memref<1x128x16xf32, #tpu.memory_space<vmem>> -> memref<128x16xf32, #tpu.memory_space<vmem>>
      %dma_start3A_85 = arith.constant 768 : i32
      %dma_start3A_86 = tpu.memref_slice %arg7[%dma_start3A_85] : memref<2048xi32, #tpu.memory_space<vmem>> -> memref<128xi32, #tpu.memory_space<vmem>>
      %dma_start3A_87 = arith.constant 0 : i32
      %dma_start3A_88 = arith.constant 0 : i32
      %dma_start3A_89 = tpu.memref_slice %arg2[%dma_start3A_87, %dma_start3A_88] : memref<10000x16xf32, #tpu.memory_space<hbm>> -> memref<10000x16xf32, #tpu.memory_space<hbm>>
      tpu.enqueue_indirect_dma source(%dma_start3A_89 : memref<10000x16xf32, #tpu.memory_space<hbm>>) target(%dma_start3A_84 : memref<128x16xf32, #tpu.memory_space<vmem>>) offsets(%dma_start3A_86 : memref<128xi32, #tpu.memory_space<vmem>>) semaphore(%arg12 : memref<!tpu.dma_semaphore, #tpu.memory_space<semaphore_mem>>)
      %dma_start3A_90 = arith.constant 7 : i32
      %dma_start3A_91 = arith.constant 0 : i32
      %dma_start3A_92 = arith.constant 0 : i32
      %dma_start3A_93 = tpu.memref_slice %arg9[%dma_start3A_90, %dma_start3A_91, %dma_start3A_92] : memref<8x128x16xf32, #tpu.memory_space<vmem>> -> memref<1x128x16xf32, #tpu.memory_space<vmem>>
      %dma_start3A_94 = tpu.memref_squeeze %dma_start3A_93 : memref<1x128x16xf32, #tpu.memory_space<vmem>> -> memref<128x16xf32, #tpu.memory_space<vmem>>
      %dma_start3A_95 = arith.constant 896 : i32
      %dma_start3A_96 = tpu.memref_slice %arg7[%dma_start3A_95] : memref<2048xi32, #tpu.memory_space<vmem>> -> memref<128xi32, #tpu.memory_space<vmem>>
      %dma_start3A_97 = arith.constant 0 : i32
      %dma_start3A_98 = arith.constant 0 : i32
      %dma_start3A_99 = tpu.memref_slice %arg2[%dma_start3A_97, %dma_start3A_98] : memref<10000x16xf32, #tpu.memory_space<hbm>> -> memref<10000x16xf32, #tpu.memory_space<hbm>>
      tpu.enqueue_indirect_dma source(%dma_start3A_99 : memref<10000x16xf32, #tpu.memory_space<hbm>>) target(%dma_start3A_94 : memref<128x16xf32, #tpu.memory_space<vmem>>) offsets(%dma_start3A_96 : memref<128xi32, #tpu.memory_space<vmem>>) semaphore(%arg12 : memref<!tpu.dma_semaphore, #tpu.memory_space<semaphore_mem>>)
      %scan3A_100 = arith.constant 0 : i32
      %scan3A_101 = arith.constant 0 : i32
      %mul3A_102 = arith.constant 2 : i32
      %mul3A_103 = arith.muli %mul3A_102, %scan3A_101 : i32
      %add3A_104 = arith.constant 0 : i32
      %add3A_105 = arith.addi %mul3A_103, %add3A_104 : i32
      %mul3A_106 = arith.constant 8 : i32
      %mul3A_107 = arith.muli %add3A_105, %mul3A_106 : i32
      %add3A_108 = arith.constant 0 : i32
      %add3A_109 = arith.addi %mul3A_107, %add3A_108 : i32
      %mul3A_110 = arith.constant 128 : i32
      %mul3A_111 = arith.muli %add3A_109, %mul3A_110 : i32
      %dma_wait3A = arith.constant 0 : i32
      %dma_wait3A_112 = arith.constant 0 : i32
      %dma_wait3A_113 = arith.constant 0 : i32
      %dma_wait3A_114 = tpu.memref_slice %arg9[%dma_wait3A, %dma_wait3A_112, %dma_wait3A_113] : memref<8x128x16xf32, #tpu.memory_space<vmem>> -> memref<1x128x16xf32, #tpu.memory_space<vmem>>
      %dma_wait3A_115 = tpu.memref_squeeze %dma_wait3A_114 : memref<1x128x16xf32, #tpu.memory_space<vmem>> -> memref<128x16xf32, #tpu.memory_space<vmem>>
      %dma_wait3A_116 = tpu.memref_slice %arg7[%mul3A_111] : memref<2048xi32, #tpu.memory_space<vmem>> -> memref<128xi32, #tpu.memory_space<vmem>>
      %dma_wait3A_117 = arith.constant 0 : i32
      %dma_wait3A_118 = arith.constant 0 : i32
      %dma_wait3A_119 = tpu.memref_slice %arg2[%dma_wait3A_117, %dma_wait3A_118] : memref<10000x16xf32, #tpu.memory_space<hbm>> -> memref<10000x16xf32, #tpu.memory_space<hbm>>
      tpu.wait_indirect_dma semaphore(%arg12 : memref<!tpu.dma_semaphore, #tpu.memory_space<semaphore_mem>>) src(%dma_wait3A_119 : memref<10000x16xf32, #tpu.memory_space<hbm>>) dst(%dma_wait3A_115 : memref<128x16xf32, #tpu.memory_space<vmem>>)
      %mul3A_120 = arith.constant 8 : i32
      %mul3A_121 = arith.muli %add3A_105, %mul3A_120 : i32
      %add3A_122 = arith.constant 1 : i32
      %add3A_123 = arith.addi %mul3A_121, %add3A_122 : i32
      %mul3A_124 = arith.constant 128 : i32
      %mul3A_125 = arith.muli %add3A_123, %mul3A_124 : i32
      %dma_wait3A_126 = arith.constant 1 : i32
      %dma_wait3A_127 = arith.constant 0 : i32
      %dma_wait3A_128 = arith.constant 0 : i32
      %dma_wait3A_129 = tpu.memref_slice %arg9[%dma_wait3A_126, %dma_wait3A_127, %dma_wait3A_128] : memref<8x128x16xf32, #tpu.memory_space<vmem>> -> memref<1x128x16xf32, #tpu.memory_space<vmem>>
      %dma_wait3A_130 = tpu.memref_squeeze %dma_wait3A_129 : memref<1x128x16xf32, #tpu.memory_space<vmem>> -> memref<128x16xf32, #tpu.memory_space<vmem>>
      %dma_wait3A_131 = tpu.memref_slice %arg7[%mul3A_125] : memref<2048xi32, #tpu.memory_space<vmem>> -> memref<128xi32, #tpu.memory_space<vmem>>
      %dma_wait3A_132 = arith.constant 0 : i32
      %dma_wait3A_133 = arith.constant 0 : i32
      %dma_wait3A_134 = tpu.memref_slice %arg2[%dma_wait3A_132, %dma_wait3A_133] : memref<10000x16xf32, #tpu.memory_space<hbm>> -> memref<10000x16xf32, #tpu.memory_space<hbm>>
      tpu.wait_indirect_dma semaphore(%arg12 : memref<!tpu.dma_semaphore, #tpu.memory_space<semaphore_mem>>) src(%dma_wait3A_134 : memref<10000x16xf32, #tpu.memory_space<hbm>>) dst(%dma_wait3A_130 : memref<128x16xf32, #tpu.memory_space<vmem>>)
      %mul3A_135 = arith.constant 8 : i32
      %mul3A_136 = arith.muli %add3A_105, %mul3A_135 : i32
      %add3A_137 = arith.constant 2 : i32
      %add3A_138 = arith.addi %mul3A_136, %add3A_137 : i32
      %mul3A_139 = arith.constant 128 : i32
      %mul3A_140 = arith.muli %add3A_138, %mul3A_139 : i32
      %dma_wait3A_141 = arith.constant 2 : i32
      %dma_wait3A_142 = arith.constant 0 : i32
      %dma_wait3A_143 = arith.constant 0 : i32
      %dma_wait3A_144 = tpu.memref_slice %arg9[%dma_wait3A_141, %dma_wait3A_142, %dma_wait3A_143] : memref<8x128x16xf32, #tpu.memory_space<vmem>> -> memref<1x128x16xf32, #tpu.memory_space<vmem>>
      %dma_wait3A_145 = tpu.memref_squeeze %dma_wait3A_144 : memref<1x128x16xf32, #tpu.memory_space<vmem>> -> memref<128x16xf32, #tpu.memory_space<vmem>>
      %dma_wait3A_146 = tpu.memref_slice %arg7[%mul3A_140] : memref<2048xi32, #tpu.memory_space<vmem>> -> memref<128xi32, #tpu.memory_space<vmem>>
      %dma_wait3A_147 = arith.constant 0 : i32
      %dma_wait3A_148 = arith.constant 0 : i32
      %dma_wait3A_149 = tpu.memref_slice %arg2[%dma_wait3A_147, %dma_wait3A_148] : memref<10000x16xf32, #tpu.memory_space<hbm>> -> memref<10000x16xf32, #tpu.memory_space<hbm>>
      tpu.wait_indirect_dma semaphore(%arg12 : memref<!tpu.dma_semaphore, #tpu.memory_space<semaphore_mem>>) src(%dma_wait3A_149 : memref<10000x16xf32, #tpu.memory_space<hbm>>) dst(%dma_wait3A_145 : memref<128x16xf32, #tpu.memory_space<vmem>>)
      %mul3A_150 = arith.constant 8 : i32
      %mul3A_151 = arith.muli %add3A_105, %mul3A_150 : i32
      %add3A_152 = arith.constant 3 : i32
      %add3A_153 = arith.addi %mul3A_151, %add3A_152 : i32
      %mul3A_154 = arith.constant 128 : i32
      %mul3A_155 = arith.muli %add3A_153, %mul3A_154 : i32
      %dma_wait3A_156 = arith.constant 3 : i32
      %dma_wait3A_157 = arith.constant 0 : i32
      %dma_wait3A_158 = arith.constant 0 : i32
      %dma_wait3A_159 = tpu.memref_slice %arg9[%dma_wait3A_156, %dma_wait3A_157, %dma_wait3A_158] : memref<8x128x16xf32, #tpu.memory_space<vmem>> -> memref<1x128x16xf32, #tpu.memory_space<vmem>>
      %dma_wait3A_160 = tpu.memref_squeeze %dma_wait3A_159 : memref<1x128x16xf32, #tpu.memory_space<vmem>> -> memref<128x16xf32, #tpu.memory_space<vmem>>
      %dma_wait3A_161 = tpu.memref_slice %arg7[%mul3A_155] : memref<2048xi32, #tpu.memory_space<vmem>> -> memref<128xi32, #tpu.memory_space<vmem>>
      %dma_wait3A_162 = arith.constant 0 : i32
      %dma_wait3A_163 = arith.constant 0 : i32
      %dma_wait3A_164 = tpu.memref_slice %arg2[%dma_wait3A_162, %dma_wait3A_163] : memref<10000x16xf32, #tpu.memory_space<hbm>> -> memref<10000x16xf32, #tpu.memory_space<hbm>>
      tpu.wait_indirect_dma semaphore(%arg12 : memref<!tpu.dma_semaphore, #tpu.memory_space<semaphore_mem>>) src(%dma_wait3A_164 : memref<10000x16xf32, #tpu.memory_space<hbm>>) dst(%dma_wait3A_160 : memref<128x16xf32, #tpu.memory_space<vmem>>)
      %mul3A_165 = arith.constant 8 : i32
      %mul3A_166 = arith.muli %add3A_105, %mul3A_165 : i32
      %add3A_167 = arith.constant 4 : i32
      %add3A_168 = arith.addi %mul3A_166, %add3A_167 : i32
      %mul3A_169 = arith.constant 128 : i32
      %mul3A_170 = arith.muli %add3A_168, %mul3A_169 : i32
      %dma_wait3A_171 = arith.constant 4 : i32
      %dma_wait3A_172 = arith.constant 0 : i32
      %dma_wait3A_173 = arith.constant 0 : i32
      %dma_wait3A_174 = tpu.memref_slice %arg9[%dma_wait3A_171, %dma_wait3A_172, %dma_wait3A_173] : memref<8x128x16xf32, #tpu.memory_space<vmem>> -> memref<1x128x16xf32, #tpu.memory_space<vmem>>
      %dma_wait3A_175 = tpu.memref_squeeze %dma_wait3A_174 : memref<1x128x16xf32, #tpu.memory_space<vmem>> -> memref<128x16xf32, #tpu.memory_space<vmem>>
      %dma_wait3A_176 = tpu.memref_slice %arg7[%mul3A_170] : memref<2048xi32, #tpu.memory_space<vmem>> -> memref<128xi32, #tpu.memory_space<vmem>>
      %dma_wait3A_177 = arith.constant 0 : i32
      %dma_wait3A_178 = arith.constant 0 : i32
      %dma_wait3A_179 = tpu.memref_slice %arg2[%dma_wait3A_177, %dma_wait3A_178] : memref<10000x16xf32, #tpu.memory_space<hbm>> -> memref<10000x16xf32, #tpu.memory_space<hbm>>
      tpu.wait_indirect_dma semaphore(%arg12 : memref<!tpu.dma_semaphore, #tpu.memory_space<semaphore_mem>>) src(%dma_wait3A_179 : memref<10000x16xf32, #tpu.memory_space<hbm>>) dst(%dma_wait3A_175 : memref<128x16xf32, #tpu.memory_space<vmem>>)
      %mul3A_180 = arith.constant 8 : i32
      %mul3A_181 = arith.muli %add3A_105, %mul3A_180 : i32
      %add3A_182 = arith.constant 5 : i32
      %add3A_183 = arith.addi %mul3A_181, %add3A_182 : i32
      %mul3A_184 = arith.constant 128 : i32
      %mul3A_185 = arith.muli %add3A_183, %mul3A_184 : i32
      %dma_wait3A_186 = arith.constant 5 : i32
      %dma_wait3A_187 = arith.constant 0 : i32
      %dma_wait3A_188 = arith.constant 0 : i32
      %dma_wait3A_189 = tpu.memref_slice %arg9[%dma_wait3A_186, %dma_wait3A_187, %dma_wait3A_188] : memref<8x128x16xf32, #tpu.memory_space<vmem>> -> memref<1x128x16xf32, #tpu.memory_space<vmem>>
      %dma_wait3A_190 = tpu.memref_squeeze %dma_wait3A_189 : memref<1x128x16xf32, #tpu.memory_space<vmem>> -> memref<128x16xf32, #tpu.memory_space<vmem>>
      %dma_wait3A_191 = tpu.memref_slice %arg7[%mul3A_185] : memref<2048xi32, #tpu.memory_space<vmem>> -> memref<128xi32, #tpu.memory_space<vmem>>
      %dma_wait3A_192 = arith.constant 0 : i32
      %dma_wait3A_193 = arith.constant 0 : i32
      %dma_wait3A_194 = tpu.memref_slice %arg2[%dma_wait3A_192, %dma_wait3A_193] : memref<10000x16xf32, #tpu.memory_space<hbm>> -> memref<10000x16xf32, #tpu.memory_space<hbm>>
      tpu.wait_indirect_dma semaphore(%arg12 : memref<!tpu.dma_semaphore, #tpu.memory_space<semaphore_mem>>) src(%dma_wait3A_194 : memref<10000x16xf32, #tpu.memory_space<hbm>>) dst(%dma_wait3A_190 : memref<128x16xf32, #tpu.memory_space<vmem>>)
      %mul3A_195 = arith.constant 8 : i32
      %mul3A_196 = arith.muli %add3A_105, %mul3A_195 : i32
      %add3A_197 = arith.constant 6 : i32
      %add3A_198 = arith.addi %mul3A_196, %add3A_197 : i32
      %mul3A_199 = arith.constant 128 : i32
      %mul3A_200 = arith.muli %add3A_198, %mul3A_199 : i32
      %dma_wait3A_201 = arith.constant 6 : i32
      %dma_wait3A_202 = arith.constant 0 : i32
      %dma_wait3A_203 = arith.constant 0 : i32
      %dma_wait3A_204 = tpu.memref_slice %arg9[%dma_wait3A_201, %dma_wait3A_202, %dma_wait3A_203] : memref<8x128x16xf32, #tpu.memory_space<vmem>> -> memref<1x128x16xf32, #tpu.memory_space<vmem>>
      %dma_wait3A_205 = tpu.memref_squeeze %dma_wait3A_204 : memref<1x128x16xf32, #tpu.memory_space<vmem>> -> memref<128x16xf32, #tpu.memory_space<vmem>>
      %dma_wait3A_206 = tpu.memref_slice %arg7[%mul3A_200] : memref<2048xi32, #tpu.memory_space<vmem>> -> memref<128xi32, #tpu.memory_space<vmem>>
      %dma_wait3A_207 = arith.constant 0 : i32
      %dma_wait3A_208 = arith.constant 0 : i32
      %dma_wait3A_209 = tpu.memref_slice %arg2[%dma_wait3A_207, %dma_wait3A_208] : memref<10000x16xf32, #tpu.memory_space<hbm>> -> memref<10000x16xf32, #tpu.memory_space<hbm>>
      tpu.wait_indirect_dma semaphore(%arg12 : memref<!tpu.dma_semaphore, #tpu.memory_space<semaphore_mem>>) src(%dma_wait3A_209 : memref<10000x16xf32, #tpu.memory_space<hbm>>) dst(%dma_wait3A_205 : memref<128x16xf32, #tpu.memory_space<vmem>>)
      %mul3A_210 = arith.constant 8 : i32
      %mul3A_211 = arith.muli %add3A_105, %mul3A_210 : i32
      %add3A_212 = arith.constant 7 : i32
      %add3A_213 = arith.addi %mul3A_211, %add3A_212 : i32
      %mul3A_214 = arith.constant 128 : i32
      %mul3A_215 = arith.muli %add3A_213, %mul3A_214 : i32
      %dma_wait3A_216 = arith.constant 7 : i32
      %dma_wait3A_217 = arith.constant 0 : i32
      %dma_wait3A_218 = arith.constant 0 : i32
      %dma_wait3A_219 = tpu.memref_slice %arg9[%dma_wait3A_216, %dma_wait3A_217, %dma_wait3A_218] : memref<8x128x16xf32, #tpu.memory_space<vmem>> -> memref<1x128x16xf32, #tpu.memory_space<vmem>>
      %dma_wait3A_220 = tpu.memref_squeeze %dma_wait3A_219 : memref<1x128x16xf32, #tpu.memory_space<vmem>> -> memref<128x16xf32, #tpu.memory_space<vmem>>
      %dma_wait3A_221 = tpu.memref_slice %arg7[%mul3A_215] : memref<2048xi32, #tpu.memory_space<vmem>> -> memref<128xi32, #tpu.memory_space<vmem>>
      %dma_wait3A_222 = arith.constant 0 : i32
      %dma_wait3A_223 = arith.constant 0 : i32
      %dma_wait3A_224 = tpu.memref_slice %arg2[%dma_wait3A_222, %dma_wait3A_223] : memref<10000x16xf32, #tpu.memory_space<hbm>> -> memref<10000x16xf32, #tpu.memory_space<hbm>>
      tpu.wait_indirect_dma semaphore(%arg12 : memref<!tpu.dma_semaphore, #tpu.memory_space<semaphore_mem>>) src(%dma_wait3A_224 : memref<10000x16xf32, #tpu.memory_space<hbm>>) dst(%dma_wait3A_220 : memref<128x16xf32, #tpu.memory_space<vmem>>)
      %ge3A = arith.constant 1 : i32
      %ge3A_225 = arith.cmpi sge, %add3A_105, %ge3A : i32
      %convert_element_type3A = arith.extui %ge3A_225 : i1 to i32
      %cond3A = arith.constant 0 : i32
      %cond3A_226 = arith.cmpi ne, %convert_element_type3A, %cond3A : i32
      scf.if %cond3A_226 {
        %sub3A = arith.constant 1 : i32
        %sub3A_706 = arith.subi %add3A_105, %sub3A : i32
        %mul3A_707 = arith.constant 8 : i32
        %mul3A_708 = arith.muli %sub3A_706, %mul3A_707 : i32
        %add3A_709 = arith.constant 0 : i32
        %add3A_710 = arith.addi %mul3A_708, %add3A_709 : i32
        %dma_wait3A_711 = arith.constant 0 : i32
        %dma_wait3A_712 = arith.constant 0 : i32
        %dma_wait3A_713 = arith.constant 0 : i32
        %dma_wait3A_714 = tpu.memref_slice %arg10[%dma_wait3A_711, %dma_wait3A_712, %dma_wait3A_713] : memref<8x128x16xf32, #tpu.memory_space<vmem>> -> memref<1x128x16xf32, #tpu.memory_space<vmem>>
        %dma_wait3A_715 = tpu.memref_squeeze %dma_wait3A_714 : memref<1x128x16xf32, #tpu.memory_space<vmem>> -> memref<128x16xf32, #tpu.memory_space<vmem>>
        %dma_wait3A_716 = arith.constant 0 : i32
        %dma_wait3A_717 = tpu.memref_slice %arg8[%add3A_710, %dma_wait3A_716] : memref<16x128xi32, #tpu.memory_space<vmem>> -> memref<1x128xi32, #tpu.memory_space<vmem>>
        %dma_wait3A_718 = tpu.memref_squeeze %dma_wait3A_717 : memref<1x128xi32, #tpu.memory_space<vmem>> -> memref<128xi32, #tpu.memory_space<vmem>>
        %dma_wait3A_719 = arith.constant 0 : i32
        %dma_wait3A_720 = arith.constant 0 : i32
        %dma_wait3A_721 = tpu.memref_slice %arg11[%dma_wait3A_719, %dma_wait3A_720] : memref<10240x16xf32, #tpu.memory_space<vmem_shared>> -> memref<10240x16xf32, #tpu.memory_space<vmem_shared>>
        tpu.wait_indirect_dma semaphore(%arg15 : memref<!tpu.dma_semaphore, #tpu.memory_space<semaphore_mem>>) src(%dma_wait3A_715 : memref<128x16xf32, #tpu.memory_space<vmem>>) dst(%dma_wait3A_721 : memref<10240x16xf32, #tpu.memory_space<vmem_shared>>)
        %sub3A_722 = arith.constant 1 : i32
        %sub3A_723 = arith.subi %add3A_105, %sub3A_722 : i32
        %mul3A_724 = arith.constant 8 : i32
        %mul3A_725 = arith.muli %sub3A_723, %mul3A_724 : i32
        %add3A_726 = arith.constant 1 : i32
        %add3A_727 = arith.addi %mul3A_725, %add3A_726 : i32
        %dma_wait3A_728 = arith.constant 1 : i32
        %dma_wait3A_729 = arith.constant 0 : i32
        %dma_wait3A_730 = arith.constant 0 : i32
        %dma_wait3A_731 = tpu.memref_slice %arg10[%dma_wait3A_728, %dma_wait3A_729, %dma_wait3A_730] : memref<8x128x16xf32, #tpu.memory_space<vmem>> -> memref<1x128x16xf32, #tpu.memory_space<vmem>>
        %dma_wait3A_732 = tpu.memref_squeeze %dma_wait3A_731 : memref<1x128x16xf32, #tpu.memory_space<vmem>> -> memref<128x16xf32, #tpu.memory_space<vmem>>
        %dma_wait3A_733 = arith.constant 0 : i32
        %dma_wait3A_734 = tpu.memref_slice %arg8[%add3A_727, %dma_wait3A_733] : memref<16x128xi32, #tpu.memory_space<vmem>> -> memref<1x128xi32, #tpu.memory_space<vmem>>
        %dma_wait3A_735 = tpu.memref_squeeze %dma_wait3A_734 : memref<1x128xi32, #tpu.memory_space<vmem>> -> memref<128xi32, #tpu.memory_space<vmem>>
        %dma_wait3A_736 = arith.constant 0 : i32
        %dma_wait3A_737 = arith.constant 0 : i32
        %dma_wait3A_738 = tpu.memref_slice %arg11[%dma_wait3A_736, %dma_wait3A_737] : memref<10240x16xf32, #tpu.memory_space<vmem_shared>> -> memref<10240x16xf32, #tpu.memory_space<vmem_shared>>
        tpu.wait_indirect_dma semaphore(%arg15 : memref<!tpu.dma_semaphore, #tpu.memory_space<semaphore_mem>>) src(%dma_wait3A_732 : memref<128x16xf32, #tpu.memory_space<vmem>>) dst(%dma_wait3A_738 : memref<10240x16xf32, #tpu.memory_space<vmem_shared>>)
        %sub3A_739 = arith.constant 1 : i32
        %sub3A_740 = arith.subi %add3A_105, %sub3A_739 : i32
        %mul3A_741 = arith.constant 8 : i32
        %mul3A_742 = arith.muli %sub3A_740, %mul3A_741 : i32
        %add3A_743 = arith.constant 2 : i32
        %add3A_744 = arith.addi %mul3A_742, %add3A_743 : i32
        %dma_wait3A_745 = arith.constant 2 : i32
        %dma_wait3A_746 = arith.constant 0 : i32
        %dma_wait3A_747 = arith.constant 0 : i32
        %dma_wait3A_748 = tpu.memref_slice %arg10[%dma_wait3A_745, %dma_wait3A_746, %dma_wait3A_747] : memref<8x128x16xf32, #tpu.memory_space<vmem>> -> memref<1x128x16xf32, #tpu.memory_space<vmem>>
        %dma_wait3A_749 = tpu.memref_squeeze %dma_wait3A_748 : memref<1x128x16xf32, #tpu.memory_space<vmem>> -> memref<128x16xf32, #tpu.memory_space<vmem>>
        %dma_wait3A_750 = arith.constant 0 : i32
        %dma_wait3A_751 = tpu.memref_slice %arg8[%add3A_744, %dma_wait3A_750] : memref<16x128xi32, #tpu.memory_space<vmem>> -> memref<1x128xi32, #tpu.memory_space<vmem>>
        %dma_wait3A_752 = tpu.memref_squeeze %dma_wait3A_751 : memref<1x128xi32, #tpu.memory_space<vmem>> -> memref<128xi32, #tpu.memory_space<vmem>>
        %dma_wait3A_753 = arith.constant 0 : i32
        %dma_wait3A_754 = arith.constant 0 : i32
        %dma_wait3A_755 = tpu.memref_slice %arg11[%dma_wait3A_753, %dma_wait3A_754] : memref<10240x16xf32, #tpu.memory_space<vmem_shared>> -> memref<10240x16xf32, #tpu.memory_space<vmem_shared>>
        tpu.wait_indirect_dma semaphore(%arg15 : memref<!tpu.dma_semaphore, #tpu.memory_space<semaphore_mem>>) src(%dma_wait3A_749 : memref<128x16xf32, #tpu.memory_space<vmem>>) dst(%dma_wait3A_755 : memref<10240x16xf32, #tpu.memory_space<vmem_shared>>)
        %sub3A_756 = arith.constant 1 : i32
        %sub3A_757 = arith.subi %add3A_105, %sub3A_756 : i32
        %mul3A_758 = arith.constant 8 : i32
        %mul3A_759 = arith.muli %sub3A_757, %mul3A_758 : i32
        %add3A_760 = arith.constant 3 : i32
        %add3A_761 = arith.addi %mul3A_759, %add3A_760 : i32
        %dma_wait3A_762 = arith.constant 3 : i32
        %dma_wait3A_763 = arith.constant 0 : i32
        %dma_wait3A_764 = arith.constant 0 : i32
        %dma_wait3A_765 = tpu.memref_slice %arg10[%dma_wait3A_762, %dma_wait3A_763, %dma_wait3A_764] : memref<8x128x16xf32, #tpu.memory_space<vmem>> -> memref<1x128x16xf32, #tpu.memory_space<vmem>>
        %dma_wait3A_766 = tpu.memref_squeeze %dma_wait3A_765 : memref<1x128x16xf32, #tpu.memory_space<vmem>> -> memref<128x16xf32, #tpu.memory_space<vmem>>
        %dma_wait3A_767 = arith.constant 0 : i32
        %dma_wait3A_768 = tpu.memref_slice %arg8[%add3A_761, %dma_wait3A_767] : memref<16x128xi32, #tpu.memory_space<vmem>> -> memref<1x128xi32, #tpu.memory_space<vmem>>
        %dma_wait3A_769 = tpu.memref_squeeze %dma_wait3A_768 : memref<1x128xi32, #tpu.memory_space<vmem>> -> memref<128xi32, #tpu.memory_space<vmem>>
        %dma_wait3A_770 = arith.constant 0 : i32
        %dma_wait3A_771 = arith.constant 0 : i32
        %dma_wait3A_772 = tpu.memref_slice %arg11[%dma_wait3A_770, %dma_wait3A_771] : memref<10240x16xf32, #tpu.memory_space<vmem_shared>> -> memref<10240x16xf32, #tpu.memory_space<vmem_shared>>
        tpu.wait_indirect_dma semaphore(%arg15 : memref<!tpu.dma_semaphore, #tpu.memory_space<semaphore_mem>>) src(%dma_wait3A_766 : memref<128x16xf32, #tpu.memory_space<vmem>>) dst(%dma_wait3A_772 : memref<10240x16xf32, #tpu.memory_space<vmem_shared>>)
        %sub3A_773 = arith.constant 1 : i32
        %sub3A_774 = arith.subi %add3A_105, %sub3A_773 : i32
        %mul3A_775 = arith.constant 8 : i32
        %mul3A_776 = arith.muli %sub3A_774, %mul3A_775 : i32
        %add3A_777 = arith.constant 4 : i32
        %add3A_778 = arith.addi %mul3A_776, %add3A_777 : i32
        %dma_wait3A_779 = arith.constant 4 : i32
        %dma_wait3A_780 = arith.constant 0 : i32
        %dma_wait3A_781 = arith.constant 0 : i32
        %dma_wait3A_782 = tpu.memref_slice %arg10[%dma_wait3A_779, %dma_wait3A_780, %dma_wait3A_781] : memref<8x128x16xf32, #tpu.memory_space<vmem>> -> memref<1x128x16xf32, #tpu.memory_space<vmem>>
        %dma_wait3A_783 = tpu.memref_squeeze %dma_wait3A_782 : memref<1x128x16xf32, #tpu.memory_space<vmem>> -> memref<128x16xf32, #tpu.memory_space<vmem>>
        %dma_wait3A_784 = arith.constant 0 : i32
        %dma_wait3A_785 = tpu.memref_slice %arg8[%add3A_778, %dma_wait3A_784] : memref<16x128xi32, #tpu.memory_space<vmem>> -> memref<1x128xi32, #tpu.memory_space<vmem>>
        %dma_wait3A_786 = tpu.memref_squeeze %dma_wait3A_785 : memref<1x128xi32, #tpu.memory_space<vmem>> -> memref<128xi32, #tpu.memory_space<vmem>>
        %dma_wait3A_787 = arith.constant 0 : i32
        %dma_wait3A_788 = arith.constant 0 : i32
        %dma_wait3A_789 = tpu.memref_slice %arg11[%dma_wait3A_787, %dma_wait3A_788] : memref<10240x16xf32, #tpu.memory_space<vmem_shared>> -> memref<10240x16xf32, #tpu.memory_space<vmem_shared>>
        tpu.wait_indirect_dma semaphore(%arg15 : memref<!tpu.dma_semaphore, #tpu.memory_space<semaphore_mem>>) src(%dma_wait3A_783 : memref<128x16xf32, #tpu.memory_space<vmem>>) dst(%dma_wait3A_789 : memref<10240x16xf32, #tpu.memory_space<vmem_shared>>)
        %sub3A_790 = arith.constant 1 : i32
        %sub3A_791 = arith.subi %add3A_105, %sub3A_790 : i32
        %mul3A_792 = arith.constant 8 : i32
        %mul3A_793 = arith.muli %sub3A_791, %mul3A_792 : i32
        %add3A_794 = arith.constant 5 : i32
        %add3A_795 = arith.addi %mul3A_793, %add3A_794 : i32
        %dma_wait3A_796 = arith.constant 5 : i32
        %dma_wait3A_797 = arith.constant 0 : i32
        %dma_wait3A_798 = arith.constant 0 : i32
        %dma_wait3A_799 = tpu.memref_slice %arg10[%dma_wait3A_796, %dma_wait3A_797, %dma_wait3A_798] : memref<8x128x16xf32, #tpu.memory_space<vmem>> -> memref<1x128x16xf32, #tpu.memory_space<vmem>>
        %dma_wait3A_800 = tpu.memref_squeeze %dma_wait3A_799 : memref<1x128x16xf32, #tpu.memory_space<vmem>> -> memref<128x16xf32, #tpu.memory_space<vmem>>
        %dma_wait3A_801 = arith.constant 0 : i32
        %dma_wait3A_802 = tpu.memref_slice %arg8[%add3A_795, %dma_wait3A_801] : memref<16x128xi32, #tpu.memory_space<vmem>> -> memref<1x128xi32, #tpu.memory_space<vmem>>
        %dma_wait3A_803 = tpu.memref_squeeze %dma_wait3A_802 : memref<1x128xi32, #tpu.memory_space<vmem>> -> memref<128xi32, #tpu.memory_space<vmem>>
        %dma_wait3A_804 = arith.constant 0 : i32
        %dma_wait3A_805 = arith.constant 0 : i32
        %dma_wait3A_806 = tpu.memref_slice %arg11[%dma_wait3A_804, %dma_wait3A_805] : memref<10240x16xf32, #tpu.memory_space<vmem_shared>> -> memref<10240x16xf32, #tpu.memory_space<vmem_shared>>
        tpu.wait_indirect_dma semaphore(%arg15 : memref<!tpu.dma_semaphore, #tpu.memory_space<semaphore_mem>>) src(%dma_wait3A_800 : memref<128x16xf32, #tpu.memory_space<vmem>>) dst(%dma_wait3A_806 : memref<10240x16xf32, #tpu.memory_space<vmem_shared>>)
        %sub3A_807 = arith.constant 1 : i32
        %sub3A_808 = arith.subi %add3A_105, %sub3A_807 : i32
        %mul3A_809 = arith.constant 8 : i32
        %mul3A_810 = arith.muli %sub3A_808, %mul3A_809 : i32
        %add3A_811 = arith.constant 6 : i32
        %add3A_812 = arith.addi %mul3A_810, %add3A_811 : i32
        %dma_wait3A_813 = arith.constant 6 : i32
        %dma_wait3A_814 = arith.constant 0 : i32
        %dma_wait3A_815 = arith.constant 0 : i32
        %dma_wait3A_816 = tpu.memref_slice %arg10[%dma_wait3A_813, %dma_wait3A_814, %dma_wait3A_815] : memref<8x128x16xf32, #tpu.memory_space<vmem>> -> memref<1x128x16xf32, #tpu.memory_space<vmem>>
        %dma_wait3A_817 = tpu.memref_squeeze %dma_wait3A_816 : memref<1x128x16xf32, #tpu.memory_space<vmem>> -> memref<128x16xf32, #tpu.memory_space<vmem>>
        %dma_wait3A_818 = arith.constant 0 : i32
        %dma_wait3A_819 = tpu.memref_slice %arg8[%add3A_812, %dma_wait3A_818] : memref<16x128xi32, #tpu.memory_space<vmem>> -> memref<1x128xi32, #tpu.memory_space<vmem>>
        %dma_wait3A_820 = tpu.memref_squeeze %dma_wait3A_819 : memref<1x128xi32, #tpu.memory_space<vmem>> -> memref<128xi32, #tpu.memory_space<vmem>>
        %dma_wait3A_821 = arith.constant 0 : i32
        %dma_wait3A_822 = arith.constant 0 : i32
        %dma_wait3A_823 = tpu.memref_slice %arg11[%dma_wait3A_821, %dma_wait3A_822] : memref<10240x16xf32, #tpu.memory_space<vmem_shared>> -> memref<10240x16xf32, #tpu.memory_space<vmem_shared>>
        tpu.wait_indirect_dma semaphore(%arg15 : memref<!tpu.dma_semaphore, #tpu.memory_space<semaphore_mem>>) src(%dma_wait3A_817 : memref<128x16xf32, #tpu.memory_space<vmem>>) dst(%dma_wait3A_823 : memref<10240x16xf32, #tpu.memory_space<vmem_shared>>)
        %sub3A_824 = arith.constant 1 : i32
        %sub3A_825 = arith.subi %add3A_105, %sub3A_824 : i32
        %mul3A_826 = arith.constant 8 : i32
        %mul3A_827 = arith.muli %sub3A_825, %mul3A_826 : i32
        %add3A_828 = arith.constant 7 : i32
        %add3A_829 = arith.addi %mul3A_827, %add3A_828 : i32
        %dma_wait3A_830 = arith.constant 7 : i32
        %dma_wait3A_831 = arith.constant 0 : i32
        %dma_wait3A_832 = arith.constant 0 : i32
        %dma_wait3A_833 = tpu.memref_slice %arg10[%dma_wait3A_830, %dma_wait3A_831, %dma_wait3A_832] : memref<8x128x16xf32, #tpu.memory_space<vmem>> -> memref<1x128x16xf32, #tpu.memory_space<vmem>>
        %dma_wait3A_834 = tpu.memref_squeeze %dma_wait3A_833 : memref<1x128x16xf32, #tpu.memory_space<vmem>> -> memref<128x16xf32, #tpu.memory_space<vmem>>
        %dma_wait3A_835 = arith.constant 0 : i32
        %dma_wait3A_836 = tpu.memref_slice %arg8[%add3A_829, %dma_wait3A_835] : memref<16x128xi32, #tpu.memory_space<vmem>> -> memref<1x128xi32, #tpu.memory_space<vmem>>
        %dma_wait3A_837 = tpu.memref_squeeze %dma_wait3A_836 : memref<1x128xi32, #tpu.memory_space<vmem>> -> memref<128xi32, #tpu.memory_space<vmem>>
        %dma_wait3A_838 = arith.constant 0 : i32
        %dma_wait3A_839 = arith.constant 0 : i32
        %dma_wait3A_840 = tpu.memref_slice %arg11[%dma_wait3A_838, %dma_wait3A_839] : memref<10240x16xf32, #tpu.memory_space<vmem_shared>> -> memref<10240x16xf32, #tpu.memory_space<vmem_shared>>
        tpu.wait_indirect_dma semaphore(%arg15 : memref<!tpu.dma_semaphore, #tpu.memory_space<semaphore_mem>>) src(%dma_wait3A_834 : memref<128x16xf32, #tpu.memory_space<vmem>>) dst(%dma_wait3A_840 : memref<10240x16xf32, #tpu.memory_space<vmem_shared>>)
      } else {
      }
      %add3A_227 = arith.constant 1 : i32
      %add3A_228 = arith.addi %add3A_105, %add3A_227 : i32
      %lt3A = arith.constant 2 : i32
      %lt3A_229 = arith.cmpi slt, %add3A_228, %lt3A : i32
      %convert_element_type3A_230 = arith.extui %lt3A_229 : i1 to i32
      %cond3A_231 = arith.constant 0 : i32
      %cond3A_232 = arith.cmpi ne, %convert_element_type3A_230, %cond3A_231 : i32
      scf.if %cond3A_232 {
        %add3A_706 = arith.constant 1 : i32
        %add3A_707 = arith.addi %add3A_105, %add3A_706 : i32
        %mul3A_708 = arith.constant 8 : i32
        %mul3A_709 = arith.muli %add3A_707, %mul3A_708 : i32
        %add3A_710 = arith.constant 0 : i32
        %add3A_711 = arith.addi %mul3A_709, %add3A_710 : i32
        %mul3A_712 = arith.constant 128 : i32
        %mul3A_713 = arith.muli %add3A_711, %mul3A_712 : i32
        %dma_start3A_714 = arith.constant 0 : i32
        %dma_start3A_715 = arith.constant 0 : i32
        %dma_start3A_716 = arith.constant 0 : i32
        %dma_start3A_717 = tpu.memref_slice %arg10[%dma_start3A_714, %dma_start3A_715, %dma_start3A_716] : memref<8x128x16xf32, #tpu.memory_space<vmem>> -> memref<1x128x16xf32, #tpu.memory_space<vmem>>
        %dma_start3A_718 = tpu.memref_squeeze %dma_start3A_717 : memref<1x128x16xf32, #tpu.memory_space<vmem>> -> memref<128x16xf32, #tpu.memory_space<vmem>>
        %dma_start3A_719 = tpu.memref_slice %arg7[%mul3A_713] : memref<2048xi32, #tpu.memory_space<vmem>> -> memref<128xi32, #tpu.memory_space<vmem>>
        %dma_start3A_720 = arith.constant 0 : i32
        %dma_start3A_721 = arith.constant 0 : i32
        %dma_start3A_722 = tpu.memref_slice %arg2[%dma_start3A_720, %dma_start3A_721] : memref<10000x16xf32, #tpu.memory_space<hbm>> -> memref<10000x16xf32, #tpu.memory_space<hbm>>
        tpu.enqueue_indirect_dma source(%dma_start3A_722 : memref<10000x16xf32, #tpu.memory_space<hbm>>) target(%dma_start3A_718 : memref<128x16xf32, #tpu.memory_space<vmem>>) offsets(%dma_start3A_719 : memref<128xi32, #tpu.memory_space<vmem>>) semaphore(%arg13 : memref<!tpu.dma_semaphore, #tpu.memory_space<semaphore_mem>>)
        %add3A_723 = arith.constant 1 : i32
        %add3A_724 = arith.addi %add3A_105, %add3A_723 : i32
        %mul3A_725 = arith.constant 8 : i32
        %mul3A_726 = arith.muli %add3A_724, %mul3A_725 : i32
        %add3A_727 = arith.constant 1 : i32
        %add3A_728 = arith.addi %mul3A_726, %add3A_727 : i32
        %mul3A_729 = arith.constant 128 : i32
        %mul3A_730 = arith.muli %add3A_728, %mul3A_729 : i32
        %dma_start3A_731 = arith.constant 1 : i32
        %dma_start3A_732 = arith.constant 0 : i32
        %dma_start3A_733 = arith.constant 0 : i32
        %dma_start3A_734 = tpu.memref_slice %arg10[%dma_start3A_731, %dma_start3A_732, %dma_start3A_733] : memref<8x128x16xf32, #tpu.memory_space<vmem>> -> memref<1x128x16xf32, #tpu.memory_space<vmem>>
        %dma_start3A_735 = tpu.memref_squeeze %dma_start3A_734 : memref<1x128x16xf32, #tpu.memory_space<vmem>> -> memref<128x16xf32, #tpu.memory_space<vmem>>
        %dma_start3A_736 = tpu.memref_slice %arg7[%mul3A_730] : memref<2048xi32, #tpu.memory_space<vmem>> -> memref<128xi32, #tpu.memory_space<vmem>>
        %dma_start3A_737 = arith.constant 0 : i32
        %dma_start3A_738 = arith.constant 0 : i32
        %dma_start3A_739 = tpu.memref_slice %arg2[%dma_start3A_737, %dma_start3A_738] : memref<10000x16xf32, #tpu.memory_space<hbm>> -> memref<10000x16xf32, #tpu.memory_space<hbm>>
        tpu.enqueue_indirect_dma source(%dma_start3A_739 : memref<10000x16xf32, #tpu.memory_space<hbm>>) target(%dma_start3A_735 : memref<128x16xf32, #tpu.memory_space<vmem>>) offsets(%dma_start3A_736 : memref<128xi32, #tpu.memory_space<vmem>>) semaphore(%arg13 : memref<!tpu.dma_semaphore, #tpu.memory_space<semaphore_mem>>)
        %add3A_740 = arith.constant 1 : i32
        %add3A_741 = arith.addi %add3A_105, %add3A_740 : i32
        %mul3A_742 = arith.constant 8 : i32
        %mul3A_743 = arith.muli %add3A_741, %mul3A_742 : i32
        %add3A_744 = arith.constant 2 : i32
        %add3A_745 = arith.addi %mul3A_743, %add3A_744 : i32
        %mul3A_746 = arith.constant 128 : i32
        %mul3A_747 = arith.muli %add3A_745, %mul3A_746 : i32
        %dma_start3A_748 = arith.constant 2 : i32
        %dma_start3A_749 = arith.constant 0 : i32
        %dma_start3A_750 = arith.constant 0 : i32
        %dma_start3A_751 = tpu.memref_slice %arg10[%dma_start3A_748, %dma_start3A_749, %dma_start3A_750] : memref<8x128x16xf32, #tpu.memory_space<vmem>> -> memref<1x128x16xf32, #tpu.memory_space<vmem>>
        %dma_start3A_752 = tpu.memref_squeeze %dma_start3A_751 : memref<1x128x16xf32, #tpu.memory_space<vmem>> -> memref<128x16xf32, #tpu.memory_space<vmem>>
        %dma_start3A_753 = tpu.memref_slice %arg7[%mul3A_747] : memref<2048xi32, #tpu.memory_space<vmem>> -> memref<128xi32, #tpu.memory_space<vmem>>
        %dma_start3A_754 = arith.constant 0 : i32
        %dma_start3A_755 = arith.constant 0 : i32
        %dma_start3A_756 = tpu.memref_slice %arg2[%dma_start3A_754, %dma_start3A_755] : memref<10000x16xf32, #tpu.memory_space<hbm>> -> memref<10000x16xf32, #tpu.memory_space<hbm>>
        tpu.enqueue_indirect_dma source(%dma_start3A_756 : memref<10000x16xf32, #tpu.memory_space<hbm>>) target(%dma_start3A_752 : memref<128x16xf32, #tpu.memory_space<vmem>>) offsets(%dma_start3A_753 : memref<128xi32, #tpu.memory_space<vmem>>) semaphore(%arg13 : memref<!tpu.dma_semaphore, #tpu.memory_space<semaphore_mem>>)
        %add3A_757 = arith.constant 1 : i32
        %add3A_758 = arith.addi %add3A_105, %add3A_757 : i32
        %mul3A_759 = arith.constant 8 : i32
        %mul3A_760 = arith.muli %add3A_758, %mul3A_759 : i32
        %add3A_761 = arith.constant 3 : i32
        %add3A_762 = arith.addi %mul3A_760, %add3A_761 : i32
        %mul3A_763 = arith.constant 128 : i32
        %mul3A_764 = arith.muli %add3A_762, %mul3A_763 : i32
        %dma_start3A_765 = arith.constant 3 : i32
        %dma_start3A_766 = arith.constant 0 : i32
        %dma_start3A_767 = arith.constant 0 : i32
        %dma_start3A_768 = tpu.memref_slice %arg10[%dma_start3A_765, %dma_start3A_766, %dma_start3A_767] : memref<8x128x16xf32, #tpu.memory_space<vmem>> -> memref<1x128x16xf32, #tpu.memory_space<vmem>>
        %dma_start3A_769 = tpu.memref_squeeze %dma_start3A_768 : memref<1x128x16xf32, #tpu.memory_space<vmem>> -> memref<128x16xf32, #tpu.memory_space<vmem>>
        %dma_start3A_770 = tpu.memref_slice %arg7[%mul3A_764] : memref<2048xi32, #tpu.memory_space<vmem>> -> memref<128xi32, #tpu.memory_space<vmem>>
        %dma_start3A_771 = arith.constant 0 : i32
        %dma_start3A_772 = arith.constant 0 : i32
        %dma_start3A_773 = tpu.memref_slice %arg2[%dma_start3A_771, %dma_start3A_772] : memref<10000x16xf32, #tpu.memory_space<hbm>> -> memref<10000x16xf32, #tpu.memory_space<hbm>>
        tpu.enqueue_indirect_dma source(%dma_start3A_773 : memref<10000x16xf32, #tpu.memory_space<hbm>>) target(%dma_start3A_769 : memref<128x16xf32, #tpu.memory_space<vmem>>) offsets(%dma_start3A_770 : memref<128xi32, #tpu.memory_space<vmem>>) semaphore(%arg13 : memref<!tpu.dma_semaphore, #tpu.memory_space<semaphore_mem>>)
        %add3A_774 = arith.constant 1 : i32
        %add3A_775 = arith.addi %add3A_105, %add3A_774 : i32
        %mul3A_776 = arith.constant 8 : i32
        %mul3A_777 = arith.muli %add3A_775, %mul3A_776 : i32
        %add3A_778 = arith.constant 4 : i32
        %add3A_779 = arith.addi %mul3A_777, %add3A_778 : i32
        %mul3A_780 = arith.constant 128 : i32
        %mul3A_781 = arith.muli %add3A_779, %mul3A_780 : i32
        %dma_start3A_782 = arith.constant 4 : i32
        %dma_start3A_783 = arith.constant 0 : i32
        %dma_start3A_784 = arith.constant 0 : i32
        %dma_start3A_785 = tpu.memref_slice %arg10[%dma_start3A_782, %dma_start3A_783, %dma_start3A_784] : memref<8x128x16xf32, #tpu.memory_space<vmem>> -> memref<1x128x16xf32, #tpu.memory_space<vmem>>
        %dma_start3A_786 = tpu.memref_squeeze %dma_start3A_785 : memref<1x128x16xf32, #tpu.memory_space<vmem>> -> memref<128x16xf32, #tpu.memory_space<vmem>>
        %dma_start3A_787 = tpu.memref_slice %arg7[%mul3A_781] : memref<2048xi32, #tpu.memory_space<vmem>> -> memref<128xi32, #tpu.memory_space<vmem>>
        %dma_start3A_788 = arith.constant 0 : i32
        %dma_start3A_789 = arith.constant 0 : i32
        %dma_start3A_790 = tpu.memref_slice %arg2[%dma_start3A_788, %dma_start3A_789] : memref<10000x16xf32, #tpu.memory_space<hbm>> -> memref<10000x16xf32, #tpu.memory_space<hbm>>
        tpu.enqueue_indirect_dma source(%dma_start3A_790 : memref<10000x16xf32, #tpu.memory_space<hbm>>) target(%dma_start3A_786 : memref<128x16xf32, #tpu.memory_space<vmem>>) offsets(%dma_start3A_787 : memref<128xi32, #tpu.memory_space<vmem>>) semaphore(%arg13 : memref<!tpu.dma_semaphore, #tpu.memory_space<semaphore_mem>>)
        %add3A_791 = arith.constant 1 : i32
        %add3A_792 = arith.addi %add3A_105, %add3A_791 : i32
        %mul3A_793 = arith.constant 8 : i32
        %mul3A_794 = arith.muli %add3A_792, %mul3A_793 : i32
        %add3A_795 = arith.constant 5 : i32
        %add3A_796 = arith.addi %mul3A_794, %add3A_795 : i32
        %mul3A_797 = arith.constant 128 : i32
        %mul3A_798 = arith.muli %add3A_796, %mul3A_797 : i32
        %dma_start3A_799 = arith.constant 5 : i32
        %dma_start3A_800 = arith.constant 0 : i32
        %dma_start3A_801 = arith.constant 0 : i32
        %dma_start3A_802 = tpu.memref_slice %arg10[%dma_start3A_799, %dma_start3A_800, %dma_start3A_801] : memref<8x128x16xf32, #tpu.memory_space<vmem>> -> memref<1x128x16xf32, #tpu.memory_space<vmem>>
        %dma_start3A_803 = tpu.memref_squeeze %dma_start3A_802 : memref<1x128x16xf32, #tpu.memory_space<vmem>> -> memref<128x16xf32, #tpu.memory_space<vmem>>
        %dma_start3A_804 = tpu.memref_slice %arg7[%mul3A_798] : memref<2048xi32, #tpu.memory_space<vmem>> -> memref<128xi32, #tpu.memory_space<vmem>>
        %dma_start3A_805 = arith.constant 0 : i32
        %dma_start3A_806 = arith.constant 0 : i32
        %dma_start3A_807 = tpu.memref_slice %arg2[%dma_start3A_805, %dma_start3A_806] : memref<10000x16xf32, #tpu.memory_space<hbm>> -> memref<10000x16xf32, #tpu.memory_space<hbm>>
        tpu.enqueue_indirect_dma source(%dma_start3A_807 : memref<10000x16xf32, #tpu.memory_space<hbm>>) target(%dma_start3A_803 : memref<128x16xf32, #tpu.memory_space<vmem>>) offsets(%dma_start3A_804 : memref<128xi32, #tpu.memory_space<vmem>>) semaphore(%arg13 : memref<!tpu.dma_semaphore, #tpu.memory_space<semaphore_mem>>)
        %add3A_808 = arith.constant 1 : i32
        %add3A_809 = arith.addi %add3A_105, %add3A_808 : i32
        %mul3A_810 = arith.constant 8 : i32
        %mul3A_811 = arith.muli %add3A_809, %mul3A_810 : i32
        %add3A_812 = arith.constant 6 : i32
        %add3A_813 = arith.addi %mul3A_811, %add3A_812 : i32
        %mul3A_814 = arith.constant 128 : i32
        %mul3A_815 = arith.muli %add3A_813, %mul3A_814 : i32
        %dma_start3A_816 = arith.constant 6 : i32
        %dma_start3A_817 = arith.constant 0 : i32
        %dma_start3A_818 = arith.constant 0 : i32
        %dma_start3A_819 = tpu.memref_slice %arg10[%dma_start3A_816, %dma_start3A_817, %dma_start3A_818] : memref<8x128x16xf32, #tpu.memory_space<vmem>> -> memref<1x128x16xf32, #tpu.memory_space<vmem>>
        %dma_start3A_820 = tpu.memref_squeeze %dma_start3A_819 : memref<1x128x16xf32, #tpu.memory_space<vmem>> -> memref<128x16xf32, #tpu.memory_space<vmem>>
        %dma_start3A_821 = tpu.memref_slice %arg7[%mul3A_815] : memref<2048xi32, #tpu.memory_space<vmem>> -> memref<128xi32, #tpu.memory_space<vmem>>
        %dma_start3A_822 = arith.constant 0 : i32
        %dma_start3A_823 = arith.constant 0 : i32
        %dma_start3A_824 = tpu.memref_slice %arg2[%dma_start3A_822, %dma_start3A_823] : memref<10000x16xf32, #tpu.memory_space<hbm>> -> memref<10000x16xf32, #tpu.memory_space<hbm>>
        tpu.enqueue_indirect_dma source(%dma_start3A_824 : memref<10000x16xf32, #tpu.memory_space<hbm>>) target(%dma_start3A_820 : memref<128x16xf32, #tpu.memory_space<vmem>>) offsets(%dma_start3A_821 : memref<128xi32, #tpu.memory_space<vmem>>) semaphore(%arg13 : memref<!tpu.dma_semaphore, #tpu.memory_space<semaphore_mem>>)
        %add3A_825 = arith.constant 1 : i32
        %add3A_826 = arith.addi %add3A_105, %add3A_825 : i32
        %mul3A_827 = arith.constant 8 : i32
        %mul3A_828 = arith.muli %add3A_826, %mul3A_827 : i32
        %add3A_829 = arith.constant 7 : i32
        %add3A_830 = arith.addi %mul3A_828, %add3A_829 : i32
        %mul3A_831 = arith.constant 128 : i32
        %mul3A_832 = arith.muli %add3A_830, %mul3A_831 : i32
        %dma_start3A_833 = arith.constant 7 : i32
        %dma_start3A_834 = arith.constant 0 : i32
        %dma_start3A_835 = arith.constant 0 : i32
        %dma_start3A_836 = tpu.memref_slice %arg10[%dma_start3A_833, %dma_start3A_834, %dma_start3A_835] : memref<8x128x16xf32, #tpu.memory_space<vmem>> -> memref<1x128x16xf32, #tpu.memory_space<vmem>>
        %dma_start3A_837 = tpu.memref_squeeze %dma_start3A_836 : memref<1x128x16xf32, #tpu.memory_space<vmem>> -> memref<128x16xf32, #tpu.memory_space<vmem>>
        %dma_start3A_838 = tpu.memref_slice %arg7[%mul3A_832] : memref<2048xi32, #tpu.memory_space<vmem>> -> memref<128xi32, #tpu.memory_space<vmem>>
        %dma_start3A_839 = arith.constant 0 : i32
        %dma_start3A_840 = arith.constant 0 : i32
        %dma_start3A_841 = tpu.memref_slice %arg2[%dma_start3A_839, %dma_start3A_840] : memref<10000x16xf32, #tpu.memory_space<hbm>> -> memref<10000x16xf32, #tpu.memory_space<hbm>>
        tpu.enqueue_indirect_dma source(%dma_start3A_841 : memref<10000x16xf32, #tpu.memory_space<hbm>>) target(%dma_start3A_837 : memref<128x16xf32, #tpu.memory_space<vmem>>) offsets(%dma_start3A_838 : memref<128xi32, #tpu.memory_space<vmem>>) semaphore(%arg13 : memref<!tpu.dma_semaphore, #tpu.memory_space<semaphore_mem>>)
      } else {
      }
      %mul3A_233 = arith.constant 8 : i32
      %mul3A_234 = arith.muli %add3A_105, %mul3A_233 : i32
      %add3A_235 = arith.constant 0 : i32
      %add3A_236 = arith.addi %mul3A_234, %add3A_235 : i32
      %dma_start3A_237 = arith.constant 0 : i32
      %dma_start3A_238 = arith.constant 0 : i32
      %dma_start3A_239 = arith.constant 0 : i32
      %dma_start3A_240 = tpu.memref_slice %arg9[%dma_start3A_237, %dma_start3A_238, %dma_start3A_239] : memref<8x128x16xf32, #tpu.memory_space<vmem>> -> memref<1x128x16xf32, #tpu.memory_space<vmem>>
      %dma_start3A_241 = tpu.memref_squeeze %dma_start3A_240 : memref<1x128x16xf32, #tpu.memory_space<vmem>> -> memref<128x16xf32, #tpu.memory_space<vmem>>
      %dma_start3A_242 = arith.constant 0 : i32
      %dma_start3A_243 = tpu.memref_slice %arg8[%add3A_236, %dma_start3A_242] : memref<16x128xi32, #tpu.memory_space<vmem>> -> memref<1x128xi32, #tpu.memory_space<vmem>>
      %dma_start3A_244 = tpu.memref_squeeze %dma_start3A_243 : memref<1x128xi32, #tpu.memory_space<vmem>> -> memref<128xi32, #tpu.memory_space<vmem>>
      %dma_start3A_245 = arith.constant 0 : i32
      %dma_start3A_246 = arith.constant 0 : i32
      %dma_start3A_247 = tpu.memref_slice %arg11[%dma_start3A_245, %dma_start3A_246] : memref<10240x16xf32, #tpu.memory_space<vmem_shared>> -> memref<10240x16xf32, #tpu.memory_space<vmem_shared>>
      tpu.enqueue_indirect_dma source(%dma_start3A_241 : memref<128x16xf32, #tpu.memory_space<vmem>>) target(%dma_start3A_247 : memref<10240x16xf32, #tpu.memory_space<vmem_shared>>) offsets(%dma_start3A_244 : memref<128xi32, #tpu.memory_space<vmem>>) semaphore(%arg14 : memref<!tpu.dma_semaphore, #tpu.memory_space<semaphore_mem>>) {add = true}
      %mul3A_248 = arith.constant 8 : i32
      %mul3A_249 = arith.muli %add3A_105, %mul3A_248 : i32
      %add3A_250 = arith.constant 1 : i32
      %add3A_251 = arith.addi %mul3A_249, %add3A_250 : i32
      %dma_start3A_252 = arith.constant 1 : i32
      %dma_start3A_253 = arith.constant 0 : i32
      %dma_start3A_254 = arith.constant 0 : i32
      %dma_start3A_255 = tpu.memref_slice %arg9[%dma_start3A_252, %dma_start3A_253, %dma_start3A_254] : memref<8x128x16xf32, #tpu.memory_space<vmem>> -> memref<1x128x16xf32, #tpu.memory_space<vmem>>
      %dma_start3A_256 = tpu.memref_squeeze %dma_start3A_255 : memref<1x128x16xf32, #tpu.memory_space<vmem>> -> memref<128x16xf32, #tpu.memory_space<vmem>>
      %dma_start3A_257 = arith.constant 0 : i32
      %dma_start3A_258 = tpu.memref_slice %arg8[%add3A_251, %dma_start3A_257] : memref<16x128xi32, #tpu.memory_space<vmem>> -> memref<1x128xi32, #tpu.memory_space<vmem>>
      %dma_start3A_259 = tpu.memref_squeeze %dma_start3A_258 : memref<1x128xi32, #tpu.memory_space<vmem>> -> memref<128xi32, #tpu.memory_space<vmem>>
      %dma_start3A_260 = arith.constant 0 : i32
      %dma_start3A_261 = arith.constant 0 : i32
      %dma_start3A_262 = tpu.memref_slice %arg11[%dma_start3A_260, %dma_start3A_261] : memref<10240x16xf32, #tpu.memory_space<vmem_shared>> -> memref<10240x16xf32, #tpu.memory_space<vmem_shared>>
      tpu.enqueue_indirect_dma source(%dma_start3A_256 : memref<128x16xf32, #tpu.memory_space<vmem>>) target(%dma_start3A_262 : memref<10240x16xf32, #tpu.memory_space<vmem_shared>>) offsets(%dma_start3A_259 : memref<128xi32, #tpu.memory_space<vmem>>) semaphore(%arg14 : memref<!tpu.dma_semaphore, #tpu.memory_space<semaphore_mem>>) {add = true}
      %mul3A_263 = arith.constant 8 : i32
      %mul3A_264 = arith.muli %add3A_105, %mul3A_263 : i32
      %add3A_265 = arith.constant 2 : i32
      %add3A_266 = arith.addi %mul3A_264, %add3A_265 : i32
      %dma_start3A_267 = arith.constant 2 : i32
      %dma_start3A_268 = arith.constant 0 : i32
      %dma_start3A_269 = arith.constant 0 : i32
      %dma_start3A_270 = tpu.memref_slice %arg9[%dma_start3A_267, %dma_start3A_268, %dma_start3A_269] : memref<8x128x16xf32, #tpu.memory_space<vmem>> -> memref<1x128x16xf32, #tpu.memory_space<vmem>>
      %dma_start3A_271 = tpu.memref_squeeze %dma_start3A_270 : memref<1x128x16xf32, #tpu.memory_space<vmem>> -> memref<128x16xf32, #tpu.memory_space<vmem>>
      %dma_start3A_272 = arith.constant 0 : i32
      %dma_start3A_273 = tpu.memref_slice %arg8[%add3A_266, %dma_start3A_272] : memref<16x128xi32, #tpu.memory_space<vmem>> -> memref<1x128xi32, #tpu.memory_space<vmem>>
      %dma_start3A_274 = tpu.memref_squeeze %dma_start3A_273 : memref<1x128xi32, #tpu.memory_space<vmem>> -> memref<128xi32, #tpu.memory_space<vmem>>
      %dma_start3A_275 = arith.constant 0 : i32
      %dma_start3A_276 = arith.constant 0 : i32
      %dma_start3A_277 = tpu.memref_slice %arg11[%dma_start3A_275, %dma_start3A_276] : memref<10240x16xf32, #tpu.memory_space<vmem_shared>> -> memref<10240x16xf32, #tpu.memory_space<vmem_shared>>
      tpu.enqueue_indirect_dma source(%dma_start3A_271 : memref<128x16xf32, #tpu.memory_space<vmem>>) target(%dma_start3A_277 : memref<10240x16xf32, #tpu.memory_space<vmem_shared>>) offsets(%dma_start3A_274 : memref<128xi32, #tpu.memory_space<vmem>>) semaphore(%arg14 : memref<!tpu.dma_semaphore, #tpu.memory_space<semaphore_mem>>) {add = true}
      %mul3A_278 = arith.constant 8 : i32
      %mul3A_279 = arith.muli %add3A_105, %mul3A_278 : i32
      %add3A_280 = arith.constant 3 : i32
      %add3A_281 = arith.addi %mul3A_279, %add3A_280 : i32
      %dma_start3A_282 = arith.constant 3 : i32
      %dma_start3A_283 = arith.constant 0 : i32
      %dma_start3A_284 = arith.constant 0 : i32
      %dma_start3A_285 = tpu.memref_slice %arg9[%dma_start3A_282, %dma_start3A_283, %dma_start3A_284] : memref<8x128x16xf32, #tpu.memory_space<vmem>> -> memref<1x128x16xf32, #tpu.memory_space<vmem>>
      %dma_start3A_286 = tpu.memref_squeeze %dma_start3A_285 : memref<1x128x16xf32, #tpu.memory_space<vmem>> -> memref<128x16xf32, #tpu.memory_space<vmem>>
      %dma_start3A_287 = arith.constant 0 : i32
      %dma_start3A_288 = tpu.memref_slice %arg8[%add3A_281, %dma_start3A_287] : memref<16x128xi32, #tpu.memory_space<vmem>> -> memref<1x128xi32, #tpu.memory_space<vmem>>
      %dma_start3A_289 = tpu.memref_squeeze %dma_start3A_288 : memref<1x128xi32, #tpu.memory_space<vmem>> -> memref<128xi32, #tpu.memory_space<vmem>>
      %dma_start3A_290 = arith.constant 0 : i32
      %dma_start3A_291 = arith.constant 0 : i32
      %dma_start3A_292 = tpu.memref_slice %arg11[%dma_start3A_290, %dma_start3A_291] : memref<10240x16xf32, #tpu.memory_space<vmem_shared>> -> memref<10240x16xf32, #tpu.memory_space<vmem_shared>>
      tpu.enqueue_indirect_dma source(%dma_start3A_286 : memref<128x16xf32, #tpu.memory_space<vmem>>) target(%dma_start3A_292 : memref<10240x16xf32, #tpu.memory_space<vmem_shared>>) offsets(%dma_start3A_289 : memref<128xi32, #tpu.memory_space<vmem>>) semaphore(%arg14 : memref<!tpu.dma_semaphore, #tpu.memory_space<semaphore_mem>>) {add = true}
      %mul3A_293 = arith.constant 8 : i32
      %mul3A_294 = arith.muli %add3A_105, %mul3A_293 : i32
      %add3A_295 = arith.constant 4 : i32
      %add3A_296 = arith.addi %mul3A_294, %add3A_295 : i32
      %dma_start3A_297 = arith.constant 4 : i32
      %dma_start3A_298 = arith.constant 0 : i32
      %dma_start3A_299 = arith.constant 0 : i32
      %dma_start3A_300 = tpu.memref_slice %arg9[%dma_start3A_297, %dma_start3A_298, %dma_start3A_299] : memref<8x128x16xf32, #tpu.memory_space<vmem>> -> memref<1x128x16xf32, #tpu.memory_space<vmem>>
      %dma_start3A_301 = tpu.memref_squeeze %dma_start3A_300 : memref<1x128x16xf32, #tpu.memory_space<vmem>> -> memref<128x16xf32, #tpu.memory_space<vmem>>
      %dma_start3A_302 = arith.constant 0 : i32
      %dma_start3A_303 = tpu.memref_slice %arg8[%add3A_296, %dma_start3A_302] : memref<16x128xi32, #tpu.memory_space<vmem>> -> memref<1x128xi32, #tpu.memory_space<vmem>>
      %dma_start3A_304 = tpu.memref_squeeze %dma_start3A_303 : memref<1x128xi32, #tpu.memory_space<vmem>> -> memref<128xi32, #tpu.memory_space<vmem>>
      %dma_start3A_305 = arith.constant 0 : i32
      %dma_start3A_306 = arith.constant 0 : i32
      %dma_start3A_307 = tpu.memref_slice %arg11[%dma_start3A_305, %dma_start3A_306] : memref<10240x16xf32, #tpu.memory_space<vmem_shared>> -> memref<10240x16xf32, #tpu.memory_space<vmem_shared>>
      tpu.enqueue_indirect_dma source(%dma_start3A_301 : memref<128x16xf32, #tpu.memory_space<vmem>>) target(%dma_start3A_307 : memref<10240x16xf32, #tpu.memory_space<vmem_shared>>) offsets(%dma_start3A_304 : memref<128xi32, #tpu.memory_space<vmem>>) semaphore(%arg14 : memref<!tpu.dma_semaphore, #tpu.memory_space<semaphore_mem>>) {add = true}
      %mul3A_308 = arith.constant 8 : i32
      %mul3A_309 = arith.muli %add3A_105, %mul3A_308 : i32
      %add3A_310 = arith.constant 5 : i32
      %add3A_311 = arith.addi %mul3A_309, %add3A_310 : i32
      %dma_start3A_312 = arith.constant 5 : i32
      %dma_start3A_313 = arith.constant 0 : i32
      %dma_start3A_314 = arith.constant 0 : i32
      %dma_start3A_315 = tpu.memref_slice %arg9[%dma_start3A_312, %dma_start3A_313, %dma_start3A_314] : memref<8x128x16xf32, #tpu.memory_space<vmem>> -> memref<1x128x16xf32, #tpu.memory_space<vmem>>
      %dma_start3A_316 = tpu.memref_squeeze %dma_start3A_315 : memref<1x128x16xf32, #tpu.memory_space<vmem>> -> memref<128x16xf32, #tpu.memory_space<vmem>>
      %dma_start3A_317 = arith.constant 0 : i32
      %dma_start3A_318 = tpu.memref_slice %arg8[%add3A_311, %dma_start3A_317] : memref<16x128xi32, #tpu.memory_space<vmem>> -> memref<1x128xi32, #tpu.memory_space<vmem>>
      %dma_start3A_319 = tpu.memref_squeeze %dma_start3A_318 : memref<1x128xi32, #tpu.memory_space<vmem>> -> memref<128xi32, #tpu.memory_space<vmem>>
      %dma_start3A_320 = arith.constant 0 : i32
      %dma_start3A_321 = arith.constant 0 : i32
      %dma_start3A_322 = tpu.memref_slice %arg11[%dma_start3A_320, %dma_start3A_321] : memref<10240x16xf32, #tpu.memory_space<vmem_shared>> -> memref<10240x16xf32, #tpu.memory_space<vmem_shared>>
      tpu.enqueue_indirect_dma source(%dma_start3A_316 : memref<128x16xf32, #tpu.memory_space<vmem>>) target(%dma_start3A_322 : memref<10240x16xf32, #tpu.memory_space<vmem_shared>>) offsets(%dma_start3A_319 : memref<128xi32, #tpu.memory_space<vmem>>) semaphore(%arg14 : memref<!tpu.dma_semaphore, #tpu.memory_space<semaphore_mem>>) {add = true}
      %mul3A_323 = arith.constant 8 : i32
      %mul3A_324 = arith.muli %add3A_105, %mul3A_323 : i32
      %add3A_325 = arith.constant 6 : i32
      %add3A_326 = arith.addi %mul3A_324, %add3A_325 : i32
      %dma_start3A_327 = arith.constant 6 : i32
      %dma_start3A_328 = arith.constant 0 : i32
      %dma_start3A_329 = arith.constant 0 : i32
      %dma_start3A_330 = tpu.memref_slice %arg9[%dma_start3A_327, %dma_start3A_328, %dma_start3A_329] : memref<8x128x16xf32, #tpu.memory_space<vmem>> -> memref<1x128x16xf32, #tpu.memory_space<vmem>>
      %dma_start3A_331 = tpu.memref_squeeze %dma_start3A_330 : memref<1x128x16xf32, #tpu.memory_space<vmem>> -> memref<128x16xf32, #tpu.memory_space<vmem>>
      %dma_start3A_332 = arith.constant 0 : i32
      %dma_start3A_333 = tpu.memref_slice %arg8[%add3A_326, %dma_start3A_332] : memref<16x128xi32, #tpu.memory_space<vmem>> -> memref<1x128xi32, #tpu.memory_space<vmem>>
      %dma_start3A_334 = tpu.memref_squeeze %dma_start3A_333 : memref<1x128xi32, #tpu.memory_space<vmem>> -> memref<128xi32, #tpu.memory_space<vmem>>
      %dma_start3A_335 = arith.constant 0 : i32
      %dma_start3A_336 = arith.constant 0 : i32
      %dma_start3A_337 = tpu.memref_slice %arg11[%dma_start3A_335, %dma_start3A_336] : memref<10240x16xf32, #tpu.memory_space<vmem_shared>> -> memref<10240x16xf32, #tpu.memory_space<vmem_shared>>
      tpu.enqueue_indirect_dma source(%dma_start3A_331 : memref<128x16xf32, #tpu.memory_space<vmem>>) target(%dma_start3A_337 : memref<10240x16xf32, #tpu.memory_space<vmem_shared>>) offsets(%dma_start3A_334 : memref<128xi32, #tpu.memory_space<vmem>>) semaphore(%arg14 : memref<!tpu.dma_semaphore, #tpu.memory_space<semaphore_mem>>) {add = true}
      %mul3A_338 = arith.constant 8 : i32
      %mul3A_339 = arith.muli %add3A_105, %mul3A_338 : i32
      %add3A_340 = arith.constant 7 : i32
      %add3A_341 = arith.addi %mul3A_339, %add3A_340 : i32
      %dma_start3A_342 = arith.constant 7 : i32
      %dma_start3A_343 = arith.constant 0 : i32
      %dma_start3A_344 = arith.constant 0 : i32
      %dma_start3A_345 = tpu.memref_slice %arg9[%dma_start3A_342, %dma_start3A_343, %dma_start3A_344] : memref<8x128x16xf32, #tpu.memory_space<vmem>> -> memref<1x128x16xf32, #tpu.memory_space<vmem>>
      %dma_start3A_346 = tpu.memref_squeeze %dma_start3A_345 : memref<1x128x16xf32, #tpu.memory_space<vmem>> -> memref<128x16xf32, #tpu.memory_space<vmem>>
      %dma_start3A_347 = arith.constant 0 : i32
      %dma_start3A_348 = tpu.memref_slice %arg8[%add3A_341, %dma_start3A_347] : memref<16x128xi32, #tpu.memory_space<vmem>> -> memref<1x128xi32, #tpu.memory_space<vmem>>
      %dma_start3A_349 = tpu.memref_squeeze %dma_start3A_348 : memref<1x128xi32, #tpu.memory_space<vmem>> -> memref<128xi32, #tpu.memory_space<vmem>>
      %dma_start3A_350 = arith.constant 0 : i32
      %dma_start3A_351 = arith.constant 0 : i32
      %dma_start3A_352 = tpu.memref_slice %arg11[%dma_start3A_350, %dma_start3A_351] : memref<10240x16xf32, #tpu.memory_space<vmem_shared>> -> memref<10240x16xf32, #tpu.memory_space<vmem_shared>>
      tpu.enqueue_indirect_dma source(%dma_start3A_346 : memref<128x16xf32, #tpu.memory_space<vmem>>) target(%dma_start3A_352 : memref<10240x16xf32, #tpu.memory_space<vmem_shared>>) offsets(%dma_start3A_349 : memref<128xi32, #tpu.memory_space<vmem>>) semaphore(%arg14 : memref<!tpu.dma_semaphore, #tpu.memory_space<semaphore_mem>>) {add = true}
      %mul3A_353 = arith.constant 2 : i32
      %mul3A_354 = arith.muli %mul3A_353, %scan3A_101 : i32
      %add3A_355 = arith.constant 1 : i32
      %add3A_356 = arith.addi %mul3A_354, %add3A_355 : i32
      %mul3A_357 = arith.constant 8 : i32
      %mul3A_358 = arith.muli %add3A_356, %mul3A_357 : i32
      %add3A_359 = arith.constant 0 : i32
      %add3A_360 = arith.addi %mul3A_358, %add3A_359 : i32
      %mul3A_361 = arith.constant 128 : i32
      %mul3A_362 = arith.muli %add3A_360, %mul3A_361 : i32
      %dma_wait3A_363 = arith.constant 0 : i32
      %dma_wait3A_364 = arith.constant 0 : i32
      %dma_wait3A_365 = arith.constant 0 : i32
      %dma_wait3A_366 = tpu.memref_slice %arg10[%dma_wait3A_363, %dma_wait3A_364, %dma_wait3A_365] : memref<8x128x16xf32, #tpu.memory_space<vmem>> -> memref<1x128x16xf32, #tpu.memory_space<vmem>>
      %dma_wait3A_367 = tpu.memref_squeeze %dma_wait3A_366 : memref<1x128x16xf32, #tpu.memory_space<vmem>> -> memref<128x16xf32, #tpu.memory_space<vmem>>
      %dma_wait3A_368 = tpu.memref_slice %arg7[%mul3A_362] : memref<2048xi32, #tpu.memory_space<vmem>> -> memref<128xi32, #tpu.memory_space<vmem>>
      %dma_wait3A_369 = arith.constant 0 : i32
      %dma_wait3A_370 = arith.constant 0 : i32
      %dma_wait3A_371 = tpu.memref_slice %arg2[%dma_wait3A_369, %dma_wait3A_370] : memref<10000x16xf32, #tpu.memory_space<hbm>> -> memref<10000x16xf32, #tpu.memory_space<hbm>>
      tpu.wait_indirect_dma semaphore(%arg13 : memref<!tpu.dma_semaphore, #tpu.memory_space<semaphore_mem>>) src(%dma_wait3A_371 : memref<10000x16xf32, #tpu.memory_space<hbm>>) dst(%dma_wait3A_367 : memref<128x16xf32, #tpu.memory_space<vmem>>)
      %mul3A_372 = arith.constant 8 : i32
      %mul3A_373 = arith.muli %add3A_356, %mul3A_372 : i32
      %add3A_374 = arith.constant 1 : i32
      %add3A_375 = arith.addi %mul3A_373, %add3A_374 : i32
      %mul3A_376 = arith.constant 128 : i32
      %mul3A_377 = arith.muli %add3A_375, %mul3A_376 : i32
      %dma_wait3A_378 = arith.constant 1 : i32
      %dma_wait3A_379 = arith.constant 0 : i32
      %dma_wait3A_380 = arith.constant 0 : i32
      %dma_wait3A_381 = tpu.memref_slice %arg10[%dma_wait3A_378, %dma_wait3A_379, %dma_wait3A_380] : memref<8x128x16xf32, #tpu.memory_space<vmem>> -> memref<1x128x16xf32, #tpu.memory_space<vmem>>
      %dma_wait3A_382 = tpu.memref_squeeze %dma_wait3A_381 : memref<1x128x16xf32, #tpu.memory_space<vmem>> -> memref<128x16xf32, #tpu.memory_space<vmem>>
      %dma_wait3A_383 = tpu.memref_slice %arg7[%mul3A_377] : memref<2048xi32, #tpu.memory_space<vmem>> -> memref<128xi32, #tpu.memory_space<vmem>>
      %dma_wait3A_384 = arith.constant 0 : i32
      %dma_wait3A_385 = arith.constant 0 : i32
      %dma_wait3A_386 = tpu.memref_slice %arg2[%dma_wait3A_384, %dma_wait3A_385] : memref<10000x16xf32, #tpu.memory_space<hbm>> -> memref<10000x16xf32, #tpu.memory_space<hbm>>
      tpu.wait_indirect_dma semaphore(%arg13 : memref<!tpu.dma_semaphore, #tpu.memory_space<semaphore_mem>>) src(%dma_wait3A_386 : memref<10000x16xf32, #tpu.memory_space<hbm>>) dst(%dma_wait3A_382 : memref<128x16xf32, #tpu.memory_space<vmem>>)
      %mul3A_387 = arith.constant 8 : i32
      %mul3A_388 = arith.muli %add3A_356, %mul3A_387 : i32
      %add3A_389 = arith.constant 2 : i32
      %add3A_390 = arith.addi %mul3A_388, %add3A_389 : i32
      %mul3A_391 = arith.constant 128 : i32
      %mul3A_392 = arith.muli %add3A_390, %mul3A_391 : i32
      %dma_wait3A_393 = arith.constant 2 : i32
      %dma_wait3A_394 = arith.constant 0 : i32
      %dma_wait3A_395 = arith.constant 0 : i32
      %dma_wait3A_396 = tpu.memref_slice %arg10[%dma_wait3A_393, %dma_wait3A_394, %dma_wait3A_395] : memref<8x128x16xf32, #tpu.memory_space<vmem>> -> memref<1x128x16xf32, #tpu.memory_space<vmem>>
      %dma_wait3A_397 = tpu.memref_squeeze %dma_wait3A_396 : memref<1x128x16xf32, #tpu.memory_space<vmem>> -> memref<128x16xf32, #tpu.memory_space<vmem>>
      %dma_wait3A_398 = tpu.memref_slice %arg7[%mul3A_392] : memref<2048xi32, #tpu.memory_space<vmem>> -> memref<128xi32, #tpu.memory_space<vmem>>
      %dma_wait3A_399 = arith.constant 0 : i32
      %dma_wait3A_400 = arith.constant 0 : i32
      %dma_wait3A_401 = tpu.memref_slice %arg2[%dma_wait3A_399, %dma_wait3A_400] : memref<10000x16xf32, #tpu.memory_space<hbm>> -> memref<10000x16xf32, #tpu.memory_space<hbm>>
      tpu.wait_indirect_dma semaphore(%arg13 : memref<!tpu.dma_semaphore, #tpu.memory_space<semaphore_mem>>) src(%dma_wait3A_401 : memref<10000x16xf32, #tpu.memory_space<hbm>>) dst(%dma_wait3A_397 : memref<128x16xf32, #tpu.memory_space<vmem>>)
      %mul3A_402 = arith.constant 8 : i32
      %mul3A_403 = arith.muli %add3A_356, %mul3A_402 : i32
      %add3A_404 = arith.constant 3 : i32
      %add3A_405 = arith.addi %mul3A_403, %add3A_404 : i32
      %mul3A_406 = arith.constant 128 : i32
      %mul3A_407 = arith.muli %add3A_405, %mul3A_406 : i32
      %dma_wait3A_408 = arith.constant 3 : i32
      %dma_wait3A_409 = arith.constant 0 : i32
      %dma_wait3A_410 = arith.constant 0 : i32
      %dma_wait3A_411 = tpu.memref_slice %arg10[%dma_wait3A_408, %dma_wait3A_409, %dma_wait3A_410] : memref<8x128x16xf32, #tpu.memory_space<vmem>> -> memref<1x128x16xf32, #tpu.memory_space<vmem>>
      %dma_wait3A_412 = tpu.memref_squeeze %dma_wait3A_411 : memref<1x128x16xf32, #tpu.memory_space<vmem>> -> memref<128x16xf32, #tpu.memory_space<vmem>>
      %dma_wait3A_413 = tpu.memref_slice %arg7[%mul3A_407] : memref<2048xi32, #tpu.memory_space<vmem>> -> memref<128xi32, #tpu.memory_space<vmem>>
      %dma_wait3A_414 = arith.constant 0 : i32
      %dma_wait3A_415 = arith.constant 0 : i32
      %dma_wait3A_416 = tpu.memref_slice %arg2[%dma_wait3A_414, %dma_wait3A_415] : memref<10000x16xf32, #tpu.memory_space<hbm>> -> memref<10000x16xf32, #tpu.memory_space<hbm>>
      tpu.wait_indirect_dma semaphore(%arg13 : memref<!tpu.dma_semaphore, #tpu.memory_space<semaphore_mem>>) src(%dma_wait3A_416 : memref<10000x16xf32, #tpu.memory_space<hbm>>) dst(%dma_wait3A_412 : memref<128x16xf32, #tpu.memory_space<vmem>>)
      %mul3A_417 = arith.constant 8 : i32
      %mul3A_418 = arith.muli %add3A_356, %mul3A_417 : i32
      %add3A_419 = arith.constant 4 : i32
      %add3A_420 = arith.addi %mul3A_418, %add3A_419 : i32
      %mul3A_421 = arith.constant 128 : i32
      %mul3A_422 = arith.muli %add3A_420, %mul3A_421 : i32
      %dma_wait3A_423 = arith.constant 4 : i32
      %dma_wait3A_424 = arith.constant 0 : i32
      %dma_wait3A_425 = arith.constant 0 : i32
      %dma_wait3A_426 = tpu.memref_slice %arg10[%dma_wait3A_423, %dma_wait3A_424, %dma_wait3A_425] : memref<8x128x16xf32, #tpu.memory_space<vmem>> -> memref<1x128x16xf32, #tpu.memory_space<vmem>>
      %dma_wait3A_427 = tpu.memref_squeeze %dma_wait3A_426 : memref<1x128x16xf32, #tpu.memory_space<vmem>> -> memref<128x16xf32, #tpu.memory_space<vmem>>
      %dma_wait3A_428 = tpu.memref_slice %arg7[%mul3A_422] : memref<2048xi32, #tpu.memory_space<vmem>> -> memref<128xi32, #tpu.memory_space<vmem>>
      %dma_wait3A_429 = arith.constant 0 : i32
      %dma_wait3A_430 = arith.constant 0 : i32
      %dma_wait3A_431 = tpu.memref_slice %arg2[%dma_wait3A_429, %dma_wait3A_430] : memref<10000x16xf32, #tpu.memory_space<hbm>> -> memref<10000x16xf32, #tpu.memory_space<hbm>>
      tpu.wait_indirect_dma semaphore(%arg13 : memref<!tpu.dma_semaphore, #tpu.memory_space<semaphore_mem>>) src(%dma_wait3A_431 : memref<10000x16xf32, #tpu.memory_space<hbm>>) dst(%dma_wait3A_427 : memref<128x16xf32, #tpu.memory_space<vmem>>)
      %mul3A_432 = arith.constant 8 : i32
      %mul3A_433 = arith.muli %add3A_356, %mul3A_432 : i32
      %add3A_434 = arith.constant 5 : i32
      %add3A_435 = arith.addi %mul3A_433, %add3A_434 : i32
      %mul3A_436 = arith.constant 128 : i32
      %mul3A_437 = arith.muli %add3A_435, %mul3A_436 : i32
      %dma_wait3A_438 = arith.constant 5 : i32
      %dma_wait3A_439 = arith.constant 0 : i32
      %dma_wait3A_440 = arith.constant 0 : i32
      %dma_wait3A_441 = tpu.memref_slice %arg10[%dma_wait3A_438, %dma_wait3A_439, %dma_wait3A_440] : memref<8x128x16xf32, #tpu.memory_space<vmem>> -> memref<1x128x16xf32, #tpu.memory_space<vmem>>
      %dma_wait3A_442 = tpu.memref_squeeze %dma_wait3A_441 : memref<1x128x16xf32, #tpu.memory_space<vmem>> -> memref<128x16xf32, #tpu.memory_space<vmem>>
      %dma_wait3A_443 = tpu.memref_slice %arg7[%mul3A_437] : memref<2048xi32, #tpu.memory_space<vmem>> -> memref<128xi32, #tpu.memory_space<vmem>>
      %dma_wait3A_444 = arith.constant 0 : i32
      %dma_wait3A_445 = arith.constant 0 : i32
      %dma_wait3A_446 = tpu.memref_slice %arg2[%dma_wait3A_444, %dma_wait3A_445] : memref<10000x16xf32, #tpu.memory_space<hbm>> -> memref<10000x16xf32, #tpu.memory_space<hbm>>
      tpu.wait_indirect_dma semaphore(%arg13 : memref<!tpu.dma_semaphore, #tpu.memory_space<semaphore_mem>>) src(%dma_wait3A_446 : memref<10000x16xf32, #tpu.memory_space<hbm>>) dst(%dma_wait3A_442 : memref<128x16xf32, #tpu.memory_space<vmem>>)
      %mul3A_447 = arith.constant 8 : i32
      %mul3A_448 = arith.muli %add3A_356, %mul3A_447 : i32
      %add3A_449 = arith.constant 6 : i32
      %add3A_450 = arith.addi %mul3A_448, %add3A_449 : i32
      %mul3A_451 = arith.constant 128 : i32
      %mul3A_452 = arith.muli %add3A_450, %mul3A_451 : i32
      %dma_wait3A_453 = arith.constant 6 : i32
      %dma_wait3A_454 = arith.constant 0 : i32
      %dma_wait3A_455 = arith.constant 0 : i32
      %dma_wait3A_456 = tpu.memref_slice %arg10[%dma_wait3A_453, %dma_wait3A_454, %dma_wait3A_455] : memref<8x128x16xf32, #tpu.memory_space<vmem>> -> memref<1x128x16xf32, #tpu.memory_space<vmem>>
      %dma_wait3A_457 = tpu.memref_squeeze %dma_wait3A_456 : memref<1x128x16xf32, #tpu.memory_space<vmem>> -> memref<128x16xf32, #tpu.memory_space<vmem>>
      %dma_wait3A_458 = tpu.memref_slice %arg7[%mul3A_452] : memref<2048xi32, #tpu.memory_space<vmem>> -> memref<128xi32, #tpu.memory_space<vmem>>
      %dma_wait3A_459 = arith.constant 0 : i32
      %dma_wait3A_460 = arith.constant 0 : i32
      %dma_wait3A_461 = tpu.memref_slice %arg2[%dma_wait3A_459, %dma_wait3A_460] : memref<10000x16xf32, #tpu.memory_space<hbm>> -> memref<10000x16xf32, #tpu.memory_space<hbm>>
      tpu.wait_indirect_dma semaphore(%arg13 : memref<!tpu.dma_semaphore, #tpu.memory_space<semaphore_mem>>) src(%dma_wait3A_461 : memref<10000x16xf32, #tpu.memory_space<hbm>>) dst(%dma_wait3A_457 : memref<128x16xf32, #tpu.memory_space<vmem>>)
      %mul3A_462 = arith.constant 8 : i32
      %mul3A_463 = arith.muli %add3A_356, %mul3A_462 : i32
      %add3A_464 = arith.constant 7 : i32
      %add3A_465 = arith.addi %mul3A_463, %add3A_464 : i32
      %mul3A_466 = arith.constant 128 : i32
      %mul3A_467 = arith.muli %add3A_465, %mul3A_466 : i32
      %dma_wait3A_468 = arith.constant 7 : i32
      %dma_wait3A_469 = arith.constant 0 : i32
      %dma_wait3A_470 = arith.constant 0 : i32
      %dma_wait3A_471 = tpu.memref_slice %arg10[%dma_wait3A_468, %dma_wait3A_469, %dma_wait3A_470] : memref<8x128x16xf32, #tpu.memory_space<vmem>> -> memref<1x128x16xf32, #tpu.memory_space<vmem>>
      %dma_wait3A_472 = tpu.memref_squeeze %dma_wait3A_471 : memref<1x128x16xf32, #tpu.memory_space<vmem>> -> memref<128x16xf32, #tpu.memory_space<vmem>>
      %dma_wait3A_473 = tpu.memref_slice %arg7[%mul3A_467] : memref<2048xi32, #tpu.memory_space<vmem>> -> memref<128xi32, #tpu.memory_space<vmem>>
      %dma_wait3A_474 = arith.constant 0 : i32
      %dma_wait3A_475 = arith.constant 0 : i32
      %dma_wait3A_476 = tpu.memref_slice %arg2[%dma_wait3A_474, %dma_wait3A_475] : memref<10000x16xf32, #tpu.memory_space<hbm>> -> memref<10000x16xf32, #tpu.memory_space<hbm>>
      tpu.wait_indirect_dma semaphore(%arg13 : memref<!tpu.dma_semaphore, #tpu.memory_space<semaphore_mem>>) src(%dma_wait3A_476 : memref<10000x16xf32, #tpu.memory_space<hbm>>) dst(%dma_wait3A_472 : memref<128x16xf32, #tpu.memory_space<vmem>>)
      %ge3A_477 = arith.constant 1 : i32
      %ge3A_478 = arith.cmpi sge, %add3A_356, %ge3A_477 : i32
      %convert_element_type3A_479 = arith.extui %ge3A_478 : i1 to i32
      %cond3A_480 = arith.constant 0 : i32
      %cond3A_481 = arith.cmpi ne, %convert_element_type3A_479, %cond3A_480 : i32
      scf.if %cond3A_481 {
        %sub3A = arith.constant 1 : i32
        %sub3A_706 = arith.subi %add3A_356, %sub3A : i32
        %mul3A_707 = arith.constant 8 : i32
        %mul3A_708 = arith.muli %sub3A_706, %mul3A_707 : i32
        %add3A_709 = arith.constant 0 : i32
        %add3A_710 = arith.addi %mul3A_708, %add3A_709 : i32
        %dma_wait3A_711 = arith.constant 0 : i32
        %dma_wait3A_712 = arith.constant 0 : i32
        %dma_wait3A_713 = arith.constant 0 : i32
        %dma_wait3A_714 = tpu.memref_slice %arg9[%dma_wait3A_711, %dma_wait3A_712, %dma_wait3A_713] : memref<8x128x16xf32, #tpu.memory_space<vmem>> -> memref<1x128x16xf32, #tpu.memory_space<vmem>>
        %dma_wait3A_715 = tpu.memref_squeeze %dma_wait3A_714 : memref<1x128x16xf32, #tpu.memory_space<vmem>> -> memref<128x16xf32, #tpu.memory_space<vmem>>
        %dma_wait3A_716 = arith.constant 0 : i32
        %dma_wait3A_717 = tpu.memref_slice %arg8[%add3A_710, %dma_wait3A_716] : memref<16x128xi32, #tpu.memory_space<vmem>> -> memref<1x128xi32, #tpu.memory_space<vmem>>
        %dma_wait3A_718 = tpu.memref_squeeze %dma_wait3A_717 : memref<1x128xi32, #tpu.memory_space<vmem>> -> memref<128xi32, #tpu.memory_space<vmem>>
        %dma_wait3A_719 = arith.constant 0 : i32
        %dma_wait3A_720 = arith.constant 0 : i32
        %dma_wait3A_721 = tpu.memref_slice %arg11[%dma_wait3A_719, %dma_wait3A_720] : memref<10240x16xf32, #tpu.memory_space<vmem_shared>> -> memref<10240x16xf32, #tpu.memory_space<vmem_shared>>
        tpu.wait_indirect_dma semaphore(%arg14 : memref<!tpu.dma_semaphore, #tpu.memory_space<semaphore_mem>>) src(%dma_wait3A_715 : memref<128x16xf32, #tpu.memory_space<vmem>>) dst(%dma_wait3A_721 : memref<10240x16xf32, #tpu.memory_space<vmem_shared>>)
        %sub3A_722 = arith.constant 1 : i32
        %sub3A_723 = arith.subi %add3A_356, %sub3A_722 : i32
        %mul3A_724 = arith.constant 8 : i32
        %mul3A_725 = arith.muli %sub3A_723, %mul3A_724 : i32
        %add3A_726 = arith.constant 1 : i32
        %add3A_727 = arith.addi %mul3A_725, %add3A_726 : i32
        %dma_wait3A_728 = arith.constant 1 : i32
        %dma_wait3A_729 = arith.constant 0 : i32
        %dma_wait3A_730 = arith.constant 0 : i32
        %dma_wait3A_731 = tpu.memref_slice %arg9[%dma_wait3A_728, %dma_wait3A_729, %dma_wait3A_730] : memref<8x128x16xf32, #tpu.memory_space<vmem>> -> memref<1x128x16xf32, #tpu.memory_space<vmem>>
        %dma_wait3A_732 = tpu.memref_squeeze %dma_wait3A_731 : memref<1x128x16xf32, #tpu.memory_space<vmem>> -> memref<128x16xf32, #tpu.memory_space<vmem>>
        %dma_wait3A_733 = arith.constant 0 : i32
        %dma_wait3A_734 = tpu.memref_slice %arg8[%add3A_727, %dma_wait3A_733] : memref<16x128xi32, #tpu.memory_space<vmem>> -> memref<1x128xi32, #tpu.memory_space<vmem>>
        %dma_wait3A_735 = tpu.memref_squeeze %dma_wait3A_734 : memref<1x128xi32, #tpu.memory_space<vmem>> -> memref<128xi32, #tpu.memory_space<vmem>>
        %dma_wait3A_736 = arith.constant 0 : i32
        %dma_wait3A_737 = arith.constant 0 : i32
        %dma_wait3A_738 = tpu.memref_slice %arg11[%dma_wait3A_736, %dma_wait3A_737] : memref<10240x16xf32, #tpu.memory_space<vmem_shared>> -> memref<10240x16xf32, #tpu.memory_space<vmem_shared>>
        tpu.wait_indirect_dma semaphore(%arg14 : memref<!tpu.dma_semaphore, #tpu.memory_space<semaphore_mem>>) src(%dma_wait3A_732 : memref<128x16xf32, #tpu.memory_space<vmem>>) dst(%dma_wait3A_738 : memref<10240x16xf32, #tpu.memory_space<vmem_shared>>)
        %sub3A_739 = arith.constant 1 : i32
        %sub3A_740 = arith.subi %add3A_356, %sub3A_739 : i32
        %mul3A_741 = arith.constant 8 : i32
        %mul3A_742 = arith.muli %sub3A_740, %mul3A_741 : i32
        %add3A_743 = arith.constant 2 : i32
        %add3A_744 = arith.addi %mul3A_742, %add3A_743 : i32
        %dma_wait3A_745 = arith.constant 2 : i32
        %dma_wait3A_746 = arith.constant 0 : i32
        %dma_wait3A_747 = arith.constant 0 : i32
        %dma_wait3A_748 = tpu.memref_slice %arg9[%dma_wait3A_745, %dma_wait3A_746, %dma_wait3A_747] : memref<8x128x16xf32, #tpu.memory_space<vmem>> -> memref<1x128x16xf32, #tpu.memory_space<vmem>>
        %dma_wait3A_749 = tpu.memref_squeeze %dma_wait3A_748 : memref<1x128x16xf32, #tpu.memory_space<vmem>> -> memref<128x16xf32, #tpu.memory_space<vmem>>
        %dma_wait3A_750 = arith.constant 0 : i32
        %dma_wait3A_751 = tpu.memref_slice %arg8[%add3A_744, %dma_wait3A_750] : memref<16x128xi32, #tpu.memory_space<vmem>> -> memref<1x128xi32, #tpu.memory_space<vmem>>
        %dma_wait3A_752 = tpu.memref_squeeze %dma_wait3A_751 : memref<1x128xi32, #tpu.memory_space<vmem>> -> memref<128xi32, #tpu.memory_space<vmem>>
        %dma_wait3A_753 = arith.constant 0 : i32
        %dma_wait3A_754 = arith.constant 0 : i32
        %dma_wait3A_755 = tpu.memref_slice %arg11[%dma_wait3A_753, %dma_wait3A_754] : memref<10240x16xf32, #tpu.memory_space<vmem_shared>> -> memref<10240x16xf32, #tpu.memory_space<vmem_shared>>
        tpu.wait_indirect_dma semaphore(%arg14 : memref<!tpu.dma_semaphore, #tpu.memory_space<semaphore_mem>>) src(%dma_wait3A_749 : memref<128x16xf32, #tpu.memory_space<vmem>>) dst(%dma_wait3A_755 : memref<10240x16xf32, #tpu.memory_space<vmem_shared>>)
        %sub3A_756 = arith.constant 1 : i32
        %sub3A_757 = arith.subi %add3A_356, %sub3A_756 : i32
        %mul3A_758 = arith.constant 8 : i32
        %mul3A_759 = arith.muli %sub3A_757, %mul3A_758 : i32
        %add3A_760 = arith.constant 3 : i32
        %add3A_761 = arith.addi %mul3A_759, %add3A_760 : i32
        %dma_wait3A_762 = arith.constant 3 : i32
        %dma_wait3A_763 = arith.constant 0 : i32
        %dma_wait3A_764 = arith.constant 0 : i32
        %dma_wait3A_765 = tpu.memref_slice %arg9[%dma_wait3A_762, %dma_wait3A_763, %dma_wait3A_764] : memref<8x128x16xf32, #tpu.memory_space<vmem>> -> memref<1x128x16xf32, #tpu.memory_space<vmem>>
        %dma_wait3A_766 = tpu.memref_squeeze %dma_wait3A_765 : memref<1x128x16xf32, #tpu.memory_space<vmem>> -> memref<128x16xf32, #tpu.memory_space<vmem>>
        %dma_wait3A_767 = arith.constant 0 : i32
        %dma_wait3A_768 = tpu.memref_slice %arg8[%add3A_761, %dma_wait3A_767] : memref<16x128xi32, #tpu.memory_space<vmem>> -> memref<1x128xi32, #tpu.memory_space<vmem>>
        %dma_wait3A_769 = tpu.memref_squeeze %dma_wait3A_768 : memref<1x128xi32, #tpu.memory_space<vmem>> -> memref<128xi32, #tpu.memory_space<vmem>>
        %dma_wait3A_770 = arith.constant 0 : i32
        %dma_wait3A_771 = arith.constant 0 : i32
        %dma_wait3A_772 = tpu.memref_slice %arg11[%dma_wait3A_770, %dma_wait3A_771] : memref<10240x16xf32, #tpu.memory_space<vmem_shared>> -> memref<10240x16xf32, #tpu.memory_space<vmem_shared>>
        tpu.wait_indirect_dma semaphore(%arg14 : memref<!tpu.dma_semaphore, #tpu.memory_space<semaphore_mem>>) src(%dma_wait3A_766 : memref<128x16xf32, #tpu.memory_space<vmem>>) dst(%dma_wait3A_772 : memref<10240x16xf32, #tpu.memory_space<vmem_shared>>)
        %sub3A_773 = arith.constant 1 : i32
        %sub3A_774 = arith.subi %add3A_356, %sub3A_773 : i32
        %mul3A_775 = arith.constant 8 : i32
        %mul3A_776 = arith.muli %sub3A_774, %mul3A_775 : i32
        %add3A_777 = arith.constant 4 : i32
        %add3A_778 = arith.addi %mul3A_776, %add3A_777 : i32
        %dma_wait3A_779 = arith.constant 4 : i32
        %dma_wait3A_780 = arith.constant 0 : i32
        %dma_wait3A_781 = arith.constant 0 : i32
        %dma_wait3A_782 = tpu.memref_slice %arg9[%dma_wait3A_779, %dma_wait3A_780, %dma_wait3A_781] : memref<8x128x16xf32, #tpu.memory_space<vmem>> -> memref<1x128x16xf32, #tpu.memory_space<vmem>>
        %dma_wait3A_783 = tpu.memref_squeeze %dma_wait3A_782 : memref<1x128x16xf32, #tpu.memory_space<vmem>> -> memref<128x16xf32, #tpu.memory_space<vmem>>
        %dma_wait3A_784 = arith.constant 0 : i32
        %dma_wait3A_785 = tpu.memref_slice %arg8[%add3A_778, %dma_wait3A_784] : memref<16x128xi32, #tpu.memory_space<vmem>> -> memref<1x128xi32, #tpu.memory_space<vmem>>
        %dma_wait3A_786 = tpu.memref_squeeze %dma_wait3A_785 : memref<1x128xi32, #tpu.memory_space<vmem>> -> memref<128xi32, #tpu.memory_space<vmem>>
        %dma_wait3A_787 = arith.constant 0 : i32
        %dma_wait3A_788 = arith.constant 0 : i32
        %dma_wait3A_789 = tpu.memref_slice %arg11[%dma_wait3A_787, %dma_wait3A_788] : memref<10240x16xf32, #tpu.memory_space<vmem_shared>> -> memref<10240x16xf32, #tpu.memory_space<vmem_shared>>
        tpu.wait_indirect_dma semaphore(%arg14 : memref<!tpu.dma_semaphore, #tpu.memory_space<semaphore_mem>>) src(%dma_wait3A_783 : memref<128x16xf32, #tpu.memory_space<vmem>>) dst(%dma_wait3A_789 : memref<10240x16xf32, #tpu.memory_space<vmem_shared>>)
        %sub3A_790 = arith.constant 1 : i32
        %sub3A_791 = arith.subi %add3A_356, %sub3A_790 : i32
        %mul3A_792 = arith.constant 8 : i32
        %mul3A_793 = arith.muli %sub3A_791, %mul3A_792 : i32
        %add3A_794 = arith.constant 5 : i32
        %add3A_795 = arith.addi %mul3A_793, %add3A_794 : i32
        %dma_wait3A_796 = arith.constant 5 : i32
        %dma_wait3A_797 = arith.constant 0 : i32
        %dma_wait3A_798 = arith.constant 0 : i32
        %dma_wait3A_799 = tpu.memref_slice %arg9[%dma_wait3A_796, %dma_wait3A_797, %dma_wait3A_798] : memref<8x128x16xf32, #tpu.memory_space<vmem>> -> memref<1x128x16xf32, #tpu.memory_space<vmem>>
        %dma_wait3A_800 = tpu.memref_squeeze %dma_wait3A_799 : memref<1x128x16xf32, #tpu.memory_space<vmem>> -> memref<128x16xf32, #tpu.memory_space<vmem>>
        %dma_wait3A_801 = arith.constant 0 : i32
        %dma_wait3A_802 = tpu.memref_slice %arg8[%add3A_795, %dma_wait3A_801] : memref<16x128xi32, #tpu.memory_space<vmem>> -> memref<1x128xi32, #tpu.memory_space<vmem>>
        %dma_wait3A_803 = tpu.memref_squeeze %dma_wait3A_802 : memref<1x128xi32, #tpu.memory_space<vmem>> -> memref<128xi32, #tpu.memory_space<vmem>>
        %dma_wait3A_804 = arith.constant 0 : i32
        %dma_wait3A_805 = arith.constant 0 : i32
        %dma_wait3A_806 = tpu.memref_slice %arg11[%dma_wait3A_804, %dma_wait3A_805] : memref<10240x16xf32, #tpu.memory_space<vmem_shared>> -> memref<10240x16xf32, #tpu.memory_space<vmem_shared>>
        tpu.wait_indirect_dma semaphore(%arg14 : memref<!tpu.dma_semaphore, #tpu.memory_space<semaphore_mem>>) src(%dma_wait3A_800 : memref<128x16xf32, #tpu.memory_space<vmem>>) dst(%dma_wait3A_806 : memref<10240x16xf32, #tpu.memory_space<vmem_shared>>)
        %sub3A_807 = arith.constant 1 : i32
        %sub3A_808 = arith.subi %add3A_356, %sub3A_807 : i32
        %mul3A_809 = arith.constant 8 : i32
        %mul3A_810 = arith.muli %sub3A_808, %mul3A_809 : i32
        %add3A_811 = arith.constant 6 : i32
        %add3A_812 = arith.addi %mul3A_810, %add3A_811 : i32
        %dma_wait3A_813 = arith.constant 6 : i32
        %dma_wait3A_814 = arith.constant 0 : i32
        %dma_wait3A_815 = arith.constant 0 : i32
        %dma_wait3A_816 = tpu.memref_slice %arg9[%dma_wait3A_813, %dma_wait3A_814, %dma_wait3A_815] : memref<8x128x16xf32, #tpu.memory_space<vmem>> -> memref<1x128x16xf32, #tpu.memory_space<vmem>>
        %dma_wait3A_817 = tpu.memref_squeeze %dma_wait3A_816 : memref<1x128x16xf32, #tpu.memory_space<vmem>> -> memref<128x16xf32, #tpu.memory_space<vmem>>
        %dma_wait3A_818 = arith.constant 0 : i32
        %dma_wait3A_819 = tpu.memref_slice %arg8[%add3A_812, %dma_wait3A_818] : memref<16x128xi32, #tpu.memory_space<vmem>> -> memref<1x128xi32, #tpu.memory_space<vmem>>
        %dma_wait3A_820 = tpu.memref_squeeze %dma_wait3A_819 : memref<1x128xi32, #tpu.memory_space<vmem>> -> memref<128xi32, #tpu.memory_space<vmem>>
        %dma_wait3A_821 = arith.constant 0 : i32
        %dma_wait3A_822 = arith.constant 0 : i32
        %dma_wait3A_823 = tpu.memref_slice %arg11[%dma_wait3A_821, %dma_wait3A_822] : memref<10240x16xf32, #tpu.memory_space<vmem_shared>> -> memref<10240x16xf32, #tpu.memory_space<vmem_shared>>
        tpu.wait_indirect_dma semaphore(%arg14 : memref<!tpu.dma_semaphore, #tpu.memory_space<semaphore_mem>>) src(%dma_wait3A_817 : memref<128x16xf32, #tpu.memory_space<vmem>>) dst(%dma_wait3A_823 : memref<10240x16xf32, #tpu.memory_space<vmem_shared>>)
        %sub3A_824 = arith.constant 1 : i32
        %sub3A_825 = arith.subi %add3A_356, %sub3A_824 : i32
        %mul3A_826 = arith.constant 8 : i32
        %mul3A_827 = arith.muli %sub3A_825, %mul3A_826 : i32
        %add3A_828 = arith.constant 7 : i32
        %add3A_829 = arith.addi %mul3A_827, %add3A_828 : i32
        %dma_wait3A_830 = arith.constant 7 : i32
        %dma_wait3A_831 = arith.constant 0 : i32
        %dma_wait3A_832 = arith.constant 0 : i32
        %dma_wait3A_833 = tpu.memref_slice %arg9[%dma_wait3A_830, %dma_wait3A_831, %dma_wait3A_832] : memref<8x128x16xf32, #tpu.memory_space<vmem>> -> memref<1x128x16xf32, #tpu.memory_space<vmem>>
        %dma_wait3A_834 = tpu.memref_squeeze %dma_wait3A_833 : memref<1x128x16xf32, #tpu.memory_space<vmem>> -> memref<128x16xf32, #tpu.memory_space<vmem>>
        %dma_wait3A_835 = arith.constant 0 : i32
        %dma_wait3A_836 = tpu.memref_slice %arg8[%add3A_829, %dma_wait3A_835] : memref<16x128xi32, #tpu.memory_space<vmem>> -> memref<1x128xi32, #tpu.memory_space<vmem>>
        %dma_wait3A_837 = tpu.memref_squeeze %dma_wait3A_836 : memref<1x128xi32, #tpu.memory_space<vmem>> -> memref<128xi32, #tpu.memory_space<vmem>>
        %dma_wait3A_838 = arith.constant 0 : i32
        %dma_wait3A_839 = arith.constant 0 : i32
        %dma_wait3A_840 = tpu.memref_slice %arg11[%dma_wait3A_838, %dma_wait3A_839] : memref<10240x16xf32, #tpu.memory_space<vmem_shared>> -> memref<10240x16xf32, #tpu.memory_space<vmem_shared>>
        tpu.wait_indirect_dma semaphore(%arg14 : memref<!tpu.dma_semaphore, #tpu.memory_space<semaphore_mem>>) src(%dma_wait3A_834 : memref<128x16xf32, #tpu.memory_space<vmem>>) dst(%dma_wait3A_840 : memref<10240x16xf32, #tpu.memory_space<vmem_shared>>)
      } else {
      }
      %add3A_482 = arith.constant 1 : i32
      %add3A_483 = arith.addi %add3A_356, %add3A_482 : i32
      %lt3A_484 = arith.constant 2 : i32
      %lt3A_485 = arith.cmpi slt, %add3A_483, %lt3A_484 : i32
      %convert_element_type3A_486 = arith.extui %lt3A_485 : i1 to i32
      %cond3A_487 = arith.constant 0 : i32
      %cond3A_488 = arith.cmpi ne, %convert_element_type3A_486, %cond3A_487 : i32
      scf.if %cond3A_488 {
        %add3A_706 = arith.constant 1 : i32
        %add3A_707 = arith.addi %add3A_356, %add3A_706 : i32
        %mul3A_708 = arith.constant 8 : i32
        %mul3A_709 = arith.muli %add3A_707, %mul3A_708 : i32
        %add3A_710 = arith.constant 0 : i32
        %add3A_711 = arith.addi %mul3A_709, %add3A_710 : i32
        %mul3A_712 = arith.constant 128 : i32
        %mul3A_713 = arith.muli %add3A_711, %mul3A_712 : i32
        %dma_start3A_714 = arith.constant 0 : i32
        %dma_start3A_715 = arith.constant 0 : i32
        %dma_start3A_716 = arith.constant 0 : i32
        %dma_start3A_717 = tpu.memref_slice %arg9[%dma_start3A_714, %dma_start3A_715, %dma_start3A_716] : memref<8x128x16xf32, #tpu.memory_space<vmem>> -> memref<1x128x16xf32, #tpu.memory_space<vmem>>
        %dma_start3A_718 = tpu.memref_squeeze %dma_start3A_717 : memref<1x128x16xf32, #tpu.memory_space<vmem>> -> memref<128x16xf32, #tpu.memory_space<vmem>>
        %dma_start3A_719 = tpu.memref_slice %arg7[%mul3A_713] : memref<2048xi32, #tpu.memory_space<vmem>> -> memref<128xi32, #tpu.memory_space<vmem>>
        %dma_start3A_720 = arith.constant 0 : i32
        %dma_start3A_721 = arith.constant 0 : i32
        %dma_start3A_722 = tpu.memref_slice %arg2[%dma_start3A_720, %dma_start3A_721] : memref<10000x16xf32, #tpu.memory_space<hbm>> -> memref<10000x16xf32, #tpu.memory_space<hbm>>
        tpu.enqueue_indirect_dma source(%dma_start3A_722 : memref<10000x16xf32, #tpu.memory_space<hbm>>) target(%dma_start3A_718 : memref<128x16xf32, #tpu.memory_space<vmem>>) offsets(%dma_start3A_719 : memref<128xi32, #tpu.memory_space<vmem>>) semaphore(%arg12 : memref<!tpu.dma_semaphore, #tpu.memory_space<semaphore_mem>>)
        %add3A_723 = arith.constant 1 : i32
        %add3A_724 = arith.addi %add3A_356, %add3A_723 : i32
        %mul3A_725 = arith.constant 8 : i32
        %mul3A_726 = arith.muli %add3A_724, %mul3A_725 : i32
        %add3A_727 = arith.constant 1 : i32
        %add3A_728 = arith.addi %mul3A_726, %add3A_727 : i32
        %mul3A_729 = arith.constant 128 : i32
        %mul3A_730 = arith.muli %add3A_728, %mul3A_729 : i32
        %dma_start3A_731 = arith.constant 1 : i32
        %dma_start3A_732 = arith.constant 0 : i32
        %dma_start3A_733 = arith.constant 0 : i32
        %dma_start3A_734 = tpu.memref_slice %arg9[%dma_start3A_731, %dma_start3A_732, %dma_start3A_733] : memref<8x128x16xf32, #tpu.memory_space<vmem>> -> memref<1x128x16xf32, #tpu.memory_space<vmem>>
        %dma_start3A_735 = tpu.memref_squeeze %dma_start3A_734 : memref<1x128x16xf32, #tpu.memory_space<vmem>> -> memref<128x16xf32, #tpu.memory_space<vmem>>
        %dma_start3A_736 = tpu.memref_slice %arg7[%mul3A_730] : memref<2048xi32, #tpu.memory_space<vmem>> -> memref<128xi32, #tpu.memory_space<vmem>>
        %dma_start3A_737 = arith.constant 0 : i32
        %dma_start3A_738 = arith.constant 0 : i32
        %dma_start3A_739 = tpu.memref_slice %arg2[%dma_start3A_737, %dma_start3A_738] : memref<10000x16xf32, #tpu.memory_space<hbm>> -> memref<10000x16xf32, #tpu.memory_space<hbm>>
        tpu.enqueue_indirect_dma source(%dma_start3A_739 : memref<10000x16xf32, #tpu.memory_space<hbm>>) target(%dma_start3A_735 : memref<128x16xf32, #tpu.memory_space<vmem>>) offsets(%dma_start3A_736 : memref<128xi32, #tpu.memory_space<vmem>>) semaphore(%arg12 : memref<!tpu.dma_semaphore, #tpu.memory_space<semaphore_mem>>)
        %add3A_740 = arith.constant 1 : i32
        %add3A_741 = arith.addi %add3A_356, %add3A_740 : i32
        %mul3A_742 = arith.constant 8 : i32
        %mul3A_743 = arith.muli %add3A_741, %mul3A_742 : i32
        %add3A_744 = arith.constant 2 : i32
        %add3A_745 = arith.addi %mul3A_743, %add3A_744 : i32
        %mul3A_746 = arith.constant 128 : i32
        %mul3A_747 = arith.muli %add3A_745, %mul3A_746 : i32
        %dma_start3A_748 = arith.constant 2 : i32
        %dma_start3A_749 = arith.constant 0 : i32
        %dma_start3A_750 = arith.constant 0 : i32
        %dma_start3A_751 = tpu.memref_slice %arg9[%dma_start3A_748, %dma_start3A_749, %dma_start3A_750] : memref<8x128x16xf32, #tpu.memory_space<vmem>> -> memref<1x128x16xf32, #tpu.memory_space<vmem>>
        %dma_start3A_752 = tpu.memref_squeeze %dma_start3A_751 : memref<1x128x16xf32, #tpu.memory_space<vmem>> -> memref<128x16xf32, #tpu.memory_space<vmem>>
        %dma_start3A_753 = tpu.memref_slice %arg7[%mul3A_747] : memref<2048xi32, #tpu.memory_space<vmem>> -> memref<128xi32, #tpu.memory_space<vmem>>
        %dma_start3A_754 = arith.constant 0 : i32
        %dma_start3A_755 = arith.constant 0 : i32
        %dma_start3A_756 = tpu.memref_slice %arg2[%dma_start3A_754, %dma_start3A_755] : memref<10000x16xf32, #tpu.memory_space<hbm>> -> memref<10000x16xf32, #tpu.memory_space<hbm>>
        tpu.enqueue_indirect_dma source(%dma_start3A_756 : memref<10000x16xf32, #tpu.memory_space<hbm>>) target(%dma_start3A_752 : memref<128x16xf32, #tpu.memory_space<vmem>>) offsets(%dma_start3A_753 : memref<128xi32, #tpu.memory_space<vmem>>) semaphore(%arg12 : memref<!tpu.dma_semaphore, #tpu.memory_space<semaphore_mem>>)
        %add3A_757 = arith.constant 1 : i32
        %add3A_758 = arith.addi %add3A_356, %add3A_757 : i32
        %mul3A_759 = arith.constant 8 : i32
        %mul3A_760 = arith.muli %add3A_758, %mul3A_759 : i32
        %add3A_761 = arith.constant 3 : i32
        %add3A_762 = arith.addi %mul3A_760, %add3A_761 : i32
        %mul3A_763 = arith.constant 128 : i32
        %mul3A_764 = arith.muli %add3A_762, %mul3A_763 : i32
        %dma_start3A_765 = arith.constant 3 : i32
        %dma_start3A_766 = arith.constant 0 : i32
        %dma_start3A_767 = arith.constant 0 : i32
        %dma_start3A_768 = tpu.memref_slice %arg9[%dma_start3A_765, %dma_start3A_766, %dma_start3A_767] : memref<8x128x16xf32, #tpu.memory_space<vmem>> -> memref<1x128x16xf32, #tpu.memory_space<vmem>>
        %dma_start3A_769 = tpu.memref_squeeze %dma_start3A_768 : memref<1x128x16xf32, #tpu.memory_space<vmem>> -> memref<128x16xf32, #tpu.memory_space<vmem>>
        %dma_start3A_770 = tpu.memref_slice %arg7[%mul3A_764] : memref<2048xi32, #tpu.memory_space<vmem>> -> memref<128xi32, #tpu.memory_space<vmem>>
        %dma_start3A_771 = arith.constant 0 : i32
        %dma_start3A_772 = arith.constant 0 : i32
        %dma_start3A_773 = tpu.memref_slice %arg2[%dma_start3A_771, %dma_start3A_772] : memref<10000x16xf32, #tpu.memory_space<hbm>> -> memref<10000x16xf32, #tpu.memory_space<hbm>>
        tpu.enqueue_indirect_dma source(%dma_start3A_773 : memref<10000x16xf32, #tpu.memory_space<hbm>>) target(%dma_start3A_769 : memref<128x16xf32, #tpu.memory_space<vmem>>) offsets(%dma_start3A_770 : memref<128xi32, #tpu.memory_space<vmem>>) semaphore(%arg12 : memref<!tpu.dma_semaphore, #tpu.memory_space<semaphore_mem>>)
        %add3A_774 = arith.constant 1 : i32
        %add3A_775 = arith.addi %add3A_356, %add3A_774 : i32
        %mul3A_776 = arith.constant 8 : i32
        %mul3A_777 = arith.muli %add3A_775, %mul3A_776 : i32
        %add3A_778 = arith.constant 4 : i32
        %add3A_779 = arith.addi %mul3A_777, %add3A_778 : i32
        %mul3A_780 = arith.constant 128 : i32
        %mul3A_781 = arith.muli %add3A_779, %mul3A_780 : i32
        %dma_start3A_782 = arith.constant 4 : i32
        %dma_start3A_783 = arith.constant 0 : i32
        %dma_start3A_784 = arith.constant 0 : i32
        %dma_start3A_785 = tpu.memref_slice %arg9[%dma_start3A_782, %dma_start3A_783, %dma_start3A_784] : memref<8x128x16xf32, #tpu.memory_space<vmem>> -> memref<1x128x16xf32, #tpu.memory_space<vmem>>
        %dma_start3A_786 = tpu.memref_squeeze %dma_start3A_785 : memref<1x128x16xf32, #tpu.memory_space<vmem>> -> memref<128x16xf32, #tpu.memory_space<vmem>>
        %dma_start3A_787 = tpu.memref_slice %arg7[%mul3A_781] : memref<2048xi32, #tpu.memory_space<vmem>> -> memref<128xi32, #tpu.memory_space<vmem>>
        %dma_start3A_788 = arith.constant 0 : i32
        %dma_start3A_789 = arith.constant 0 : i32
        %dma_start3A_790 = tpu.memref_slice %arg2[%dma_start3A_788, %dma_start3A_789] : memref<10000x16xf32, #tpu.memory_space<hbm>> -> memref<10000x16xf32, #tpu.memory_space<hbm>>
        tpu.enqueue_indirect_dma source(%dma_start3A_790 : memref<10000x16xf32, #tpu.memory_space<hbm>>) target(%dma_start3A_786 : memref<128x16xf32, #tpu.memory_space<vmem>>) offsets(%dma_start3A_787 : memref<128xi32, #tpu.memory_space<vmem>>) semaphore(%arg12 : memref<!tpu.dma_semaphore, #tpu.memory_space<semaphore_mem>>)
        %add3A_791 = arith.constant 1 : i32
        %add3A_792 = arith.addi %add3A_356, %add3A_791 : i32
        %mul3A_793 = arith.constant 8 : i32
        %mul3A_794 = arith.muli %add3A_792, %mul3A_793 : i32
        %add3A_795 = arith.constant 5 : i32
        %add3A_796 = arith.addi %mul3A_794, %add3A_795 : i32
        %mul3A_797 = arith.constant 128 : i32
        %mul3A_798 = arith.muli %add3A_796, %mul3A_797 : i32
        %dma_start3A_799 = arith.constant 5 : i32
        %dma_start3A_800 = arith.constant 0 : i32
        %dma_start3A_801 = arith.constant 0 : i32
        %dma_start3A_802 = tpu.memref_slice %arg9[%dma_start3A_799, %dma_start3A_800, %dma_start3A_801] : memref<8x128x16xf32, #tpu.memory_space<vmem>> -> memref<1x128x16xf32, #tpu.memory_space<vmem>>
        %dma_start3A_803 = tpu.memref_squeeze %dma_start3A_802 : memref<1x128x16xf32, #tpu.memory_space<vmem>> -> memref<128x16xf32, #tpu.memory_space<vmem>>
        %dma_start3A_804 = tpu.memref_slice %arg7[%mul3A_798] : memref<2048xi32, #tpu.memory_space<vmem>> -> memref<128xi32, #tpu.memory_space<vmem>>
        %dma_start3A_805 = arith.constant 0 : i32
        %dma_start3A_806 = arith.constant 0 : i32
        %dma_start3A_807 = tpu.memref_slice %arg2[%dma_start3A_805, %dma_start3A_806] : memref<10000x16xf32, #tpu.memory_space<hbm>> -> memref<10000x16xf32, #tpu.memory_space<hbm>>
        tpu.enqueue_indirect_dma source(%dma_start3A_807 : memref<10000x16xf32, #tpu.memory_space<hbm>>) target(%dma_start3A_803 : memref<128x16xf32, #tpu.memory_space<vmem>>) offsets(%dma_start3A_804 : memref<128xi32, #tpu.memory_space<vmem>>) semaphore(%arg12 : memref<!tpu.dma_semaphore, #tpu.memory_space<semaphore_mem>>)
        %add3A_808 = arith.constant 1 : i32
        %add3A_809 = arith.addi %add3A_356, %add3A_808 : i32
        %mul3A_810 = arith.constant 8 : i32
        %mul3A_811 = arith.muli %add3A_809, %mul3A_810 : i32
        %add3A_812 = arith.constant 6 : i32
        %add3A_813 = arith.addi %mul3A_811, %add3A_812 : i32
        %mul3A_814 = arith.constant 128 : i32
        %mul3A_815 = arith.muli %add3A_813, %mul3A_814 : i32
        %dma_start3A_816 = arith.constant 6 : i32
        %dma_start3A_817 = arith.constant 0 : i32
        %dma_start3A_818 = arith.constant 0 : i32
        %dma_start3A_819 = tpu.memref_slice %arg9[%dma_start3A_816, %dma_start3A_817, %dma_start3A_818] : memref<8x128x16xf32, #tpu.memory_space<vmem>> -> memref<1x128x16xf32, #tpu.memory_space<vmem>>
        %dma_start3A_820 = tpu.memref_squeeze %dma_start3A_819 : memref<1x128x16xf32, #tpu.memory_space<vmem>> -> memref<128x16xf32, #tpu.memory_space<vmem>>
        %dma_start3A_821 = tpu.memref_slice %arg7[%mul3A_815] : memref<2048xi32, #tpu.memory_space<vmem>> -> memref<128xi32, #tpu.memory_space<vmem>>
        %dma_start3A_822 = arith.constant 0 : i32
        %dma_start3A_823 = arith.constant 0 : i32
        %dma_start3A_824 = tpu.memref_slice %arg2[%dma_start3A_822, %dma_start3A_823] : memref<10000x16xf32, #tpu.memory_space<hbm>> -> memref<10000x16xf32, #tpu.memory_space<hbm>>
        tpu.enqueue_indirect_dma source(%dma_start3A_824 : memref<10000x16xf32, #tpu.memory_space<hbm>>) target(%dma_start3A_820 : memref<128x16xf32, #tpu.memory_space<vmem>>) offsets(%dma_start3A_821 : memref<128xi32, #tpu.memory_space<vmem>>) semaphore(%arg12 : memref<!tpu.dma_semaphore, #tpu.memory_space<semaphore_mem>>)
        %add3A_825 = arith.constant 1 : i32
        %add3A_826 = arith.addi %add3A_356, %add3A_825 : i32
        %mul3A_827 = arith.constant 8 : i32
        %mul3A_828 = arith.muli %add3A_826, %mul3A_827 : i32
        %add3A_829 = arith.constant 7 : i32
        %add3A_830 = arith.addi %mul3A_828, %add3A_829 : i32
        %mul3A_831 = arith.constant 128 : i32
        %mul3A_832 = arith.muli %add3A_830, %mul3A_831 : i32
        %dma_start3A_833 = arith.constant 7 : i32
        %dma_start3A_834 = arith.constant 0 : i32
        %dma_start3A_835 = arith.constant 0 : i32
        %dma_start3A_836 = tpu.memref_slice %arg9[%dma_start3A_833, %dma_start3A_834, %dma_start3A_835] : memref<8x128x16xf32, #tpu.memory_space<vmem>> -> memref<1x128x16xf32, #tpu.memory_space<vmem>>
        %dma_start3A_837 = tpu.memref_squeeze %dma_start3A_836 : memref<1x128x16xf32, #tpu.memory_space<vmem>> -> memref<128x16xf32, #tpu.memory_space<vmem>>
        %dma_start3A_838 = tpu.memref_slice %arg7[%mul3A_832] : memref<2048xi32, #tpu.memory_space<vmem>> -> memref<128xi32, #tpu.memory_space<vmem>>
        %dma_start3A_839 = arith.constant 0 : i32
        %dma_start3A_840 = arith.constant 0 : i32
        %dma_start3A_841 = tpu.memref_slice %arg2[%dma_start3A_839, %dma_start3A_840] : memref<10000x16xf32, #tpu.memory_space<hbm>> -> memref<10000x16xf32, #tpu.memory_space<hbm>>
        tpu.enqueue_indirect_dma source(%dma_start3A_841 : memref<10000x16xf32, #tpu.memory_space<hbm>>) target(%dma_start3A_837 : memref<128x16xf32, #tpu.memory_space<vmem>>) offsets(%dma_start3A_838 : memref<128xi32, #tpu.memory_space<vmem>>) semaphore(%arg12 : memref<!tpu.dma_semaphore, #tpu.memory_space<semaphore_mem>>)
      } else {
      }
      %mul3A_489 = arith.constant 8 : i32
      %mul3A_490 = arith.muli %add3A_356, %mul3A_489 : i32
      %add3A_491 = arith.constant 0 : i32
      %add3A_492 = arith.addi %mul3A_490, %add3A_491 : i32
      %dma_start3A_493 = arith.constant 0 : i32
      %dma_start3A_494 = arith.constant 0 : i32
      %dma_start3A_495 = arith.constant 0 : i32
      %dma_start3A_496 = tpu.memref_slice %arg10[%dma_start3A_493, %dma_start3A_494, %dma_start3A_495] : memref<8x128x16xf32, #tpu.memory_space<vmem>> -> memref<1x128x16xf32, #tpu.memory_space<vmem>>
      %dma_start3A_497 = tpu.memref_squeeze %dma_start3A_496 : memref<1x128x16xf32, #tpu.memory_space<vmem>> -> memref<128x16xf32, #tpu.memory_space<vmem>>
      %dma_start3A_498 = arith.constant 0 : i32
      %dma_start3A_499 = tpu.memref_slice %arg8[%add3A_492, %dma_start3A_498] : memref<16x128xi32, #tpu.memory_space<vmem>> -> memref<1x128xi32, #tpu.memory_space<vmem>>
      %dma_start3A_500 = tpu.memref_squeeze %dma_start3A_499 : memref<1x128xi32, #tpu.memory_space<vmem>> -> memref<128xi32, #tpu.memory_space<vmem>>
      %dma_start3A_501 = arith.constant 0 : i32
      %dma_start3A_502 = arith.constant 0 : i32
      %dma_start3A_503 = tpu.memref_slice %arg11[%dma_start3A_501, %dma_start3A_502] : memref<10240x16xf32, #tpu.memory_space<vmem_shared>> -> memref<10240x16xf32, #tpu.memory_space<vmem_shared>>
      tpu.enqueue_indirect_dma source(%dma_start3A_497 : memref<128x16xf32, #tpu.memory_space<vmem>>) target(%dma_start3A_503 : memref<10240x16xf32, #tpu.memory_space<vmem_shared>>) offsets(%dma_start3A_500 : memref<128xi32, #tpu.memory_space<vmem>>) semaphore(%arg15 : memref<!tpu.dma_semaphore, #tpu.memory_space<semaphore_mem>>) {add = true}
      %mul3A_504 = arith.constant 8 : i32
      %mul3A_505 = arith.muli %add3A_356, %mul3A_504 : i32
      %add3A_506 = arith.constant 1 : i32
      %add3A_507 = arith.addi %mul3A_505, %add3A_506 : i32
      %dma_start3A_508 = arith.constant 1 : i32
      %dma_start3A_509 = arith.constant 0 : i32
      %dma_start3A_510 = arith.constant 0 : i32
      %dma_start3A_511 = tpu.memref_slice %arg10[%dma_start3A_508, %dma_start3A_509, %dma_start3A_510] : memref<8x128x16xf32, #tpu.memory_space<vmem>> -> memref<1x128x16xf32, #tpu.memory_space<vmem>>
      %dma_start3A_512 = tpu.memref_squeeze %dma_start3A_511 : memref<1x128x16xf32, #tpu.memory_space<vmem>> -> memref<128x16xf32, #tpu.memory_space<vmem>>
      %dma_start3A_513 = arith.constant 0 : i32
      %dma_start3A_514 = tpu.memref_slice %arg8[%add3A_507, %dma_start3A_513] : memref<16x128xi32, #tpu.memory_space<vmem>> -> memref<1x128xi32, #tpu.memory_space<vmem>>
      %dma_start3A_515 = tpu.memref_squeeze %dma_start3A_514 : memref<1x128xi32, #tpu.memory_space<vmem>> -> memref<128xi32, #tpu.memory_space<vmem>>
      %dma_start3A_516 = arith.constant 0 : i32
      %dma_start3A_517 = arith.constant 0 : i32
      %dma_start3A_518 = tpu.memref_slice %arg11[%dma_start3A_516, %dma_start3A_517] : memref<10240x16xf32, #tpu.memory_space<vmem_shared>> -> memref<10240x16xf32, #tpu.memory_space<vmem_shared>>
      tpu.enqueue_indirect_dma source(%dma_start3A_512 : memref<128x16xf32, #tpu.memory_space<vmem>>) target(%dma_start3A_518 : memref<10240x16xf32, #tpu.memory_space<vmem_shared>>) offsets(%dma_start3A_515 : memref<128xi32, #tpu.memory_space<vmem>>) semaphore(%arg15 : memref<!tpu.dma_semaphore, #tpu.memory_space<semaphore_mem>>) {add = true}
      %mul3A_519 = arith.constant 8 : i32
      %mul3A_520 = arith.muli %add3A_356, %mul3A_519 : i32
      %add3A_521 = arith.constant 2 : i32
      %add3A_522 = arith.addi %mul3A_520, %add3A_521 : i32
      %dma_start3A_523 = arith.constant 2 : i32
      %dma_start3A_524 = arith.constant 0 : i32
      %dma_start3A_525 = arith.constant 0 : i32
      %dma_start3A_526 = tpu.memref_slice %arg10[%dma_start3A_523, %dma_start3A_524, %dma_start3A_525] : memref<8x128x16xf32, #tpu.memory_space<vmem>> -> memref<1x128x16xf32, #tpu.memory_space<vmem>>
      %dma_start3A_527 = tpu.memref_squeeze %dma_start3A_526 : memref<1x128x16xf32, #tpu.memory_space<vmem>> -> memref<128x16xf32, #tpu.memory_space<vmem>>
      %dma_start3A_528 = arith.constant 0 : i32
      %dma_start3A_529 = tpu.memref_slice %arg8[%add3A_522, %dma_start3A_528] : memref<16x128xi32, #tpu.memory_space<vmem>> -> memref<1x128xi32, #tpu.memory_space<vmem>>
      %dma_start3A_530 = tpu.memref_squeeze %dma_start3A_529 : memref<1x128xi32, #tpu.memory_space<vmem>> -> memref<128xi32, #tpu.memory_space<vmem>>
      %dma_start3A_531 = arith.constant 0 : i32
      %dma_start3A_532 = arith.constant 0 : i32
      %dma_start3A_533 = tpu.memref_slice %arg11[%dma_start3A_531, %dma_start3A_532] : memref<10240x16xf32, #tpu.memory_space<vmem_shared>> -> memref<10240x16xf32, #tpu.memory_space<vmem_shared>>
      tpu.enqueue_indirect_dma source(%dma_start3A_527 : memref<128x16xf32, #tpu.memory_space<vmem>>) target(%dma_start3A_533 : memref<10240x16xf32, #tpu.memory_space<vmem_shared>>) offsets(%dma_start3A_530 : memref<128xi32, #tpu.memory_space<vmem>>) semaphore(%arg15 : memref<!tpu.dma_semaphore, #tpu.memory_space<semaphore_mem>>) {add = true}
      %mul3A_534 = arith.constant 8 : i32
      %mul3A_535 = arith.muli %add3A_356, %mul3A_534 : i32
      %add3A_536 = arith.constant 3 : i32
      %add3A_537 = arith.addi %mul3A_535, %add3A_536 : i32
      %dma_start3A_538 = arith.constant 3 : i32
      %dma_start3A_539 = arith.constant 0 : i32
      %dma_start3A_540 = arith.constant 0 : i32
      %dma_start3A_541 = tpu.memref_slice %arg10[%dma_start3A_538, %dma_start3A_539, %dma_start3A_540] : memref<8x128x16xf32, #tpu.memory_space<vmem>> -> memref<1x128x16xf32, #tpu.memory_space<vmem>>
      %dma_start3A_542 = tpu.memref_squeeze %dma_start3A_541 : memref<1x128x16xf32, #tpu.memory_space<vmem>> -> memref<128x16xf32, #tpu.memory_space<vmem>>
      %dma_start3A_543 = arith.constant 0 : i32
      %dma_start3A_544 = tpu.memref_slice %arg8[%add3A_537, %dma_start3A_543] : memref<16x128xi32, #tpu.memory_space<vmem>> -> memref<1x128xi32, #tpu.memory_space<vmem>>
      %dma_start3A_545 = tpu.memref_squeeze %dma_start3A_544 : memref<1x128xi32, #tpu.memory_space<vmem>> -> memref<128xi32, #tpu.memory_space<vmem>>
      %dma_start3A_546 = arith.constant 0 : i32
      %dma_start3A_547 = arith.constant 0 : i32
      %dma_start3A_548 = tpu.memref_slice %arg11[%dma_start3A_546, %dma_start3A_547] : memref<10240x16xf32, #tpu.memory_space<vmem_shared>> -> memref<10240x16xf32, #tpu.memory_space<vmem_shared>>
      tpu.enqueue_indirect_dma source(%dma_start3A_542 : memref<128x16xf32, #tpu.memory_space<vmem>>) target(%dma_start3A_548 : memref<10240x16xf32, #tpu.memory_space<vmem_shared>>) offsets(%dma_start3A_545 : memref<128xi32, #tpu.memory_space<vmem>>) semaphore(%arg15 : memref<!tpu.dma_semaphore, #tpu.memory_space<semaphore_mem>>) {add = true}
      %mul3A_549 = arith.constant 8 : i32
      %mul3A_550 = arith.muli %add3A_356, %mul3A_549 : i32
      %add3A_551 = arith.constant 4 : i32
      %add3A_552 = arith.addi %mul3A_550, %add3A_551 : i32
      %dma_start3A_553 = arith.constant 4 : i32
      %dma_start3A_554 = arith.constant 0 : i32
      %dma_start3A_555 = arith.constant 0 : i32
      %dma_start3A_556 = tpu.memref_slice %arg10[%dma_start3A_553, %dma_start3A_554, %dma_start3A_555] : memref<8x128x16xf32, #tpu.memory_space<vmem>> -> memref<1x128x16xf32, #tpu.memory_space<vmem>>
      %dma_start3A_557 = tpu.memref_squeeze %dma_start3A_556 : memref<1x128x16xf32, #tpu.memory_space<vmem>> -> memref<128x16xf32, #tpu.memory_space<vmem>>
      %dma_start3A_558 = arith.constant 0 : i32
      %dma_start3A_559 = tpu.memref_slice %arg8[%add3A_552, %dma_start3A_558] : memref<16x128xi32, #tpu.memory_space<vmem>> -> memref<1x128xi32, #tpu.memory_space<vmem>>
      %dma_start3A_560 = tpu.memref_squeeze %dma_start3A_559 : memref<1x128xi32, #tpu.memory_space<vmem>> -> memref<128xi32, #tpu.memory_space<vmem>>
      %dma_start3A_561 = arith.constant 0 : i32
      %dma_start3A_562 = arith.constant 0 : i32
      %dma_start3A_563 = tpu.memref_slice %arg11[%dma_start3A_561, %dma_start3A_562] : memref<10240x16xf32, #tpu.memory_space<vmem_shared>> -> memref<10240x16xf32, #tpu.memory_space<vmem_shared>>
      tpu.enqueue_indirect_dma source(%dma_start3A_557 : memref<128x16xf32, #tpu.memory_space<vmem>>) target(%dma_start3A_563 : memref<10240x16xf32, #tpu.memory_space<vmem_shared>>) offsets(%dma_start3A_560 : memref<128xi32, #tpu.memory_space<vmem>>) semaphore(%arg15 : memref<!tpu.dma_semaphore, #tpu.memory_space<semaphore_mem>>) {add = true}
      %mul3A_564 = arith.constant 8 : i32
      %mul3A_565 = arith.muli %add3A_356, %mul3A_564 : i32
      %add3A_566 = arith.constant 5 : i32
      %add3A_567 = arith.addi %mul3A_565, %add3A_566 : i32
      %dma_start3A_568 = arith.constant 5 : i32
      %dma_start3A_569 = arith.constant 0 : i32
      %dma_start3A_570 = arith.constant 0 : i32
      %dma_start3A_571 = tpu.memref_slice %arg10[%dma_start3A_568, %dma_start3A_569, %dma_start3A_570] : memref<8x128x16xf32, #tpu.memory_space<vmem>> -> memref<1x128x16xf32, #tpu.memory_space<vmem>>
      %dma_start3A_572 = tpu.memref_squeeze %dma_start3A_571 : memref<1x128x16xf32, #tpu.memory_space<vmem>> -> memref<128x16xf32, #tpu.memory_space<vmem>>
      %dma_start3A_573 = arith.constant 0 : i32
      %dma_start3A_574 = tpu.memref_slice %arg8[%add3A_567, %dma_start3A_573] : memref<16x128xi32, #tpu.memory_space<vmem>> -> memref<1x128xi32, #tpu.memory_space<vmem>>
      %dma_start3A_575 = tpu.memref_squeeze %dma_start3A_574 : memref<1x128xi32, #tpu.memory_space<vmem>> -> memref<128xi32, #tpu.memory_space<vmem>>
      %dma_start3A_576 = arith.constant 0 : i32
      %dma_start3A_577 = arith.constant 0 : i32
      %dma_start3A_578 = tpu.memref_slice %arg11[%dma_start3A_576, %dma_start3A_577] : memref<10240x16xf32, #tpu.memory_space<vmem_shared>> -> memref<10240x16xf32, #tpu.memory_space<vmem_shared>>
      tpu.enqueue_indirect_dma source(%dma_start3A_572 : memref<128x16xf32, #tpu.memory_space<vmem>>) target(%dma_start3A_578 : memref<10240x16xf32, #tpu.memory_space<vmem_shared>>) offsets(%dma_start3A_575 : memref<128xi32, #tpu.memory_space<vmem>>) semaphore(%arg15 : memref<!tpu.dma_semaphore, #tpu.memory_space<semaphore_mem>>) {add = true}
      %mul3A_579 = arith.constant 8 : i32
      %mul3A_580 = arith.muli %add3A_356, %mul3A_579 : i32
      %add3A_581 = arith.constant 6 : i32
      %add3A_582 = arith.addi %mul3A_580, %add3A_581 : i32
      %dma_start3A_583 = arith.constant 6 : i32
      %dma_start3A_584 = arith.constant 0 : i32
      %dma_start3A_585 = arith.constant 0 : i32
      %dma_start3A_586 = tpu.memref_slice %arg10[%dma_start3A_583, %dma_start3A_584, %dma_start3A_585] : memref<8x128x16xf32, #tpu.memory_space<vmem>> -> memref<1x128x16xf32, #tpu.memory_space<vmem>>
      %dma_start3A_587 = tpu.memref_squeeze %dma_start3A_586 : memref<1x128x16xf32, #tpu.memory_space<vmem>> -> memref<128x16xf32, #tpu.memory_space<vmem>>
      %dma_start3A_588 = arith.constant 0 : i32
      %dma_start3A_589 = tpu.memref_slice %arg8[%add3A_582, %dma_start3A_588] : memref<16x128xi32, #tpu.memory_space<vmem>> -> memref<1x128xi32, #tpu.memory_space<vmem>>
      %dma_start3A_590 = tpu.memref_squeeze %dma_start3A_589 : memref<1x128xi32, #tpu.memory_space<vmem>> -> memref<128xi32, #tpu.memory_space<vmem>>
      %dma_start3A_591 = arith.constant 0 : i32
      %dma_start3A_592 = arith.constant 0 : i32
      %dma_start3A_593 = tpu.memref_slice %arg11[%dma_start3A_591, %dma_start3A_592] : memref<10240x16xf32, #tpu.memory_space<vmem_shared>> -> memref<10240x16xf32, #tpu.memory_space<vmem_shared>>
      tpu.enqueue_indirect_dma source(%dma_start3A_587 : memref<128x16xf32, #tpu.memory_space<vmem>>) target(%dma_start3A_593 : memref<10240x16xf32, #tpu.memory_space<vmem_shared>>) offsets(%dma_start3A_590 : memref<128xi32, #tpu.memory_space<vmem>>) semaphore(%arg15 : memref<!tpu.dma_semaphore, #tpu.memory_space<semaphore_mem>>) {add = true}
      %mul3A_594 = arith.constant 8 : i32
      %mul3A_595 = arith.muli %add3A_356, %mul3A_594 : i32
      %add3A_596 = arith.constant 7 : i32
      %add3A_597 = arith.addi %mul3A_595, %add3A_596 : i32
      %dma_start3A_598 = arith.constant 7 : i32
      %dma_start3A_599 = arith.constant 0 : i32
      %dma_start3A_600 = arith.constant 0 : i32
      %dma_start3A_601 = tpu.memref_slice %arg10[%dma_start3A_598, %dma_start3A_599, %dma_start3A_600] : memref<8x128x16xf32, #tpu.memory_space<vmem>> -> memref<1x128x16xf32, #tpu.memory_space<vmem>>
      %dma_start3A_602 = tpu.memref_squeeze %dma_start3A_601 : memref<1x128x16xf32, #tpu.memory_space<vmem>> -> memref<128x16xf32, #tpu.memory_space<vmem>>
      %dma_start3A_603 = arith.constant 0 : i32
      %dma_start3A_604 = tpu.memref_slice %arg8[%add3A_597, %dma_start3A_603] : memref<16x128xi32, #tpu.memory_space<vmem>> -> memref<1x128xi32, #tpu.memory_space<vmem>>
      %dma_start3A_605 = tpu.memref_squeeze %dma_start3A_604 : memref<1x128xi32, #tpu.memory_space<vmem>> -> memref<128xi32, #tpu.memory_space<vmem>>
      %dma_start3A_606 = arith.constant 0 : i32
      %dma_start3A_607 = arith.constant 0 : i32
      %dma_start3A_608 = tpu.memref_slice %arg11[%dma_start3A_606, %dma_start3A_607] : memref<10240x16xf32, #tpu.memory_space<vmem_shared>> -> memref<10240x16xf32, #tpu.memory_space<vmem_shared>>
      tpu.enqueue_indirect_dma source(%dma_start3A_602 : memref<128x16xf32, #tpu.memory_space<vmem>>) target(%dma_start3A_608 : memref<10240x16xf32, #tpu.memory_space<vmem_shared>>) offsets(%dma_start3A_605 : memref<128xi32, #tpu.memory_space<vmem>>) semaphore(%arg15 : memref<!tpu.dma_semaphore, #tpu.memory_space<semaphore_mem>>) {add = true}
      %scan3A_609 = arith.constant 1 : i32
      %dma_wait3A_610 = arith.constant 0 : i32
      %dma_wait3A_611 = arith.constant 8 : i32
      %dma_wait3A_612 = arith.constant 0 : i32
      %dma_wait3A_613 = arith.constant 0 : i32
      %dma_wait3A_614 = tpu.memref_slice %arg10[%dma_wait3A_610, %dma_wait3A_612, %dma_wait3A_613] : memref<8x128x16xf32, #tpu.memory_space<vmem>> -> memref<1x128x16xf32, #tpu.memory_space<vmem>>
      %dma_wait3A_615 = tpu.memref_squeeze %dma_wait3A_614 : memref<1x128x16xf32, #tpu.memory_space<vmem>> -> memref<128x16xf32, #tpu.memory_space<vmem>>
      %dma_wait3A_616 = arith.constant 0 : i32
      %dma_wait3A_617 = tpu.memref_slice %arg8[%dma_wait3A_611, %dma_wait3A_616] : memref<16x128xi32, #tpu.memory_space<vmem>> -> memref<1x128xi32, #tpu.memory_space<vmem>>
      %dma_wait3A_618 = tpu.memref_squeeze %dma_wait3A_617 : memref<1x128xi32, #tpu.memory_space<vmem>> -> memref<128xi32, #tpu.memory_space<vmem>>
      %dma_wait3A_619 = arith.constant 0 : i32
      %dma_wait3A_620 = arith.constant 0 : i32
      %dma_wait3A_621 = tpu.memref_slice %arg11[%dma_wait3A_619, %dma_wait3A_620] : memref<10240x16xf32, #tpu.memory_space<vmem_shared>> -> memref<10240x16xf32, #tpu.memory_space<vmem_shared>>
      tpu.wait_indirect_dma semaphore(%arg15 : memref<!tpu.dma_semaphore, #tpu.memory_space<semaphore_mem>>) src(%dma_wait3A_615 : memref<128x16xf32, #tpu.memory_space<vmem>>) dst(%dma_wait3A_621 : memref<10240x16xf32, #tpu.memory_space<vmem_shared>>)
      %dma_wait3A_622 = arith.constant 1 : i32
      %dma_wait3A_623 = arith.constant 9 : i32
      %dma_wait3A_624 = arith.constant 0 : i32
      %dma_wait3A_625 = arith.constant 0 : i32
      %dma_wait3A_626 = tpu.memref_slice %arg10[%dma_wait3A_622, %dma_wait3A_624, %dma_wait3A_625] : memref<8x128x16xf32, #tpu.memory_space<vmem>> -> memref<1x128x16xf32, #tpu.memory_space<vmem>>
      %dma_wait3A_627 = tpu.memref_squeeze %dma_wait3A_626 : memref<1x128x16xf32, #tpu.memory_space<vmem>> -> memref<128x16xf32, #tpu.memory_space<vmem>>
      %dma_wait3A_628 = arith.constant 0 : i32
      %dma_wait3A_629 = tpu.memref_slice %arg8[%dma_wait3A_623, %dma_wait3A_628] : memref<16x128xi32, #tpu.memory_space<vmem>> -> memref<1x128xi32, #tpu.memory_space<vmem>>
      %dma_wait3A_630 = tpu.memref_squeeze %dma_wait3A_629 : memref<1x128xi32, #tpu.memory_space<vmem>> -> memref<128xi32, #tpu.memory_space<vmem>>
      %dma_wait3A_631 = arith.constant 0 : i32
      %dma_wait3A_632 = arith.constant 0 : i32
      %dma_wait3A_633 = tpu.memref_slice %arg11[%dma_wait3A_631, %dma_wait3A_632] : memref<10240x16xf32, #tpu.memory_space<vmem_shared>> -> memref<10240x16xf32, #tpu.memory_space<vmem_shared>>
      tpu.wait_indirect_dma semaphore(%arg15 : memref<!tpu.dma_semaphore, #tpu.memory_space<semaphore_mem>>) src(%dma_wait3A_627 : memref<128x16xf32, #tpu.memory_space<vmem>>) dst(%dma_wait3A_633 : memref<10240x16xf32, #tpu.memory_space<vmem_shared>>)
      %dma_wait3A_634 = arith.constant 2 : i32
      %dma_wait3A_635 = arith.constant 10 : i32
      %dma_wait3A_636 = arith.constant 0 : i32
      %dma_wait3A_637 = arith.constant 0 : i32
      %dma_wait3A_638 = tpu.memref_slice %arg10[%dma_wait3A_634, %dma_wait3A_636, %dma_wait3A_637] : memref<8x128x16xf32, #tpu.memory_space<vmem>> -> memref<1x128x16xf32, #tpu.memory_space<vmem>>
      %dma_wait3A_639 = tpu.memref_squeeze %dma_wait3A_638 : memref<1x128x16xf32, #tpu.memory_space<vmem>> -> memref<128x16xf32, #tpu.memory_space<vmem>>
      %dma_wait3A_640 = arith.constant 0 : i32
      %dma_wait3A_641 = tpu.memref_slice %arg8[%dma_wait3A_635, %dma_wait3A_640] : memref<16x128xi32, #tpu.memory_space<vmem>> -> memref<1x128xi32, #tpu.memory_space<vmem>>
      %dma_wait3A_642 = tpu.memref_squeeze %dma_wait3A_641 : memref<1x128xi32, #tpu.memory_space<vmem>> -> memref<128xi32, #tpu.memory_space<vmem>>
      %dma_wait3A_643 = arith.constant 0 : i32
      %dma_wait3A_644 = arith.constant 0 : i32
      %dma_wait3A_645 = tpu.memref_slice %arg11[%dma_wait3A_643, %dma_wait3A_644] : memref<10240x16xf32, #tpu.memory_space<vmem_shared>> -> memref<10240x16xf32, #tpu.memory_space<vmem_shared>>
      tpu.wait_indirect_dma semaphore(%arg15 : memref<!tpu.dma_semaphore, #tpu.memory_space<semaphore_mem>>) src(%dma_wait3A_639 : memref<128x16xf32, #tpu.memory_space<vmem>>) dst(%dma_wait3A_645 : memref<10240x16xf32, #tpu.memory_space<vmem_shared>>)
      %dma_wait3A_646 = arith.constant 3 : i32
      %dma_wait3A_647 = arith.constant 11 : i32
      %dma_wait3A_648 = arith.constant 0 : i32
      %dma_wait3A_649 = arith.constant 0 : i32
      %dma_wait3A_650 = tpu.memref_slice %arg10[%dma_wait3A_646, %dma_wait3A_648, %dma_wait3A_649] : memref<8x128x16xf32, #tpu.memory_space<vmem>> -> memref<1x128x16xf32, #tpu.memory_space<vmem>>
      %dma_wait3A_651 = tpu.memref_squeeze %dma_wait3A_650 : memref<1x128x16xf32, #tpu.memory_space<vmem>> -> memref<128x16xf32, #tpu.memory_space<vmem>>
      %dma_wait3A_652 = arith.constant 0 : i32
      %dma_wait3A_653 = tpu.memref_slice %arg8[%dma_wait3A_647, %dma_wait3A_652] : memref<16x128xi32, #tpu.memory_space<vmem>> -> memref<1x128xi32, #tpu.memory_space<vmem>>
      %dma_wait3A_654 = tpu.memref_squeeze %dma_wait3A_653 : memref<1x128xi32, #tpu.memory_space<vmem>> -> memref<128xi32, #tpu.memory_space<vmem>>
      %dma_wait3A_655 = arith.constant 0 : i32
      %dma_wait3A_656 = arith.constant 0 : i32
      %dma_wait3A_657 = tpu.memref_slice %arg11[%dma_wait3A_655, %dma_wait3A_656] : memref<10240x16xf32, #tpu.memory_space<vmem_shared>> -> memref<10240x16xf32, #tpu.memory_space<vmem_shared>>
      tpu.wait_indirect_dma semaphore(%arg15 : memref<!tpu.dma_semaphore, #tpu.memory_space<semaphore_mem>>) src(%dma_wait3A_651 : memref<128x16xf32, #tpu.memory_space<vmem>>) dst(%dma_wait3A_657 : memref<10240x16xf32, #tpu.memory_space<vmem_shared>>)
      %dma_wait3A_658 = arith.constant 4 : i32
      %dma_wait3A_659 = arith.constant 12 : i32
      %dma_wait3A_660 = arith.constant 0 : i32
      %dma_wait3A_661 = arith.constant 0 : i32
      %dma_wait3A_662 = tpu.memref_slice %arg10[%dma_wait3A_658, %dma_wait3A_660, %dma_wait3A_661] : memref<8x128x16xf32, #tpu.memory_space<vmem>> -> memref<1x128x16xf32, #tpu.memory_space<vmem>>
      %dma_wait3A_663 = tpu.memref_squeeze %dma_wait3A_662 : memref<1x128x16xf32, #tpu.memory_space<vmem>> -> memref<128x16xf32, #tpu.memory_space<vmem>>
      %dma_wait3A_664 = arith.constant 0 : i32
      %dma_wait3A_665 = tpu.memref_slice %arg8[%dma_wait3A_659, %dma_wait3A_664] : memref<16x128xi32, #tpu.memory_space<vmem>> -> memref<1x128xi32, #tpu.memory_space<vmem>>
      %dma_wait3A_666 = tpu.memref_squeeze %dma_wait3A_665 : memref<1x128xi32, #tpu.memory_space<vmem>> -> memref<128xi32, #tpu.memory_space<vmem>>
      %dma_wait3A_667 = arith.constant 0 : i32
      %dma_wait3A_668 = arith.constant 0 : i32
      %dma_wait3A_669 = tpu.memref_slice %arg11[%dma_wait3A_667, %dma_wait3A_668] : memref<10240x16xf32, #tpu.memory_space<vmem_shared>> -> memref<10240x16xf32, #tpu.memory_space<vmem_shared>>
      tpu.wait_indirect_dma semaphore(%arg15 : memref<!tpu.dma_semaphore, #tpu.memory_space<semaphore_mem>>) src(%dma_wait3A_663 : memref<128x16xf32, #tpu.memory_space<vmem>>) dst(%dma_wait3A_669 : memref<10240x16xf32, #tpu.memory_space<vmem_shared>>)
      %dma_wait3A_670 = arith.constant 5 : i32
      %dma_wait3A_671 = arith.constant 13 : i32
      %dma_wait3A_672 = arith.constant 0 : i32
      %dma_wait3A_673 = arith.constant 0 : i32
      %dma_wait3A_674 = tpu.memref_slice %arg10[%dma_wait3A_670, %dma_wait3A_672, %dma_wait3A_673] : memref<8x128x16xf32, #tpu.memory_space<vmem>> -> memref<1x128x16xf32, #tpu.memory_space<vmem>>
      %dma_wait3A_675 = tpu.memref_squeeze %dma_wait3A_674 : memref<1x128x16xf32, #tpu.memory_space<vmem>> -> memref<128x16xf32, #tpu.memory_space<vmem>>
      %dma_wait3A_676 = arith.constant 0 : i32
      %dma_wait3A_677 = tpu.memref_slice %arg8[%dma_wait3A_671, %dma_wait3A_676] : memref<16x128xi32, #tpu.memory_space<vmem>> -> memref<1x128xi32, #tpu.memory_space<vmem>>
      %dma_wait3A_678 = tpu.memref_squeeze %dma_wait3A_677 : memref<1x128xi32, #tpu.memory_space<vmem>> -> memref<128xi32, #tpu.memory_space<vmem>>
      %dma_wait3A_679 = arith.constant 0 : i32
      %dma_wait3A_680 = arith.constant 0 : i32
      %dma_wait3A_681 = tpu.memref_slice %arg11[%dma_wait3A_679, %dma_wait3A_680] : memref<10240x16xf32, #tpu.memory_space<vmem_shared>> -> memref<10240x16xf32, #tpu.memory_space<vmem_shared>>
      tpu.wait_indirect_dma semaphore(%arg15 : memref<!tpu.dma_semaphore, #tpu.memory_space<semaphore_mem>>) src(%dma_wait3A_675 : memref<128x16xf32, #tpu.memory_space<vmem>>) dst(%dma_wait3A_681 : memref<10240x16xf32, #tpu.memory_space<vmem_shared>>)
      %dma_wait3A_682 = arith.constant 6 : i32
      %dma_wait3A_683 = arith.constant 14 : i32
      %dma_wait3A_684 = arith.constant 0 : i32
      %dma_wait3A_685 = arith.constant 0 : i32
      %dma_wait3A_686 = tpu.memref_slice %arg10[%dma_wait3A_682, %dma_wait3A_684, %dma_wait3A_685] : memref<8x128x16xf32, #tpu.memory_space<vmem>> -> memref<1x128x16xf32, #tpu.memory_space<vmem>>
      %dma_wait3A_687 = tpu.memref_squeeze %dma_wait3A_686 : memref<1x128x16xf32, #tpu.memory_space<vmem>> -> memref<128x16xf32, #tpu.memory_space<vmem>>
      %dma_wait3A_688 = arith.constant 0 : i32
      %dma_wait3A_689 = tpu.memref_slice %arg8[%dma_wait3A_683, %dma_wait3A_688] : memref<16x128xi32, #tpu.memory_space<vmem>> -> memref<1x128xi32, #tpu.memory_space<vmem>>
      %dma_wait3A_690 = tpu.memref_squeeze %dma_wait3A_689 : memref<1x128xi32, #tpu.memory_space<vmem>> -> memref<128xi32, #tpu.memory_space<vmem>>
      %dma_wait3A_691 = arith.constant 0 : i32
      %dma_wait3A_692 = arith.constant 0 : i32
      %dma_wait3A_693 = tpu.memref_slice %arg11[%dma_wait3A_691, %dma_wait3A_692] : memref<10240x16xf32, #tpu.memory_space<vmem_shared>> -> memref<10240x16xf32, #tpu.memory_space<vmem_shared>>
      tpu.wait_indirect_dma semaphore(%arg15 : memref<!tpu.dma_semaphore, #tpu.memory_space<semaphore_mem>>) src(%dma_wait3A_687 : memref<128x16xf32, #tpu.memory_space<vmem>>) dst(%dma_wait3A_693 : memref<10240x16xf32, #tpu.memory_space<vmem_shared>>)
      %dma_wait3A_694 = arith.constant 7 : i32
      %dma_wait3A_695 = arith.constant 15 : i32
      %dma_wait3A_696 = arith.constant 0 : i32
      %dma_wait3A_697 = arith.constant 0 : i32
      %dma_wait3A_698 = tpu.memref_slice %arg10[%dma_wait3A_694, %dma_wait3A_696, %dma_wait3A_697] : memref<8x128x16xf32, #tpu.memory_space<vmem>> -> memref<1x128x16xf32, #tpu.memory_space<vmem>>
      %dma_wait3A_699 = tpu.memref_squeeze %dma_wait3A_698 : memref<1x128x16xf32, #tpu.memory_space<vmem>> -> memref<128x16xf32, #tpu.memory_space<vmem>>
      %dma_wait3A_700 = arith.constant 0 : i32
      %dma_wait3A_701 = tpu.memref_slice %arg8[%dma_wait3A_695, %dma_wait3A_700] : memref<16x128xi32, #tpu.memory_space<vmem>> -> memref<1x128xi32, #tpu.memory_space<vmem>>
      %dma_wait3A_702 = tpu.memref_squeeze %dma_wait3A_701 : memref<1x128xi32, #tpu.memory_space<vmem>> -> memref<128xi32, #tpu.memory_space<vmem>>
      %dma_wait3A_703 = arith.constant 0 : i32
      %dma_wait3A_704 = arith.constant 0 : i32
      %dma_wait3A_705 = tpu.memref_slice %arg11[%dma_wait3A_703, %dma_wait3A_704] : memref<10240x16xf32, #tpu.memory_space<vmem_shared>> -> memref<10240x16xf32, #tpu.memory_space<vmem_shared>>
      tpu.wait_indirect_dma semaphore(%arg15 : memref<!tpu.dma_semaphore, #tpu.memory_space<semaphore_mem>>) src(%dma_wait3A_699 : memref<128x16xf32, #tpu.memory_space<vmem>>) dst(%dma_wait3A_705 : memref<10240x16xf32, #tpu.memory_space<vmem_shared>>)
    }
    %scan3A_9 = arith.constant 5 : i32
    %barrier3A_10 = arith.constant 0 : index
    tpu.barrier barrier_id(%barrier3A_10)
    %mul3A_11 = arith.constant 640 : i32
    %mul3A_12 = arith.muli %arg1, %mul3A_11 : i32
    %mul3A_13 = arith.constant 640 : i32
    %mul3A_14 = arith.muli %arg1, %mul3A_13 : i32
    "tpu.region"() ({
      %run_scoped3A = tpu.sem_alloc : memref<!tpu.dma_semaphore, #tpu.memory_space<semaphore_mem>>
      %dma_start3A = arith.constant 0 : i32
      %dma_start3A_15 = tpu.memref_slice %arg6[%arg0, %mul3A_14, %dma_start3A] : memref<2x10240x16xf32, #tpu.memory_space<hbm>> -> memref<1x640x16xf32, #tpu.memory_space<hbm>>
      %dma_start3A_16 = tpu.memref_squeeze %dma_start3A_15 : memref<1x640x16xf32, #tpu.memory_space<hbm>> -> memref<640x16xf32, #tpu.memory_space<hbm>>
      %dma_start3A_17 = arith.constant 0 : i32
      %dma_start3A_18 = tpu.memref_slice %arg11[%mul3A_12, %dma_start3A_17] : memref<10240x16xf32, #tpu.memory_space<vmem_shared>> -> memref<640x16xf32, #tpu.memory_space<vmem_shared>>
      tpu.enqueue_dma source(%dma_start3A_18 : memref<640x16xf32, #tpu.memory_space<vmem_shared>>) target(%dma_start3A_16 : memref<640x16xf32, #tpu.memory_space<hbm>>) target_semaphore(%run_scoped3A : memref<!tpu.dma_semaphore, #tpu.memory_space<semaphore_mem>>)
      %dma_wait3A = arith.constant 0 : i32
      %dma_wait3A_19 = tpu.memref_slice %arg6[%arg0, %mul3A_14, %dma_wait3A] : memref<2x10240x16xf32, #tpu.memory_space<hbm>> -> memref<1x640x16xf32, #tpu.memory_space<hbm>>
      %dma_wait3A_20 = tpu.memref_squeeze %dma_wait3A_19 : memref<1x640x16xf32, #tpu.memory_space<hbm>> -> memref<640x16xf32, #tpu.memory_space<hbm>>
      %dma_wait3A_21 = arith.constant 0 : i32
      %dma_wait3A_22 = tpu.memref_slice %arg11[%mul3A_12, %dma_wait3A_21] : memref<10240x16xf32, #tpu.memory_space<vmem_shared>> -> memref<640x16xf32, #tpu.memory_space<vmem_shared>>
      tpu.wait_dma2 semaphore(%run_scoped3A : memref<!tpu.dma_semaphore, #tpu.memory_space<semaphore_mem>>) src(%dma_wait3A_22 : memref<640x16xf32, #tpu.memory_space<vmem_shared>>) dst(%dma_wait3A_20 : memref<640x16xf32, #tpu.memory_space<hbm>>)
      tpu.yield
    }) : () -> ()
    return
  }
}

module attributes {stable_mosaic.version = 14 : i64} {
  func.func @_tc1_body(%arg0: i32, %arg1: memref<2000x128xf32, #tpu.memory_space<vmem>>, %arg2: memref<128x128xf32, #tpu.memory_space<vmem>>, %arg3: memref<2000x1xf32, #tpu.memory_space<vmem>>, %arg4: memref<2x2000x64xbf16, #tpu.memory_space<vmem>>) attributes {dimension_semantics = [#tpu.dimension_semantics<arbitrary>], iteration_bounds = array<i64: 5>, scalar_prefetch = 0 : i64, scratch_operands = 0 : i64, tpu.core_type = #tpu.core_type<tc>, window_params = [{transform_indices = @transform_0, window_bounds = array<i64: 2000, 128>}, {pipeline_mode = #tpu.pipeline_mode<synchronous>, transform_indices = @transform_1, window_bounds = array<i64: 128, 128>}, {transform_indices = @transform_2, window_bounds = array<i64: 2000, 1>}, {transform_indices = @transform_3, window_bounds = array<i64: 2, 2000, 64>}]} {
    %get3A = arith.constant 0 : index
    %get3A_0 = arith.constant 0 : index
    %get3A_1 = vector.load %arg3[%get3A, %get3A_0] : memref<2000x1xf32, #tpu.memory_space<vmem>>, vector<2000x1xf32>
    %rsqrt3A = math.rsqrt %get3A_1 : vector<2000x1xf32>
    %get3A_2 = arith.constant 0 : index
    %get3A_3 = arith.constant 0 : index
    %get3A_4 = vector.load %arg1[%get3A_2, %get3A_3] : memref<2000x128xf32, #tpu.memory_space<vmem>>, vector<2000x128xf32>
    %get3A_5 = arith.constant 0 : index
    %get3A_6 = arith.constant 0 : index
    %get3A_7 = vector.load %arg2[%get3A_5, %get3A_6] : memref<128x128xf32, #tpu.memory_space<vmem>>, vector<128x128xf32>
    %dot_general3A = arith.constant dense<0.000000e+00> : vector<2000x128xf32>
    %dot_general3A_8 = tpu.matmul %get3A_4, %get3A_7, %dot_general3A {dimension_numbers = #tpu.dot_dimension_numbers<[1], [0], [0], [1], [0, 0, 1, 1], [], []>, transpose_lhs_hint = false} : vector<2000x128xf32>, vector<128x128xf32>, vector<2000x128xf32> -> vector<2000x128xf32>
    %mul3A = vector.broadcast %rsqrt3A : vector<2000x1xf32> to vector<2000x128xf32>
    %mul3A_9 = arith.mulf %dot_general3A_8, %mul3A : vector<2000x128xf32>
    %convert_element_type3A = arith.truncf %mul3A_9 : vector<2000x128xf32> to vector<2000x128xbf16>
    %slice3A = vector.extract_strided_slice %convert_element_type3A {offsets = [0, 0], sizes = [2000, 64], strides = [1, 1]} : vector<2000x128xbf16> to vector<2000x64xbf16>
    %swap3A = arith.constant 0 : index
    %swap3A_10 = arith.constant 0 : index
    %swap3A_11 = arith.constant 0 : index
    %swap3A_12 = vector.load %arg4[%swap3A, %swap3A_10, %swap3A_11] : memref<2x2000x64xbf16, #tpu.memory_space<vmem>>, vector<1x2000x64xbf16>
    %swap3A_13 = vector.shape_cast %swap3A_12 : vector<1x2000x64xbf16> to vector<2000x64xbf16>
    %swap3A_14 = vector.shape_cast %slice3A : vector<2000x64xbf16> to vector<1x2000x64xbf16>
    tpu.vector_store %arg4[%swap3A, %swap3A_10, %swap3A_11], %swap3A_14 {strides = array<i32>} : memref<2x2000x64xbf16, #tpu.memory_space<vmem>>, vector<1x2000x64xbf16>,
    %slice3A_15 = vector.extract_strided_slice %convert_element_type3A {offsets = [0, 64], sizes = [2000, 64], strides = [1, 1]} : vector<2000x128xbf16> to vector<2000x64xbf16>
    %swap3A_16 = arith.constant 1 : index
    %swap3A_17 = arith.constant 0 : index
    %swap3A_18 = arith.constant 0 : index
    %swap3A_19 = vector.load %arg4[%swap3A_16, %swap3A_17, %swap3A_18] : memref<2x2000x64xbf16, #tpu.memory_space<vmem>>, vector<1x2000x64xbf16>
    %swap3A_20 = vector.shape_cast %swap3A_19 : vector<1x2000x64xbf16> to vector<2000x64xbf16>
    %swap3A_21 = vector.shape_cast %slice3A_15 : vector<2000x64xbf16> to vector<1x2000x64xbf16>
    tpu.vector_store %arg4[%swap3A_16, %swap3A_17, %swap3A_18], %swap3A_21 {strides = array<i32>} : memref<2x2000x64xbf16, #tpu.memory_space<vmem>>, vector<1x2000x64xbf16>,
    return
  }
  func.func @transform_0(%arg0: i32) -> (i32, i32) {
    %c0_i32 = arith.constant 0 : i32
    %c0_i32_0 = arith.constant 0 : i32
    return %arg0, %c0_i32 : i32, i32
  }
  func.func @transform_1(%arg0: i32) -> (i32, i32) {
    %c0_i32 = arith.constant 0 : i32
    %c0_i32_0 = arith.constant 0 : i32
    %c0_i32_1 = arith.constant 0 : i32
    return %c0_i32, %c0_i32_0 : i32, i32
  }
  func.func @transform_2(%arg0: i32) -> (i32, i32) {
    %c0_i32 = arith.constant 0 : i32
    %c0_i32_0 = arith.constant 0 : i32
    return %arg0, %c0_i32 : i32, i32
  }
  func.func @transform_3(%arg0: i32) -> (i32, i32, i32) {
    %c0_i32 = arith.constant 0 : i32
    %c0_i32_0 = arith.constant 0 : i32
    %c0_i32_1 = arith.constant 0 : i32
    return %c0_i32, %arg0, %c0_i32_0 : i32, i32, i32
  }
}

module attributes {stable_mosaic.version = 14 : i64} {
  func.func @_tc2_body(%arg0: i32, %arg1: memref<2x2000x64xbf16, #tpu.memory_space<vmem>>, %arg2: memref<2x2000x64xbf16, #tpu.memory_space<vmem>>, %arg3: memref<2000x1xf32, #tpu.memory_space<vmem>>, %arg4: memref<128x16xf32, #tpu.memory_space<vmem>>, %arg5: memref<1x128xf32, #tpu.memory_space<vmem>>, %arg6: memref<2000x16xf32, #tpu.memory_space<vmem>>) attributes {dimension_semantics = [#tpu.dimension_semantics<arbitrary>], iteration_bounds = array<i64: 5>, scalar_prefetch = 0 : i64, scratch_operands = 0 : i64, tpu.core_type = #tpu.core_type<tc>, window_params = [{transform_indices = @transform_0, window_bounds = array<i64: 2, 2000, 64>}, {transform_indices = @transform_1, window_bounds = array<i64: 2, 2000, 64>}, {transform_indices = @transform_2, window_bounds = array<i64: 2000, 1>}, {pipeline_mode = #tpu.pipeline_mode<synchronous>, transform_indices = @transform_3, window_bounds = array<i64: 128, 16>}, {pipeline_mode = #tpu.pipeline_mode<synchronous>, transform_indices = @transform_4, window_bounds = array<i64: 1, 128>}, {transform_indices = @transform_5, window_bounds = array<i64: 2000, 16>}]} {
    %get3A = arith.constant 0 : index
    %get3A_0 = arith.constant 0 : index
    %get3A_1 = vector.load %arg3[%get3A, %get3A_0] : memref<2000x1xf32, #tpu.memory_space<vmem>>, vector<2000x1xf32>
    %rsqrt3A = math.rsqrt %get3A_1 : vector<2000x1xf32>
    %get3A_2 = arith.constant 0 : index
    %get3A_3 = arith.constant 0 : index
    %get3A_4 = arith.constant 0 : index
    %get3A_5 = vector.load %arg1[%get3A_2, %get3A_3, %get3A_4] : memref<2x2000x64xbf16, #tpu.memory_space<vmem>>, vector<1x2000x64xbf16>
    %get3A_6 = vector.shape_cast %get3A_5 : vector<1x2000x64xbf16> to vector<2000x64xbf16>
    %get3A_7 = arith.constant 1 : index
    %get3A_8 = arith.constant 0 : index
    %get3A_9 = arith.constant 0 : index
    %get3A_10 = vector.load %arg1[%get3A_7, %get3A_8, %get3A_9] : memref<2x2000x64xbf16, #tpu.memory_space<vmem>>, vector<1x2000x64xbf16>
    %get3A_11 = vector.shape_cast %get3A_10 : vector<1x2000x64xbf16> to vector<2000x64xbf16>
    %concatenate3A = tpu.concatenate %get3A_6, %get3A_11 in 1 : vector<2000x64xbf16>, vector<2000x64xbf16> -> vector<2000x128xbf16>
    %convert_element_type3A = arith.extf %concatenate3A : vector<2000x128xbf16> to vector<2000x128xf32>
    %get3A_12 = arith.constant 0 : index
    %get3A_13 = arith.constant 0 : index
    %get3A_14 = arith.constant 0 : index
    %get3A_15 = vector.load %arg2[%get3A_12, %get3A_13, %get3A_14] : memref<2x2000x64xbf16, #tpu.memory_space<vmem>>, vector<1x2000x64xbf16>
    %get3A_16 = vector.shape_cast %get3A_15 : vector<1x2000x64xbf16> to vector<2000x64xbf16>
    %get3A_17 = arith.constant 1 : index
    %get3A_18 = arith.constant 0 : index
    %get3A_19 = arith.constant 0 : index
    %get3A_20 = vector.load %arg2[%get3A_17, %get3A_18, %get3A_19] : memref<2x2000x64xbf16, #tpu.memory_space<vmem>>, vector<1x2000x64xbf16>
    %get3A_21 = vector.shape_cast %get3A_20 : vector<1x2000x64xbf16> to vector<2000x64xbf16>
    %concatenate3A_22 = tpu.concatenate %get3A_16, %get3A_21 in 1 : vector<2000x64xbf16>, vector<2000x64xbf16> -> vector<2000x128xbf16>
    %convert_element_type3A_23 = arith.extf %concatenate3A_22 : vector<2000x128xbf16> to vector<2000x128xf32>
    %add3A = arith.addf %convert_element_type3A, %convert_element_type3A_23 : vector<2000x128xf32>
    %mul3A = vector.broadcast %rsqrt3A : vector<2000x1xf32> to vector<2000x128xf32>
    %mul3A_24 = arith.mulf %add3A, %mul3A : vector<2000x128xf32>
    %get3A_25 = arith.constant 0 : index
    %get3A_26 = arith.constant 0 : index
    %get3A_27 = vector.load %arg5[%get3A_25, %get3A_26] : memref<1x128xf32, #tpu.memory_space<vmem>>, vector<1x128xf32>
    %add3A_28 = vector.broadcast %get3A_27 : vector<1x128xf32> to vector<2000x128xf32>
    %add3A_29 = arith.addf %mul3A_24, %add3A_28 : vector<2000x128xf32>
    %max3A = arith.constant 0.000000e+00 : f32
    %max3A_30 = vector.broadcast %max3A : f32 to vector<2000x128xf32>
    %max3A_31 = arith.maximumf %add3A_29, %max3A_30 : vector<2000x128xf32>
    %get3A_32 = arith.constant 0 : index
    %get3A_33 = arith.constant 0 : index
    %get3A_34 = vector.load %arg4[%get3A_32, %get3A_33] : memref<128x16xf32, #tpu.memory_space<vmem>>, vector<128x16xf32>
    %dot_general3A = arith.constant dense<0.000000e+00> : vector<2000x16xf32>
    %dot_general3A_35 = tpu.matmul %max3A_31, %get3A_34, %dot_general3A {dimension_numbers = #tpu.dot_dimension_numbers<[1], [0], [0], [1], [0, 0, 1, 1], [], []>, transpose_lhs_hint = false} : vector<2000x128xf32>, vector<128x16xf32>, vector<2000x16xf32> -> vector<2000x16xf32>
    %mul3A_36 = vector.broadcast %rsqrt3A : vector<2000x1xf32> to vector<2000x16xf32>
    %mul3A_37 = arith.mulf %dot_general3A_35, %mul3A_36 : vector<2000x16xf32>
    %swap3A = arith.constant 0 : index
    %swap3A_38 = arith.constant 0 : index
    %swap3A_39 = vector.load %arg6[%swap3A, %swap3A_38] : memref<2000x16xf32, #tpu.memory_space<vmem>>, vector<2000x16xf32>
    tpu.vector_store %arg6[%swap3A, %swap3A_38], %mul3A_37 {strides = array<i32>} : memref<2000x16xf32, #tpu.memory_space<vmem>>, vector<2000x16xf32>,
    return
  }
  func.func @transform_0(%arg0: i32) -> (i32, i32, i32) {
    %c0_i32 = arith.constant 0 : i32
    %c0_i32_0 = arith.constant 0 : i32
    %c0_i32_1 = arith.constant 0 : i32
    return %c0_i32, %arg0, %c0_i32_0 : i32, i32, i32
  }
  func.func @transform_1(%arg0: i32) -> (i32, i32, i32) {
    %c0_i32 = arith.constant 0 : i32
    %c0_i32_0 = arith.constant 0 : i32
    %c0_i32_1 = arith.constant 0 : i32
    return %c0_i32, %arg0, %c0_i32_0 : i32, i32, i32
  }
  func.func @transform_2(%arg0: i32) -> (i32, i32) {
    %c0_i32 = arith.constant 0 : i32
    %c0_i32_0 = arith.constant 0 : i32
    return %arg0, %c0_i32 : i32, i32
  }
  func.func @transform_3(%arg0: i32) -> (i32, i32) {
    %c0_i32 = arith.constant 0 : i32
    %c0_i32_0 = arith.constant 0 : i32
    %c0_i32_1 = arith.constant 0 : i32
    return %c0_i32, %c0_i32_0 : i32, i32
  }
  func.func @transform_4(%arg0: i32) -> (i32, i32) {
    %c0_i32 = arith.constant 0 : i32
    %c0_i32_0 = arith.constant 0 : i32
    %c0_i32_1 = arith.constant 0 : i32
    return %c0_i32, %c0_i32_0 : i32, i32
  }
  func.func @transform_5(%arg0: i32) -> (i32, i32) {
    %c0_i32 = arith.constant 0 : i32
    %c0_i32_0 = arith.constant 0 : i32
    return %arg0, %c0_i32 : i32, i32
  }
}

module attributes {stable_mosaic.version = 14 : i64} {
  func.func @_tc3_body(%arg0: i32, %arg1: memref<2x2000x16xf32, #tpu.memory_space<vmem>>, %arg2: memref<2000x16xf32, #tpu.memory_space<vmem>>, %arg3: memref<2000x1xf32, #tpu.memory_space<vmem>>, %arg4: memref<1x16xf32, #tpu.memory_space<vmem>>, %arg5: memref<2000x16xf32, #tpu.memory_space<vmem>>) attributes {dimension_semantics = [#tpu.dimension_semantics<arbitrary>], iteration_bounds = array<i64: 5>, scalar_prefetch = 0 : i64, scratch_operands = 0 : i64, tpu.core_type = #tpu.core_type<tc>, window_params = [{transform_indices = @transform_0, window_bounds = array<i64: 2, 2000, 16>}, {transform_indices = @transform_1, window_bounds = array<i64: 2000, 16>}, {transform_indices = @transform_2, window_bounds = array<i64: 2000, 1>}, {pipeline_mode = #tpu.pipeline_mode<synchronous>, transform_indices = @transform_3, window_bounds = array<i64: 1, 16>}, {transform_indices = @transform_4, window_bounds = array<i64: 2000, 16>}]} {
    %get3A = arith.constant 0 : index
    %get3A_0 = arith.constant 0 : index
    %get3A_1 = vector.load %arg3[%get3A, %get3A_0] : memref<2000x1xf32, #tpu.memory_space<vmem>>, vector<2000x1xf32>
    %rsqrt3A = math.rsqrt %get3A_1 : vector<2000x1xf32>
    %get3A_2 = arith.constant 0 : index
    %get3A_3 = arith.constant 0 : index
    %get3A_4 = arith.constant 0 : index
    %get3A_5 = vector.load %arg1[%get3A_2, %get3A_3, %get3A_4] : memref<2x2000x16xf32, #tpu.memory_space<vmem>>, vector<1x2000x16xf32>
    %get3A_6 = vector.shape_cast %get3A_5 : vector<1x2000x16xf32> to vector<2000x16xf32>
    %get3A_7 = arith.constant 1 : index
    %get3A_8 = arith.constant 0 : index
    %get3A_9 = arith.constant 0 : index
    %get3A_10 = vector.load %arg1[%get3A_7, %get3A_8, %get3A_9] : memref<2x2000x16xf32, #tpu.memory_space<vmem>>, vector<1x2000x16xf32>
    %get3A_11 = vector.shape_cast %get3A_10 : vector<1x2000x16xf32> to vector<2000x16xf32>
    %add3A = arith.addf %get3A_6, %get3A_11 : vector<2000x16xf32>
    %get3A_12 = arith.constant 0 : index
    %get3A_13 = arith.constant 0 : index
    %get3A_14 = vector.load %arg2[%get3A_12, %get3A_13] : memref<2000x16xf32, #tpu.memory_space<vmem>>, vector<2000x16xf32>
    %add3A_15 = arith.addf %add3A, %get3A_14 : vector<2000x16xf32>
    %mul3A = vector.broadcast %rsqrt3A : vector<2000x1xf32> to vector<2000x16xf32>
    %mul3A_16 = arith.mulf %add3A_15, %mul3A : vector<2000x16xf32>
    %get3A_17 = arith.constant 0 : index
    %get3A_18 = arith.constant 0 : index
    %get3A_19 = vector.load %arg4[%get3A_17, %get3A_18] : memref<1x16xf32, #tpu.memory_space<vmem>>, vector<1x16xf32>
    %add3A_20 = vector.broadcast %get3A_19 : vector<1x16xf32> to vector<2000x16xf32>
    %add3A_21 = arith.addf %mul3A_16, %add3A_20 : vector<2000x16xf32>
    %reduce_max3A = arith.constant dense<0xFF800000> : vector<2000xf32>
    %reduce_max3A_22 = vector.multi_reduction <maximumf>, %add3A_21, %reduce_max3A [1] : vector<2000x16xf32> to vector<2000xf32>
    %broadcast_in_dim3A = vector.shape_cast %reduce_max3A_22 : vector<2000xf32> to vector<2000x1xf32>
    %sub3A = vector.broadcast %broadcast_in_dim3A : vector<2000x1xf32> to vector<2000x16xf32>
    %sub3A_23 = arith.subf %add3A_21, %sub3A : vector<2000x16xf32>
    %exp3A = math.exp %sub3A_23 : vector<2000x16xf32>
    %reduce_sum3A = arith.constant dense<0.000000e+00> : vector<2000xf32>
    %reduce_sum3A_24 = vector.multi_reduction <add>, %exp3A, %reduce_sum3A [1] : vector<2000x16xf32> to vector<2000xf32>
    %broadcast_in_dim3A_25 = vector.shape_cast %reduce_sum3A_24 : vector<2000xf32> to vector<2000x1xf32>
    %div3A = vector.broadcast %broadcast_in_dim3A_25 : vector<2000x1xf32> to vector<2000x16xf32>
    %div3A_26 = arith.divf %exp3A, %div3A : vector<2000x16xf32>
    %swap3A = arith.constant 0 : index
    %swap3A_27 = arith.constant 0 : index
    %swap3A_28 = vector.load %arg5[%swap3A, %swap3A_27] : memref<2000x16xf32, #tpu.memory_space<vmem>>, vector<2000x16xf32>
    tpu.vector_store %arg5[%swap3A, %swap3A_27], %div3A_26 {strides = array<i32>} : memref<2000x16xf32, #tpu.memory_space<vmem>>, vector<2000x16xf32>,
    return
  }
  func.func @transform_0(%arg0: i32) -> (i32, i32, i32) {
    %c0_i32 = arith.constant 0 : i32
    %c0_i32_0 = arith.constant 0 : i32
    %c0_i32_1 = arith.constant 0 : i32
    return %c0_i32, %arg0, %c0_i32_0 : i32, i32, i32
  }
  func.func @transform_1(%arg0: i32) -> (i32, i32) {
    %c0_i32 = arith.constant 0 : i32
    %c0_i32_0 = arith.constant 0 : i32
    return %arg0, %c0_i32 : i32, i32
  }
  func.func @transform_2(%arg0: i32) -> (i32, i32) {
    %c0_i32 = arith.constant 0 : i32
    %c0_i32_0 = arith.constant 0 : i32
    return %arg0, %c0_i32 : i32, i32
  }
  func.func @transform_3(%arg0: i32) -> (i32, i32) {
    %c0_i32 = arith.constant 0 : i32
    %c0_i32_0 = arith.constant 0 : i32
    %c0_i32_1 = arith.constant 0 : i32
    return %c0_i32, %c0_i32_0 : i32, i32
  }
  func.func @transform_4(%arg0: i32) -> (i32, i32) {
    %c0_i32 = arith.constant 0 : i32
    %c0_i32_0 = arith.constant 0 : i32
    return %arg0, %c0_i32 : i32, i32
  }
}

</mosaic_0001>

<sc_bundles>
// kernel: kernel.11.cloned.1.call-start
scs
__scs_entry_jumppad:
0x0: {  	(pc) =	sbr.rel $0x88, $3  }
0x1: {  	(tag) =	ssettag $0x0;
	lr =	simm.s32 $0x1  }
0x2: {  	[smem:$0x3F9B] =	sst lr;
	_ =	strace $0xD0000000  }
0x3: {  	_ = 	snop  }
0x4: {  	_ = 	snop  }
0x5: {  	_ = 	snop  }
0x6: {  	_ = 	snop  }
0x7: {  	_ = 	snop  }
__scs_overlays_trampoline_lowered:
0x8: {  	[smem:$0x3FAA] =	sst s0  }
0x9: {  	[smem:$0x3FAB] =	sst s1  }
0xa: {  	[smem:$0x3FAC] =	sst s2  }
0xb: {  	[smem:$0x3FAD] =	sst s3  }
0xc: {  	[smem:$0x3FAE] =	sst s4  }
0xd: {  	[smem:$0x3FAF] =	sst s5  }
0xe: {  	[smem:$0x3FB0] =	sst s6  }
0xf: {  	[smem:$0x3FB1] =	sst s7  }
0x10: {  	[smem:$0x3FB2] =	sst s8  }
0x11: {  	[smem:$0x3FB3] =	sst s9;
	s0 =	simm.s32 @!p0 $0x0  }
0x12: {  	s1 =	sld [smem:$0x3F99];
	s0 =	simm.s32 @p0 $0x1  }
0x13: {  	[smem:$0x3FB4] =	sst s0;
	s0 =	simm.s32 @!p1 $0x0  }
0x14: {  	s2 =	sld [smem:$0x3F98];
	s0 =	simm.s32 @p1 $0x1  }
0x15: {  	[smem:$0x3FB5] =	sst s0;
	s0 =	simm.s32 @!p2 $0x0  }
0x16: {  	s3 =	sld [smem:$0x3FDB];
	s0 =	simm.s32 @p2 $0x1  }
0x17: {  	s4 =	simm.s32 $0x1BF5;
	[smem:$0x3FB7] =	sst s0  }
0x18: {  	s0 =	sld [smem:$0x3F9A];
	_ =	swait.ge [sflag:s4], $0x0  }
0x19: {  	s7 =	sld [smem:$0x3F9B]  }
0x1a: {  	s8 =	sadd.s32 $0xFFFFE003, lr  }
0x1b: {  	s9 =	sadd.s32 $0xFFFFFEF7, lr;
	s5 =	simm.s32 $0xFFFFFFFF;
	p2 =	slt.u32 s8, $0xFFFFF086  }
0x1c: {  	p1 =	slt.u32 s9, $0xF7A;
	s5 =	simm.s32 @!p2 $0x0  }
0x1d: {  	s5 =	simm.s32 @p1 $0x1;
	p0 =	seq.s32 s7, s2  }
0x1e: {  	s7 =	smul.u32 @!p0 $0xF7A, s2;
	p2 =	seq.s32 @!p0 s5, $0x0  }
0x1f: {  	s9 =	smul.u32 $0xF7A, s1;
	s8 =	simm.s32 @!p0 $0x1BF5;
	p2 =	por !p2, p0  }
0x20: {  	[sflag:s8] =	ssyncset.s32 @!p0 $0xFFFFF086;
	s6 =	sadd.s32 @!p0 s3, s7;
	s7 =	simm.s32 @!p0 $0x108  }
0x21: {  	s3 =	sadd.s32 s3, s9;
	s6 =	sadd.s32 @!p0 $0x88, s6;
	s7 =	simm.s32 @p2 $0x1082  }
0x22: {  	[simem:s7], [sflag:s8] =	dma.local @!p0 [hbm:s6], $0xF7A  }
0x23: {  	s9 =	sor.u32 $0xD0000000, s2;
	s6 =	simm.s32 $0x108;
	_ =	swait.ge @!p0 [sflag:s8], $0x0  }
0x24: {  	s3 =	sadd.s32 $0x88, s3;
	s6 =	simm.s32 @!p1 $0x1082;
	[sflag:s4] =	ssyncset.s32 $0xFFFFF086  }
0x25: {  	[simem:s6], [sflag:s4] =	dma.local [hbm:s3], $0xF7A  }
0x26: {  	[smem:$0x3F9B] =	sst s1;
	(tag) =	ssettag s2;
	_ =	strace s9  }
0x27: {  	s1 =	sld [smem:$0x3FAB]  }
0x28: {  	s2 =	sld [smem:$0x3FAC]  }
0x29: {  	s4 =	sld [smem:$0x3FAE]  }
0x2a: {  	p0 =	seq.s32 s5, $0x0;
	s5 =	sld [smem:$0x3FAF]  }
0x2b: {  	s6 =	sld [smem:$0x3FB0]  }
0x2c: {  	s7 =	sld [smem:$0x3FB1]  }
0x2d: {  	s3 =	simm.s32 $0x108;
	s8 =	sld [smem:$0x3FB2]  }
0x2e: {  	s3 =	simm.s32 @!p0 $0x1082;
	s9 =	sld [smem:$0x3FB3]  }
0x2f: {  	lr =	sadd.s32 s0, s3;
	s0 =	sld [smem:$0x3FAA]  }
0x30: {  	s3 =	sld [smem:$0x3FAD]  }
0x31: {  	[smem:$0x3FB6] =	sst s10  }
0x32: {  	s10 =	sld [smem:$0x3FB4];
	_ =	sdelay $0x3  }
0x33: {  	p0 =	seq.s32 s10, $0x1;
	s10 =	sld [smem:$0x3FB6];
	_ =	sdelay $0x3  }
0x34: {  	[smem:$0x3FB6] =	sst s10  }
0x35: {  	s10 =	sld [smem:$0x3FB5];
	_ =	sdelay $0x3  }
0x36: {  	p1 =	seq.s32 s10, $0x1;
	s10 =	sld [smem:$0x3FB6];
	_ =	sdelay $0x3  }
0x37: {  	[smem:$0x3FB6] =	sst s10  }
0x38: {  	s10 =	sld [smem:$0x3FB7]  }
0x39: {  	_ = 	snop;
	(pc) =	sbr.ind lr, $3  }
0x3a: {  	_ = 	snop  }
0x3b: {  	_ = 	snop  }
0x3c: {  	p2 =	seq.s32 s10, $0x1;
	s10 =	sld [smem:$0x3FB6]  }
0x3d: {  	_ =	shalt  }
0x3e: {  	_ =	shalt  }
0x3f: {  	_ =	shalt  }
0x40: {  	_ =	shalt  }
0x41: {  	_ =	shalt  }
0x42: {  	_ =	shalt  }
0x43: {  	_ =	shalt  }
0x44: {  	_ =	shalt  }
0x45: {  	_ =	shalt  }
0x46: {  	_ =	shalt  }
0x47: {  	_ =	shalt  }
0x48: {  	_ =	shalt  }
0x49: {  	_ =	shalt  }
0x4a: {  	_ =	shalt  }
0x4b: {  	_ =	shalt  }
0x4c: {  	_ =	shalt  }
0x4d: {  	_ =	shalt  }
0x4e: {  	_ =	shalt  }
0x4f: {  	_ =	shalt  }
0x50: {  	_ =	shalt  }
0x51: {  	_ =	shalt  }
0x52: {  	_ =	shalt  }
0x53: {  	_ =	shalt  }
0x54: {  	_ =	shalt  }
0x55: {  	_ =	shalt  }
0x56: {  	_ =	shalt  }
0x57: {  	_ =	shalt  }
0x58: {  	_ =	shalt  }
0x59: {  	_ =	shalt  }
0x5a: {  	_ =	shalt  }
0x5b: {  	_ =	shalt  }
0x5c: {  	_ =	shalt  }
0x5d: {  	_ =	shalt  }
0x5e: {  	_ =	shalt  }
0x5f: {  	_ =	shalt  }
0x60: {  	_ =	shalt  }
0x61: {  	_ =	shalt  }
0x62: {  	_ =	shalt  }
0x63: {  	_ =	shalt  }
0x64: {  	_ =	shalt  }
0x65: {  	_ =	shalt  }
0x66: {  	_ =	shalt  }
0x67: {  	_ =	shalt  }
0x68: {  	_ =	shalt  }
0x69: {  	_ =	shalt  }
0x6a: {  	_ =	shalt  }
0x6b: {  	_ =	shalt  }
0x6c: {  	_ =	shalt  }
0x6d: {  	_ =	shalt  }
0x6e: {  	_ =	shalt  }
0x6f: {  	_ =	shalt  }
0x70: {  	_ =	shalt  }
0x71: {  	_ =	shalt  }
0x72: {  	_ =	shalt  }
0x73: {  	_ =	shalt  }
0x74: {  	_ =	shalt  }
0x75: {  	_ =	shalt  }
0x76: {  	_ =	shalt  }
0x77: {  	_ =	shalt  }
0x78: {  	_ =	shalt  }
0x79: {  	_ =	shalt  }
0x7a: {  	_ =	shalt  }
0x7b: {  	_ =	shalt  }
0x7c: {  	_ =	shalt  }
0x7d: {  	_ =	shalt  }
0x7e: {  	_ =	shalt  }
0x7f: {  	_ =	shalt  }
0x80: {  	_ =	shalt  }
0x81: {  	_ =	shalt  }
0x82: {  	_ =	shalt  }
0x83: {  	_ =	shalt  }
0x84: {  	_ =	shalt  }
0x85: {  	_ =	shalt  }
0x86: {  	_ =	shalt  }
0x87: {  	_ =	shalt  }
.Lfunc_end0:
.L_simem_size_0:
called_computation.1_lowered:
.L_overlay_start_0:
0x88: {  	s2 =	sld [smem:$0x3FD9]  }
0x89: {  	s3 =	sld [smem:$0x3FFE];
	_ =	sdelay $0x1  }
0x8a: {  	s1 =	srdreg.scid  }
0x8b: {  	s0 =	sand.u32 $0x1, s1  }
0x8c: {  	s16 =	sshll.u32 s0, $0xA;
	s2 =	sadd.s32 s3, s2  }
0x8d: {  	s2 =	sadd.s32 s2, s16  }
0x8e: {  	[smem:$0x3FC2] =	sst s2  }
0x8f: {  	_ = 	snop  }
0x90: {  	(tm) =	ssettm $0x1  }
0x91: {  	s17 =	sld [smem:$0x3FFB];
	_ =	sdelay $0x3  }
0x92: {  	_ =	strace s17  }
0x93: {  	s2 =	sld [smem:$0x3FFC];
	_ =	sdelay $0x3  }
0x94: {  	_ =	strace s2  }
0x95: {  	s2 =	sld [smem:$0x3FFD];
	_ =	sdelay $0x3  }
0x96: {  	_ =	strace s2  }
0x97: {  	_ =	strace $0x8FFFFFFF  }
0x98: {  	s18 =	sld [smem:$0x3FDB];
	_ =	sdelay $0x1  }
0x99: {  	s19 =	simm.s32 $_scs_section_size  }
0x9a: {  	s4 =	simm.s32 $_size__tile_overlayer_lowered;
	s5 =	simm.s32 $_tile_overlayer_lowered  }
0x9b: {  	s22 =	simm.s32 $0x1BFF;
	s21 =	sshll.u32 s5, $0x1;
	s2 =	sadd.s32 s19, s18  }
0x9c: {  	s6 =	simm.s32 $0x0;
	s20 =	sshll.u32 s4, $0x1;
	s4 =	sadd.s32 s21, s2  }
0x9d: {  	[timem:s6], [sflag:s22] =	dma.local [hbm:s4], s20  }
0x9e: {  	_ =	swait.ge [sflag:s22], s20  }
0x9f: {  	s3 =	ssub.s32 $0x0, s20;
	[sflag:s22] =	ssyncset.done $0x0  }
0xa0: {  	[sflag:s22] =	ssyncadd.s32 s3;
	_ =	sdelay $0x1  }
0xa1: {  	s23 =	simm.s32 $0x1B8B  }
0xa2: {  	_ =	swait.ge [sflag:s23], $0x1  }
0xa3: {  	[sflag:s23] =	ssyncset.done $0x0  }
0xa4: {  	s25 =	simm.s32 $0x1B8E;
	s24 =	sld [smem:$0x3FFE];
	[sflag:s23] =	ssyncadd.s32 $0xFFFFFFFF  }
0xa5: {  	s26 =	simm.s32 $execute0_lowered;
	[smem:$0x3FD2] =	sst s25  }
0xa6: {  	s4 =	sshll.u32 s26, $0x1;
	_ =	strace $0x80000049;
	[dreg:$0x1] =	wrdreg $0xFFFFFFFF  }
0xa7: {  	s28 =	simm.s32 $_size_execute0_lowered;
	s2 =	sadd.s32 s2, s4;
	[dreg:$0x0] =	wrdreg $0x0  }
0xa8: {  	s4 =	sshll.u32 s28, $0x1;
	[dreg:$0x2] =	wrdreg s2  }
0xa9: {  	[dreg:$0x3] =	wrdreg s4  }
0xaa: {  	[dreg:$0x4] =	wrdreg $0xC0  }
0xab: {  	_ =	task [dreg:s6], $0x5FFFF  }
0xac: {  	[dreg:$0x1] =	wrdreg $0xFFFFFFFF  }
0xad: {  	[dreg:$0x0] =	wrdreg $0x60  }
0xae: {  	[dreg:$0x2] =	wrdreg s24  }
0xaf: {  	[dreg:$0x3] =	wrdreg $0x120000  }
0xb0: {  	[dreg:$0x4] =	wrdreg $0x9  }
0xb1: {  	_ =	task.clear_ibuf [dreg:s6], $0x5FFFF;
	_ =	strace $0x90000049  }
0xb2: {  	s29 =	simm.s32 $0x9;
	_ =	strace $0x8000004B  }
0xb3: {  	_ =	swait.ge [sflag:s29], $0x1  }
0xb4: {  	[sflag:s29] =	ssyncadd.s32 $0xFFFFFFFF  }
0xb5: {  	_ =	strace $0x9000004B  }
0xb6: {  	_ =	sfence  }
0xb7: {  	s30 =	sld [smem:$0x0];
	_ =	sdelay $0x2  }
0xb8: {  	s31 =	sshll.u32 s1, $0xD;
	s1 =	sshrl.u32 s1, $0x2  }
0xb9: {  	s3 =	sand.u32 $0x4000, s31;
	s1 =	sadd.s32 s1, s30  }
0xba: {  	s0 =	sor.u32 s3, s0;
	s1 =	sshll.u32 s1, $0x11  }
0xbb: {  	s0 =	sor.u32 s1, s0  }
0xbc: {  	s0 =	sadd.s32 $0x8F2B, s0  }
0xbd: {  	[sflag:s0] =	ssyncadd.remote.s32 $0x1  }
0xbe: {  	_ =	sfence.sel $0xFFFF  }
0xbf: {  	[dreg:$0x0] =	wrdreg $0xFFFFFFFF;
	(pc) =	sbr.abs _section_cstart, $3  }
0xc0: {  	[dreg:$0x1] =	wrdreg $0xFFFFFFFF  }
0xc1: {  	_ =	task.clear_ibuf [dreg:s6], $0x2FFFF;
	_ =	strace $0x9FFFFFFF  }
0xc2: {  	(tm) =	ssettm $0x7FFFFFFF  }
0xc3: {  	_ =	shalt  }
tec
execute0_lowered:
.L_overlay_start_1:
0x0: {  	(tag) =	ssettag $0x1  }
0x1: {  	s0 =	rddreg [dreg:$0x0];
	s1 =	srdreg.scid  }
0x2: {  	s2 =	rddreg [dreg:$0x1];
	s4 =	stileid.u32  }
0x3: {  	s22 =	simm.s32 $0x0;
	s13 =	simm.s32 $0x5;
	s15 =	simm.s32 $0x80  }
0x4: {  	s16 =	simm.s32 $0x2000;
	s17 =	simm.s32 $0x3000;
	s19 =	simm.s32 $0x4000  }
0x5: {  	s21 =	simm.s32 $0x5000;
	s23 =	simm.s32 $0x6000;
	s28 =	simm.s32 $0x8000  }
0x6: {  	s30 =	simm.s32 $0x9000;
	s31 =	simm.s32 $0x1;
	s10 =	simm.s32 $0xD000  }
0x7: {  	s11 =	simm.s32 $0xE000;
	s12 =	simm.s32 $0x10000;
	s14 =	simm.s32 $0x2  }
0x8: {  	s18 =	simm.s32 $0x3;
	s20 =	simm.s32 $0x4;
	s1 =	sand.u32 $0x1, s1  }
0x9: {  	s6 =	smul.u32 $0xA000, s4;
	[smem:$0x7FF] =	sst s22;
	s7 =	sadd.s32 $0x15200, s0  }
0xa: {  	s8 =	sadd.s32 $0x1FC00, s0;
	s26 =	sshll.u32 s4, $0x6;
	s3 =	smul.u32 $0x9C40, s1  }
0xb: {  	s5 =	smul.u32 $0xA0000, s1;
	_ =	strace $0x8000004A;
	[dreg:$0x4] =	wrdreg s7  }
0xc: {  	s1 =	ssub.s32 $0x2, s1;
	[dreg:$0x5] =	wrdreg s8;
	s8 =	smul.u32 $0x5000, s4  }
0xd: {  	s25 =	sshrl.u32 s1, $0x1;
	s3 =	sadd.s32 s3, s0;
	s24 =	sadd.s32 s6, s5  }
0xe: {  	s5 =	sadd.s32 $0xB200, s0;
	s1 =	ssub.s32 s1, s25;
	s6 =	sshrl.u32 s6, $0x1  }
0xf: {  	s25 =	simm.s32 $0x7000;
	s7 =	sshrl.u32 s24, $0x4;
	s6 =	sadd.s32 s6, s2  }
0x10: {  	s24 =	sor.u32 $0x1C05, s26;
	s9 =	sadd.s32 $0x20600, s3;
	s29 =	smax.u32 s1, $0x1  }
0x11: {  	s1 =	simm.s32 $0xB000;
	s3 =	simm.s32 $0x11000;
	[dreg:$0x8] =	wrdreg s29  }
0x12: {  	s0 =	sadd.s32 s7, s0;
	s26 =	sshrl.u32 s6, $0x3;
	[dreg:$0x6] =	wrdreg s24  }
0x13: {  	s6 =	simm.s32 $0xC000;
	s0 =	sadd.s32 $0x34000, s0;
	[dreg:$0x9] =	wrdreg s26  }
0x14: {  	s7 =	simm.s32 $0xF000;
	[dreg:$0x7] =	wrdreg s0;
	s0 =	simm.s32 $0xA000  }
.LBB2_1:
0x15: {  	[dreg:$0x3] =	wrdreg s22  }
0x16: {  	s4 =	rddreg [dreg:$0x5]  }
0x17: {  	[spmem:s26], [sflag:s24] =	dma.local [hbm:s4], $0xA00  }
0x18: {  	_ =	swait.ge [sflag:s13], $0xA00  }
0x19: {  	[sflag:s13] =	ssyncset.done $0x0  }
0x1a: {  	[sflag:s13] =	ssyncadd.s32 $0xFFFFF600  }
0x1b: {  	s22 =	simm.s32 $0x0;
	[bflag:$0x0] =	sbarrier.arrive $0xFFFF  }
.LBB2_2:
0x1c: {  	s24 =	sshll.u32 s22, $0xC  }
0x1d: {  	s24 =	sadd.s32 s8, s24  }
0x1e: {  	s4 =	rddreg [dreg:$0x4];
	s24 =	sshrl.u32 s24, $0x3  }
0x1f: {  	s26 =	simm.s32 $0x0;
	s29 =	sadd.s32 s4, s24  }
0x20: {  	[tilespmem:s26], [sflag:$0x5] =	stream.linear.gather [hbm4b:s29+s26], $0x1000, $0x38;
	[tilespmem:$0x17000] =	vst v63  }
0x21: {  	_ =	swait.ge [sflag:s13], $0x1000  }
0x22: {  	[sflag:s13] =	ssyncset.done $0x0  }
0x23: {  	s24 =	sadd.s32 s5, s24;
	s29 =	simm.s32 $0x1000;
	[sflag:s13] =	ssyncadd.s32 $0xFFFFF000  }
0x24: {  	[tilespmem:s29], [sflag:$0x5] =	stream.linear.gather [hbm4b:s24+s26], $0x1000, $0x38;
	[tilespmem:$0x17000] =	vst v63  }
0x25: {  	_ =	swait.ge [sflag:s13], $0x1000  }
0x26: {  	[sflag:s13] =	ssyncset.done $0x0  }
0x27: {  	[sflag:s13] =	ssyncadd.s32 $0xFFFFF000  }
0x28: {  	[tilespmem:s16], [sflag:$0x1] =	stream.indirect.gather [hbm4b:s9+s15], $0x20, s26, s15, $0xb8;
	[tilespmem:$0x17000] =	vst v63  }
0x29: {  	_ = 	snop  }
0x2a: {  	[tilespmem:s17], [sflag:$0x1] =	stream.indirect.gather [hbm4b:s9+s15], $0x20, s15, s15, $0xb8;
	[tilespmem:$0x17000] =	vst v63  }
0x2b: {  	s24 =	simm.s32 $0x100  }
0x2c: {  	[tilespmem:s19], [sflag:$0x1] =	stream.indirect.gather [hbm4b:s9+s15], $0x20, s24, s15, $0xb8;
	[tilespmem:$0x17000] =	vst v63  }
0x2d: {  	s29 =	simm.s32 $0x180  }
0x2e: {  	[tilespmem:s21], [sflag:$0x1] =	stream.indirect.gather [hbm4b:s9+s15], $0x20, s29, s15, $0xb8;
	[tilespmem:$0x17000] =	vst v63  }
0x2f: {  	s24 =	simm.s32 $0x200  }
0x30: {  	[tilespmem:s23], [sflag:$0x1] =	stream.indirect.gather [hbm4b:s9+s15], $0x20, s24, s15, $0xb8;
	[tilespmem:$0x17000] =	vst v63  }
0x31: {  	s29 =	simm.s32 $0x280  }
0x32: {  	[tilespmem:s25], [sflag:$0x1] =	stream.indirect.gather [hbm4b:s9+s15], $0x20, s29, s15, $0xb8;
	[tilespmem:$0x17000] =	vst v63  }
0x33: {  	s24 =	simm.s32 $0x300  }
0x34: {  	[tilespmem:s28], [sflag:$0x1] =	stream.indirect.gather [hbm4b:s9+s15], $0x20, s24, s15, $0xb8;
	[tilespmem:$0x17000] =	vst v63  }
0x35: {  	p1 =	por $0x1, $0x1;
	s29 =	simm.s32 $0x380  }
0x36: {  	[tilespmem:s30], [sflag:$0x1] =	stream.indirect.gather [hbm4b:s9+s15], $0x20, s29, s15, $0xb8;
	[tilespmem:$0x17000] =	vst v63  }
.LBB2_3:
0x37: {  	_ =	swait.ge [sflag:s31], $0x1000  }
0x38: {  	[sflag:s31] =	ssyncset.done $0x0  }
0x39: {  	[sflag:s31] =	ssyncadd.s32 $0xFFFFF000  }
0x3a: {  	_ =	swait.ge [sflag:s31], $0x1000  }
0x3b: {  	[sflag:s31] =	ssyncset.done $0x0  }
0x3c: {  	[sflag:s31] =	ssyncadd.s32 $0xFFFFF000  }
0x3d: {  	_ =	swait.ge [sflag:s31], $0x1000  }
0x3e: {  	[sflag:s31] =	ssyncset.done $0x0  }
0x3f: {  	[sflag:s31] =	ssyncadd.s32 $0xFFFFF000  }
0x40: {  	_ =	swait.ge [sflag:s31], $0x1000  }
0x41: {  	[sflag:s31] =	ssyncset.done $0x0  }
0x42: {  	[sflag:s31] =	ssyncadd.s32 $0xFFFFF000  }
0x43: {  	_ =	swait.ge [sflag:s31], $0x1000  }
0x44: {  	[sflag:s31] =	ssyncset.done $0x0  }
0x45: {  	[sflag:s31] =	ssyncadd.s32 $0xFFFFF000  }
0x46: {  	_ =	swait.ge [sflag:s31], $0x1000  }
0x47: {  	[sflag:s31] =	ssyncset.done $0x0  }
0x48: {  	[sflag:s31] =	ssyncadd.s32 $0xFFFFF000  }
0x49: {  	_ =	swait.ge [sflag:s31], $0x1000  }
0x4a: {  	[sflag:s31] =	ssyncset.done $0x0  }
0x4b: {  	[sflag:s31] =	ssyncadd.s32 $0xFFFFF000  }
0x4c: {  	_ =	swait.ge [sflag:s31], $0x1000  }
0x4d: {  	[sflag:s31] =	ssyncset.done $0x0  }
0x4e: {  	s24 =	simm.s32 @!p1 $0x4;
	[sflag:s31] =	ssyncadd.s32 $0xFFFFF000  }
0x4f: {  	_ =	swait.ge @!p1 [sflag:s24], $0x1000  }
0x50: {  	[sflag:s24] =	ssyncset.done @!p1 $0x0  }
0x51: {  	[sflag:s24] =	ssyncadd.s32 @!p1 $0xFFFFF000  }
0x52: {  	_ =	swait.ge @!p1 [sflag:s24], $0x1000  }
0x53: {  	[sflag:s24] =	ssyncset.done @!p1 $0x0  }
0x54: {  	[sflag:s24] =	ssyncadd.s32 @!p1 $0xFFFFF000  }
0x55: {  	_ =	swait.ge @!p1 [sflag:s24], $0x1000  }
0x56: {  	[sflag:s24] =	ssyncset.done @!p1 $0x0  }
0x57: {  	[sflag:s24] =	ssyncadd.s32 @!p1 $0xFFFFF000  }
0x58: {  	_ =	swait.ge @!p1 [sflag:s24], $0x1000  }
0x59: {  	[sflag:s24] =	ssyncset.done @!p1 $0x0  }
0x5a: {  	[sflag:s24] =	ssyncadd.s32 @!p1 $0xFFFFF000  }
0x5b: {  	_ =	swait.ge @!p1 [sflag:s24], $0x1000  }
0x5c: {  	[sflag:s24] =	ssyncset.done @!p1 $0x0  }
0x5d: {  	[sflag:s24] =	ssyncadd.s32 @!p1 $0xFFFFF000  }
0x5e: {  	_ =	swait.ge @!p1 [sflag:s24], $0x1000  }
0x5f: {  	[sflag:s24] =	ssyncset.done @!p1 $0x0  }
0x60: {  	[sflag:s24] =	ssyncadd.s32 @!p1 $0xFFFFF000  }
0x61: {  	_ =	swait.ge @!p1 [sflag:s24], $0x1000  }
0x62: {  	[sflag:s24] =	ssyncset.done @!p1 $0x0  }
0x63: {  	[sflag:s24] =	ssyncadd.s32 @!p1 $0xFFFFF000  }
0x64: {  	_ =	swait.ge @!p1 [sflag:s24], $0x1000  }
0x65: {  	s29 =	sor.u32 $0x1000, s26;
	[sflag:s24] =	ssyncset.done @!p1 $0x0  }
0x66: {  	[sflag:s24] =	ssyncadd.s32 @!p1 $0xFFFFF000;
	s24 =	sshra.s32 s29, $0x2  }
0x67: {  	[tilespmem:s0], [sflag:$0x2] =	stream.indirect.gather [hbm4b:s9+s15], $0x20, s24, s15, $0xb8;
	[tilespmem:$0x17000] =	vst v63  }
0x68: {  	s29 =	sadd.s32 $0x80, s24  }
0x69: {  	[tilespmem:s1], [sflag:$0x2] =	stream.indirect.gather [hbm4b:s9+s15], $0x20, s29, s15, $0xb8;
	[tilespmem:$0x17000] =	vst v63  }
0x6a: {  	s4 =	sadd.s32 $0x100, s24  }
0x6b: {  	[tilespmem:s6], [sflag:$0x2] =	stream.indirect.gather [hbm4b:s9+s15], $0x20, s4, s15, $0xb8;
	[tilespmem:$0x17000] =	vst v63  }
0x6c: {  	s4 =	sadd.s32 $0x180, s24  }
0x6d: {  	[tilespmem:s10], [sflag:$0x2] =	stream.indirect.gather [hbm4b:s9+s15], $0x20, s4, s15, $0xb8;
	[tilespmem:$0x17000] =	vst v63  }
0x6e: {  	s4 =	sadd.s32 $0x200, s24  }
0x6f: {  	[tilespmem:s11], [sflag:$0x2] =	stream.indirect.gather [hbm4b:s9+s15], $0x20, s4, s15, $0xb8;
	[tilespmem:$0x17000] =	vst v63  }
0x70: {  	s4 =	sadd.s32 $0x280, s24  }
0x71: {  	[tilespmem:s7], [sflag:$0x2] =	stream.indirect.gather [hbm4b:s9+s15], $0x20, s4, s15, $0xb8;
	[tilespmem:$0x17000] =	vst v63  }
0x72: {  	s4 =	sadd.s32 $0x300, s24  }
0x73: {  	[tilespmem:s12], [sflag:$0x2] =	stream.indirect.gather [hbm4b:s9+s15], $0x20, s4, s15, $0xb8;
	[tilespmem:$0x17000] =	vst v63  }
0x74: {  	s26 =	sshra.s32 s26, $0x2;
	s4 =	sadd.s32 $0x380, s24  }
0x75: {  	[tilespmem:s3], [sflag:$0x2] =	stream.indirect.gather [hbm4b:s9+s15], $0x20, s4, s15, $0xb8;
	[tilespmem:$0x17000] =	vst v63  }
0x76: {  	s4 =	sadd.s32 $0x1000, s26  }
0x77: {  	[spmem:s2] =	stream.indirect.scatter.add.bf16 [tilespmem:s16], [sflag:$0x3], $0x20, s4, s15, $0xb8;
	[tilespmem:$0x17000] =	vst v63  }
0x78: {  	s4 =	sadd.s32 $0x1080, s26  }
0x79: {  	[spmem:s2] =	stream.indirect.scatter.add.bf16 [tilespmem:s17], [sflag:$0x3], $0x20, s4, s15, $0xb8;
	[tilespmem:$0x17000] =	vst v63  }
0x7a: {  	s4 =	sadd.s32 $0x1100, s26  }
0x7b: {  	[spmem:s2] =	stream.indirect.scatter.add.bf16 [tilespmem:s19], [sflag:$0x3], $0x20, s4, s15, $0xb8;
	[tilespmem:$0x17000] =	vst v63  }
0x7c: {  	s4 =	sadd.s32 $0x1180, s26  }
0x7d: {  	[spmem:s2] =	stream.indirect.scatter.add.bf16 [tilespmem:s21], [sflag:$0x3], $0x20, s4, s15, $0xb8;
	[tilespmem:$0x17000] =	vst v63  }
0x7e: {  	s4 =	sadd.s32 $0x1200, s26  }
0x7f: {  	[spmem:s2] =	stream.indirect.scatter.add.bf16 [tilespmem:s23], [sflag:$0x3], $0x20, s4, s15, $0xb8;
	[tilespmem:$0x17000] =	vst v63  }
0x80: {  	s4 =	sadd.s32 $0x1280, s26  }
0x81: {  	[spmem:s2] =	stream.indirect.scatter.add.bf16 [tilespmem:s25], [sflag:$0x3], $0x20, s4, s15, $0xb8;
	[tilespmem:$0x17000] =	vst v63  }
0x82: {  	s4 =	sadd.s32 $0x1300, s26  }
0x83: {  	[spmem:s2] =	stream.indirect.scatter.add.bf16 [tilespmem:s28], [sflag:$0x3], $0x20, s4, s15, $0xb8;
	[tilespmem:$0x17000] =	vst v63  }
0x84: {  	s26 =	sadd.s32 $0x1380, s26  }
0x85: {  	[spmem:s2] =	stream.indirect.scatter.add.bf16 [tilespmem:s30], [sflag:$0x3], $0x20, s26, s15, $0xb8;
	[tilespmem:$0x17000] =	vst v63  }
0x86: {  	_ =	swait.ge [sflag:s14], $0x1000  }
0x87: {  	[sflag:s14] =	ssyncset.done $0x0  }
0x88: {  	[sflag:s14] =	ssyncadd.s32 $0xFFFFF000  }
0x89: {  	_ =	swait.ge [sflag:s14], $0x1000  }
0x8a: {  	[sflag:s14] =	ssyncset.done $0x0  }
0x8b: {  	[sflag:s14] =	ssyncadd.s32 $0xFFFFF000  }
0x8c: {  	_ =	swait.ge [sflag:s14], $0x1000  }
0x8d: {  	[sflag:s14] =	ssyncset.done $0x0  }
0x8e: {  	[sflag:s14] =	ssyncadd.s32 $0xFFFFF000  }
0x8f: {  	_ =	swait.ge [sflag:s14], $0x1000  }
0x90: {  	[sflag:s14] =	ssyncset.done $0x0  }
0x91: {  	[sflag:s14] =	ssyncadd.s32 $0xFFFFF000  }
0x92: {  	_ =	swait.ge [sflag:s14], $0x1000  }
0x93: {  	[sflag:s14] =	ssyncset.done $0x0  }
0x94: {  	[sflag:s14] =	ssyncadd.s32 $0xFFFFF000  }
0x95: {  	_ =	swait.ge [sflag:s14], $0x1000  }
0x96: {  	[sflag:s14] =	ssyncset.done $0x0  }
0x97: {  	[sflag:s14] =	ssyncadd.s32 $0xFFFFF000  }
0x98: {  	_ =	swait.ge [sflag:s14], $0x1000  }
0x99: {  	[sflag:s14] =	ssyncset.done $0x0  }
0x9a: {  	[sflag:s14] =	ssyncadd.s32 $0xFFFFF000  }
0x9b: {  	_ =	swait.ge [sflag:s14], $0x1000  }
0x9c: {  	[sflag:s14] =	ssyncset.done $0x0  }
0x9d: {  	[sflag:s14] =	ssyncadd.s32 $0xFFFFF000  }
0x9e: {  	_ =	swait.ge [sflag:s18], $0x1000  }
0x9f: {  	[sflag:s18] =	ssyncset.done $0x0  }
0xa0: {  	[sflag:s18] =	ssyncadd.s32 $0xFFFFF000  }
0xa1: {  	_ =	swait.ge [sflag:s18], $0x1000  }
0xa2: {  	[sflag:s18] =	ssyncset.done $0x0  }
0xa3: {  	[sflag:s18] =	ssyncadd.s32 $0xFFFFF000  }
0xa4: {  	_ =	swait.ge [sflag:s18], $0x1000  }
0xa5: {  	[sflag:s18] =	ssyncset.done $0x0  }
0xa6: {  	[sflag:s18] =	ssyncadd.s32 $0xFFFFF000  }
0xa7: {  	_ =	swait.ge [sflag:s18], $0x1000  }
0xa8: {  	[sflag:s18] =	ssyncset.done $0x0  }
0xa9: {  	[sflag:s18] =	ssyncadd.s32 $0xFFFFF000  }
0xaa: {  	_ =	swait.ge [sflag:s18], $0x1000  }
0xab: {  	[sflag:s18] =	ssyncset.done $0x0  }
0xac: {  	[sflag:s18] =	ssyncadd.s32 $0xFFFFF000  }
0xad: {  	_ =	swait.ge [sflag:s18], $0x1000  }
0xae: {  	[sflag:s18] =	ssyncset.done $0x0  }
0xaf: {  	[sflag:s18] =	ssyncadd.s32 $0xFFFFF000  }
0xb0: {  	_ =	swait.ge [sflag:s18], $0x1000  }
0xb1: {  	[sflag:s18] =	ssyncset.done $0x0  }
0xb2: {  	[sflag:s18] =	ssyncadd.s32 $0xFFFFF000  }
0xb3: {  	_ =	swait.ge [sflag:s18], $0x1000  }
0xb4: {  	s29 =	simm.s32 @p1 $0x800;
	[sflag:s18] =	ssyncset.done $0x0  }
0xb5: {  	s4 =	simm.s32 @p1 $0x2000;
	s26 =	simm.s32 @p1 $0x80;
	[sflag:s18] =	ssyncadd.s32 $0xFFFFF000  }
0xb6: {  	[tilespmem:s4], [sflag:$0x1] =	stream.indirect.gather @p1 [hbm4b:s9+s26], $0x20, s29, s26, $0xb8;
	[tilespmem:$0x17000] =	vst v63  }
0xb7: {  	s4 =	simm.s32 @p1 $0x880;
	s29 =	simm.s32 @p1 $0x3000  }
0xb8: {  	[tilespmem:s29], [sflag:$0x1] =	stream.indirect.gather @p1 [hbm4b:s9+s26], $0x20, s4, s26, $0xb8;
	[tilespmem:$0x17000] =	vst v63  }
0xb9: {  	s4 =	simm.s32 @p1 $0x900;
	s29 =	simm.s32 @p1 $0x4000  }
0xba: {  	[tilespmem:s29], [sflag:$0x1] =	stream.indirect.gather @p1 [hbm4b:s9+s26], $0x20, s4, s26, $0xb8;
	[tilespmem:$0x17000] =	vst v63  }
0xbb: {  	s4 =	simm.s32 @p1 $0x980;
	s29 =	simm.s32 @p1 $0x5000  }
0xbc: {  	[tilespmem:s29], [sflag:$0x1] =	stream.indirect.gather @p1 [hbm4b:s9+s26], $0x20, s4, s26, $0xb8;
	[tilespmem:$0x17000] =	vst v63  }
0xbd: {  	s4 =	simm.s32 @p1 $0xA00;
	s29 =	simm.s32 @p1 $0x6000  }
0xbe: {  	[tilespmem:s29], [sflag:$0x1] =	stream.indirect.gather @p1 [hbm4b:s9+s26], $0x20, s4, s26, $0xb8;
	[tilespmem:$0x17000] =	vst v63  }
0xbf: {  	s4 =	simm.s32 @p1 $0xA80;
	s29 =	simm.s32 @p1 $0x7000  }
0xc0: {  	[tilespmem:s29], [sflag:$0x1] =	stream.indirect.gather @p1 [hbm4b:s9+s26], $0x20, s4, s26, $0xb8;
	[tilespmem:$0x17000] =	vst v63  }
0xc1: {  	s4 =	simm.s32 @p1 $0xB00;
	s29 =	simm.s32 @p1 $0x8000  }
0xc2: {  	[tilespmem:s29], [sflag:$0x1] =	stream.indirect.gather @p1 [hbm4b:s9+s26], $0x20, s4, s26, $0xb8;
	[tilespmem:$0x17000] =	vst v63  }
0xc3: {  	s4 =	simm.s32 @p1 $0xB80;
	s29 =	simm.s32 @p1 $0x9000  }
0xc4: {  	[tilespmem:s29], [sflag:$0x1] =	stream.indirect.gather @p1 [hbm4b:s9+s26], $0x20, s4, s26, $0xb8;
	[tilespmem:$0x17000] =	vst v63  }
0xc5: {  	s26 =	sadd.s32 $0x1000, s24  }
0xc6: {  	[spmem:s2] =	stream.indirect.scatter.add.bf16 [tilespmem:s0], [sflag:$0x4], $0x20, s26, s15, $0xb8;
	[tilespmem:$0x17000] =	vst v63  }
0xc7: {  	s29 =	sadd.s32 $0x1080, s24  }
0xc8: {  	[spmem:s2] =	stream.indirect.scatter.add.bf16 [tilespmem:s1], [sflag:$0x4], $0x20, s29, s15, $0xb8;
	[tilespmem:$0x17000] =	vst v63  }
0xc9: {  	s26 =	sadd.s32 $0x1100, s24  }
0xca: {  	[spmem:s2] =	stream.indirect.scatter.add.bf16 [tilespmem:s6], [sflag:$0x4], $0x20, s26, s15, $0xb8;
	[tilespmem:$0x17000] =	vst v63  }
0xcb: {  	s29 =	sadd.s32 $0x1180, s24  }
0xcc: {  	[spmem:s2] =	stream.indirect.scatter.add.bf16 [tilespmem:s10], [sflag:$0x4], $0x20, s29, s15, $0xb8;
	[tilespmem:$0x17000] =	vst v63  }
0xcd: {  	s26 =	sadd.s32 $0x1200, s24  }
0xce: {  	[spmem:s2] =	stream.indirect.scatter.add.bf16 [tilespmem:s11], [sflag:$0x4], $0x20, s26, s15, $0xb8;
	[tilespmem:$0x17000] =	vst v63  }
0xcf: {  	p0 =	por p1, p1;
	s29 =	sadd.s32 $0x1280, s24  }
0xd0: {  	[spmem:s2] =	stream.indirect.scatter.add.bf16 [tilespmem:s7], [sflag:$0x4], $0x20, s29, s15, $0xb8;
	[tilespmem:$0x17000] =	vst v63  }
.Ltmp0:
0xd1: {  	_ = 	snop;
	(pc) =	sbr.rel @p0 .LBB2_3-.Ltmp0, $4  }
0xd2: {  	s26 =	sadd.s32 $0x1300, s24  }
0xd3: {  	[spmem:s2] =	stream.indirect.scatter.add.bf16 [tilespmem:s12], [sflag:$0x4], $0x20, s26, s15, $0xb8;
	[tilespmem:$0x17000] =	vst v63  }
0xd4: {  	p1 =	por $0x0, $0x0;
	s29 =	sadd.s32 $0x1380, s24;
	s26 =	simm.s32 $0x2000  }
0xd5: {  	[spmem:s2] =	stream.indirect.scatter.add.bf16 [tilespmem:s3], [sflag:$0x4], $0x20, s29, s15, $0xb8;
	[tilespmem:$0x17000] =	vst v63  }
0xd6: {  	_ =	swait.ge [sflag:s20], $0x1000  }
0xd7: {  	[sflag:s20] =	ssyncset.done $0x0  }
0xd8: {  	[sflag:s20] =	ssyncadd.s32 $0xFFFFF000  }
0xd9: {  	_ =	swait.ge [sflag:s20], $0x1000  }
0xda: {  	[sflag:s20] =	ssyncset.done $0x0  }
0xdb: {  	[sflag:s20] =	ssyncadd.s32 $0xFFFFF000  }
0xdc: {  	_ =	swait.ge [sflag:s20], $0x1000  }
0xdd: {  	[sflag:s20] =	ssyncset.done $0x0  }
0xde: {  	[sflag:s20] =	ssyncadd.s32 $0xFFFFF000  }
0xdf: {  	_ =	swait.ge [sflag:s20], $0x1000  }
0xe0: {  	[sflag:s20] =	ssyncset.done $0x0  }
0xe1: {  	[sflag:s20] =	ssyncadd.s32 $0xFFFFF000  }
0xe2: {  	_ =	swait.ge [sflag:s20], $0x1000  }
0xe3: {  	[sflag:s20] =	ssyncset.done $0x0  }
0xe4: {  	[sflag:s20] =	ssyncadd.s32 $0xFFFFF000  }
0xe5: {  	_ =	swait.ge [sflag:s20], $0x1000  }
0xe6: {  	[sflag:s20] =	ssyncset.done $0x0  }
0xe7: {  	s22 =	sadd.s32 $0x1, s22;
	[sflag:s20] =	ssyncadd.s32 $0xFFFFF000  }
0xe8: {  	p0 =	sne.s32 s22, $0x5;
	_ =	swait.ge [sflag:s20], $0x1000  }
.Ltmp1:
0xe9: {  	[sflag:s20] =	ssyncset.done $0x0;
	(pc) =	sbr.rel @p0 .LBB2_2-.Ltmp1, $4  }
0xea: {  	[sflag:s20] =	ssyncadd.s32 $0xFFFFF000  }
0xeb: {  	_ =	swait.ge [sflag:s20], $0x1000  }
0xec: {  	[sflag:s20] =	ssyncset.done $0x0  }
0xed: {  	[sflag:s20] =	ssyncadd.s32 $0xFFFFF000  }
0xee: {  	[bflag:$0x0] =	sbarrier.arrive $0xFFFF  }
0xef: {  	s24 =	rddreg [dreg:$0x6]  }
0xf0: {  	s4 =	rddreg [dreg:$0x7]  }
0xf1: {  	s26 =	rddreg [dreg:$0x9]  }
0xf2: {  	[hbm:s4], [sflag:s24] =	dma.local [spmem:s26], $0xA00  }
0xf3: {  	_ =	swait.ge [sflag:s13], $0xA00  }
0xf4: {  	s22 =	rddreg [dreg:$0x3]  }
0xf5: {  	s29 =	rddreg [dreg:$0x8];
	s22 =	sadd.s32 $0x1, s22  }
0xf6: {  	p0 =	sne.s32 s22, s29  }
.Ltmp2:
0xf7: {  	_ = 	snop;
	(pc) =	sbr.rel @p0 .LBB2_1-.Ltmp2, $3  }
0xf8: {  	_ =	sdelay $0x1  }
0xf9: {  	[sflag:s13] =	ssyncset.done $0x0  }
0xfa: {  	[sflag:s13] =	ssyncadd.s32 $0xFFFFF600  }
0xfb: {  	_ =	sfence.sel $0x180000  }
0xfc: {  	[bflag:$0x0] =	sbarrier.arrive $0xFFFF  }
0xfd: {  	_ =	strace $0x9000004A  }
0xfe: {  	s0 =	stileid.u32;
	[bflag:$0x2] =	sbarrier.arrive $0xFFFF  }
0xff: {  	p0 =	sne.s32 s0, $0x0;
	s0 =	rddreg [dreg:$0x2]  }
0x100: {  	s0 =	sadd.s32 @!p0 $0x100000, s0  }
0x101: {  	[sflag:s0] =	ssyncadd.tile.s32 @!p0 $0x1;
	_ =	shalt  }
.Lfunc_end2:
_tile_overlayer_lowered:
.L_overlay_start_2:
0x102: {  	(tag) =	ssettag $0x2  }
0x103: {  	s0 =	rddreg [dreg:$0x0];
	s2 =	stileid.u32  }
0x104: {  	s1 =	rddreg [dreg:$0x1];
	p0 =	sne.s32 s2, $0x0  }
0x105: {  	s3 =	rddreg [dreg:$0x2];
	[bflag:$0x3] =	sbarrier.arrive $0xFFFF;
	s2 =	simm.s32 @!p0 $0x1C05  }
0x106: {  	[timem:s3], [sflag:s2] =	dma.local @!p0 [hbm:s0], s1  }
0x107: {  	s0 =	simm.s32 @!p0 $0x5  }
0x108: {  	_ =	swait.ge @!p0 [sflag:s0], s1  }
0x109: {  	s1 =	ssub.s32 @!p0 $0x0, s1;
	[sflag:s0] =	ssyncset.done @!p0 $0x0  }
0x10a: {  	[sflag:s0] =	ssyncadd.s32 @!p0 s1  }
0x10b: {  	[bflag:$0x3] =	sbarrier.arrive $0xFFFF  }
0x10c: {  	_ =	shalt  }

// kernel: kernel.14.cloned.1.call-start
scs
__scs_entry_jumppad:
0x0: {  	(pc) =	sbr.rel $0x88, $3  }
0x1: {  	(tag) =	ssettag $0x0;
	lr =	simm.s32 $0x1  }
0x2: {  	[smem:$0x3F9B] =	sst lr;
	_ =	strace $0xD0000000  }
0x3: {  	_ = 	snop  }
0x4: {  	_ = 	snop  }
0x5: {  	_ = 	snop  }
0x6: {  	_ = 	snop  }
0x7: {  	_ = 	snop  }
__scs_overlays_trampoline_lowered:
0x8: {  	[smem:$0x3FAA] =	sst s0  }
0x9: {  	[smem:$0x3FAB] =	sst s1  }
0xa: {  	[smem:$0x3FAC] =	sst s2  }
0xb: {  	[smem:$0x3FAD] =	sst s3  }
0xc: {  	[smem:$0x3FAE] =	sst s4  }
0xd: {  	[smem:$0x3FAF] =	sst s5  }
0xe: {  	[smem:$0x3FB0] =	sst s6  }
0xf: {  	[smem:$0x3FB1] =	sst s7  }
0x10: {  	[smem:$0x3FB2] =	sst s8  }
0x11: {  	[smem:$0x3FB3] =	sst s9;
	s0 =	simm.s32 @!p0 $0x0  }
0x12: {  	s1 =	sld [smem:$0x3F99];
	s0 =	simm.s32 @p0 $0x1  }
0x13: {  	[smem:$0x3FB4] =	sst s0;
	s0 =	simm.s32 @!p1 $0x0  }
0x14: {  	s2 =	sld [smem:$0x3F98];
	s0 =	simm.s32 @p1 $0x1  }
0x15: {  	[smem:$0x3FB5] =	sst s0;
	s0 =	simm.s32 @!p2 $0x0  }
0x16: {  	s3 =	sld [smem:$0x3FDB];
	s0 =	simm.s32 @p2 $0x1  }
0x17: {  	s4 =	simm.s32 $0x1BF5;
	[smem:$0x3FB7] =	sst s0  }
0x18: {  	s0 =	sld [smem:$0x3F9A];
	_ =	swait.ge [sflag:s4], $0x0  }
0x19: {  	s7 =	sld [smem:$0x3F9B]  }
0x1a: {  	s8 =	sadd.s32 $0xFFFFE003, lr  }
0x1b: {  	s9 =	sadd.s32 $0xFFFFFEF7, lr;
	s5 =	simm.s32 $0xFFFFFFFF;
	p2 =	slt.u32 s8, $0xFFFFF086  }
0x1c: {  	p1 =	slt.u32 s9, $0xF7A;
	s5 =	simm.s32 @!p2 $0x0  }
0x1d: {  	s5 =	simm.s32 @p1 $0x1;
	p0 =	seq.s32 s7, s2  }
0x1e: {  	s7 =	smul.u32 @!p0 $0xF7A, s2;
	p2 =	seq.s32 @!p0 s5, $0x0  }
0x1f: {  	s9 =	smul.u32 $0xF7A, s1;
	s8 =	simm.s32 @!p0 $0x1BF5;
	p2 =	por !p2, p0  }
0x20: {  	[sflag:s8] =	ssyncset.s32 @!p0 $0xFFFFF086;
	s6 =	sadd.s32 @!p0 s3, s7;
	s7 =	simm.s32 @!p0 $0x108  }
0x21: {  	s3 =	sadd.s32 s3, s9;
	s6 =	sadd.s32 @!p0 $0x88, s6;
	s7 =	simm.s32 @p2 $0x1082  }
0x22: {  	[simem:s7], [sflag:s8] =	dma.local @!p0 [hbm:s6], $0xF7A  }
0x23: {  	s9 =	sor.u32 $0xD0000000, s2;
	s6 =	simm.s32 $0x108;
	_ =	swait.ge @!p0 [sflag:s8], $0x0  }
0x24: {  	s3 =	sadd.s32 $0x88, s3;
	s6 =	simm.s32 @!p1 $0x1082;
	[sflag:s4] =	ssyncset.s32 $0xFFFFF086  }
0x25: {  	[simem:s6], [sflag:s4] =	dma.local [hbm:s3], $0xF7A  }
0x26: {  	[smem:$0x3F9B] =	sst s1;
	(tag) =	ssettag s2;
	_ =	strace s9  }
0x27: {  	s1 =	sld [smem:$0x3FAB]  }
0x28: {  	s2 =	sld [smem:$0x3FAC]  }
0x29: {  	s4 =	sld [smem:$0x3FAE]  }
0x2a: {  	p0 =	seq.s32 s5, $0x0;
	s5 =	sld [smem:$0x3FAF]  }
0x2b: {  	s6 =	sld [smem:$0x3FB0]  }
0x2c: {  	s7 =	sld [smem:$0x3FB1]  }
0x2d: {  	s3 =	simm.s32 $0x108;
	s8 =	sld [smem:$0x3FB2]  }
0x2e: {  	s3 =	simm.s32 @!p0 $0x1082;
	s9 =	sld [smem:$0x3FB3]  }
0x2f: {  	lr =	sadd.s32 s0, s3;
	s0 =	sld [smem:$0x3FAA]  }
0x30: {  	s3 =	sld [smem:$0x3FAD]  }
0x31: {  	[smem:$0x3FB6] =	sst s10  }
0x32: {  	s10 =	sld [smem:$0x3FB4];
	_ =	sdelay $0x3  }
0x33: {  	p0 =	seq.s32 s10, $0x1;
	s10 =	sld [smem:$0x3FB6];
	_ =	sdelay $0x3  }
0x34: {  	[smem:$0x3FB6] =	sst s10  }
0x35: {  	s10 =	sld [smem:$0x3FB5];
	_ =	sdelay $0x3  }
0x36: {  	p1 =	seq.s32 s10, $0x1;
	s10 =	sld [smem:$0x3FB6];
	_ =	sdelay $0x3  }
0x37: {  	[smem:$0x3FB6] =	sst s10  }
0x38: {  	s10 =	sld [smem:$0x3FB7]  }
0x39: {  	_ = 	snop;
	(pc) =	sbr.ind lr, $3  }
0x3a: {  	_ = 	snop  }
0x3b: {  	_ = 	snop  }
0x3c: {  	p2 =	seq.s32 s10, $0x1;
	s10 =	sld [smem:$0x3FB6]  }
0x3d: {  	_ =	shalt  }
0x3e: {  	_ =	shalt  }
0x3f: {  	_ =	shalt  }
0x40: {  	_ =	shalt  }
0x41: {  	_ =	shalt  }
0x42: {  	_ =	shalt  }
0x43: {  	_ =	shalt  }
0x44: {  	_ =	shalt  }
0x45: {  	_ =	shalt  }
0x46: {  	_ =	shalt  }
0x47: {  	_ =	shalt  }
0x48: {  	_ =	shalt  }
0x49: {  	_ =	shalt  }
0x4a: {  	_ =	shalt  }
0x4b: {  	_ =	shalt  }
0x4c: {  	_ =	shalt  }
0x4d: {  	_ =	shalt  }
0x4e: {  	_ =	shalt  }
0x4f: {  	_ =	shalt  }
0x50: {  	_ =	shalt  }
0x51: {  	_ =	shalt  }
0x52: {  	_ =	shalt  }
0x53: {  	_ =	shalt  }
0x54: {  	_ =	shalt  }
0x55: {  	_ =	shalt  }
0x56: {  	_ =	shalt  }
0x57: {  	_ =	shalt  }
0x58: {  	_ =	shalt  }
0x59: {  	_ =	shalt  }
0x5a: {  	_ =	shalt  }
0x5b: {  	_ =	shalt  }
0x5c: {  	_ =	shalt  }
0x5d: {  	_ =	shalt  }
0x5e: {  	_ =	shalt  }
0x5f: {  	_ =	shalt  }
0x60: {  	_ =	shalt  }
0x61: {  	_ =	shalt  }
0x62: {  	_ =	shalt  }
0x63: {  	_ =	shalt  }
0x64: {  	_ =	shalt  }
0x65: {  	_ =	shalt  }
0x66: {  	_ =	shalt  }
0x67: {  	_ =	shalt  }
0x68: {  	_ =	shalt  }
0x69: {  	_ =	shalt  }
0x6a: {  	_ =	shalt  }
0x6b: {  	_ =	shalt  }
0x6c: {  	_ =	shalt  }
0x6d: {  	_ =	shalt  }
0x6e: {  	_ =	shalt  }
0x6f: {  	_ =	shalt  }
0x70: {  	_ =	shalt  }
0x71: {  	_ =	shalt  }
0x72: {  	_ =	shalt  }
0x73: {  	_ =	shalt  }
0x74: {  	_ =	shalt  }
0x75: {  	_ =	shalt  }
0x76: {  	_ =	shalt  }
0x77: {  	_ =	shalt  }
0x78: {  	_ =	shalt  }
0x79: {  	_ =	shalt  }
0x7a: {  	_ =	shalt  }
0x7b: {  	_ =	shalt  }
0x7c: {  	_ =	shalt  }
0x7d: {  	_ =	shalt  }
0x7e: {  	_ =	shalt  }
0x7f: {  	_ =	shalt  }
0x80: {  	_ =	shalt  }
0x81: {  	_ =	shalt  }
0x82: {  	_ =	shalt  }
0x83: {  	_ =	shalt  }
0x84: {  	_ =	shalt  }
0x85: {  	_ =	shalt  }
0x86: {  	_ =	shalt  }
0x87: {  	_ =	shalt  }
.Lfunc_end0:
.L_simem_size_0:
called_computation.2_lowered:
.L_overlay_start_0:
0x88: {  	s2 =	sld [smem:$0x3FD9]  }
0x89: {  	s3 =	sld [smem:$0x3FFE];
	_ =	sdelay $0x1  }
0x8a: {  	s1 =	srdreg.scid  }
0x8b: {  	s0 =	sand.u32 $0x1, s1  }
0x8c: {  	s17 =	sshll.u32 s0, $0xA;
	s2 =	sadd.s32 s3, s2  }
0x8d: {  	s2 =	sadd.s32 s2, s17  }
0x8e: {  	[smem:$0x3FC2] =	sst s2  }
0x8f: {  	_ = 	snop  }
0x90: {  	s2 =	sld [smem:$0x3FD0];
	(tm) =	ssettm $0x1  }
0x91: {  	s18 =	sld [smem:$0x3FFB];
	_ =	sdelay $0x3  }
0x92: {  	_ =	strace s18  }
0x93: {  	s3 =	sld [smem:$0x3FFC];
	_ =	sdelay $0x3  }
0x94: {  	_ =	strace s3  }
0x95: {  	s3 =	sld [smem:$0x3FFD];
	_ =	sdelay $0x3  }
0x96: {  	_ =	strace s3  }
0x97: {  	_ =	strace $0x8FFFFFFF  }
0x98: {  	s19 =	sld [smem:$0x3FDB];
	_ =	sdelay $0x1  }
0x99: {  	s4 =	simm.s32 $_scs_section_size  }
0x9a: {  	s5 =	simm.s32 $_size__tile_overlayer_lowered;
	s6 =	simm.s32 $_tile_overlayer_lowered  }
0x9b: {  	s22 =	simm.s32 $0x1BFF;
	s21 =	sshll.u32 s6, $0x1;
	s3 =	sadd.s32 s4, s19  }
0x9c: {  	s7 =	simm.s32 $0x0;
	s20 =	sshll.u32 s5, $0x1;
	s5 =	sadd.s32 s21, s3  }
0x9d: {  	[timem:s7], [sflag:s22] =	dma.local [hbm:s5], s20  }
0x9e: {  	_ =	swait.ge [sflag:s22], s20  }
0x9f: {  	s4 =	ssub.s32 $0x0, s20;
	[sflag:s22] =	ssyncset.done $0x0  }
0xa0: {  	[sflag:s22] =	ssyncadd.s32 s4;
	_ =	sdelay $0x1  }
0xa1: {  	s23 =	simm.s32 $0x1B8B  }
0xa2: {  	_ =	swait.ge [sflag:s23], $0x1  }
0xa3: {  	[sflag:s23] =	ssyncset.done $0x0  }
0xa4: {  	s25 =	simm.s32 $0x1B8E;
	s24 =	sld [smem:$0x3FFE];
	[sflag:s23] =	ssyncadd.s32 $0xFFFFFFFF  }
0xa5: {  	s26 =	simm.s32 $execute0_lowered;
	[smem:$0x3FD2] =	sst s25  }
0xa6: {  	s5 =	sshll.u32 s26, $0x1;
	_ =	strace $0x8000004C;
	[dreg:$0x1] =	wrdreg $0xFFFFFFFF  }
0xa7: {  	s28 =	simm.s32 $_size_execute0_lowered;
	s3 =	sadd.s32 s3, s5;
	[dreg:$0x0] =	wrdreg $0x0  }
0xa8: {  	s5 =	sshll.u32 s28, $0x1;
	[dreg:$0x2] =	wrdreg s3  }
0xa9: {  	[dreg:$0x3] =	wrdreg s5  }
0xaa: {  	[dreg:$0x4] =	wrdreg $0xC0  }
0xab: {  	_ =	task [dreg:s7], $0x5FFFF  }
0xac: {  	[dreg:$0x1] =	wrdreg $0xFFFFFFFF  }
0xad: {  	[dreg:$0x0] =	wrdreg $0x60  }
0xae: {  	[dreg:$0x2] =	wrdreg s24  }
0xaf: {  	[dreg:$0x3] =	wrdreg s2  }
0xb0: {  	[dreg:$0x4] =	wrdreg $0x90000  }
0xb1: {  	[dreg:$0x5] =	wrdreg $0x9  }
0xb2: {  	_ =	task.clear_ibuf [dreg:s7], $0x6FFFF;
	_ =	strace $0x9000004C  }
0xb3: {  	s29 =	simm.s32 $0x9;
	_ =	strace $0x8000004E  }
0xb4: {  	_ =	swait.ge [sflag:s29], $0x1  }
0xb5: {  	[sflag:s29] =	ssyncadd.s32 $0xFFFFFFFF  }
0xb6: {  	_ =	strace $0x9000004E  }
0xb7: {  	_ =	sfence  }
0xb8: {  	s30 =	sld [smem:$0x0];
	_ =	sdelay $0x2  }
0xb9: {  	s31 =	sshll.u32 s1, $0xD;
	s1 =	sshrl.u32 s1, $0x2  }
0xba: {  	s3 =	sand.u32 $0x4000, s31;
	s1 =	sadd.s32 s1, s30  }
0xbb: {  	s0 =	sor.u32 s3, s0;
	s1 =	sshll.u32 s1, $0x11  }
0xbc: {  	s0 =	sor.u32 s1, s0  }
0xbd: {  	s0 =	sadd.s32 $0x8F2B, s0  }
0xbe: {  	[sflag:s0] =	ssyncadd.remote.s32 $0x1  }
0xbf: {  	_ =	sfence.sel $0xFFFF  }
0xc0: {  	[dreg:$0x0] =	wrdreg $0xFFFFFFFF;
	(pc) =	sbr.abs _section_cstart, $3  }
0xc1: {  	[dreg:$0x1] =	wrdreg $0xFFFFFFFF  }
0xc2: {  	_ =	task.clear_ibuf [dreg:s7], $0x2FFFF;
	_ =	strace $0x9FFFFFFF  }
0xc3: {  	(tm) =	ssettm $0x7FFFFFFF  }
tec
execute0_lowered:
.L_overlay_start_1:
0x0: {  	(tag) =	ssettag $0x1  }
0x1: {  	s0 =	srdreg.scid;
	s8 =	stileid.u32  }
0x2: {  	s0 =	sand.u32 $0x1, s0;
	s1 =	smul.u32 $0x2800, s8  }
0x3: {  	s4 =	smul.u32 $0x28000, s0  }
0x4: {  	s2 =	rddreg [dreg:$0x0]  }
0x5: {  	s3 =	rddreg [dreg:$0x2];
	s5 =	sadd.s32 s1, s4;
	s4 =	simm.s32 $0x0  }
0x6: {  	s17 =	simm.s32 $0x100;
	[smem:$0x7FF] =	sst s4  }
0x7: {  	s18 =	simm.s32 $0x180;
	_ =	strace $0x8000004D;
	[dreg:$0x6] =	wrdreg s17  }
0x8: {  	s19 =	simm.s32 $0x200;
	[dreg:$0x7] =	wrdreg s18  }
0x9: {  	s7 =	simm.s32 $0x280;
	s20 =	simm.s32 $0x300;
	[dreg:$0x8] =	wrdreg s19  }
0xa: {  	s21 =	simm.s32 $0x380;
	s23 =	simm.s32 $0x400;
	[dreg:$0x9] =	wrdreg s7  }
0xb: {  	s24 =	simm.s32 $0x480;
	s25 =	simm.s32 $0x500;
	[dreg:$0xa] =	wrdreg s20  }
0xc: {  	s9 =	simm.s32 $0x600;
	s10 =	simm.s32 $0x680;
	[dreg:$0xb] =	wrdreg s21  }
0xd: {  	s11 =	simm.s32 $0x700;
	s12 =	simm.s32 $0x780;
	[dreg:$0xc] =	wrdreg s23  }
0xe: {  	s26 =	sshll.u32 s8, $0x6;
	s0 =	ssub.s32 $0x2, s0;
	[dreg:$0xd] =	wrdreg s24  }
0xf: {  	s8 =	simm.s32 $0x580;
	s22 =	sshrl.u32 s0, $0x1;
	[dreg:$0xe] =	wrdreg s25  }
0x10: {  	s13 =	simm.s32 $0x880;
	s0 =	ssub.s32 s0, s22;
	[dreg:$0xf] =	wrdreg s8  }
0x11: {  	s14 =	simm.s32 $0x900;
	s0 =	smax.u32 s0, $0x1;
	[dreg:$0x10] =	wrdreg s9  }
0x12: {  	s15 =	simm.s32 $0x980;
	s28 =	simm.s32 $0x7800;
	[smem:$0x7F9] =	sst s0  }
0x13: {  	s29 =	simm.s32 $0x8000;
	s30 =	simm.s32 $0x8800;
	[dreg:$0x11] =	wrdreg s10  }
0x14: {  	s31 =	simm.s32 $0x2;
	s1 =	sadd.s32 s1, s3;
	[dreg:$0x12] =	wrdreg s11  }
0x15: {  	s22 =	simm.s32 $0xD00;
	s5 =	sshrl.u32 s5, $0x3;
	[dreg:$0x13] =	wrdreg s12  }
0x16: {  	s6 =	sadd.s32 s5, s2;
	s7 =	sor.u32 $0x1C05, s26;
	[dreg:$0x14] =	wrdreg s13  }
0x17: {  	s8 =	sshrl.u32 s1, $0x3;
	s10 =	simm.s32 $0x5;
	[dreg:$0x15] =	wrdreg s14  }
0x18: {  	s11 =	simm.s32 $0x800;
	s12 =	simm.s32 $0x80;
	[dreg:$0x16] =	wrdreg s15  }
0x19: {  	s13 =	simm.s32 $0x1000;
	s17 =	simm.s32 $0xA80;
	[dreg:$0x1d] =	wrdreg s22  }
0x1a: {  	s14 =	simm.s32 $0x1800;
	s18 =	simm.s32 $0xB00;
	[dreg:$0x18] =	wrdreg s17  }
0x1b: {  	s15 =	simm.s32 $0x2000;
	s19 =	simm.s32 $0xB80;
	[dreg:$0x19] =	wrdreg s18  }
0x1c: {  	s20 =	simm.s32 $0xC00;
	s21 =	simm.s32 $0xC80;
	[dreg:$0x1a] =	wrdreg s19  }
0x1d: {  	s23 =	simm.s32 $0xD80;
	s24 =	simm.s32 $0xE00;
	[dreg:$0x1b] =	wrdreg s20  }
0x1e: {  	s22 =	simm.s32 $0x5000;
	s25 =	simm.s32 $0xE80;
	[dreg:$0x1c] =	wrdreg s21  }
0x1f: {  	s26 =	simm.s32 $0xF00;
	s1 =	simm.s32 $0x3;
	[dreg:$0x1e] =	wrdreg s23  }
0x20: {  	s0 =	simm.s32 $0xF80;
	s9 =	simm.s32 $0x0;
	[dreg:$0x1f] =	wrdreg s24  }
0x21: {  	s5 =	sadd.s32 $0xB200, s6;
	s16 =	sadd.s32 $0x15200, s6;
	[smem:$0x7FA] =	sst s25  }
0x22: {  	s6 =	sadd.s32 $0x1F400, s6;
	s17 =	simm.s32 $0x3000;
	[smem:$0x7FB] =	sst s26  }
0x23: {  	s18 =	simm.s32 $0x3800;
	s19 =	simm.s32 $0x4000;
	[smem:$0x7FC] =	sst s7  }
0x24: {  	s20 =	simm.s32 $0x4800;
	s21 =	simm.s32 $0x1;
	[smem:$0x7FD] =	sst s8  }
0x25: {  	s23 =	simm.s32 $0x5800;
	s24 =	simm.s32 $0x6000;
	[dreg:$0x4] =	wrdreg s5  }
0x26: {  	s25 =	simm.s32 $0x6800;
	s26 =	simm.s32 $0x7000;
	[dreg:$0x5] =	wrdreg s16  }
0x27: {  	s5 =	sadd.s32 $0x1200, s2;
	[smem:$0x7F8] =	sst s6;
	s16 =	simm.s32 $0xA00  }
0x28: {  	s2 =	simm.s32 $0x4;
	[dreg:$0x17] =	wrdreg s16;
	s16 =	simm.s32 $0x2800  }
.LBB2_1:
0x29: {  	[smem:$0x7F7] =	sst s9  }
0x2a: {  	s6 =	rddreg [dreg:$0x1]  }
0x2b: {  	[spmem:s8], [sflag:s7] =	dma.local [hbm:s6], $0x500  }
0x2c: {  	_ =	swait.ge [sflag:s10], $0x500  }
0x2d: {  	[sflag:s10] =	ssyncset.done $0x0  }
0x2e: {  	[sflag:s10] =	ssyncadd.s32 $0xFFFFFB00  }
0x2f: {  	[bflag:$0x0] =	sbarrier.arrive $0xFFFF  }
0x30: {  	s7 =	rddreg [dreg:$0x5]  }
0x31: {  	s6 =	sadd.s32 $0x0, s7  }
0x32: {  	[tilespmem:s4], [sflag:$0x5] =	stream.linear.gather [hbm4b:s6+s4], $0x800, $0x38;
	[tilespmem:$0xB800] =	vst v63  }
0x33: {  	_ =	swait.ge [sflag:s10], $0x800  }
0x34: {  	s8 =	rddreg [dreg:$0x4];
	[sflag:s10] =	ssyncset.done $0x0  }
0x35: {  	[sflag:s10] =	ssyncadd.s32 $0xFFFFF800;
	s6 =	sadd.s32 $0x0, s8  }
0x36: {  	[tilespmem:s11], [sflag:$0x5] =	stream.linear.gather [hbm4b:s6+s4], $0x800, $0x38;
	[tilespmem:$0xB800] =	vst v63  }
0x37: {  	_ =	swait.ge [sflag:s10], $0x800  }
0x38: {  	[sflag:s10] =	ssyncset.done $0x0  }
0x39: {  	[sflag:s10] =	ssyncadd.s32 $0xFFFFF800  }
0x3a: {  	[tilespmem:s13], [sflag:$0x1] =	stream.indirect.gather [hbm4b:s5+s12], $0x10, s4, s12, $0xb8;
	[tilespmem:$0xB800] =	vst v63  }
0x3b: {  	_ = 	snop  }
0x3c: {  	[tilespmem:s14], [sflag:$0x1] =	stream.indirect.gather [hbm4b:s5+s12], $0x10, s12, s12, $0xb8;
	[tilespmem:$0xB800] =	vst v63  }
0x3d: {  	s9 =	rddreg [dreg:$0x6]  }
0x3e: {  	[tilespmem:s15], [sflag:$0x1] =	stream.indirect.gather [hbm4b:s5+s12], $0x10, s9, s12, $0xb8;
	[tilespmem:$0xB800] =	vst v63  }
0x3f: {  	s7 =	rddreg [dreg:$0x7]  }
0x40: {  	[tilespmem:s16], [sflag:$0x1] =	stream.indirect.gather [hbm4b:s5+s12], $0x10, s7, s12, $0xb8;
	[tilespmem:$0xB800] =	vst v63  }
0x41: {  	s9 =	rddreg [dreg:$0x8]  }
0x42: {  	[tilespmem:s17], [sflag:$0x1] =	stream.indirect.gather [hbm4b:s5+s12], $0x10, s9, s12, $0xb8;
	[tilespmem:$0xB800] =	vst v63  }
0x43: {  	s7 =	rddreg [dreg:$0x9]  }
0x44: {  	[tilespmem:s18], [sflag:$0x1] =	stream.indirect.gather [hbm4b:s5+s12], $0x10, s7, s12, $0xb8;
	[tilespmem:$0xB800] =	vst v63  }
0x45: {  	s9 =	rddreg [dreg:$0xa]  }
0x46: {  	[tilespmem:s19], [sflag:$0x1] =	stream.indirect.gather [hbm4b:s5+s12], $0x10, s9, s12, $0xb8;
	[tilespmem:$0xB800] =	vst v63  }
0x47: {  	s7 =	rddreg [dreg:$0xb]  }
0x48: {  	[tilespmem:s20], [sflag:$0x1] =	stream.indirect.gather [hbm4b:s5+s12], $0x10, s7, s12, $0xb8;
	[tilespmem:$0xB800] =	vst v63  }
0x49: {  	_ =	swait.ge [sflag:s21], $0x800  }
0x4a: {  	[sflag:s21] =	ssyncset.done $0x0  }
0x4b: {  	[sflag:s21] =	ssyncadd.s32 $0xFFFFF800  }
0x4c: {  	_ =	swait.ge [sflag:s21], $0x800  }
0x4d: {  	[sflag:s21] =	ssyncset.done $0x0  }
0x4e: {  	[sflag:s21] =	ssyncadd.s32 $0xFFFFF800  }
0x4f: {  	_ =	swait.ge [sflag:s21], $0x800  }
0x50: {  	[sflag:s21] =	ssyncset.done $0x0  }
0x51: {  	[sflag:s21] =	ssyncadd.s32 $0xFFFFF800  }
0x52: {  	_ =	swait.ge [sflag:s21], $0x800  }
0x53: {  	[sflag:s21] =	ssyncset.done $0x0  }
0x54: {  	[sflag:s21] =	ssyncadd.s32 $0xFFFFF800  }
0x55: {  	_ =	swait.ge [sflag:s21], $0x800  }
0x56: {  	[sflag:s21] =	ssyncset.done $0x0  }
0x57: {  	[sflag:s21] =	ssyncadd.s32 $0xFFFFF800  }
0x58: {  	_ =	swait.ge [sflag:s21], $0x800  }
0x59: {  	[sflag:s21] =	ssyncset.done $0x0  }
0x5a: {  	[sflag:s21] =	ssyncadd.s32 $0xFFFFF800  }
0x5b: {  	_ =	swait.ge [sflag:s21], $0x800  }
0x5c: {  	[sflag:s21] =	ssyncset.done $0x0  }
0x5d: {  	[sflag:s21] =	ssyncadd.s32 $0xFFFFF800  }
0x5e: {  	_ =	swait.ge [sflag:s21], $0x800  }
0x5f: {  	[sflag:s21] =	ssyncset.done $0x0  }
0x60: {  	s9 =	rddreg [dreg:$0xc];
	[sflag:s21] =	ssyncadd.s32 $0xFFFFF800  }
0x61: {  	[tilespmem:s22], [sflag:$0x2] =	stream.indirect.gather [hbm4b:s5+s12], $0x10, s9, s12, $0xb8;
	[tilespmem:$0xB800] =	vst v63  }
0x62: {  	s7 =	rddreg [dreg:$0xd]  }
0x63: {  	[tilespmem:s23], [sflag:$0x2] =	stream.indirect.gather [hbm4b:s5+s12], $0x10, s7, s12, $0xb8;
	[tilespmem:$0xB800] =	vst v63  }
0x64: {  	s9 =	rddreg [dreg:$0xe]  }
0x65: {  	[tilespmem:s24], [sflag:$0x2] =	stream.indirect.gather [hbm4b:s5+s12], $0x10, s9, s12, $0xb8;
	[tilespmem:$0xB800] =	vst v63  }
0x66: {  	s7 =	rddreg [dreg:$0xf]  }
0x67: {  	[tilespmem:s25], [sflag:$0x2] =	stream.indirect.gather [hbm4b:s5+s12], $0x10, s7, s12, $0xb8;
	[tilespmem:$0xB800] =	vst v63  }
0x68: {  	s9 =	rddreg [dreg:$0x10]  }
0x69: {  	[tilespmem:s26], [sflag:$0x2] =	stream.indirect.gather [hbm4b:s5+s12], $0x10, s9, s12, $0xb8;
	[tilespmem:$0xB800] =	vst v63  }
0x6a: {  	s7 =	rddreg [dreg:$0x11]  }
0x6b: {  	[tilespmem:s28], [sflag:$0x2] =	stream.indirect.gather [hbm4b:s5+s12], $0x10, s7, s12, $0xb8;
	[tilespmem:$0xB800] =	vst v63  }
0x6c: {  	s9 =	rddreg [dreg:$0x12]  }
0x6d: {  	[tilespmem:s29], [sflag:$0x2] =	stream.indirect.gather [hbm4b:s5+s12], $0x10, s9, s12, $0xb8;
	[tilespmem:$0xB800] =	vst v63  }
0x6e: {  	s7 =	rddreg [dreg:$0x13]  }
0x6f: {  	[tilespmem:s30], [sflag:$0x2] =	stream.indirect.gather [hbm4b:s5+s12], $0x10, s7, s12, $0xb8;
	[tilespmem:$0xB800] =	vst v63  }
0x70: {  	_ = 	snop  }
0x71: {  	[spmem:s3] =	stream.indirect.scatter.add.f32 [tilespmem:s13], [sflag:$0x3], $0x10, s11, s12, $0xb8;
	[tilespmem:$0xB800] =	vst v63  }
0x72: {  	s8 =	rddreg [dreg:$0x14]  }
0x73: {  	[spmem:s3] =	stream.indirect.scatter.add.f32 [tilespmem:s14], [sflag:$0x3], $0x10, s8, s12, $0xb8;
	[tilespmem:$0xB800] =	vst v63  }
0x74: {  	s9 =	rddreg [dreg:$0x15]  }
0x75: {  	[spmem:s3] =	stream.indirect.scatter.add.f32 [tilespmem:s15], [sflag:$0x3], $0x10, s9, s12, $0xb8;
	[tilespmem:$0xB800] =	vst v63  }
0x76: {  	s7 =	rddreg [dreg:$0x16]  }
0x77: {  	[spmem:s3] =	stream.indirect.scatter.add.f32 [tilespmem:s16], [sflag:$0x3], $0x10, s7, s12, $0xb8;
	[tilespmem:$0xB800] =	vst v63  }
0x78: {  	s9 =	rddreg [dreg:$0x17]  }
0x79: {  	[spmem:s3] =	stream.indirect.scatter.add.f32 [tilespmem:s17], [sflag:$0x3], $0x10, s9, s12, $0xb8;
	[tilespmem:$0xB800] =	vst v63  }
0x7a: {  	s7 =	rddreg [dreg:$0x18]  }
0x7b: {  	[spmem:s3] =	stream.indirect.scatter.add.f32 [tilespmem:s18], [sflag:$0x3], $0x10, s7, s12, $0xb8;
	[tilespmem:$0xB800] =	vst v63  }
0x7c: {  	s9 =	rddreg [dreg:$0x19]  }
0x7d: {  	[spmem:s3] =	stream.indirect.scatter.add.f32 [tilespmem:s19], [sflag:$0x3], $0x10, s9, s12, $0xb8;
	[tilespmem:$0xB800] =	vst v63  }
0x7e: {  	s7 =	rddreg [dreg:$0x1a]  }
0x7f: {  	[spmem:s3] =	stream.indirect.scatter.add.f32 [tilespmem:s20], [sflag:$0x3], $0x10, s7, s12, $0xb8;
	[tilespmem:$0xB800] =	vst v63  }
0x80: {  	_ =	swait.ge [sflag:s31], $0x800  }
0x81: {  	[sflag:s31] =	ssyncset.done $0x0  }
0x82: {  	[sflag:s31] =	ssyncadd.s32 $0xFFFFF800  }
0x83: {  	_ =	swait.ge [sflag:s31], $0x800  }
0x84: {  	[sflag:s31] =	ssyncset.done $0x0  }
0x85: {  	[sflag:s31] =	ssyncadd.s32 $0xFFFFF800  }
0x86: {  	_ =	swait.ge [sflag:s31], $0x800  }
0x87: {  	[sflag:s31] =	ssyncset.done $0x0  }
0x88: {  	[sflag:s31] =	ssyncadd.s32 $0xFFFFF800  }
0x89: {  	_ =	swait.ge [sflag:s31], $0x800  }
0x8a: {  	[sflag:s31] =	ssyncset.done $0x0  }
0x8b: {  	[sflag:s31] =	ssyncadd.s32 $0xFFFFF800  }
0x8c: {  	_ =	swait.ge [sflag:s31], $0x800  }
0x8d: {  	[sflag:s31] =	ssyncset.done $0x0  }
0x8e: {  	[sflag:s31] =	ssyncadd.s32 $0xFFFFF800  }
0x8f: {  	_ =	swait.ge [sflag:s31], $0x800  }
0x90: {  	[sflag:s31] =	ssyncset.done $0x0  }
0x91: {  	[sflag:s31] =	ssyncadd.s32 $0xFFFFF800  }
0x92: {  	_ =	swait.ge [sflag:s31], $0x800  }
0x93: {  	[sflag:s31] =	ssyncset.done $0x0  }
0x94: {  	[sflag:s31] =	ssyncadd.s32 $0xFFFFF800  }
0x95: {  	_ =	swait.ge [sflag:s31], $0x800  }
0x96: {  	[sflag:s31] =	ssyncset.done $0x0  }
0x97: {  	[sflag:s31] =	ssyncadd.s32 $0xFFFFF800  }
0x98: {  	_ =	swait.ge [sflag:s1], $0x800  }
0x99: {  	[sflag:s1] =	ssyncset.done $0x0  }
0x9a: {  	[sflag:s1] =	ssyncadd.s32 $0xFFFFF800  }
0x9b: {  	_ =	swait.ge [sflag:s1], $0x800  }
0x9c: {  	[sflag:s1] =	ssyncset.done $0x0  }
0x9d: {  	[sflag:s1] =	ssyncadd.s32 $0xFFFFF800  }
0x9e: {  	_ =	swait.ge [sflag:s1], $0x800  }
0x9f: {  	[sflag:s1] =	ssyncset.done $0x0  }
0xa0: {  	[sflag:s1] =	ssyncadd.s32 $0xFFFFF800  }
0xa1: {  	_ =	swait.ge [sflag:s1], $0x800  }
0xa2: {  	[sflag:s1] =	ssyncset.done $0x0  }
0xa3: {  	[sflag:s1] =	ssyncadd.s32 $0xFFFFF800  }
0xa4: {  	_ =	swait.ge [sflag:s1], $0x800  }
0xa5: {  	[sflag:s1] =	ssyncset.done $0x0  }
0xa6: {  	[sflag:s1] =	ssyncadd.s32 $0xFFFFF800  }
0xa7: {  	_ =	swait.ge [sflag:s1], $0x800  }
0xa8: {  	[sflag:s1] =	ssyncset.done $0x0  }
0xa9: {  	[sflag:s1] =	ssyncadd.s32 $0xFFFFF800  }
0xaa: {  	_ =	swait.ge [sflag:s1], $0x800  }
0xab: {  	[sflag:s1] =	ssyncset.done $0x0  }
0xac: {  	[sflag:s1] =	ssyncadd.s32 $0xFFFFF800  }
0xad: {  	_ =	swait.ge [sflag:s1], $0x800  }
0xae: {  	s9 =	rddreg [dreg:$0x1b];
	[sflag:s1] =	ssyncset.done $0x0  }
0xaf: {  	s7 =	rddreg [dreg:$0x1c];
	[sflag:s1] =	ssyncadd.s32 $0xFFFFF800  }
0xb0: {  	[spmem:s3] =	stream.indirect.scatter.add.f32 [tilespmem:s22], [sflag:$0x4], $0x10, s9, s12, $0xb8;
	[tilespmem:$0xB800] =	vst v63  }
0xb1: {  	s9 =	rddreg [dreg:$0x1d]  }
0xb2: {  	[spmem:s3] =	stream.indirect.scatter.add.f32 [tilespmem:s23], [sflag:$0x4], $0x10, s7, s12, $0xb8;
	[tilespmem:$0xB800] =	vst v63  }
0xb3: {  	s7 =	rddreg [dreg:$0x1e]  }
0xb4: {  	[spmem:s3] =	stream.indirect.scatter.add.f32 [tilespmem:s24], [sflag:$0x4], $0x10, s9, s12, $0xb8;
	[tilespmem:$0xB800] =	vst v63  }
0xb5: {  	s9 =	rddreg [dreg:$0x1f]  }
0xb6: {  	[spmem:s3] =	stream.indirect.scatter.add.f32 [tilespmem:s25], [sflag:$0x4], $0x10, s7, s12, $0xb8;
	[tilespmem:$0xB800] =	vst v63  }
0xb7: {  	s7 =	sld [smem:$0x7FA]  }
0xb8: {  	[spmem:s3] =	stream.indirect.scatter.add.f32 [tilespmem:s26], [sflag:$0x4], $0x10, s9, s12, $0xb8;
	[tilespmem:$0xB800] =	vst v63  }
0xb9: {  	s9 =	sld [smem:$0x7FB]  }
0xba: {  	[spmem:s3] =	stream.indirect.scatter.add.f32 [tilespmem:s28], [sflag:$0x4], $0x10, s7, s12, $0xb8;
	[tilespmem:$0xB800] =	vst v63  }
0xbb: {  	_ = 	snop  }
0xbc: {  	[spmem:s3] =	stream.indirect.scatter.add.f32 [tilespmem:s29], [sflag:$0x4], $0x10, s9, s12, $0xb8;
	[tilespmem:$0xB800] =	vst v63  }
0xbd: {  	_ = 	snop  }
0xbe: {  	[spmem:s3] =	stream.indirect.scatter.add.f32 [tilespmem:s30], [sflag:$0x4], $0x10, s0, s12, $0xb8;
	[tilespmem:$0xB800] =	vst v63  }
0xbf: {  	_ =	swait.ge [sflag:s2], $0x800  }
0xc0: {  	[sflag:s2] =	ssyncset.done $0x0  }
0xc1: {  	[sflag:s2] =	ssyncadd.s32 $0xFFFFF800  }
0xc2: {  	_ =	swait.ge [sflag:s2], $0x800  }
0xc3: {  	[sflag:s2] =	ssyncset.done $0x0  }
0xc4: {  	[sflag:s2] =	ssyncadd.s32 $0xFFFFF800  }
0xc5: {  	_ =	swait.ge [sflag:s2], $0x800  }
0xc6: {  	[sflag:s2] =	ssyncset.done $0x0  }
0xc7: {  	[sflag:s2] =	ssyncadd.s32 $0xFFFFF800  }
0xc8: {  	_ =	swait.ge [sflag:s2], $0x800  }
0xc9: {  	[sflag:s2] =	ssyncset.done $0x0  }
0xca: {  	[sflag:s2] =	ssyncadd.s32 $0xFFFFF800  }
0xcb: {  	_ =	swait.ge [sflag:s2], $0x800  }
0xcc: {  	[sflag:s2] =	ssyncset.done $0x0  }
0xcd: {  	[sflag:s2] =	ssyncadd.s32 $0xFFFFF800  }
0xce: {  	_ =	swait.ge [sflag:s2], $0x800  }
0xcf: {  	[sflag:s2] =	ssyncset.done $0x0  }
0xd0: {  	[sflag:s2] =	ssyncadd.s32 $0xFFFFF800  }
0xd1: {  	_ =	swait.ge [sflag:s2], $0x800  }
0xd2: {  	[sflag:s2] =	ssyncset.done $0x0  }
0xd3: {  	[sflag:s2] =	ssyncadd.s32 $0xFFFFF800  }
0xd4: {  	s6 =	simm.s32 $0x200;
	_ =	swait.ge [sflag:s2], $0x800  }
0xd5: {  	s8 =	simm.s32 $0x100;
	s9 =	rddreg [dreg:$0x5];
	[sflag:s2] =	ssyncset.done $0x0  }
.LBB2_2:
0xd6: {  	[sflag:s2] =	ssyncadd.s32 $0xFFFFF800;
	s9 =	sadd.s32 s8, s9  }
0xd7: {  	[tilespmem:s4], [sflag:$0x5] =	stream.linear.gather [hbm4b:s9+s4], $0x800, $0x38;
	[tilespmem:$0xB800] =	vst v63  }
0xd8: {  	_ =	swait.ge [sflag:s10], $0x800  }
0xd9: {  	s9 =	rddreg [dreg:$0x4];
	[sflag:s10] =	ssyncset.done $0x0  }
0xda: {  	[sflag:s10] =	ssyncadd.s32 $0xFFFFF800;
	s9 =	sadd.s32 s8, s9  }
0xdb: {  	[tilespmem:s11], [sflag:$0x5] =	stream.linear.gather [hbm4b:s9+s4], $0x800, $0x38;
	[tilespmem:$0xB800] =	vst v63  }
0xdc: {  	_ =	swait.ge [sflag:s10], $0x800  }
0xdd: {  	[sflag:s10] =	ssyncset.done $0x0  }
0xde: {  	[sflag:s10] =	ssyncadd.s32 $0xFFFFF800  }
0xdf: {  	[tilespmem:s13], [sflag:$0x1] =	stream.indirect.gather [hbm4b:s5+s12], $0x10, s4, s12, $0xb8;
	[tilespmem:$0xB800] =	vst v63  }
0xe0: {  	s7 =	smov.u32 s6  }
0xe1: {  	[tilespmem:s14], [sflag:$0x1] =	stream.indirect.gather [hbm4b:s5+s12], $0x10, s12, s12, $0xb8;
	[tilespmem:$0xB800] =	vst v63  }
0xe2: {  	s8 =	smov.u32 s7;
	s7 =	rddreg [dreg:$0x6]  }
0xe3: {  	[tilespmem:s15], [sflag:$0x1] =	stream.indirect.gather [hbm4b:s5+s12], $0x10, s7, s12, $0xb8;
	[tilespmem:$0xB800] =	vst v63  }
0xe4: {  	s9 =	rddreg [dreg:$0x7]  }
0xe5: {  	[tilespmem:s16], [sflag:$0x1] =	stream.indirect.gather [hbm4b:s5+s12], $0x10, s9, s12, $0xb8;
	[tilespmem:$0xB800] =	vst v63  }
0xe6: {  	s7 =	rddreg [dreg:$0x8]  }
0xe7: {  	[tilespmem:s17], [sflag:$0x1] =	stream.indirect.gather [hbm4b:s5+s12], $0x10, s7, s12, $0xb8;
	[tilespmem:$0xB800] =	vst v63  }
0xe8: {  	s9 =	rddreg [dreg:$0x9]  }
0xe9: {  	[tilespmem:s18], [sflag:$0x1] =	stream.indirect.gather [hbm4b:s5+s12], $0x10, s9, s12, $0xb8;
	[tilespmem:$0xB800] =	vst v63  }
0xea: {  	s7 =	rddreg [dreg:$0xa]  }
0xeb: {  	[tilespmem:s19], [sflag:$0x1] =	stream.indirect.gather [hbm4b:s5+s12], $0x10, s7, s12, $0xb8;
	[tilespmem:$0xB800] =	vst v63  }
0xec: {  	s9 =	rddreg [dreg:$0xb]  }
0xed: {  	[tilespmem:s20], [sflag:$0x1] =	stream.indirect.gather [hbm4b:s5+s12], $0x10, s9, s12, $0xb8;
	[tilespmem:$0xB800] =	vst v63  }
0xee: {  	_ =	swait.ge [sflag:s21], $0x800  }
0xef: {  	[sflag:s21] =	ssyncset.done $0x0  }
0xf0: {  	[sflag:s21] =	ssyncadd.s32 $0xFFFFF800  }
0xf1: {  	_ =	swait.ge [sflag:s21], $0x800  }
0xf2: {  	[sflag:s21] =	ssyncset.done $0x0  }
0xf3: {  	[sflag:s21] =	ssyncadd.s32 $0xFFFFF800  }
0xf4: {  	_ =	swait.ge [sflag:s21], $0x800  }
0xf5: {  	[sflag:s21] =	ssyncset.done $0x0  }
0xf6: {  	[sflag:s21] =	ssyncadd.s32 $0xFFFFF800  }
0xf7: {  	_ =	swait.ge [sflag:s21], $0x800  }
0xf8: {  	[sflag:s21] =	ssyncset.done $0x0  }
0xf9: {  	[sflag:s21] =	ssyncadd.s32 $0xFFFFF800  }
0xfa: {  	_ =	swait.ge [sflag:s21], $0x800  }
0xfb: {  	[sflag:s21] =	ssyncset.done $0x0  }
0xfc: {  	[sflag:s21] =	ssyncadd.s32 $0xFFFFF800  }
0xfd: {  	_ =	swait.ge [sflag:s21], $0x800  }
0xfe: {  	[sflag:s21] =	ssyncset.done $0x0  }
0xff: {  	[sflag:s21] =	ssyncadd.s32 $0xFFFFF800  }
0x100: {  	_ =	swait.ge [sflag:s21], $0x800  }
0x101: {  	[sflag:s21] =	ssyncset.done $0x0  }
0x102: {  	[sflag:s21] =	ssyncadd.s32 $0xFFFFF800  }
0x103: {  	_ =	swait.ge [sflag:s21], $0x800  }
0x104: {  	[sflag:s21] =	ssyncset.done $0x0  }
0x105: {  	s7 =	rddreg [dreg:$0xc];
	[sflag:s21] =	ssyncadd.s32 $0xFFFFF800  }
0x106: {  	[tilespmem:s22], [sflag:$0x2] =	stream.indirect.gather [hbm4b:s5+s12], $0x10, s7, s12, $0xb8;
	[tilespmem:$0xB800] =	vst v63  }
0x107: {  	s9 =	rddreg [dreg:$0xd]  }
0x108: {  	[tilespmem:s23], [sflag:$0x2] =	stream.indirect.gather [hbm4b:s5+s12], $0x10, s9, s12, $0xb8;
	[tilespmem:$0xB800] =	vst v63  }
0x109: {  	s7 =	rddreg [dreg:$0xe]  }
0x10a: {  	[tilespmem:s24], [sflag:$0x2] =	stream.indirect.gather [hbm4b:s5+s12], $0x10, s7, s12, $0xb8;
	[tilespmem:$0xB800] =	vst v63  }
0x10b: {  	s9 =	rddreg [dreg:$0xf]  }
0x10c: {  	[tilespmem:s25], [sflag:$0x2] =	stream.indirect.gather [hbm4b:s5+s12], $0x10, s9, s12, $0xb8;
	[tilespmem:$0xB800] =	vst v63  }
0x10d: {  	s7 =	rddreg [dreg:$0x10]  }
0x10e: {  	[tilespmem:s26], [sflag:$0x2] =	stream.indirect.gather [hbm4b:s5+s12], $0x10, s7, s12, $0xb8;
	[tilespmem:$0xB800] =	vst v63  }
0x10f: {  	s9 =	rddreg [dreg:$0x11]  }
0x110: {  	[tilespmem:s28], [sflag:$0x2] =	stream.indirect.gather [hbm4b:s5+s12], $0x10, s9, s12, $0xb8;
	[tilespmem:$0xB800] =	vst v63  }
0x111: {  	s7 =	rddreg [dreg:$0x12]  }
0x112: {  	[tilespmem:s29], [sflag:$0x2] =	stream.indirect.gather [hbm4b:s5+s12], $0x10, s7, s12, $0xb8;
	[tilespmem:$0xB800] =	vst v63  }
0x113: {  	s9 =	rddreg [dreg:$0x13]  }
0x114: {  	[tilespmem:s30], [sflag:$0x2] =	stream.indirect.gather [hbm4b:s5+s12], $0x10, s9, s12, $0xb8;
	[tilespmem:$0xB800] =	vst v63  }
0x115: {  	_ = 	snop  }
0x116: {  	[spmem:s3] =	stream.indirect.scatter.add.f32 [tilespmem:s13], [sflag:$0x3], $0x10, s11, s12, $0xb8;
	[tilespmem:$0xB800] =	vst v63  }
0x117: {  	s7 =	rddreg [dreg:$0x14]  }
0x118: {  	[spmem:s3] =	stream.indirect.scatter.add.f32 [tilespmem:s14], [sflag:$0x3], $0x10, s7, s12, $0xb8;
	[tilespmem:$0xB800] =	vst v63  }
0x119: {  	s9 =	rddreg [dreg:$0x15]  }
0x11a: {  	[spmem:s3] =	stream.indirect.scatter.add.f32 [tilespmem:s15], [sflag:$0x3], $0x10, s9, s12, $0xb8;
	[tilespmem:$0xB800] =	vst v63  }
0x11b: {  	s7 =	rddreg [dreg:$0x16]  }
0x11c: {  	[spmem:s3] =	stream.indirect.scatter.add.f32 [tilespmem:s16], [sflag:$0x3], $0x10, s7, s12, $0xb8;
	[tilespmem:$0xB800] =	vst v63  }
0x11d: {  	s9 =	rddreg [dreg:$0x17]  }
0x11e: {  	[spmem:s3] =	stream.indirect.scatter.add.f32 [tilespmem:s17], [sflag:$0x3], $0x10, s9, s12, $0xb8;
	[tilespmem:$0xB800] =	vst v63  }
0x11f: {  	s7 =	rddreg [dreg:$0x18]  }
0x120: {  	[spmem:s3] =	stream.indirect.scatter.add.f32 [tilespmem:s18], [sflag:$0x3], $0x10, s7, s12, $0xb8;
	[tilespmem:$0xB800] =	vst v63  }
0x121: {  	s9 =	rddreg [dreg:$0x19]  }
0x122: {  	[spmem:s3] =	stream.indirect.scatter.add.f32 [tilespmem:s19], [sflag:$0x3], $0x10, s9, s12, $0xb8;
	[tilespmem:$0xB800] =	vst v63  }
0x123: {  	s7 =	rddreg [dreg:$0x1a]  }
0x124: {  	[spmem:s3] =	stream.indirect.scatter.add.f32 [tilespmem:s20], [sflag:$0x3], $0x10, s7, s12, $0xb8;
	[tilespmem:$0xB800] =	vst v63  }
0x125: {  	_ =	swait.ge [sflag:s31], $0x800  }
0x126: {  	[sflag:s31] =	ssyncset.done $0x0  }
0x127: {  	[sflag:s31] =	ssyncadd.s32 $0xFFFFF800  }
0x128: {  	_ =	swait.ge [sflag:s31], $0x800  }
0x129: {  	[sflag:s31] =	ssyncset.done $0x0  }
0x12a: {  	[sflag:s31] =	ssyncadd.s32 $0xFFFFF800  }
0x12b: {  	_ =	swait.ge [sflag:s31], $0x800  }
0x12c: {  	[sflag:s31] =	ssyncset.done $0x0  }
0x12d: {  	[sflag:s31] =	ssyncadd.s32 $0xFFFFF800  }
0x12e: {  	_ =	swait.ge [sflag:s31], $0x800  }
0x12f: {  	[sflag:s31] =	ssyncset.done $0x0  }
0x130: {  	[sflag:s31] =	ssyncadd.s32 $0xFFFFF800  }
0x131: {  	_ =	swait.ge [sflag:s31], $0x800  }
0x132: {  	[sflag:s31] =	ssyncset.done $0x0  }
0x133: {  	[sflag:s31] =	ssyncadd.s32 $0xFFFFF800  }
0x134: {  	_ =	swait.ge [sflag:s31], $0x800  }
0x135: {  	[sflag:s31] =	ssyncset.done $0x0  }
0x136: {  	[sflag:s31] =	ssyncadd.s32 $0xFFFFF800  }
0x137: {  	_ =	swait.ge [sflag:s31], $0x800  }
0x138: {  	[sflag:s31] =	ssyncset.done $0x0  }
0x139: {  	[sflag:s31] =	ssyncadd.s32 $0xFFFFF800  }
0x13a: {  	_ =	swait.ge [sflag:s31], $0x800  }
0x13b: {  	[sflag:s31] =	ssyncset.done $0x0  }
0x13c: {  	[sflag:s31] =	ssyncadd.s32 $0xFFFFF800  }
0x13d: {  	_ =	swait.ge [sflag:s1], $0x800  }
0x13e: {  	[sflag:s1] =	ssyncset.done $0x0  }
0x13f: {  	[sflag:s1] =	ssyncadd.s32 $0xFFFFF800  }
0x140: {  	_ =	swait.ge [sflag:s1], $0x800  }
0x141: {  	[sflag:s1] =	ssyncset.done $0x0  }
0x142: {  	[sflag:s1] =	ssyncadd.s32 $0xFFFFF800  }
0x143: {  	_ =	swait.ge [sflag:s1], $0x800  }
0x144: {  	[sflag:s1] =	ssyncset.done $0x0  }
0x145: {  	[sflag:s1] =	ssyncadd.s32 $0xFFFFF800  }
0x146: {  	_ =	swait.ge [sflag:s1], $0x800  }
0x147: {  	[sflag:s1] =	ssyncset.done $0x0  }
0x148: {  	[sflag:s1] =	ssyncadd.s32 $0xFFFFF800  }
0x149: {  	_ =	swait.ge [sflag:s1], $0x800  }
0x14a: {  	[sflag:s1] =	ssyncset.done $0x0  }
0x14b: {  	[sflag:s1] =	ssyncadd.s32 $0xFFFFF800  }
0x14c: {  	_ =	swait.ge [sflag:s1], $0x800  }
0x14d: {  	[sflag:s1] =	ssyncset.done $0x0  }
0x14e: {  	[sflag:s1] =	ssyncadd.s32 $0xFFFFF800  }
0x14f: {  	_ =	swait.ge [sflag:s1], $0x800  }
0x150: {  	[sflag:s1] =	ssyncset.done $0x0  }
0x151: {  	[sflag:s1] =	ssyncadd.s32 $0xFFFFF800  }
0x152: {  	_ =	swait.ge [sflag:s1], $0x800  }
0x153: {  	s7 =	rddreg [dreg:$0x1b];
	[sflag:s1] =	ssyncset.done $0x0  }
0x154: {  	s9 =	rddreg [dreg:$0x1c];
	[sflag:s1] =	ssyncadd.s32 $0xFFFFF800  }
0x155: {  	[spmem:s3] =	stream.indirect.scatter.add.f32 [tilespmem:s22], [sflag:$0x4], $0x10, s7, s12, $0xb8;
	[tilespmem:$0xB800] =	vst v63  }
0x156: {  	s7 =	rddreg [dreg:$0x1d]  }
0x157: {  	[spmem:s3] =	stream.indirect.scatter.add.f32 [tilespmem:s23], [sflag:$0x4], $0x10, s9, s12, $0xb8;
	[tilespmem:$0xB800] =	vst v63  }
0x158: {  	s9 =	rddreg [dreg:$0x1e]  }
0x159: {  	[spmem:s3] =	stream.indirect.scatter.add.f32 [tilespmem:s24], [sflag:$0x4], $0x10, s7, s12, $0xb8;
	[tilespmem:$0xB800] =	vst v63  }
0x15a: {  	s7 =	rddreg [dreg:$0x1f]  }
0x15b: {  	[spmem:s3] =	stream.indirect.scatter.add.f32 [tilespmem:s25], [sflag:$0x4], $0x10, s9, s12, $0xb8;
	[tilespmem:$0xB800] =	vst v63  }
0x15c: {  	s9 =	sld [smem:$0x7FA]  }
0x15d: {  	[spmem:s3] =	stream.indirect.scatter.add.f32 [tilespmem:s26], [sflag:$0x4], $0x10, s7, s12, $0xb8;
	[tilespmem:$0xB800] =	vst v63  }
0x15e: {  	s7 =	sld [smem:$0x7FB]  }
0x15f: {  	[spmem:s3] =	stream.indirect.scatter.add.f32 [tilespmem:s28], [sflag:$0x4], $0x10, s9, s12, $0xb8;
	[tilespmem:$0xB800] =	vst v63  }
0x160: {  	_ = 	snop  }
0x161: {  	[spmem:s3] =	stream.indirect.scatter.add.f32 [tilespmem:s29], [sflag:$0x4], $0x10, s7, s12, $0xb8;
	[tilespmem:$0xB800] =	vst v63  }
0x162: {  	_ = 	snop  }
0x163: {  	[spmem:s3] =	stream.indirect.scatter.add.f32 [tilespmem:s30], [sflag:$0x4], $0x10, s0, s12, $0xb8;
	[tilespmem:$0xB800] =	vst v63  }
0x164: {  	_ =	swait.ge [sflag:s2], $0x800  }
0x165: {  	[sflag:s2] =	ssyncset.done $0x0  }
0x166: {  	[sflag:s2] =	ssyncadd.s32 $0xFFFFF800  }
0x167: {  	_ =	swait.ge [sflag:s2], $0x800  }
0x168: {  	[sflag:s2] =	ssyncset.done $0x0  }
0x169: {  	[sflag:s2] =	ssyncadd.s32 $0xFFFFF800  }
0x16a: {  	_ =	swait.ge [sflag:s2], $0x800  }
0x16b: {  	[sflag:s2] =	ssyncset.done $0x0  }
0x16c: {  	[sflag:s2] =	ssyncadd.s32 $0xFFFFF800  }
0x16d: {  	_ =	swait.ge [sflag:s2], $0x800  }
0x16e: {  	[sflag:s2] =	ssyncset.done $0x0  }
0x16f: {  	[sflag:s2] =	ssyncadd.s32 $0xFFFFF800  }
0x170: {  	_ =	swait.ge [sflag:s2], $0x800  }
0x171: {  	[sflag:s2] =	ssyncset.done $0x0  }
0x172: {  	[sflag:s2] =	ssyncadd.s32 $0xFFFFF800  }
0x173: {  	_ =	swait.ge [sflag:s2], $0x800  }
0x174: {  	[sflag:s2] =	ssyncset.done $0x0  }
0x175: {  	p0 =	sne.s32 s6, $0x400;
	[sflag:s2] =	ssyncadd.s32 $0xFFFFF800  }
.Ltmp0:
0x176: {  	_ =	swait.ge [sflag:s2], $0x800;
	(pc) =	sbr.rel @p0 .LBB2_2-.Ltmp0, $4  }
0x177: {  	[sflag:s2] =	ssyncset.done $0x0  }
0x178: {  	[sflag:s2] =	ssyncadd.s32 $0xFFFFF800  }
0x179: {  	_ =	swait.ge [sflag:s2], $0x800  }
0x17a: {  	s6 =	sadd.s32 $0x100, s6;
	s9 =	rddreg [dreg:$0x5];
	[sflag:s2] =	ssyncset.done $0x0  }
0x17b: {  	[sflag:s2] =	ssyncadd.s32 $0xFFFFF800;
	s6 =	sadd.s32 s8, s9  }
0x17c: {  	[tilespmem:s4], [sflag:$0x5] =	stream.linear.gather [hbm4b:s6+s4], $0x800, $0x38;
	[tilespmem:$0xB800] =	vst v63  }
0x17d: {  	_ =	swait.ge [sflag:s10], $0x800  }
0x17e: {  	s7 =	rddreg [dreg:$0x4];
	[sflag:s10] =	ssyncset.done $0x0  }
0x17f: {  	[sflag:s10] =	ssyncadd.s32 $0xFFFFF800;
	s6 =	sadd.s32 s8, s7  }
0x180: {  	[tilespmem:s11], [sflag:$0x5] =	stream.linear.gather [hbm4b:s6+s4], $0x800, $0x38;
	[tilespmem:$0xB800] =	vst v63  }
0x181: {  	_ =	swait.ge [sflag:s10], $0x800  }
0x182: {  	[sflag:s10] =	ssyncset.done $0x0  }
0x183: {  	[sflag:s10] =	ssyncadd.s32 $0xFFFFF800  }
0x184: {  	[tilespmem:s13], [sflag:$0x1] =	stream.indirect.gather [hbm4b:s5+s12], $0x10, s4, s12, $0xb8;
	[tilespmem:$0xB800] =	vst v63  }
0x185: {  	_ = 	snop  }
0x186: {  	[tilespmem:s14], [sflag:$0x1] =	stream.indirect.gather [hbm4b:s5+s12], $0x10, s12, s12, $0xb8;
	[tilespmem:$0xB800] =	vst v63  }
0x187: {  	s9 =	rddreg [dreg:$0x6]  }
0x188: {  	[tilespmem:s15], [sflag:$0x1] =	stream.indirect.gather [hbm4b:s5+s12], $0x10, s9, s12, $0xb8;
	[tilespmem:$0xB800] =	vst v63  }
0x189: {  	s7 =	rddreg [dreg:$0x7]  }
0x18a: {  	[tilespmem:s16], [sflag:$0x1] =	stream.indirect.gather [hbm4b:s5+s12], $0x10, s7, s12, $0xb8;
	[tilespmem:$0xB800] =	vst v63  }
0x18b: {  	s8 =	rddreg [dreg:$0x8]  }
0x18c: {  	[tilespmem:s17], [sflag:$0x1] =	stream.indirect.gather [hbm4b:s5+s12], $0x10, s8, s12, $0xb8;
	[tilespmem:$0xB800] =	vst v63  }
0x18d: {  	s9 =	rddreg [dreg:$0x9]  }
0x18e: {  	[tilespmem:s18], [sflag:$0x1] =	stream.indirect.gather [hbm4b:s5+s12], $0x10, s9, s12, $0xb8;
	[tilespmem:$0xB800] =	vst v63  }
0x18f: {  	s8 =	rddreg [dreg:$0xa]  }
0x190: {  	[tilespmem:s19], [sflag:$0x1] =	stream.indirect.gather [hbm4b:s5+s12], $0x10, s8, s12, $0xb8;
	[tilespmem:$0xB800] =	vst v63  }
0x191: {  	s9 =	rddreg [dreg:$0xb]  }
0x192: {  	[tilespmem:s20], [sflag:$0x1] =	stream.indirect.gather [hbm4b:s5+s12], $0x10, s9, s12, $0xb8;
	[tilespmem:$0xB800] =	vst v63  }
0x193: {  	_ =	swait.ge [sflag:s21], $0x800  }
0x194: {  	[sflag:s21] =	ssyncset.done $0x0  }
0x195: {  	[sflag:s21] =	ssyncadd.s32 $0xFFFFF800  }
0x196: {  	_ =	swait.ge [sflag:s21], $0x800  }
0x197: {  	[sflag:s21] =	ssyncset.done $0x0  }
0x198: {  	[sflag:s21] =	ssyncadd.s32 $0xFFFFF800  }
0x199: {  	_ =	swait.ge [sflag:s21], $0x800  }
0x19a: {  	[sflag:s21] =	ssyncset.done $0x0  }
0x19b: {  	[sflag:s21] =	ssyncadd.s32 $0xFFFFF800  }
0x19c: {  	_ =	swait.ge [sflag:s21], $0x800  }
0x19d: {  	[sflag:s21] =	ssyncset.done $0x0  }
0x19e: {  	[sflag:s21] =	ssyncadd.s32 $0xFFFFF800  }
0x19f: {  	_ =	swait.ge [sflag:s21], $0x800  }
0x1a0: {  	[sflag:s21] =	ssyncset.done $0x0  }
0x1a1: {  	[sflag:s21] =	ssyncadd.s32 $0xFFFFF800  }
0x1a2: {  	_ =	swait.ge [sflag:s21], $0x800  }
0x1a3: {  	[sflag:s21] =	ssyncset.done $0x0  }
0x1a4: {  	[sflag:s21] =	ssyncadd.s32 $0xFFFFF800  }
0x1a5: {  	_ =	swait.ge [sflag:s21], $0x800  }
0x1a6: {  	[sflag:s21] =	ssyncset.done $0x0  }
0x1a7: {  	[sflag:s21] =	ssyncadd.s32 $0xFFFFF800  }
0x1a8: {  	_ =	swait.ge [sflag:s21], $0x800  }
0x1a9: {  	[sflag:s21] =	ssyncset.done $0x0  }
0x1aa: {  	s8 =	rddreg [dreg:$0xc];
	[sflag:s21] =	ssyncadd.s32 $0xFFFFF800  }
0x1ab: {  	[tilespmem:s22], [sflag:$0x2] =	stream.indirect.gather [hbm4b:s5+s12], $0x10, s8, s12, $0xb8;
	[tilespmem:$0xB800] =	vst v63  }
0x1ac: {  	s9 =	rddreg [dreg:$0xd]  }
0x1ad: {  	[tilespmem:s23], [sflag:$0x2] =	stream.indirect.gather [hbm4b:s5+s12], $0x10, s9, s12, $0xb8;
	[tilespmem:$0xB800] =	vst v63  }
0x1ae: {  	s8 =	rddreg [dreg:$0xe]  }
0x1af: {  	[tilespmem:s24], [sflag:$0x2] =	stream.indirect.gather [hbm4b:s5+s12], $0x10, s8, s12, $0xb8;
	[tilespmem:$0xB800] =	vst v63  }
0x1b0: {  	s9 =	rddreg [dreg:$0xf]  }
0x1b1: {  	[tilespmem:s25], [sflag:$0x2] =	stream.indirect.gather [hbm4b:s5+s12], $0x10, s9, s12, $0xb8;
	[tilespmem:$0xB800] =	vst v63  }
0x1b2: {  	s8 =	rddreg [dreg:$0x10]  }
0x1b3: {  	[tilespmem:s26], [sflag:$0x2] =	stream.indirect.gather [hbm4b:s5+s12], $0x10, s8, s12, $0xb8;
	[tilespmem:$0xB800] =	vst v63  }
0x1b4: {  	s9 =	rddreg [dreg:$0x11]  }
0x1b5: {  	[tilespmem:s28], [sflag:$0x2] =	stream.indirect.gather [hbm4b:s5+s12], $0x10, s9, s12, $0xb8;
	[tilespmem:$0xB800] =	vst v63  }
0x1b6: {  	s8 =	rddreg [dreg:$0x12]  }
0x1b7: {  	[tilespmem:s29], [sflag:$0x2] =	stream.indirect.gather [hbm4b:s5+s12], $0x10, s8, s12, $0xb8;
	[tilespmem:$0xB800] =	vst v63  }
0x1b8: {  	s9 =	rddreg [dreg:$0x13]  }
0x1b9: {  	[tilespmem:s30], [sflag:$0x2] =	stream.indirect.gather [hbm4b:s5+s12], $0x10, s9, s12, $0xb8;
	[tilespmem:$0xB800] =	vst v63  }
0x1ba: {  	_ = 	snop  }
0x1bb: {  	[spmem:s3] =	stream.indirect.scatter.add.f32 [tilespmem:s13], [sflag:$0x3], $0x10, s11, s12, $0xb8;
	[tilespmem:$0xB800] =	vst v63  }
0x1bc: {  	s7 =	rddreg [dreg:$0x14]  }
0x1bd: {  	[spmem:s3] =	stream.indirect.scatter.add.f32 [tilespmem:s14], [sflag:$0x3], $0x10, s7, s12, $0xb8;
	[tilespmem:$0xB800] =	vst v63  }
0x1be: {  	s8 =	rddreg [dreg:$0x15]  }
0x1bf: {  	[spmem:s3] =	stream.indirect.scatter.add.f32 [tilespmem:s15], [sflag:$0x3], $0x10, s8, s12, $0xb8;
	[tilespmem:$0xB800] =	vst v63  }
0x1c0: {  	s9 =	rddreg [dreg:$0x16]  }
0x1c1: {  	[spmem:s3] =	stream.indirect.scatter.add.f32 [tilespmem:s16], [sflag:$0x3], $0x10, s9, s12, $0xb8;
	[tilespmem:$0xB800] =	vst v63  }
0x1c2: {  	s8 =	rddreg [dreg:$0x17]  }
0x1c3: {  	[spmem:s3] =	stream.indirect.scatter.add.f32 [tilespmem:s17], [sflag:$0x3], $0x10, s8, s12, $0xb8;
	[tilespmem:$0xB800] =	vst v63  }
0x1c4: {  	s9 =	rddreg [dreg:$0x18]  }
0x1c5: {  	[spmem:s3] =	stream.indirect.scatter.add.f32 [tilespmem:s18], [sflag:$0x3], $0x10, s9, s12, $0xb8;
	[tilespmem:$0xB800] =	vst v63  }
0x1c6: {  	s8 =	rddreg [dreg:$0x19]  }
0x1c7: {  	[spmem:s3] =	stream.indirect.scatter.add.f32 [tilespmem:s19], [sflag:$0x3], $0x10, s8, s12, $0xb8;
	[tilespmem:$0xB800] =	vst v63  }
0x1c8: {  	s9 =	rddreg [dreg:$0x1a]  }
0x1c9: {  	[spmem:s3] =	stream.indirect.scatter.add.f32 [tilespmem:s20], [sflag:$0x3], $0x10, s9, s12, $0xb8;
	[tilespmem:$0xB800] =	vst v63  }
0x1ca: {  	_ =	swait.ge [sflag:s31], $0x800  }
0x1cb: {  	[sflag:s31] =	ssyncset.done $0x0  }
0x1cc: {  	[sflag:s31] =	ssyncadd.s32 $0xFFFFF800  }
0x1cd: {  	_ =	swait.ge [sflag:s31], $0x800  }
0x1ce: {  	[sflag:s31] =	ssyncset.done $0x0  }
0x1cf: {  	[sflag:s31] =	ssyncadd.s32 $0xFFFFF800  }
0x1d0: {  	_ =	swait.ge [sflag:s31], $0x800  }
0x1d1: {  	[sflag:s31] =	ssyncset.done $0x0  }
0x1d2: {  	[sflag:s31] =	ssyncadd.s32 $0xFFFFF800  }
0x1d3: {  	_ =	swait.ge [sflag:s31], $0x800  }
0x1d4: {  	[sflag:s31] =	ssyncset.done $0x0  }
0x1d5: {  	[sflag:s31] =	ssyncadd.s32 $0xFFFFF800  }
0x1d6: {  	_ =	swait.ge [sflag:s31], $0x800  }
0x1d7: {  	[sflag:s31] =	ssyncset.done $0x0  }
0x1d8: {  	[sflag:s31] =	ssyncadd.s32 $0xFFFFF800  }
0x1d9: {  	_ =	swait.ge [sflag:s31], $0x800  }
0x1da: {  	[sflag:s31] =	ssyncset.done $0x0  }
0x1db: {  	[sflag:s31] =	ssyncadd.s32 $0xFFFFF800  }
0x1dc: {  	_ =	swait.ge [sflag:s31], $0x800  }
0x1dd: {  	[sflag:s31] =	ssyncset.done $0x0  }
0x1de: {  	[sflag:s31] =	ssyncadd.s32 $0xFFFFF800  }
0x1df: {  	_ =	swait.ge [sflag:s31], $0x800  }
0x1e0: {  	[sflag:s31] =	ssyncset.done $0x0  }
0x1e1: {  	[sflag:s31] =	ssyncadd.s32 $0xFFFFF800  }
0x1e2: {  	_ =	swait.ge [sflag:s1], $0x800  }
0x1e3: {  	[sflag:s1] =	ssyncset.done $0x0  }
0x1e4: {  	[sflag:s1] =	ssyncadd.s32 $0xFFFFF800  }
0x1e5: {  	_ =	swait.ge [sflag:s1], $0x800  }
0x1e6: {  	[sflag:s1] =	ssyncset.done $0x0  }
0x1e7: {  	[sflag:s1] =	ssyncadd.s32 $0xFFFFF800  }
0x1e8: {  	_ =	swait.ge [sflag:s1], $0x800  }
0x1e9: {  	[sflag:s1] =	ssyncset.done $0x0  }
0x1ea: {  	[sflag:s1] =	ssyncadd.s32 $0xFFFFF800  }
0x1eb: {  	_ =	swait.ge [sflag:s1], $0x800  }
0x1ec: {  	[sflag:s1] =	ssyncset.done $0x0  }
0x1ed: {  	[sflag:s1] =	ssyncadd.s32 $0xFFFFF800  }
0x1ee: {  	_ =	swait.ge [sflag:s1], $0x800  }
0x1ef: {  	[sflag:s1] =	ssyncset.done $0x0  }
0x1f0: {  	[sflag:s1] =	ssyncadd.s32 $0xFFFFF800  }
0x1f1: {  	_ =	swait.ge [sflag:s1], $0x800  }
0x1f2: {  	[sflag:s1] =	ssyncset.done $0x0  }
0x1f3: {  	[sflag:s1] =	ssyncadd.s32 $0xFFFFF800  }
0x1f4: {  	_ =	swait.ge [sflag:s1], $0x800  }
0x1f5: {  	[sflag:s1] =	ssyncset.done $0x0  }
0x1f6: {  	[sflag:s1] =	ssyncadd.s32 $0xFFFFF800  }
0x1f7: {  	_ =	swait.ge [sflag:s1], $0x800  }
0x1f8: {  	s8 =	rddreg [dreg:$0x1b];
	[sflag:s1] =	ssyncset.done $0x0  }
0x1f9: {  	s9 =	rddreg [dreg:$0x1c];
	[sflag:s1] =	ssyncadd.s32 $0xFFFFF800  }
0x1fa: {  	[spmem:s3] =	stream.indirect.scatter.add.f32 [tilespmem:s22], [sflag:$0x4], $0x10, s8, s12, $0xb8;
	[tilespmem:$0xB800] =	vst v63  }
0x1fb: {  	s8 =	rddreg [dreg:$0x1d]  }
0x1fc: {  	[spmem:s3] =	stream.indirect.scatter.add.f32 [tilespmem:s23], [sflag:$0x4], $0x10, s9, s12, $0xb8;
	[tilespmem:$0xB800] =	vst v63  }
0x1fd: {  	s9 =	rddreg [dreg:$0x1e]  }
0x1fe: {  	[spmem:s3] =	stream.indirect.scatter.add.f32 [tilespmem:s24], [sflag:$0x4], $0x10, s8, s12, $0xb8;
	[tilespmem:$0xB800] =	vst v63  }
0x1ff: {  	s8 =	rddreg [dreg:$0x1f]  }
0x200: {  	[spmem:s3] =	stream.indirect.scatter.add.f32 [tilespmem:s25], [sflag:$0x4], $0x10, s9, s12, $0xb8;
	[tilespmem:$0xB800] =	vst v63  }
0x201: {  	s9 =	sld [smem:$0x7FA]  }
0x202: {  	[spmem:s3] =	stream.indirect.scatter.add.f32 [tilespmem:s26], [sflag:$0x4], $0x10, s8, s12, $0xb8;
	[tilespmem:$0xB800] =	vst v63  }
0x203: {  	s8 =	sld [smem:$0x7FB]  }
0x204: {  	[spmem:s3] =	stream.indirect.scatter.add.f32 [tilespmem:s28], [sflag:$0x4], $0x10, s9, s12, $0xb8;
	[tilespmem:$0xB800] =	vst v63  }
0x205: {  	_ = 	snop  }
0x206: {  	[spmem:s3] =	stream.indirect.scatter.add.f32 [tilespmem:s29], [sflag:$0x4], $0x10, s8, s12, $0xb8;
	[tilespmem:$0xB800] =	vst v63  }
0x207: {  	_ = 	snop  }
0x208: {  	[spmem:s3] =	stream.indirect.scatter.add.f32 [tilespmem:s30], [sflag:$0x4], $0x10, s0, s12, $0xb8;
	[tilespmem:$0xB800] =	vst v63  }
0x209: {  	_ =	swait.ge [sflag:s2], $0x800  }
0x20a: {  	[sflag:s2] =	ssyncset.done $0x0  }
0x20b: {  	[sflag:s2] =	ssyncadd.s32 $0xFFFFF800  }
0x20c: {  	_ =	swait.ge [sflag:s2], $0x800  }
0x20d: {  	[sflag:s2] =	ssyncset.done $0x0  }
0x20e: {  	[sflag:s2] =	ssyncadd.s32 $0xFFFFF800  }
0x20f: {  	_ =	swait.ge [sflag:s2], $0x800  }
0x210: {  	[sflag:s2] =	ssyncset.done $0x0  }
0x211: {  	[sflag:s2] =	ssyncadd.s32 $0xFFFFF800  }
0x212: {  	_ =	swait.ge [sflag:s2], $0x800  }
0x213: {  	[sflag:s2] =	ssyncset.done $0x0  }
0x214: {  	[sflag:s2] =	ssyncadd.s32 $0xFFFFF800  }
0x215: {  	_ =	swait.ge [sflag:s2], $0x800  }
0x216: {  	[sflag:s2] =	ssyncset.done $0x0  }
0x217: {  	[sflag:s2] =	ssyncadd.s32 $0xFFFFF800  }
0x218: {  	_ =	swait.ge [sflag:s2], $0x800  }
0x219: {  	[sflag:s2] =	ssyncset.done $0x0  }
0x21a: {  	[sflag:s2] =	ssyncadd.s32 $0xFFFFF800  }
0x21b: {  	_ =	swait.ge [sflag:s2], $0x800  }
0x21c: {  	[sflag:s2] =	ssyncset.done $0x0  }
0x21d: {  	[sflag:s2] =	ssyncadd.s32 $0xFFFFF800  }
0x21e: {  	_ =	swait.ge [sflag:s2], $0x800  }
0x21f: {  	[sflag:s2] =	ssyncset.done $0x0  }
0x220: {  	[sflag:s2] =	ssyncadd.s32 $0xFFFFF800  }
0x221: {  	[bflag:$0x0] =	sbarrier.arrive $0xFFFF  }
0x222: {  	s7 =	sld [smem:$0x7FC]  }
0x223: {  	s9 =	sld [smem:$0x7F8]  }
0x224: {  	s8 =	sld [smem:$0x7FD];
	_ =	sdelay $0x2  }
0x225: {  	[hbm:s9], [sflag:s7] =	dma.local [spmem:s8], $0x500  }
0x226: {  	_ =	swait.ge [sflag:s10], $0x500  }
0x227: {  	s6 =	sld [smem:$0x7F7];
	_ =	sdelay $0x2  }
0x228: {  	s9 =	sadd.s32 $0x1, s6;
	s6 =	sld [smem:$0x7F9];
	_ =	sdelay $0x2  }
0x229: {  	p0 =	sne.s32 s9, s6  }
.Ltmp1:
0x22a: {  	_ = 	snop;
	(pc) =	sbr.rel @p0 .LBB2_1-.Ltmp1, $3  }
0x22b: {  	_ =	sdelay $0x1  }
0x22c: {  	[sflag:s10] =	ssyncset.done $0x0  }
0x22d: {  	[sflag:s10] =	ssyncadd.s32 $0xFFFFFB00  }
0x22e: {  	_ =	sfence.sel $0x180000  }
0x22f: {  	[bflag:$0x0] =	sbarrier.arrive $0xFFFF  }
0x230: {  	_ =	strace $0x9000004D  }
0x231: {  	s0 =	stileid.u32;
	[bflag:$0x2] =	sbarrier.arrive $0xFFFF  }
0x232: {  	p0 =	sne.s32 s0, $0x0;
	s0 =	rddreg [dreg:$0x3]  }
0x233: {  	s0 =	sadd.s32 @!p0 $0x100000, s0  }
0x234: {  	[sflag:s0] =	ssyncadd.tile.s32 @!p0 $0x1;
	_ =	shalt  }
.Lfunc_end2:
_tile_overlayer_lowered:
.L_overlay_start_2:
0x235: {  	(tag) =	ssettag $0x2  }
0x236: {  	s0 =	rddreg [dreg:$0x0];
	s2 =	stileid.u32  }
0x237: {  	s1 =	rddreg [dreg:$0x1];
	p0 =	sne.s32 s2, $0x0  }
0x238: {  	s3 =	rddreg [dreg:$0x2];
	[bflag:$0x3] =	sbarrier.arrive $0xFFFF;
	s2 =	simm.s32 @!p0 $0x1C05  }
0x239: {  	[timem:s3], [sflag:s2] =	dma.local @!p0 [hbm:s0], s1  }
0x23a: {  	s0 =	simm.s32 @!p0 $0x5  }
0x23b: {  	_ =	swait.ge @!p0 [sflag:s0], s1  }
0x23c: {  	s1 =	ssub.s32 @!p0 $0x0, s1;
	[sflag:s0] =	ssyncset.done @!p0 $0x0  }
0x23d: {  	[sflag:s0] =	ssyncadd.s32 @!p0 s1  }
0x23e: {  	[bflag:$0x3] =	sbarrier.arrive $0xFFFF  }
0x23f: {  	_ =	shalt  }

// kernel: kernel.8.cloned.1.call-start
scs
__scs_entry_jumppad:
0x0: {  	(pc) =	sbr.rel $0x88, $3  }
0x1: {  	(tag) =	ssettag $0x0;
	lr =	simm.s32 $0x1  }
0x2: {  	[smem:$0x3F9B] =	sst lr;
	_ =	strace $0xD0000000  }
0x3: {  	_ = 	snop  }
0x4: {  	_ = 	snop  }
0x5: {  	_ = 	snop  }
0x6: {  	_ = 	snop  }
0x7: {  	_ = 	snop  }
__scs_overlays_trampoline_lowered:
0x8: {  	[smem:$0x3FAA] =	sst s0  }
0x9: {  	[smem:$0x3FAB] =	sst s1  }
0xa: {  	[smem:$0x3FAC] =	sst s2  }
0xb: {  	[smem:$0x3FAD] =	sst s3  }
0xc: {  	[smem:$0x3FAE] =	sst s4  }
0xd: {  	[smem:$0x3FAF] =	sst s5  }
0xe: {  	[smem:$0x3FB0] =	sst s6  }
0xf: {  	[smem:$0x3FB1] =	sst s7  }
0x10: {  	[smem:$0x3FB2] =	sst s8  }
0x11: {  	[smem:$0x3FB3] =	sst s9;
	s0 =	simm.s32 @!p0 $0x0  }
0x12: {  	s1 =	sld [smem:$0x3F99];
	s0 =	simm.s32 @p0 $0x1  }
0x13: {  	[smem:$0x3FB4] =	sst s0;
	s0 =	simm.s32 @!p1 $0x0  }
0x14: {  	s2 =	sld [smem:$0x3F98];
	s0 =	simm.s32 @p1 $0x1  }
0x15: {  	[smem:$0x3FB5] =	sst s0;
	s0 =	simm.s32 @!p2 $0x0  }
0x16: {  	s3 =	sld [smem:$0x3FDB];
	s0 =	simm.s32 @p2 $0x1  }
0x17: {  	s4 =	simm.s32 $0x1BF5;
	[smem:$0x3FB7] =	sst s0  }
0x18: {  	s0 =	sld [smem:$0x3F9A];
	_ =	swait.ge [sflag:s4], $0x0  }
0x19: {  	s7 =	sld [smem:$0x3F9B]  }
0x1a: {  	s8 =	sadd.s32 $0xFFFFE003, lr  }
0x1b: {  	s9 =	sadd.s32 $0xFFFFFEF7, lr;
	s5 =	simm.s32 $0xFFFFFFFF;
	p2 =	slt.u32 s8, $0xFFFFF086  }
0x1c: {  	p1 =	slt.u32 s9, $0xF7A;
	s5 =	simm.s32 @!p2 $0x0  }
0x1d: {  	s5 =	simm.s32 @p1 $0x1;
	p0 =	seq.s32 s7, s2  }
0x1e: {  	s7 =	smul.u32 @!p0 $0xF7A, s2;
	p2 =	seq.s32 @!p0 s5, $0x0  }
0x1f: {  	s9 =	smul.u32 $0xF7A, s1;
	s8 =	simm.s32 @!p0 $0x1BF5;
	p2 =	por !p2, p0  }
0x20: {  	[sflag:s8] =	ssyncset.s32 @!p0 $0xFFFFF086;
	s6 =	sadd.s32 @!p0 s3, s7;
	s7 =	simm.s32 @!p0 $0x108  }
0x21: {  	s3 =	sadd.s32 s3, s9;
	s6 =	sadd.s32 @!p0 $0x88, s6;
	s7 =	simm.s32 @p2 $0x1082  }
0x22: {  	[simem:s7], [sflag:s8] =	dma.local @!p0 [hbm:s6], $0xF7A  }
0x23: {  	s9 =	sor.u32 $0xD0000000, s2;
	s6 =	simm.s32 $0x108;
	_ =	swait.ge @!p0 [sflag:s8], $0x0  }
0x24: {  	s3 =	sadd.s32 $0x88, s3;
	s6 =	simm.s32 @!p1 $0x1082;
	[sflag:s4] =	ssyncset.s32 $0xFFFFF086  }
0x25: {  	[simem:s6], [sflag:s4] =	dma.local [hbm:s3], $0xF7A  }
0x26: {  	[smem:$0x3F9B] =	sst s1;
	(tag) =	ssettag s2;
	_ =	strace s9  }
0x27: {  	s1 =	sld [smem:$0x3FAB]  }
0x28: {  	s2 =	sld [smem:$0x3FAC]  }
0x29: {  	s4 =	sld [smem:$0x3FAE]  }
0x2a: {  	p0 =	seq.s32 s5, $0x0;
	s5 =	sld [smem:$0x3FAF]  }
0x2b: {  	s6 =	sld [smem:$0x3FB0]  }
0x2c: {  	s7 =	sld [smem:$0x3FB1]  }
0x2d: {  	s3 =	simm.s32 $0x108;
	s8 =	sld [smem:$0x3FB2]  }
0x2e: {  	s3 =	simm.s32 @!p0 $0x1082;
	s9 =	sld [smem:$0x3FB3]  }
0x2f: {  	lr =	sadd.s32 s0, s3;
	s0 =	sld [smem:$0x3FAA]  }
0x30: {  	s3 =	sld [smem:$0x3FAD]  }
0x31: {  	[smem:$0x3FB6] =	sst s10  }
0x32: {  	s10 =	sld [smem:$0x3FB4];
	_ =	sdelay $0x3  }
0x33: {  	p0 =	seq.s32 s10, $0x1;
	s10 =	sld [smem:$0x3FB6];
	_ =	sdelay $0x3  }
0x34: {  	[smem:$0x3FB6] =	sst s10  }
0x35: {  	s10 =	sld [smem:$0x3FB5];
	_ =	sdelay $0x3  }
0x36: {  	p1 =	seq.s32 s10, $0x1;
	s10 =	sld [smem:$0x3FB6];
	_ =	sdelay $0x3  }
0x37: {  	[smem:$0x3FB6] =	sst s10  }
0x38: {  	s10 =	sld [smem:$0x3FB7]  }
0x39: {  	_ = 	snop;
	(pc) =	sbr.ind lr, $3  }
0x3a: {  	_ = 	snop  }
0x3b: {  	_ = 	snop  }
0x3c: {  	p2 =	seq.s32 s10, $0x1;
	s10 =	sld [smem:$0x3FB6]  }
0x3d: {  	_ =	shalt  }
0x3e: {  	_ =	shalt  }
0x3f: {  	_ =	shalt  }
0x40: {  	_ =	shalt  }
0x41: {  	_ =	shalt  }
0x42: {  	_ =	shalt  }
0x43: {  	_ =	shalt  }
0x44: {  	_ =	shalt  }
0x45: {  	_ =	shalt  }
0x46: {  	_ =	shalt  }
0x47: {  	_ =	shalt  }
0x48: {  	_ =	shalt  }
0x49: {  	_ =	shalt  }
0x4a: {  	_ =	shalt  }
0x4b: {  	_ =	shalt  }
0x4c: {  	_ =	shalt  }
0x4d: {  	_ =	shalt  }
0x4e: {  	_ =	shalt  }
0x4f: {  	_ =	shalt  }
0x50: {  	_ =	shalt  }
0x51: {  	_ =	shalt  }
0x52: {  	_ =	shalt  }
0x53: {  	_ =	shalt  }
0x54: {  	_ =	shalt  }
0x55: {  	_ =	shalt  }
0x56: {  	_ =	shalt  }
0x57: {  	_ =	shalt  }
0x58: {  	_ =	shalt  }
0x59: {  	_ =	shalt  }
0x5a: {  	_ =	shalt  }
0x5b: {  	_ =	shalt  }
0x5c: {  	_ =	shalt  }
0x5d: {  	_ =	shalt  }
0x5e: {  	_ =	shalt  }
0x5f: {  	_ =	shalt  }
0x60: {  	_ =	shalt  }
0x61: {  	_ =	shalt  }
0x62: {  	_ =	shalt  }
0x63: {  	_ =	shalt  }
0x64: {  	_ =	shalt  }
0x65: {  	_ =	shalt  }
0x66: {  	_ =	shalt  }
0x67: {  	_ =	shalt  }
0x68: {  	_ =	shalt  }
0x69: {  	_ =	shalt  }
0x6a: {  	_ =	shalt  }
0x6b: {  	_ =	shalt  }
0x6c: {  	_ =	shalt  }
0x6d: {  	_ =	shalt  }
0x6e: {  	_ =	shalt  }
0x6f: {  	_ =	shalt  }
0x70: {  	_ =	shalt  }
0x71: {  	_ =	shalt  }
0x72: {  	_ =	shalt  }
0x73: {  	_ =	shalt  }
0x74: {  	_ =	shalt  }
0x75: {  	_ =	shalt  }
0x76: {  	_ =	shalt  }
0x77: {  	_ =	shalt  }
0x78: {  	_ =	shalt  }
0x79: {  	_ =	shalt  }
0x7a: {  	_ =	shalt  }
0x7b: {  	_ =	shalt  }
0x7c: {  	_ =	shalt  }
0x7d: {  	_ =	shalt  }
0x7e: {  	_ =	shalt  }
0x7f: {  	_ =	shalt  }
0x80: {  	_ =	shalt  }
0x81: {  	_ =	shalt  }
0x82: {  	_ =	shalt  }
0x83: {  	_ =	shalt  }
0x84: {  	_ =	shalt  }
0x85: {  	_ =	shalt  }
0x86: {  	_ =	shalt  }
0x87: {  	_ =	shalt  }
.Lfunc_end0:
.L_simem_size_0:
called_computation_lowered:
.L_overlay_start_0:
0x88: {  	s2 =	sld [smem:$0x3FD9]  }
0x89: {  	s3 =	sld [smem:$0x3FFE];
	_ =	sdelay $0x1  }
0x8a: {  	s1 =	srdreg.scid  }
0x8b: {  	s0 =	sand.u32 $0x1, s1  }
0x8c: {  	s17 =	sshll.u32 s0, $0xA;
	s2 =	sadd.s32 s3, s2  }
0x8d: {  	s2 =	sadd.s32 s2, s17  }
0x8e: {  	[smem:$0x3FC2] =	sst s2  }
0x8f: {  	_ = 	snop  }
0x90: {  	s2 =	sld [smem:$0x3FD0];
	(tm) =	ssettm $0x1  }
0x91: {  	s18 =	sld [smem:$0x3FFB];
	_ =	sdelay $0x3  }
0x92: {  	_ =	strace s18  }
0x93: {  	s3 =	sld [smem:$0x3FFC];
	_ =	sdelay $0x3  }
0x94: {  	_ =	strace s3  }
0x95: {  	s3 =	sld [smem:$0x3FFD];
	_ =	sdelay $0x3  }
0x96: {  	_ =	strace s3  }
0x97: {  	_ =	strace $0x8FFFFFFF  }
0x98: {  	s19 =	sld [smem:$0x3FDB];
	_ =	sdelay $0x1  }
0x99: {  	s4 =	simm.s32 $_scs_section_size  }
0x9a: {  	s5 =	simm.s32 $_size__tile_overlayer_lowered;
	s6 =	simm.s32 $_tile_overlayer_lowered  }
0x9b: {  	s22 =	simm.s32 $0x1BFF;
	s21 =	sshll.u32 s6, $0x1;
	s3 =	sadd.s32 s4, s19  }
0x9c: {  	s7 =	simm.s32 $0x0;
	s20 =	sshll.u32 s5, $0x1;
	s5 =	sadd.s32 s21, s3  }
0x9d: {  	[timem:s7], [sflag:s22] =	dma.local [hbm:s5], s20  }
0x9e: {  	_ =	swait.ge [sflag:s22], s20  }
0x9f: {  	s4 =	ssub.s32 $0x0, s20;
	[sflag:s22] =	ssyncset.done $0x0  }
0xa0: {  	[sflag:s22] =	ssyncadd.s32 s4;
	_ =	sdelay $0x1  }
0xa1: {  	s23 =	simm.s32 $0x1B8B  }
0xa2: {  	_ =	swait.ge [sflag:s23], $0x1  }
0xa3: {  	[sflag:s23] =	ssyncset.done $0x0  }
0xa4: {  	s25 =	simm.s32 $0x1B8E;
	s24 =	sld [smem:$0x3FFE];
	[sflag:s23] =	ssyncadd.s32 $0xFFFFFFFF  }
0xa5: {  	s26 =	simm.s32 $execute0_lowered;
	[smem:$0x3FD2] =	sst s25  }
0xa6: {  	s5 =	sshll.u32 s26, $0x1;
	_ =	strace $0x80000046;
	[dreg:$0x1] =	wrdreg $0xFFFFFFFF  }
0xa7: {  	s28 =	simm.s32 $_size_execute0_lowered;
	s3 =	sadd.s32 s3, s5;
	[dreg:$0x0] =	wrdreg $0x0  }
0xa8: {  	s5 =	sshll.u32 s28, $0x1;
	[dreg:$0x2] =	wrdreg s3  }
0xa9: {  	[dreg:$0x3] =	wrdreg s5  }
0xaa: {  	[dreg:$0x4] =	wrdreg $0xC0  }
0xab: {  	_ =	task [dreg:s7], $0x5FFFF  }
0xac: {  	[dreg:$0x1] =	wrdreg $0xFFFFFFFF  }
0xad: {  	[dreg:$0x0] =	wrdreg $0x60  }
0xae: {  	[dreg:$0x2] =	wrdreg s24  }
0xaf: {  	[dreg:$0x3] =	wrdreg s2  }
0xb0: {  	[dreg:$0x4] =	wrdreg $0x8800  }
0xb1: {  	[dreg:$0x5] =	wrdreg $0x9  }
0xb2: {  	_ =	task.clear_ibuf [dreg:s7], $0x6FFFF;
	_ =	strace $0x90000046  }
0xb3: {  	s29 =	simm.s32 $0x9;
	_ =	strace $0x80000048  }
0xb4: {  	_ =	swait.ge [sflag:s29], $0x1  }
0xb5: {  	[sflag:s29] =	ssyncadd.s32 $0xFFFFFFFF  }
0xb6: {  	_ =	strace $0x90000048  }
0xb7: {  	_ =	sfence  }
0xb8: {  	s30 =	sld [smem:$0x0];
	_ =	sdelay $0x2  }
0xb9: {  	s31 =	sshll.u32 s1, $0xD;
	s1 =	sshrl.u32 s1, $0x2  }
0xba: {  	s3 =	sand.u32 $0x4000, s31;
	s1 =	sadd.s32 s1, s30  }
0xbb: {  	s0 =	sor.u32 s3, s0;
	s1 =	sshll.u32 s1, $0x11  }
0xbc: {  	s0 =	sor.u32 s1, s0  }
0xbd: {  	s0 =	sadd.s32 $0x8F2B, s0  }
0xbe: {  	[sflag:s0] =	ssyncadd.remote.s32 $0x1  }
0xbf: {  	_ =	sfence.sel $0xFFFF  }
0xc0: {  	[dreg:$0x0] =	wrdreg $0xFFFFFFFF;
	(pc) =	sbr.abs _section_cstart, $3  }
0xc1: {  	[dreg:$0x1] =	wrdreg $0xFFFFFFFF  }
0xc2: {  	_ =	task.clear_ibuf [dreg:s7], $0x2FFFF;
	_ =	strace $0x9FFFFFFF  }
0xc3: {  	(tm) =	ssettm $0x7FFFFFFF  }
tec
execute0_lowered:
.L_overlay_start_1:
0x0: {  	(tag) =	ssettag $0x1  }
0x1: {  	s0 =	rddreg [dreg:$0x0];
	s1 =	srdreg.scid  }
0x2: {  	s7 =	stileid.u32;
	s3 =	rddreg [dreg:$0x2];
	s4 =	simm.s32 $0x0  }
0x3: {  	s10 =	simm.s32 $0x2;
	s11 =	simm.s32 $0x80;
	s12 =	simm.s32 $0x800  }
0x4: {  	s13 =	simm.s32 $0x100;
	s14 =	simm.s32 $0x180;
	s15 =	simm.s32 $0x200  }
0x5: {  	s16 =	simm.s32 $0x280;
	s17 =	simm.s32 $0x300;
	s18 =	simm.s32 $0x380  }
0x6: {  	s19 =	simm.s32 $0x1;
	s20 =	simm.s32 $0x400;
	s21 =	simm.s32 $0x480  }
0x7: {  	s22 =	simm.s32 $0x500;
	s28 =	simm.s32 $0x780;
	s5 =	smul.u32 $0x2800, s7  }
0x8: {  	s30 =	simm.s32 $0x10;
	s31 =	simm.s32 $0x0;
	s6 =	smul.u32 $0x500, s7  }
0x9: {  	s1 =	sand.u32 $0x1, s1;
	[smem:$0x7FF] =	sst s4;
	s24 =	smul.u32 $0xA00, s7  }
0xa: {  	s2 =	smul.u32 $0x28000, s1;
	s23 =	sshll.u32 s1, $0x7;
	s1 =	ssub.s32 $0x2, s1  }
0xb: {  	s29 =	sshll.u32 s7, $0x6;
	_ =	strace $0x80000047;
	s25 =	sshrl.u32 s1, $0x1  }
0xc: {  	s26 =	sshrl.u32 s24, $0x2;
	s24 =	simm.s32 $0x600;
	s2 =	sadd.s32 s5, s2  }
0xd: {  	s5 =	sor.u32 s23, s6;
	s1 =	ssub.s32 s1, s25;
	s9 =	sadd.s32 s26, s3  }
0xe: {  	s23 =	simm.s32 $0x580;
	s25 =	simm.s32 $0x680;
	s26 =	simm.s32 $0x700  }
0xf: {  	s2 =	sshrl.u32 s2, $0x3;
	s5 =	sshrl.u32 s5, $0x3;
	s7 =	smax.u32 s1, $0x1  }
0x10: {  	s9 =	sshrl.u32 s9, $0x3;
	s2 =	sadd.s32 s2, s0;
	s0 =	sadd.s32 s5, s0  }
0x11: {  	v0 =	vimm.f32 $1.000000000e+00;
	s5 =	sor.u32 $0x1C02, s29;
	s6 =	sadd.s32 $0x1F200, s0;
	s8 =	sadd.s32 $0x1200, s2  }
.LBB2_1:
0x12: {  	[tilespmem:$0x800] =	vst v0  }
0x13: {  	[tilespmem:$0x810] =	vst v0  }
0x14: {  	[tilespmem:$0x820] =	vst v0  }
0x15: {  	[tilespmem:$0x830] =	vst v0  }
0x16: {  	[tilespmem:$0x840] =	vst v0  }
0x17: {  	[tilespmem:$0x850] =	vst v0  }
0x18: {  	[tilespmem:$0x860] =	vst v0  }
0x19: {  	[tilespmem:$0x870] =	vst v0;
	s0 =	rddreg [dreg:$0x1]  }
0x1a: {  	[spmem:s9], [sflag:s5] =	dma.local [hbm:s0], $0x50  }
0x1b: {  	_ =	swait.ge [sflag:s10], $0x50  }
0x1c: {  	[sflag:s10] =	ssyncset.done $0x0  }
0x1d: {  	[sflag:s10] =	ssyncadd.s32 $0xFFFFFFB0  }
0x1e: {  	s29 =	sadd.s32 $0x0, s8;
	[bflag:$0x0] =	sbarrier.arrive $0xFFFF  }
0x1f: {  	[tilespmem:s4], [sflag:$0x2] =	stream.linear.gather [hbm4b:s29+s4], $0x800, $0x38;
	[tilespmem:$0xB00] =	vst v63  }
0x20: {  	_ =	swait.ge [sflag:s10], $0x800  }
0x21: {  	[sflag:s10] =	ssyncset.done $0x0  }
0x22: {  	[sflag:s10] =	ssyncadd.s32 $0xFFFFF800  }
0x23: {  	[spmem:s3] =	stream.indirect.scatter.add.f32 [tilespmem:s12], [sflag:$0x1], $0x1, s4, s11, $0xb8;
	[tilespmem:$0xB00] =	vst v63  }
0x24: {  	_ = 	snop  }
0x25: {  	[spmem:s3] =	stream.indirect.scatter.add.f32 [tilespmem:s12], [sflag:$0x1], $0x1, s11, s11, $0xb8;
	[tilespmem:$0xB00] =	vst v63  }
0x26: {  	_ = 	snop  }
0x27: {  	[spmem:s3] =	stream.indirect.scatter.add.f32 [tilespmem:s12], [sflag:$0x1], $0x1, s13, s11, $0xb8;
	[tilespmem:$0xB00] =	vst v63  }
0x28: {  	_ = 	snop  }
0x29: {  	[spmem:s3] =	stream.indirect.scatter.add.f32 [tilespmem:s12], [sflag:$0x1], $0x1, s14, s11, $0xb8;
	[tilespmem:$0xB00] =	vst v63  }
0x2a: {  	_ = 	snop  }
0x2b: {  	[spmem:s3] =	stream.indirect.scatter.add.f32 [tilespmem:s12], [sflag:$0x1], $0x1, s15, s11, $0xb8;
	[tilespmem:$0xB00] =	vst v63  }
0x2c: {  	_ = 	snop  }
0x2d: {  	[spmem:s3] =	stream.indirect.scatter.add.f32 [tilespmem:s12], [sflag:$0x1], $0x1, s16, s11, $0xb8;
	[tilespmem:$0xB00] =	vst v63  }
0x2e: {  	_ = 	snop  }
0x2f: {  	[spmem:s3] =	stream.indirect.scatter.add.f32 [tilespmem:s12], [sflag:$0x1], $0x1, s17, s11, $0xb8;
	[tilespmem:$0xB00] =	vst v63  }
0x30: {  	_ = 	snop  }
0x31: {  	[spmem:s3] =	stream.indirect.scatter.add.f32 [tilespmem:s12], [sflag:$0x1], $0x1, s18, s11, $0xb8;
	[tilespmem:$0xB00] =	vst v63  }
0x32: {  	_ =	swait.ge [sflag:s19], $0x80  }
0x33: {  	[sflag:s19] =	ssyncset.done $0x0  }
0x34: {  	[sflag:s19] =	ssyncadd.s32 $0xFFFFFF80  }
0x35: {  	_ =	swait.ge [sflag:s19], $0x80  }
0x36: {  	[sflag:s19] =	ssyncset.done $0x0  }
0x37: {  	[sflag:s19] =	ssyncadd.s32 $0xFFFFFF80  }
0x38: {  	_ =	swait.ge [sflag:s19], $0x80  }
0x39: {  	[sflag:s19] =	ssyncset.done $0x0  }
0x3a: {  	[sflag:s19] =	ssyncadd.s32 $0xFFFFFF80  }
0x3b: {  	_ =	swait.ge [sflag:s19], $0x80  }
0x3c: {  	[sflag:s19] =	ssyncset.done $0x0  }
0x3d: {  	[sflag:s19] =	ssyncadd.s32 $0xFFFFFF80  }
0x3e: {  	_ =	swait.ge [sflag:s19], $0x80  }
0x3f: {  	[sflag:s19] =	ssyncset.done $0x0  }
0x40: {  	[sflag:s19] =	ssyncadd.s32 $0xFFFFFF80  }
0x41: {  	_ =	swait.ge [sflag:s19], $0x80  }
0x42: {  	[sflag:s19] =	ssyncset.done $0x0  }
0x43: {  	[sflag:s19] =	ssyncadd.s32 $0xFFFFFF80  }
0x44: {  	_ =	swait.ge [sflag:s19], $0x80  }
0x45: {  	[sflag:s19] =	ssyncset.done $0x0  }
0x46: {  	[sflag:s19] =	ssyncadd.s32 $0xFFFFFF80  }
0x47: {  	_ =	swait.ge [sflag:s19], $0x80  }
0x48: {  	[sflag:s19] =	ssyncset.done $0x0  }
0x49: {  	[sflag:s19] =	ssyncadd.s32 $0xFFFFFF80  }
0x4a: {  	[spmem:s3] =	stream.indirect.scatter.add.f32 [tilespmem:s12], [sflag:$0x1], $0x1, s20, s11, $0xb8;
	[tilespmem:$0xB00] =	vst v63  }
0x4b: {  	_ = 	snop  }
0x4c: {  	[spmem:s3] =	stream.indirect.scatter.add.f32 [tilespmem:s12], [sflag:$0x1], $0x1, s21, s11, $0xb8;
	[tilespmem:$0xB00] =	vst v63  }
0x4d: {  	_ = 	snop  }
0x4e: {  	[spmem:s3] =	stream.indirect.scatter.add.f32 [tilespmem:s12], [sflag:$0x1], $0x1, s22, s11, $0xb8;
	[tilespmem:$0xB00] =	vst v63  }
0x4f: {  	_ = 	snop  }
0x50: {  	[spmem:s3] =	stream.indirect.scatter.add.f32 [tilespmem:s12], [sflag:$0x1], $0x1, s23, s11, $0xb8;
	[tilespmem:$0xB00] =	vst v63  }
0x51: {  	_ = 	snop  }
0x52: {  	[spmem:s3] =	stream.indirect.scatter.add.f32 [tilespmem:s12], [sflag:$0x1], $0x1, s24, s11, $0xb8;
	[tilespmem:$0xB00] =	vst v63  }
0x53: {  	_ = 	snop  }
0x54: {  	[spmem:s3] =	stream.indirect.scatter.add.f32 [tilespmem:s12], [sflag:$0x1], $0x1, s25, s11, $0xb8;
	[tilespmem:$0xB00] =	vst v63  }
0x55: {  	_ = 	snop  }
0x56: {  	[spmem:s3] =	stream.indirect.scatter.add.f32 [tilespmem:s12], [sflag:$0x1], $0x1, s26, s11, $0xb8;
	[tilespmem:$0xB00] =	vst v63  }
0x57: {  	_ = 	snop  }
0x58: {  	[spmem:s3] =	stream.indirect.scatter.add.f32 [tilespmem:s12], [sflag:$0x1], $0x1, s28, s11, $0xb8;
	[tilespmem:$0xB00] =	vst v63  }
0x59: {  	_ =	swait.ge [sflag:s19], $0x80  }
0x5a: {  	[sflag:s19] =	ssyncset.done $0x0  }
0x5b: {  	[sflag:s19] =	ssyncadd.s32 $0xFFFFFF80  }
0x5c: {  	_ =	swait.ge [sflag:s19], $0x80  }
0x5d: {  	[sflag:s19] =	ssyncset.done $0x0  }
0x5e: {  	[sflag:s19] =	ssyncadd.s32 $0xFFFFFF80  }
0x5f: {  	_ =	swait.ge [sflag:s19], $0x80  }
0x60: {  	[sflag:s19] =	ssyncset.done $0x0  }
0x61: {  	[sflag:s19] =	ssyncadd.s32 $0xFFFFFF80  }
0x62: {  	_ =	swait.ge [sflag:s19], $0x80  }
0x63: {  	[sflag:s19] =	ssyncset.done $0x0  }
0x64: {  	[sflag:s19] =	ssyncadd.s32 $0xFFFFFF80  }
0x65: {  	_ =	swait.ge [sflag:s19], $0x80  }
0x66: {  	[sflag:s19] =	ssyncset.done $0x0  }
0x67: {  	[sflag:s19] =	ssyncadd.s32 $0xFFFFFF80  }
0x68: {  	_ =	swait.ge [sflag:s19], $0x80  }
0x69: {  	[sflag:s19] =	ssyncset.done $0x0  }
0x6a: {  	[sflag:s19] =	ssyncadd.s32 $0xFFFFFF80  }
0x6b: {  	_ =	swait.ge [sflag:s19], $0x80  }
0x6c: {  	[sflag:s19] =	ssyncset.done $0x0  }
0x6d: {  	[sflag:s19] =	ssyncadd.s32 $0xFFFFFF80  }
0x6e: {  	_ =	swait.ge [sflag:s19], $0x80  }
0x6f: {  	s1 =	simm.s32 $0x100;
	s0 =	simm.s32 $0x200;
	[sflag:s19] =	ssyncset.done $0x0  }
.LBB2_2:
0x70: {  	s29 =	sadd.s32 s1, s8  }
0x71: {  	[sflag:s19] =	ssyncadd.s32 $0xFFFFFF80;
	s1 =	smov.u32 s0;
	s2 =	sadd.s32 $0x100, s0  }
0x72: {  	[tilespmem:s4], [sflag:$0x2] =	stream.linear.gather [hbm4b:s29+s4], $0x800, $0x38;
	[tilespmem:$0xB00] =	vst v63  }
0x73: {  	p0 =	sne.s32 s0, $0x400;
	_ =	swait.ge [sflag:s10], $0x800  }
0x74: {  	[sflag:s10] =	ssyncset.done $0x0  }
0x75: {  	[sflag:s10] =	ssyncadd.s32 $0xFFFFF800  }
0x76: {  	[spmem:s3] =	stream.indirect.scatter.add.f32 [tilespmem:s12], [sflag:$0x1], $0x1, s4, s11, $0xb8;
	[tilespmem:$0xB00] =	vst v63  }
0x77: {  	_ = 	snop  }
0x78: {  	[spmem:s3] =	stream.indirect.scatter.add.f32 [tilespmem:s12], [sflag:$0x1], $0x1, s11, s11, $0xb8;
	[tilespmem:$0xB00] =	vst v63  }
0x79: {  	_ = 	snop  }
0x7a: {  	[spmem:s3] =	stream.indirect.scatter.add.f32 [tilespmem:s12], [sflag:$0x1], $0x1, s13, s11, $0xb8;
	[tilespmem:$0xB00] =	vst v63  }
0x7b: {  	_ = 	snop  }
0x7c: {  	[spmem:s3] =	stream.indirect.scatter.add.f32 [tilespmem:s12], [sflag:$0x1], $0x1, s14, s11, $0xb8;
	[tilespmem:$0xB00] =	vst v63  }
0x7d: {  	_ = 	snop  }
0x7e: {  	[spmem:s3] =	stream.indirect.scatter.add.f32 [tilespmem:s12], [sflag:$0x1], $0x1, s15, s11, $0xb8;
	[tilespmem:$0xB00] =	vst v63  }
0x7f: {  	_ = 	snop  }
0x80: {  	[spmem:s3] =	stream.indirect.scatter.add.f32 [tilespmem:s12], [sflag:$0x1], $0x1, s16, s11, $0xb8;
	[tilespmem:$0xB00] =	vst v63  }
0x81: {  	_ = 	snop  }
0x82: {  	[spmem:s3] =	stream.indirect.scatter.add.f32 [tilespmem:s12], [sflag:$0x1], $0x1, s17, s11, $0xb8;
	[tilespmem:$0xB00] =	vst v63  }
0x83: {  	_ = 	snop  }
0x84: {  	[spmem:s3] =	stream.indirect.scatter.add.f32 [tilespmem:s12], [sflag:$0x1], $0x1, s18, s11, $0xb8;
	[tilespmem:$0xB00] =	vst v63  }
0x85: {  	_ =	swait.ge [sflag:s19], $0x80  }
0x86: {  	[sflag:s19] =	ssyncset.done $0x0  }
0x87: {  	[sflag:s19] =	ssyncadd.s32 $0xFFFFFF80  }
0x88: {  	_ =	swait.ge [sflag:s19], $0x80  }
0x89: {  	[sflag:s19] =	ssyncset.done $0x0  }
0x8a: {  	[sflag:s19] =	ssyncadd.s32 $0xFFFFFF80  }
0x8b: {  	_ =	swait.ge [sflag:s19], $0x80  }
0x8c: {  	[sflag:s19] =	ssyncset.done $0x0  }
0x8d: {  	[sflag:s19] =	ssyncadd.s32 $0xFFFFFF80  }
0x8e: {  	_ =	swait.ge [sflag:s19], $0x80  }
0x8f: {  	[sflag:s19] =	ssyncset.done $0x0  }
0x90: {  	[sflag:s19] =	ssyncadd.s32 $0xFFFFFF80  }
0x91: {  	_ =	swait.ge [sflag:s19], $0x80  }
0x92: {  	[sflag:s19] =	ssyncset.done $0x0  }
0x93: {  	[sflag:s19] =	ssyncadd.s32 $0xFFFFFF80  }
0x94: {  	_ =	swait.ge [sflag:s19], $0x80  }
0x95: {  	[sflag:s19] =	ssyncset.done $0x0  }
0x96: {  	[sflag:s19] =	ssyncadd.s32 $0xFFFFFF80  }
0x97: {  	_ =	swait.ge [sflag:s19], $0x80  }
0x98: {  	[sflag:s19] =	ssyncset.done $0x0  }
0x99: {  	[sflag:s19] =	ssyncadd.s32 $0xFFFFFF80  }
0x9a: {  	_ =	swait.ge [sflag:s19], $0x80  }
0x9b: {  	[sflag:s19] =	ssyncset.done $0x0  }
0x9c: {  	[sflag:s19] =	ssyncadd.s32 $0xFFFFFF80  }
0x9d: {  	[spmem:s3] =	stream.indirect.scatter.add.f32 [tilespmem:s12], [sflag:$0x1], $0x1, s20, s11, $0xb8;
	[tilespmem:$0xB00] =	vst v63  }
0x9e: {  	_ = 	snop  }
0x9f: {  	[spmem:s3] =	stream.indirect.scatter.add.f32 [tilespmem:s12], [sflag:$0x1], $0x1, s21, s11, $0xb8;
	[tilespmem:$0xB00] =	vst v63  }
0xa0: {  	_ = 	snop  }
0xa1: {  	[spmem:s3] =	stream.indirect.scatter.add.f32 [tilespmem:s12], [sflag:$0x1], $0x1, s22, s11, $0xb8;
	[tilespmem:$0xB00] =	vst v63  }
0xa2: {  	_ = 	snop  }
0xa3: {  	[spmem:s3] =	stream.indirect.scatter.add.f32 [tilespmem:s12], [sflag:$0x1], $0x1, s23, s11, $0xb8;
	[tilespmem:$0xB00] =	vst v63  }
0xa4: {  	_ = 	snop  }
0xa5: {  	[spmem:s3] =	stream.indirect.scatter.add.f32 [tilespmem:s12], [sflag:$0x1], $0x1, s24, s11, $0xb8;
	[tilespmem:$0xB00] =	vst v63  }
0xa6: {  	_ = 	snop  }
0xa7: {  	[spmem:s3] =	stream.indirect.scatter.add.f32 [tilespmem:s12], [sflag:$0x1], $0x1, s25, s11, $0xb8;
	[tilespmem:$0xB00] =	vst v63  }
0xa8: {  	_ = 	snop  }
0xa9: {  	[spmem:s3] =	stream.indirect.scatter.add.f32 [tilespmem:s12], [sflag:$0x1], $0x1, s26, s11, $0xb8;
	[tilespmem:$0xB00] =	vst v63  }
0xaa: {  	_ = 	snop  }
0xab: {  	[spmem:s3] =	stream.indirect.scatter.add.f32 [tilespmem:s12], [sflag:$0x1], $0x1, s28, s11, $0xb8;
	[tilespmem:$0xB00] =	vst v63  }
0xac: {  	_ =	swait.ge [sflag:s19], $0x80  }
0xad: {  	[sflag:s19] =	ssyncset.done $0x0  }
0xae: {  	[sflag:s19] =	ssyncadd.s32 $0xFFFFFF80  }
0xaf: {  	_ =	swait.ge [sflag:s19], $0x80  }
0xb0: {  	[sflag:s19] =	ssyncset.done $0x0  }
0xb1: {  	[sflag:s19] =	ssyncadd.s32 $0xFFFFFF80  }
0xb2: {  	_ =	swait.ge [sflag:s19], $0x80  }
0xb3: {  	[sflag:s19] =	ssyncset.done $0x0  }
0xb4: {  	[sflag:s19] =	ssyncadd.s32 $0xFFFFFF80  }
0xb5: {  	_ =	swait.ge [sflag:s19], $0x80  }
0xb6: {  	[sflag:s19] =	ssyncset.done $0x0  }
0xb7: {  	[sflag:s19] =	ssyncadd.s32 $0xFFFFFF80  }
0xb8: {  	_ =	swait.ge [sflag:s19], $0x80  }
0xb9: {  	[sflag:s19] =	ssyncset.done $0x0  }
0xba: {  	[sflag:s19] =	ssyncadd.s32 $0xFFFFFF80  }
0xbb: {  	_ =	swait.ge [sflag:s19], $0x80  }
0xbc: {  	[sflag:s19] =	ssyncset.done $0x0  }
0xbd: {  	[sflag:s19] =	ssyncadd.s32 $0xFFFFFF80  }
.Ltmp0:
0xbe: {  	_ =	swait.ge [sflag:s19], $0x80;
	(pc) =	sbr.rel @p0 .LBB2_2-.Ltmp0, $4  }
0xbf: {  	[sflag:s19] =	ssyncset.done $0x0  }
0xc0: {  	[sflag:s19] =	ssyncadd.s32 $0xFFFFFF80  }
0xc1: {  	_ =	swait.ge [sflag:s19], $0x80  }
0xc2: {  	s0 =	smov.u32 s2;
	[sflag:s19] =	ssyncset.done $0x0  }
0xc3: {  	s0 =	sadd.s32 s1, s8;
	[sflag:s19] =	ssyncadd.s32 $0xFFFFFF80  }
0xc4: {  	[tilespmem:s4], [sflag:$0x2] =	stream.linear.gather [hbm4b:s0+s4], $0x800, $0x38;
	[tilespmem:$0xB00] =	vst v63  }
0xc5: {  	_ =	swait.ge [sflag:s10], $0x800  }
0xc6: {  	[sflag:s10] =	ssyncset.done $0x0  }
0xc7: {  	[sflag:s10] =	ssyncadd.s32 $0xFFFFF800  }
0xc8: {  	[spmem:s3] =	stream.indirect.scatter.add.f32 [tilespmem:s12], [sflag:$0x1], $0x1, s4, s11, $0xb8;
	[tilespmem:$0xB00] =	vst v63  }
0xc9: {  	_ = 	snop  }
0xca: {  	[spmem:s3] =	stream.indirect.scatter.add.f32 [tilespmem:s12], [sflag:$0x1], $0x1, s11, s11, $0xb8;
	[tilespmem:$0xB00] =	vst v63  }
0xcb: {  	_ = 	snop  }
0xcc: {  	[spmem:s3] =	stream.indirect.scatter.add.f32 [tilespmem:s12], [sflag:$0x1], $0x1, s13, s11, $0xb8;
	[tilespmem:$0xB00] =	vst v63  }
0xcd: {  	_ = 	snop  }
0xce: {  	[spmem:s3] =	stream.indirect.scatter.add.f32 [tilespmem:s12], [sflag:$0x1], $0x1, s14, s11, $0xb8;
	[tilespmem:$0xB00] =	vst v63  }
0xcf: {  	_ = 	snop  }
0xd0: {  	[spmem:s3] =	stream.indirect.scatter.add.f32 [tilespmem:s12], [sflag:$0x1], $0x1, s15, s11, $0xb8;
	[tilespmem:$0xB00] =	vst v63  }
0xd1: {  	_ = 	snop  }
0xd2: {  	[spmem:s3] =	stream.indirect.scatter.add.f32 [tilespmem:s12], [sflag:$0x1], $0x1, s16, s11, $0xb8;
	[tilespmem:$0xB00] =	vst v63  }
0xd3: {  	_ = 	snop  }
0xd4: {  	[spmem:s3] =	stream.indirect.scatter.add.f32 [tilespmem:s12], [sflag:$0x1], $0x1, s17, s11, $0xb8;
	[tilespmem:$0xB00] =	vst v63  }
0xd5: {  	_ = 	snop  }
0xd6: {  	[spmem:s3] =	stream.indirect.scatter.add.f32 [tilespmem:s12], [sflag:$0x1], $0x1, s18, s11, $0xb8;
	[tilespmem:$0xB00] =	vst v63  }
0xd7: {  	_ =	swait.ge [sflag:s19], $0x80  }
0xd8: {  	[sflag:s19] =	ssyncset.done $0x0  }
0xd9: {  	[sflag:s19] =	ssyncadd.s32 $0xFFFFFF80  }
0xda: {  	_ =	swait.ge [sflag:s19], $0x80  }
0xdb: {  	[sflag:s19] =	ssyncset.done $0x0  }
0xdc: {  	[sflag:s19] =	ssyncadd.s32 $0xFFFFFF80  }
0xdd: {  	_ =	swait.ge [sflag:s19], $0x80  }
0xde: {  	[sflag:s19] =	ssyncset.done $0x0  }
0xdf: {  	[sflag:s19] =	ssyncadd.s32 $0xFFFFFF80  }
0xe0: {  	_ =	swait.ge [sflag:s19], $0x80  }
0xe1: {  	[sflag:s19] =	ssyncset.done $0x0  }
0xe2: {  	[sflag:s19] =	ssyncadd.s32 $0xFFFFFF80  }
0xe3: {  	_ =	swait.ge [sflag:s19], $0x80  }
0xe4: {  	[sflag:s19] =	ssyncset.done $0x0  }
0xe5: {  	[sflag:s19] =	ssyncadd.s32 $0xFFFFFF80  }
0xe6: {  	_ =	swait.ge [sflag:s19], $0x80  }
0xe7: {  	[sflag:s19] =	ssyncset.done $0x0  }
0xe8: {  	[sflag:s19] =	ssyncadd.s32 $0xFFFFFF80  }
0xe9: {  	_ =	swait.ge [sflag:s19], $0x80  }
0xea: {  	[sflag:s19] =	ssyncset.done $0x0  }
0xeb: {  	[sflag:s19] =	ssyncadd.s32 $0xFFFFFF80  }
0xec: {  	_ =	swait.ge [sflag:s19], $0x80  }
0xed: {  	[sflag:s19] =	ssyncset.done $0x0  }
0xee: {  	[sflag:s19] =	ssyncadd.s32 $0xFFFFFF80  }
0xef: {  	[spmem:s3] =	stream.indirect.scatter.add.f32 [tilespmem:s12], [sflag:$0x1], $0x1, s20, s11, $0xb8;
	[tilespmem:$0xB00] =	vst v63  }
0xf0: {  	_ = 	snop  }
0xf1: {  	[spmem:s3] =	stream.indirect.scatter.add.f32 [tilespmem:s12], [sflag:$0x1], $0x1, s21, s11, $0xb8;
	[tilespmem:$0xB00] =	vst v63  }
0xf2: {  	_ = 	snop  }
0xf3: {  	[spmem:s3] =	stream.indirect.scatter.add.f32 [tilespmem:s12], [sflag:$0x1], $0x1, s22, s11, $0xb8;
	[tilespmem:$0xB00] =	vst v63  }
0xf4: {  	_ = 	snop  }
0xf5: {  	[spmem:s3] =	stream.indirect.scatter.add.f32 [tilespmem:s12], [sflag:$0x1], $0x1, s23, s11, $0xb8;
	[tilespmem:$0xB00] =	vst v63  }
0xf6: {  	_ = 	snop  }
0xf7: {  	[spmem:s3] =	stream.indirect.scatter.add.f32 [tilespmem:s12], [sflag:$0x1], $0x1, s24, s11, $0xb8;
	[tilespmem:$0xB00] =	vst v63  }
0xf8: {  	_ = 	snop  }
0xf9: {  	[spmem:s3] =	stream.indirect.scatter.add.f32 [tilespmem:s12], [sflag:$0x1], $0x1, s25, s11, $0xb8;
	[tilespmem:$0xB00] =	vst v63  }
0xfa: {  	_ = 	snop  }
0xfb: {  	[spmem:s3] =	stream.indirect.scatter.add.f32 [tilespmem:s12], [sflag:$0x1], $0x1, s26, s11, $0xb8;
	[tilespmem:$0xB00] =	vst v63  }
0xfc: {  	_ = 	snop  }
0xfd: {  	[spmem:s3] =	stream.indirect.scatter.add.f32 [tilespmem:s12], [sflag:$0x1], $0x1, s28, s11, $0xb8;
	[tilespmem:$0xB00] =	vst v63  }
0xfe: {  	_ =	swait.ge [sflag:s19], $0x80  }
0xff: {  	[sflag:s19] =	ssyncset.done $0x0  }
0x100: {  	[sflag:s19] =	ssyncadd.s32 $0xFFFFFF80  }
0x101: {  	_ =	swait.ge [sflag:s19], $0x80  }
0x102: {  	[sflag:s19] =	ssyncset.done $0x0  }
0x103: {  	[sflag:s19] =	ssyncadd.s32 $0xFFFFFF80  }
0x104: {  	_ =	swait.ge [sflag:s19], $0x80  }
0x105: {  	[sflag:s19] =	ssyncset.done $0x0  }
0x106: {  	[sflag:s19] =	ssyncadd.s32 $0xFFFFFF80  }
0x107: {  	_ =	swait.ge [sflag:s19], $0x80  }
0x108: {  	[sflag:s19] =	ssyncset.done $0x0  }
0x109: {  	[sflag:s19] =	ssyncadd.s32 $0xFFFFFF80  }
0x10a: {  	_ =	swait.ge [sflag:s19], $0x80  }
0x10b: {  	[sflag:s19] =	ssyncset.done $0x0  }
0x10c: {  	[sflag:s19] =	ssyncadd.s32 $0xFFFFFF80  }
0x10d: {  	_ =	swait.ge [sflag:s19], $0x80  }
0x10e: {  	[sflag:s19] =	ssyncset.done $0x0  }
0x10f: {  	[sflag:s19] =	ssyncadd.s32 $0xFFFFFF80  }
0x110: {  	_ =	swait.ge [sflag:s19], $0x80  }
0x111: {  	[sflag:s19] =	ssyncset.done $0x0  }
0x112: {  	[sflag:s19] =	ssyncadd.s32 $0xFFFFFF80  }
0x113: {  	_ =	swait.ge [sflag:s19], $0x80  }
0x114: {  	s31 =	sadd.s32 $0x1, s31;
	[sflag:s19] =	ssyncset.done $0x0  }
0x115: {  	p0 =	sne.s32 s31, s7;
	[sflag:s19] =	ssyncadd.s32 $0xFFFFFF80  }
.Ltmp1:
0x116: {  	s29 =	simm.s32 $0x20;
	[bflag:$0x0] =	sbarrier.arrive $0xFFFF;
	(pc) =	sbr.rel @p0 .LBB2_1-.Ltmp1, $4  }
0x117: {  	[hbm:s6@s29], [sflag:s5] =	dma.strided [spmem:s9@s30], $0x50, s19, $0x10   }
0x118: {  	_ =	swait.ge [sflag:s10], $0x50  }
0x119: {  	[sflag:s10] =	ssyncset.done $0x0  }
0x11a: {  	[sflag:s10] =	ssyncadd.s32 $0xFFFFFFB0  }
0x11b: {  	_ =	sfence.sel $0x180000  }
0x11c: {  	[bflag:$0x0] =	sbarrier.arrive $0xFFFF  }
0x11d: {  	_ =	strace $0x90000047  }
0x11e: {  	s0 =	stileid.u32;
	[bflag:$0x2] =	sbarrier.arrive $0xFFFF  }
0x11f: {  	p0 =	sne.s32 s0, $0x0;
	s0 =	rddreg [dreg:$0x3]  }
0x120: {  	s0 =	sadd.s32 @!p0 $0x100000, s0  }
0x121: {  	[sflag:s0] =	ssyncadd.tile.s32 @!p0 $0x1;
	_ =	shalt  }
.Lfunc_end2:
_tile_overlayer_lowered:
.L_overlay_start_2:
0x122: {  	(tag) =	ssettag $0x2  }
0x123: {  	s0 =	rddreg [dreg:$0x0];
	s2 =	stileid.u32  }
0x124: {  	s1 =	rddreg [dreg:$0x1];
	p0 =	sne.s32 s2, $0x0  }
0x125: {  	s3 =	rddreg [dreg:$0x2];
	[bflag:$0x3] =	sbarrier.arrive $0xFFFF;
	s2 =	simm.s32 @!p0 $0x1C02  }
0x126: {  	[timem:s3], [sflag:s2] =	dma.local @!p0 [hbm:s0], s1  }
0x127: {  	s0 =	simm.s32 @!p0 $0x2  }
0x128: {  	_ =	swait.ge @!p0 [sflag:s0], s1  }
0x129: {  	s1 =	ssub.s32 @!p0 $0x0, s1;
	[sflag:s0] =	ssyncset.done @!p0 $0x0  }
0x12a: {  	[sflag:s0] =	ssyncadd.s32 @!p0 s1  }
0x12b: {  	[bflag:$0x3] =	sbarrier.arrive $0xFFFF  }
0x12c: {  	_ =	shalt  }

</sc_bundles>
